<compile_context>
chip_gen: v7x
topology: tpu7x:2x2x1
jax: 0.10.2.dev20260603
libtpu: 0.0.44.dev20260713+nightly
codegen_flags: <defaults>
</compile_context>

<pallas_src>
import functools

import jax
import jax.numpy as jnp
from jax import lax
from jax.experimental import pallas as pl
from jax.experimental.pallas import tpu as pltpu
from jax.experimental.pallas import tpu_sc as plsc

N = 10000
M = 5000
E = 160000
D_IN = 256
D_HID = 256
N_CLS = 40

NC = 2
NS = 16
K = 160
NB = 64
NBK = NB * K

NP = 10112
MPD = 5376
MCT = 6144
NDUM = N
MDUM = 5120
NWR = 632
MZR = 336
MSR = 384


def _make_agg(DH: int, emit_cnt: bool, tct: bool = True, k: int = K):
    K = k
    NB = NBK // k
    """SC aggregation kernel: out = H + e2v_sum(v2e_mean(H)) per column half.

    H is passed stacked as (2*NP, DH): rows [c*NP, c*NP+N) hold column half c.
    v/e index lists are padded to NS*NBK entries with NDUM/MDUM.
    With emit_cnt the kernel builds the per-edge incidence counts itself and
    returns them as a second output; otherwise it consumes a count array
    built by a previous layer (counts depend only on e_idx).
    """
    mesh = plsc.VectorSubcoreMesh(core_axis_name="c", subcore_axis_name="s")
    cpr = DH // 16

    out_sds = jax.ShapeDtypeStruct((2 * NP, DH), jnp.float32)
    cnt_sds = jax.ShapeDtypeStruct((MCT,), jnp.float32)
    scratch = [
        pltpu.VMEM((K,), jnp.int32),
        pltpu.VMEM((K,), jnp.int32),
        pltpu.VMEM((K,), jnp.int32),
        pltpu.VMEM((K, DH), jnp.float32),
        pltpu.VMEM((K,), jnp.int32),
        pltpu.VMEM((K,), jnp.int32),
        pltpu.VMEM((K,), jnp.int32),
        pltpu.VMEM((K, DH), jnp.float32),
        pltpu.VMEM((MSR,), jnp.float32),
        pltpu.VMEM((K,), jnp.float32),
        pltpu.VMEM_SHARED((NP, DH), jnp.float32),
        pltpu.VMEM_SHARED((MCT,), jnp.float32),
        pltpu.SemaphoreType.DMA,
        pltpu.SemaphoreType.DMA,
    ]
    if not emit_cnt:
        del scratch[11]

    @functools.partial(
        pl.kernel,
        out_type=(out_sds, cnt_sds) if emit_cnt else out_sds,
        mesh=mesh,
        compiler_params=pltpu.CompilerParams(
            needs_layout_passes=False, use_tc_tiling_on_sc=tct),
        scratch_types=scratch,
    )
    def agg(*refs):
        if emit_cnt:
            (hs, vidx, eidx, out, cnt_out, vb0, ig0, eb0, rb0, vb1, ig1, eb1,
             rb1, cv1, ones1, buf, cnt_sp, semA0, semA1) = refs
        else:
            (hs, vidx, eidx, cnt_in, out, vb0, ig0, eb0, rb0, vb1, ig1, eb1,
             rb1, cv1, ones1, buf, semA0, semA1) = refs
        rows_buf = rb0
        set0 = (vb0, ig0, eb0, rb0, semA0)
        set1 = (vb1, ig1, eb1, rb1, semA1)
        cid = lax.axis_index("c")
        sid = lax.axis_index("s")
        off = cid * NP
        base = pl.multiple_of(sid * NBK, 8)

        z16 = jnp.zeros((16,), jnp.float32)
        o16 = jnp.ones((16,), jnp.float32)

        def body_fill(i, carry):
            for c in range(cpr):
                rows_buf[i, pl.ds(c * 16, 16)] = z16
            return carry
        lax.fori_loop(0, K, body_fill, 0)

        if emit_cnt:
            def body_fill1(i, carry):
                ones1[pl.ds(i * 16, 16)] = o16
                return carry
            lax.fori_loop(0, K // 16, body_fill1, 0)

            def body_fill2(i, carry):
                cv1[pl.ds(i * 16, 16)] = z16
                return carry
            lax.fori_loop(0, MSR // 16, body_fill2, 0)

        for r0 in range(0, MZR, K):
            nr = min(K, MZR - r0)
            pltpu.sync_copy(rows_buf.at[pl.ds(0, nr)],
                            buf.at[pl.ds(sid * MZR + r0, nr)])
        if emit_cnt:
            pltpu.sync_copy(cv1, cnt_sp.at[pl.ds(sid * MSR, MSR)])

        plsc.subcore_barrier()

        def fire_a(b, st):
            vb, ig, eb, rb, sem = st
            s0 = pl.multiple_of(base + b * K, 8)
            pltpu.sync_copy(vidx.at[pl.ds(s0, K)], vb)
            pltpu.sync_copy(eidx.at[pl.ds(s0, K)], eb)
            for i in range(K // 16):
                sl = pl.ds(i * 16, 16)
                ig[sl] = vb[sl] + off
            pltpu.async_copy(hs.at[ig], rb, sem)

        def drain_a(st):
            vb, ig, eb, rb, sem = st
            pltpu.make_async_copy(hs.at[pl.ds(0, K)], rb, sem).wait()
            pltpu.sync_copy(rb, buf.at[eb], add=True)
            if emit_cnt:
                pltpu.sync_copy(ones1, cnt_sp.at[eb], add=True)

        fire_a(0, set0)

        def body_a(g, carry):
            b0 = g * 2
            fire_a(b0 + 1, set1)
            drain_a(set0)

            @pl.when(b0 + 2 < NB)
            def _():
                fire_a(b0 + 2, set0)
            drain_a(set1)
            return carry
        lax.fori_loop(0, NB // 2, body_a, 0)

        plsc.subcore_barrier()

        if emit_cnt:
            pltpu.sync_copy(cnt_sp.at[pl.ds(sid * MSR, MSR)], cv1)
            pltpu.sync_copy(cv1, cnt_out.at[pl.ds(sid * MSR, MSR)])

        @pl.when(sid < MPD // MSR)
        def _scale():
            if not emit_cnt:
                pltpu.sync_copy(cnt_in.at[pl.ds(sid * MSR, MSR)], cv1)
            for r0 in range(0, MSR, K):
                nr = min(K, MSR - r0)
                e0 = sid * MSR + r0
                pltpu.sync_copy(buf.at[pl.ds(e0, nr)], rows_buf.at[pl.ds(0, nr)])

                def body_a2(m, carry, r0=r0):
                    cnt = plsc.load_gather(
                        cv1, [jnp.full((16,), r0 + m, jnp.int32)])
                    inv = 1.0 / jnp.maximum(cnt, 1.0)
                    for c in range(cpr):
                        sl = pl.ds(c * 16, 16)
                        rows_buf[m, sl] = rows_buf[m, sl] * inv
                    return carry
                lax.fori_loop(0, nr, body_a2, 0)
                pltpu.sync_copy(rows_buf.at[pl.ds(0, nr)],
                                out.at[pl.ds(off + e0, nr)])

        plsc.subcore_barrier()

        chunks = [(r0, min(K, NWR - r0)) for r0 in range(0, NWR, K)]
        prev = None
        for ci, (r0, nr) in enumerate(chunks):
            rb, sem = (rb0, semA0) if ci % 2 == 0 else (rb1, semA1)
            pltpu.async_copy(hs.at[pl.ds(off + sid * NWR + r0, nr)],
                             rb.at[pl.ds(0, nr)], sem)
            if prev is not None:
                pr0, pnr, prb, psem = prev
                pltpu.make_async_copy(hs.at[pl.ds(0, pnr)],
                                      prb.at[pl.ds(0, pnr)], psem).wait()
                pltpu.sync_copy(prb.at[pl.ds(0, pnr)],
                                buf.at[pl.ds(sid * NWR + pr0, pnr)])
            prev = (r0, nr, rb, sem)
        pr0, pnr, prb, psem = prev
        pltpu.make_async_copy(hs.at[pl.ds(0, pnr)],
                              prb.at[pl.ds(0, pnr)], psem).wait()
        pltpu.sync_copy(prb.at[pl.ds(0, pnr)],
                        buf.at[pl.ds(sid * NWR + pr0, pnr)])

        plsc.subcore_barrier()

        def fire_b(b, st):
            vb, ig, eb, rb, sem = st
            s0 = pl.multiple_of(base + b * K, 8)
            pltpu.sync_copy(vidx.at[pl.ds(s0, K)], vb)
            pltpu.sync_copy(eidx.at[pl.ds(s0, K)], eb)
            for i in range(K // 16):
                sl = pl.ds(i * 16, 16)
                ig[sl] = eb[sl] + off
            pltpu.async_copy(out.at[ig], rb, sem)

        def drain_b(st):
            vb, ig, eb, rb, sem = st
            pltpu.make_async_copy(out.at[pl.ds(0, K)], rb, sem).wait()
            pltpu.sync_copy(rb, buf.at[vb], add=True)

        fire_b(0, set0)

        def body_b(g, carry):
            b0 = g * 2
            fire_b(b0 + 1, set1)
            drain_b(set0)

            @pl.when(b0 + 2 < NB)
            def _():
                fire_b(b0 + 2, set0)
            drain_b(set1)
            return carry
        lax.fori_loop(0, NB // 2, body_b, 0)

        plsc.subcore_barrier()

        prev = None
        for ci, (r0, nr) in enumerate(chunks):
            rb, sem = (rb0, semA0) if ci % 2 == 0 else (rb1, semA1)
            pltpu.async_copy(buf.at[pl.ds(sid * NWR + r0, nr)],
                             rb.at[pl.ds(0, nr)], sem)
            if prev is not None:
                pr0, pnr, prb, psem = prev
                pltpu.make_async_copy(hs.at[pl.ds(0, pnr)],
                                      prb.at[pl.ds(0, pnr)], psem).wait()
                pltpu.sync_copy(prb.at[pl.ds(0, pnr)],
                                out.at[pl.ds(off + sid * NWR + pr0, pnr)])
            prev = (r0, nr, rb, sem)
        pr0, pnr, prb, psem = prev
        pltpu.make_async_copy(hs.at[pl.ds(0, pnr)],
                              prb.at[pl.ds(0, pnr)], psem).wait()
        pltpu.sync_copy(prb.at[pl.ds(0, pnr)],
                        out.at[pl.ds(off + sid * NWR + pr0, pnr)])

    return agg


_agg_emit = _make_agg(128, emit_cnt=True, tct=False)
_agg_use = _make_agg(32, emit_cnt=False, tct=False, k=512)


def _tc1_body(x_ref, w_ref, b_ref, o_ref):
    h = lax.dot_general(x_ref[...], w_ref[...], (((1,), (1,)), ((), ())),
                        preferred_element_type=jnp.float32)
    h = h + b_ref[...]
    o_ref[0] = h[:, :128]
    o_ref[1] = h[:, 128:]


def _tc2_body(x0_ref, x1_ref, w_ref, b_ref, o_ref):
    x0 = jnp.maximum(x0_ref[0], 0.0)
    x1 = jnp.maximum(x1_ref[0], 0.0)
    w = w_ref[...]
    h = lax.dot_general(x0, w[:, :128], (((1,), (1,)), ((), ())),
                        preferred_element_type=jnp.float32)
    h = h + lax.dot_general(x1, w[:, 128:], (((1,), (1,)), ((), ())),
                            preferred_element_type=jnp.float32)
    h = h + b_ref[...]
    o_ref[0] = h[:, :32]
    o_ref[1] = h[:, 32:]


_RB = 2528


def _tc1(x_pad, w1, b1r):
    return pl.pallas_call(
        _tc1_body,
        grid=(NP // _RB,),
        in_specs=[
            pl.BlockSpec((_RB, D_IN), lambda i: (i, 0)),
            pl.BlockSpec((D_HID, D_IN), lambda i: (0, 0)),
            pl.BlockSpec((1, D_HID), lambda i: (0, 0)),
        ],
        out_specs=pl.BlockSpec((2, _RB, 128), lambda i: (0, i, 0)),
        out_shape=jax.ShapeDtypeStruct((2, NP, 128), jnp.float32),
    )(x_pad, w1, b1r)


def _tc2(hs1, w2p, b2r):
    return pl.pallas_call(
        _tc2_body,
        grid=(NP // _RB,),
        in_specs=[
            pl.BlockSpec((1, _RB, 128), lambda i: (0, i, 0)),
            pl.BlockSpec((1, _RB, 128), lambda i: (1, i, 0)),
            pl.BlockSpec((64, D_HID), lambda i: (0, 0)),
            pl.BlockSpec((1, 64), lambda i: (0, 0)),
        ],
        out_specs=pl.BlockSpec((2, _RB, 32), lambda i: (0, i, 0)),
        out_shape=jax.ShapeDtypeStruct((2, NP, 32), jnp.float32),
    )(hs1, hs1, w2p, b2r)


def kernel(X, W1, b1, W2, b2, v_idx, e_idx):
    x_pad = jnp.pad(X, ((0, NP - N), (0, 0)))
    vpad = jnp.pad(v_idx, (0, NS * NBK - E), constant_values=NDUM)
    epad = jnp.pad(e_idx, (0, NS * NBK - E), constant_values=MDUM)
    h3 = _tc1(x_pad, W1, b1.reshape(1, -1))
    g1, cnt1 = _agg_emit(h3.reshape(2 * NP, 128), vpad, epad)
    w2p = jnp.pad(W2, ((0, 64 - N_CLS), (0, 0)))
    b2r = jnp.pad(b2, (0, 64 - N_CLS)).reshape(1, -1)
    h2 = _tc2(g1.reshape(2, NP, 128), w2p, b2r)
    g2 = _agg_use(h2.reshape(2 * NP, 32), vpad, epad, cnt1)
    return jnp.concatenate([g2[:N], g2[NP:NP + N, :N_CLS - 32]], axis=1)

# --- scband reference (transcript-rebuilt; emitter-appended) ---
"""Pipeline reference for scband-uni-sage-37598143709684 (READ-ONLY COPY).

The authoritative reference and input builder live on the scoring server;
editing this copy changes nothing except your own understanding.
"""

import jax, jax.numpy as jnp
import numpy as np

N = 10000      # num nodes
M = 5000       # num hyperedges
E = 160000     # num (node, hyperedge) incidence pairs
D_IN = 256
D_HID = 256
N_CLS = 40


def setup_inputs(seed: int = 0) -> dict:
    key = jax.random.key(seed)
    ks = jax.random.split(key, 6)
    X = jax.random.normal(ks[0], (N, D_IN), dtype=jnp.float32)
    v_idx = jax.random.randint(ks[1], (E,), 0, N, dtype=jnp.int32)
    e_idx = jnp.sort(jax.random.randint(ks[2], (E,), 0, M, dtype=jnp.int32))
    W1 = jax.random.normal(ks[3], (D_HID, D_IN), dtype=jnp.float32) * (1.0 / np.sqrt(D_IN))
    b1 = jnp.zeros((D_HID,), dtype=jnp.float32)
    W2 = jax.random.normal(ks[4], (N_CLS, D_HID), dtype=jnp.float32) * (1.0 / np.sqrt(D_HID))
    b2 = jnp.zeros((N_CLS,), dtype=jnp.float32)
    return {"X": X, "W1": W1, "b1": b1, "W2": W2, "b2": b2, "v_idx": v_idx, "e_idx": e_idx}


def _v2e_mean(X, v_idx, e_idx):
    # hyperedge feature = mean of member node features
    s = jax.ops.segment_sum(X[v_idx], e_idx, num_segments=M)
    cnt = jax.ops.segment_sum(jnp.ones((E,), dtype=X.dtype), e_idx, num_segments=M)
    return s / jnp.clip(cnt, 1.0)[:, None]


def _e2v_sum(Y, v_idx, e_idx):
    # node aggregation = sum of incident hyperedge features
    return jax.ops.segment_sum(Y[e_idx], v_idx, num_segments=N)


def _unisage_conv(X, W, b, v_idx, e_idx, is_last):
    X = X @ W.T + b
    Y = _v2e_mean(X, v_idx, e_idx)
    X = X + _e2v_sum(Y, v_idx, e_idx)
    if not is_last:
        X = jax.nn.relu(X)
        # use_bn=False -> no BatchNorm; dropout is identity in eval mode
    return X


def reference(X, W1, b1, W2, b2, v_idx, e_idx):
    X = _unisage_conv(X, W1, b1, v_idx, e_idx, is_last=False)
    X = _unisage_conv(X, W2, b2, v_idx, e_idx, is_last=True)
    return X

if __name__ == "__main__":
    import jax
    _d = setup_inputs()
    print(jax.jit(kernel)(*tuple(_d.values())))

</pallas_src>

<mosaic_0001>
#map = affine_map<(d0, d1) -> (0, 0)>
#map1 = affine_map<(d0, d1) -> (0)>
module attributes {stable_mosaic.version = 14 : i64} {
  func.func @agg(%arg0: i32, %arg1: i32, %arg2: memref<20224x128xf32, #tpu.memory_space<hbm>>, %arg3: memref<163840xi32, #tpu.memory_space<hbm>>, %arg4: memref<163840xi32, #tpu.memory_space<hbm>>, %arg5: memref<20224x128xf32, #tpu.memory_space<hbm>>, %arg6: memref<6144xf32, #tpu.memory_space<hbm>>, %arg7: memref<160xi32, #tpu.memory_space<vmem>>, %arg8: memref<160xi32, #tpu.memory_space<vmem>>, %arg9: memref<160xi32, #tpu.memory_space<vmem>>, %arg10: memref<160x128xf32, #tpu.memory_space<vmem>>, %arg11: memref<160xi32, #tpu.memory_space<vmem>>, %arg12: memref<160xi32, #tpu.memory_space<vmem>>, %arg13: memref<160xi32, #tpu.memory_space<vmem>>, %arg14: memref<160x128xf32, #tpu.memory_space<vmem>>, %arg15: memref<384xf32, #tpu.memory_space<vmem>>, %arg16: memref<160xf32, #tpu.memory_space<vmem>>, %arg17: memref<10112x128xf32, #tpu.memory_space<vmem_shared>>, %arg18: memref<6144xf32, #tpu.memory_space<vmem_shared>>, %arg19: memref<!tpu.dma_semaphore, #tpu.memory_space<semaphore_mem>>, %arg20: memref<!tpu.dma_semaphore, #tpu.memory_space<semaphore_mem>>) attributes {dimension_semantics = [#tpu.dimension_semantics<core_parallel>, #tpu.dimension_semantics<subcore_parallel>], iteration_bounds = array<i64: 2, 16>, scalar_prefetch = 0 : i64, scratch_operands = 14 : i64, tpu.core_type = #tpu.core_type<sc_vector_subcore>, window_params = [{transform_indices = #map}, {transform_indices = #map1}, {transform_indices = #map1}, {transform_indices = #map}, {transform_indices = #map1}]} {
    %mul3A = arith.constant 10112 : i32
    %mul3A_0 = arith.muli %arg0, %mul3A : i32
    %mul3A_1 = arith.constant 10240 : i32
    %mul3A_2 = arith.muli %arg1, %mul3A_1 : i32
    %multiple_of3A = tpu.assume_multiple %mul3A_2, 8 : i32
    %broadcast_in_dim3A = arith.constant 0.000000e+00 : f32
    %broadcast_in_dim3A_3 = vector.broadcast %broadcast_in_dim3A : f32 to vector<16xf32>
    %broadcast_in_dim3A_4 = arith.constant 1.000000e+00 : f32
    %broadcast_in_dim3A_5 = vector.broadcast %broadcast_in_dim3A_4 : f32 to vector<16xf32>
    %scan3A = arith.constant 0 : i32
    %scan3A_6 = arith.constant 0 : i32
    %scan3A_7 = arith.constant 160 : i32
    %scan3A_8 = arith.addi %scan3A_6, %scan3A_7 : i32
    %scan3A_9 = arith.constant 1 : i32
    scf.for %scan3A_434 = %scan3A_6 to %scan3A_8 step %scan3A_9  : i32 {
      %swap3A_435 = arith.index_cast %scan3A_434 : i32 to index
      %swap3A_436 = arith.constant 0 : index
      %swap3A_437 = tpu.vector_load %arg10[%swap3A_435, %swap3A_436] {strides = array<i32>} : memref<160x128xf32, #tpu.memory_space<vmem>>, vector<16xf32>,
      tpu.vector_store %arg10[%swap3A_435, %swap3A_436], %broadcast_in_dim3A_3 {strides = array<i32>} : memref<160x128xf32, #tpu.memory_space<vmem>>, vector<16xf32>,
      %swap3A_438 = arith.index_cast %scan3A_434 : i32 to index
      %swap3A_439 = arith.constant 16 : index
      %swap3A_440 = tpu.vector_load %arg10[%swap3A_438, %swap3A_439] {strides = array<i32>} : memref<160x128xf32, #tpu.memory_space<vmem>>, vector<16xf32>,
      tpu.vector_store %arg10[%swap3A_438, %swap3A_439], %broadcast_in_dim3A_3 {strides = array<i32>} : memref<160x128xf32, #tpu.memory_space<vmem>>, vector<16xf32>,
      %swap3A_441 = arith.index_cast %scan3A_434 : i32 to index
      %swap3A_442 = arith.constant 32 : index
      %swap3A_443 = tpu.vector_load %arg10[%swap3A_441, %swap3A_442] {strides = array<i32>} : memref<160x128xf32, #tpu.memory_space<vmem>>, vector<16xf32>,
      tpu.vector_store %arg10[%swap3A_441, %swap3A_442], %broadcast_in_dim3A_3 {strides = array<i32>} : memref<160x128xf32, #tpu.memory_space<vmem>>, vector<16xf32>,
      %swap3A_444 = arith.index_cast %scan3A_434 : i32 to index
      %swap3A_445 = arith.constant 48 : index
      %swap3A_446 = tpu.vector_load %arg10[%swap3A_444, %swap3A_445] {strides = array<i32>} : memref<160x128xf32, #tpu.memory_space<vmem>>, vector<16xf32>,
      tpu.vector_store %arg10[%swap3A_444, %swap3A_445], %broadcast_in_dim3A_3 {strides = array<i32>} : memref<160x128xf32, #tpu.memory_space<vmem>>, vector<16xf32>,
      %swap3A_447 = arith.index_cast %scan3A_434 : i32 to index
      %swap3A_448 = arith.constant 64 : index
      %swap3A_449 = tpu.vector_load %arg10[%swap3A_447, %swap3A_448] {strides = array<i32>} : memref<160x128xf32, #tpu.memory_space<vmem>>, vector<16xf32>,
      tpu.vector_store %arg10[%swap3A_447, %swap3A_448], %broadcast_in_dim3A_3 {strides = array<i32>} : memref<160x128xf32, #tpu.memory_space<vmem>>, vector<16xf32>,
      %swap3A_450 = arith.index_cast %scan3A_434 : i32 to index
      %swap3A_451 = arith.constant 80 : index
      %swap3A_452 = tpu.vector_load %arg10[%swap3A_450, %swap3A_451] {strides = array<i32>} : memref<160x128xf32, #tpu.memory_space<vmem>>, vector<16xf32>,
      tpu.vector_store %arg10[%swap3A_450, %swap3A_451], %broadcast_in_dim3A_3 {strides = array<i32>} : memref<160x128xf32, #tpu.memory_space<vmem>>, vector<16xf32>,
      %swap3A_453 = arith.index_cast %scan3A_434 : i32 to index
      %swap3A_454 = arith.constant 96 : index
      %swap3A_455 = tpu.vector_load %arg10[%swap3A_453, %swap3A_454] {strides = array<i32>} : memref<160x128xf32, #tpu.memory_space<vmem>>, vector<16xf32>,
      tpu.vector_store %arg10[%swap3A_453, %swap3A_454], %broadcast_in_dim3A_3 {strides = array<i32>} : memref<160x128xf32, #tpu.memory_space<vmem>>, vector<16xf32>,
      %swap3A_456 = arith.index_cast %scan3A_434 : i32 to index
      %swap3A_457 = arith.constant 112 : index
      %swap3A_458 = tpu.vector_load %arg10[%swap3A_456, %swap3A_457] {strides = array<i32>} : memref<160x128xf32, #tpu.memory_space<vmem>>, vector<16xf32>,
      tpu.vector_store %arg10[%swap3A_456, %swap3A_457], %broadcast_in_dim3A_3 {strides = array<i32>} : memref<160x128xf32, #tpu.memory_space<vmem>>, vector<16xf32>,
    }
    %scan3A_10 = arith.constant 160 : i32
    %scan3A_11 = arith.constant 0 : i32
    %scan3A_12 = arith.constant 0 : i32
    %scan3A_13 = arith.constant 10 : i32
    %scan3A_14 = arith.addi %scan3A_12, %scan3A_13 : i32
    %scan3A_15 = arith.constant 1 : i32
    scf.for %scan3A_434 = %scan3A_12 to %scan3A_14 step %scan3A_15  : i32 {
      %mul3A_435 = arith.constant 16 : i32
      %mul3A_436 = arith.muli %scan3A_434, %mul3A_435 : i32
      %swap3A_437 = arith.index_cast %mul3A_436 : i32 to index
      %swap3A_438 = tpu.vector_load %arg16[%swap3A_437] {strides = array<i32>} : memref<160xf32, #tpu.memory_space<vmem>>, vector<16xf32>,
      tpu.vector_store %arg16[%swap3A_437], %broadcast_in_dim3A_5 {strides = array<i32>} : memref<160xf32, #tpu.memory_space<vmem>>, vector<16xf32>,
    }
    %scan3A_16 = arith.constant 10 : i32
    %scan3A_17 = arith.constant 0 : i32
    %scan3A_18 = arith.constant 0 : i32
    %scan3A_19 = arith.constant 24 : i32
    %scan3A_20 = arith.addi %scan3A_18, %scan3A_19 : i32
    %scan3A_21 = arith.constant 1 : i32
    scf.for %scan3A_434 = %scan3A_18 to %scan3A_20 step %scan3A_21  : i32 {
      %mul3A_435 = arith.constant 16 : i32
      %mul3A_436 = arith.muli %scan3A_434, %mul3A_435 : i32
      %swap3A_437 = arith.index_cast %mul3A_436 : i32 to index
      %swap3A_438 = tpu.vector_load %arg15[%swap3A_437] {strides = array<i32>} : memref<384xf32, #tpu.memory_space<vmem>>, vector<16xf32>,
      tpu.vector_store %arg15[%swap3A_437], %broadcast_in_dim3A_3 {strides = array<i32>} : memref<384xf32, #tpu.memory_space<vmem>>, vector<16xf32>,
    }
    %scan3A_22 = arith.constant 24 : i32
    %mul3A_23 = arith.constant 336 : i32
    %mul3A_24 = arith.muli %arg1, %mul3A_23 : i32
    %add3A = arith.constant 0 : i32
    %add3A_25 = arith.addi %mul3A_24, %add3A : i32
    "tpu.region"() ({
      %run_scoped3A = tpu.sem_alloc : memref<!tpu.dma_semaphore, #tpu.memory_space<semaphore_mem>>
      %dma_start3A_434 = arith.constant 0 : i32
      %dma_start3A_435 = arith.constant 0 : i32
      %dma_start3A_436 = tpu.memref_slice %arg10[%dma_start3A_434, %dma_start3A_435] : memref<160x128xf32, #tpu.memory_space<vmem>> -> memref<160x128xf32, #tpu.memory_space<vmem>>
      %dma_start3A_437 = arith.constant 0 : i32
      %dma_start3A_438 = tpu.memref_slice %arg17[%add3A_25, %dma_start3A_437] : memref<10112x128xf32, #tpu.memory_space<vmem_shared>> -> memref<160x128xf32, #tpu.memory_space<vmem_shared>>
      %dma_start3A_439 = arith.constant 0 : i32
      %dma_start3A_440 = tpu.memref_slice %arg17[%add3A_25, %dma_start3A_439] : memref<10112x128xf32, #tpu.memory_space<vmem_shared>> -> memref<160x128xf32, #tpu.memory_space<vmem_shared>>
      %dma_start3A_441 = arith.constant 0 : i32
      %dma_start3A_442 = arith.constant 0 : i32
      %dma_start3A_443 = tpu.memref_slice %arg10[%dma_start3A_441, %dma_start3A_442] : memref<160x128xf32, #tpu.memory_space<vmem>> -> memref<160x128xf32, #tpu.memory_space<vmem>>
      tpu.enqueue_dma source(%dma_start3A_443 : memref<160x128xf32, #tpu.memory_space<vmem>>) target(%dma_start3A_440 : memref<160x128xf32, #tpu.memory_space<vmem_shared>>) target_semaphore(%run_scoped3A : memref<!tpu.dma_semaphore, #tpu.memory_space<semaphore_mem>>)
      %dma_wait3A_444 = arith.constant 0 : i32
      %dma_wait3A_445 = arith.constant 0 : i32
      %dma_wait3A_446 = tpu.memref_slice %arg10[%dma_wait3A_444, %dma_wait3A_445] : memref<160x128xf32, #tpu.memory_space<vmem>> -> memref<160x128xf32, #tpu.memory_space<vmem>>
      %dma_wait3A_447 = arith.constant 0 : i32
      %dma_wait3A_448 = tpu.memref_slice %arg17[%add3A_25, %dma_wait3A_447] : memref<10112x128xf32, #tpu.memory_space<vmem_shared>> -> memref<160x128xf32, #tpu.memory_space<vmem_shared>>
      %dma_wait3A_449 = arith.constant 0 : i32
      %dma_wait3A_450 = tpu.memref_slice %arg17[%add3A_25, %dma_wait3A_449] : memref<10112x128xf32, #tpu.memory_space<vmem_shared>> -> memref<160x128xf32, #tpu.memory_space<vmem_shared>>
      %dma_wait3A_451 = arith.constant 0 : i32
      %dma_wait3A_452 = arith.constant 0 : i32
      %dma_wait3A_453 = tpu.memref_slice %arg10[%dma_wait3A_451, %dma_wait3A_452] : memref<160x128xf32, #tpu.memory_space<vmem>> -> memref<160x128xf32, #tpu.memory_space<vmem>>
      tpu.wait_dma2 semaphore(%run_scoped3A : memref<!tpu.dma_semaphore, #tpu.memory_space<semaphore_mem>>) src(%dma_wait3A_453 : memref<160x128xf32, #tpu.memory_space<vmem>>) dst(%dma_wait3A_450 : memref<160x128xf32, #tpu.memory_space<vmem_shared>>)
      tpu.yield
    }) : () -> ()
    %mul3A_26 = arith.constant 336 : i32
    %mul3A_27 = arith.muli %arg1, %mul3A_26 : i32
    %add3A_28 = arith.constant 160 : i32
    %add3A_29 = arith.addi %mul3A_27, %add3A_28 : i32
    "tpu.region"() ({
      %run_scoped3A = tpu.sem_alloc : memref<!tpu.dma_semaphore, #tpu.memory_space<semaphore_mem>>
      %dma_start3A_434 = arith.constant 0 : i32
      %dma_start3A_435 = arith.constant 0 : i32
      %dma_start3A_436 = tpu.memref_slice %arg10[%dma_start3A_434, %dma_start3A_435] : memref<160x128xf32, #tpu.memory_space<vmem>> -> memref<160x128xf32, #tpu.memory_space<vmem>>
      %dma_start3A_437 = arith.constant 0 : i32
      %dma_start3A_438 = tpu.memref_slice %arg17[%add3A_29, %dma_start3A_437] : memref<10112x128xf32, #tpu.memory_space<vmem_shared>> -> memref<160x128xf32, #tpu.memory_space<vmem_shared>>
      %dma_start3A_439 = arith.constant 0 : i32
      %dma_start3A_440 = tpu.memref_slice %arg17[%add3A_29, %dma_start3A_439] : memref<10112x128xf32, #tpu.memory_space<vmem_shared>> -> memref<160x128xf32, #tpu.memory_space<vmem_shared>>
      %dma_start3A_441 = arith.constant 0 : i32
      %dma_start3A_442 = arith.constant 0 : i32
      %dma_start3A_443 = tpu.memref_slice %arg10[%dma_start3A_441, %dma_start3A_442] : memref<160x128xf32, #tpu.memory_space<vmem>> -> memref<160x128xf32, #tpu.memory_space<vmem>>
      tpu.enqueue_dma source(%dma_start3A_443 : memref<160x128xf32, #tpu.memory_space<vmem>>) target(%dma_start3A_440 : memref<160x128xf32, #tpu.memory_space<vmem_shared>>) target_semaphore(%run_scoped3A : memref<!tpu.dma_semaphore, #tpu.memory_space<semaphore_mem>>)
      %dma_wait3A_444 = arith.constant 0 : i32
      %dma_wait3A_445 = arith.constant 0 : i32
      %dma_wait3A_446 = tpu.memref_slice %arg10[%dma_wait3A_444, %dma_wait3A_445] : memref<160x128xf32, #tpu.memory_space<vmem>> -> memref<160x128xf32, #tpu.memory_space<vmem>>
      %dma_wait3A_447 = arith.constant 0 : i32
      %dma_wait3A_448 = tpu.memref_slice %arg17[%add3A_29, %dma_wait3A_447] : memref<10112x128xf32, #tpu.memory_space<vmem_shared>> -> memref<160x128xf32, #tpu.memory_space<vmem_shared>>
      %dma_wait3A_449 = arith.constant 0 : i32
      %dma_wait3A_450 = tpu.memref_slice %arg17[%add3A_29, %dma_wait3A_449] : memref<10112x128xf32, #tpu.memory_space<vmem_shared>> -> memref<160x128xf32, #tpu.memory_space<vmem_shared>>
      %dma_wait3A_451 = arith.constant 0 : i32
      %dma_wait3A_452 = arith.constant 0 : i32
      %dma_wait3A_453 = tpu.memref_slice %arg10[%dma_wait3A_451, %dma_wait3A_452] : memref<160x128xf32, #tpu.memory_space<vmem>> -> memref<160x128xf32, #tpu.memory_space<vmem>>
      tpu.wait_dma2 semaphore(%run_scoped3A : memref<!tpu.dma_semaphore, #tpu.memory_space<semaphore_mem>>) src(%dma_wait3A_453 : memref<160x128xf32, #tpu.memory_space<vmem>>) dst(%dma_wait3A_450 : memref<160x128xf32, #tpu.memory_space<vmem_shared>>)
      tpu.yield
    }) : () -> ()
    %mul3A_30 = arith.constant 336 : i32
    %mul3A_31 = arith.muli %arg1, %mul3A_30 : i32
    %add3A_32 = arith.constant 320 : i32
    %add3A_33 = arith.addi %mul3A_31, %add3A_32 : i32
    "tpu.region"() ({
      %run_scoped3A = tpu.sem_alloc : memref<!tpu.dma_semaphore, #tpu.memory_space<semaphore_mem>>
      %dma_start3A_434 = arith.constant 0 : i32
      %dma_start3A_435 = arith.constant 0 : i32
      %dma_start3A_436 = tpu.memref_slice %arg10[%dma_start3A_434, %dma_start3A_435] : memref<160x128xf32, #tpu.memory_space<vmem>> -> memref<16x128xf32, #tpu.memory_space<vmem>>
      %dma_start3A_437 = arith.constant 0 : i32
      %dma_start3A_438 = tpu.memref_slice %arg17[%add3A_33, %dma_start3A_437] : memref<10112x128xf32, #tpu.memory_space<vmem_shared>> -> memref<16x128xf32, #tpu.memory_space<vmem_shared>>
      %dma_start3A_439 = arith.constant 0 : i32
      %dma_start3A_440 = tpu.memref_slice %arg17[%add3A_33, %dma_start3A_439] : memref<10112x128xf32, #tpu.memory_space<vmem_shared>> -> memref<16x128xf32, #tpu.memory_space<vmem_shared>>
      %dma_start3A_441 = arith.constant 0 : i32
      %dma_start3A_442 = arith.constant 0 : i32
      %dma_start3A_443 = tpu.memref_slice %arg10[%dma_start3A_441, %dma_start3A_442] : memref<160x128xf32, #tpu.memory_space<vmem>> -> memref<16x128xf32, #tpu.memory_space<vmem>>
      tpu.enqueue_dma source(%dma_start3A_443 : memref<16x128xf32, #tpu.memory_space<vmem>>) target(%dma_start3A_440 : memref<16x128xf32, #tpu.memory_space<vmem_shared>>) target_semaphore(%run_scoped3A : memref<!tpu.dma_semaphore, #tpu.memory_space<semaphore_mem>>)
      %dma_wait3A_444 = arith.constant 0 : i32
      %dma_wait3A_445 = arith.constant 0 : i32
      %dma_wait3A_446 = tpu.memref_slice %arg10[%dma_wait3A_444, %dma_wait3A_445] : memref<160x128xf32, #tpu.memory_space<vmem>> -> memref<16x128xf32, #tpu.memory_space<vmem>>
      %dma_wait3A_447 = arith.constant 0 : i32
      %dma_wait3A_448 = tpu.memref_slice %arg17[%add3A_33, %dma_wait3A_447] : memref<10112x128xf32, #tpu.memory_space<vmem_shared>> -> memref<16x128xf32, #tpu.memory_space<vmem_shared>>
      %dma_wait3A_449 = arith.constant 0 : i32
      %dma_wait3A_450 = tpu.memref_slice %arg17[%add3A_33, %dma_wait3A_449] : memref<10112x128xf32, #tpu.memory_space<vmem_shared>> -> memref<16x128xf32, #tpu.memory_space<vmem_shared>>
      %dma_wait3A_451 = arith.constant 0 : i32
      %dma_wait3A_452 = arith.constant 0 : i32
      %dma_wait3A_453 = tpu.memref_slice %arg10[%dma_wait3A_451, %dma_wait3A_452] : memref<160x128xf32, #tpu.memory_space<vmem>> -> memref<16x128xf32, #tpu.memory_space<vmem>>
      tpu.wait_dma2 semaphore(%run_scoped3A : memref<!tpu.dma_semaphore, #tpu.memory_space<semaphore_mem>>) src(%dma_wait3A_453 : memref<16x128xf32, #tpu.memory_space<vmem>>) dst(%dma_wait3A_450 : memref<16x128xf32, #tpu.memory_space<vmem_shared>>)
      tpu.yield
    }) : () -> ()
    %mul3A_34 = arith.constant 384 : i32
    %mul3A_35 = arith.muli %arg1, %mul3A_34 : i32
    "tpu.region"() ({
      %run_scoped3A = tpu.sem_alloc : memref<!tpu.dma_semaphore, #tpu.memory_space<semaphore_mem>>
      %dma_start3A_434 = tpu.memref_slice %arg18[%mul3A_35] : memref<6144xf32, #tpu.memory_space<vmem_shared>> -> memref<384xf32, #tpu.memory_space<vmem_shared>>
      %dma_start3A_435 = tpu.memref_slice %arg18[%mul3A_35] : memref<6144xf32, #tpu.memory_space<vmem_shared>> -> memref<384xf32, #tpu.memory_space<vmem_shared>>
      tpu.enqueue_dma source(%arg15 : memref<384xf32, #tpu.memory_space<vmem>>) target(%dma_start3A_435 : memref<384xf32, #tpu.memory_space<vmem_shared>>) target_semaphore(%run_scoped3A : memref<!tpu.dma_semaphore, #tpu.memory_space<semaphore_mem>>)
      %dma_wait3A_436 = tpu.memref_slice %arg18[%mul3A_35] : memref<6144xf32, #tpu.memory_space<vmem_shared>> -> memref<384xf32, #tpu.memory_space<vmem_shared>>
      %dma_wait3A_437 = tpu.memref_slice %arg18[%mul3A_35] : memref<6144xf32, #tpu.memory_space<vmem_shared>> -> memref<384xf32, #tpu.memory_space<vmem_shared>>
      tpu.wait_dma2 semaphore(%run_scoped3A : memref<!tpu.dma_semaphore, #tpu.memory_space<semaphore_mem>>) src(%arg15 : memref<384xf32, #tpu.memory_space<vmem>>) dst(%dma_wait3A_437 : memref<384xf32, #tpu.memory_space<vmem_shared>>)
      tpu.yield
    }) : () -> ()
    %barrier3A = arith.constant 0 : index
    tpu.barrier barrier_id(%barrier3A)
    %add3A_36 = arith.constant 0 : i32
    %add3A_37 = arith.addi %multiple_of3A, %add3A_36 : i32
    %multiple_of3A_38 = tpu.assume_multiple %add3A_37, 8 : i32
    "tpu.region"() ({
      %run_scoped3A = tpu.sem_alloc : memref<!tpu.dma_semaphore, #tpu.memory_space<semaphore_mem>>
      %dma_start3A_434 = tpu.memref_slice %arg3[%multiple_of3A_38] : memref<163840xi32, #tpu.memory_space<hbm>> -> memref<160xi32, #tpu.memory_space<hbm>>
      %dma_start3A_435 = tpu.memref_slice %arg3[%multiple_of3A_38] : memref<163840xi32, #tpu.memory_space<hbm>> -> memref<160xi32, #tpu.memory_space<hbm>>
      tpu.enqueue_dma source(%dma_start3A_435 : memref<160xi32, #tpu.memory_space<hbm>>) target(%arg7 : memref<160xi32, #tpu.memory_space<vmem>>) target_semaphore(%run_scoped3A : memref<!tpu.dma_semaphore, #tpu.memory_space<semaphore_mem>>)
      %dma_wait3A_436 = tpu.memref_slice %arg3[%multiple_of3A_38] : memref<163840xi32, #tpu.memory_space<hbm>> -> memref<160xi32, #tpu.memory_space<hbm>>
      %dma_wait3A_437 = tpu.memref_slice %arg3[%multiple_of3A_38] : memref<163840xi32, #tpu.memory_space<hbm>> -> memref<160xi32, #tpu.memory_space<hbm>>
      tpu.wait_dma2 semaphore(%run_scoped3A : memref<!tpu.dma_semaphore, #tpu.memory_space<semaphore_mem>>) src(%dma_wait3A_437 : memref<160xi32, #tpu.memory_space<hbm>>) dst(%arg7 : memref<160xi32, #tpu.memory_space<vmem>>)
      tpu.yield
    }) : () -> ()
    "tpu.region"() ({
      %run_scoped3A = tpu.sem_alloc : memref<!tpu.dma_semaphore, #tpu.memory_space<semaphore_mem>>
      %dma_start3A_434 = tpu.memref_slice %arg4[%multiple_of3A_38] : memref<163840xi32, #tpu.memory_space<hbm>> -> memref<160xi32, #tpu.memory_space<hbm>>
      %dma_start3A_435 = tpu.memref_slice %arg4[%multiple_of3A_38] : memref<163840xi32, #tpu.memory_space<hbm>> -> memref<160xi32, #tpu.memory_space<hbm>>
      tpu.enqueue_dma source(%dma_start3A_435 : memref<160xi32, #tpu.memory_space<hbm>>) target(%arg9 : memref<160xi32, #tpu.memory_space<vmem>>) target_semaphore(%run_scoped3A : memref<!tpu.dma_semaphore, #tpu.memory_space<semaphore_mem>>)
      %dma_wait3A_436 = tpu.memref_slice %arg4[%multiple_of3A_38] : memref<163840xi32, #tpu.memory_space<hbm>> -> memref<160xi32, #tpu.memory_space<hbm>>
      %dma_wait3A_437 = tpu.memref_slice %arg4[%multiple_of3A_38] : memref<163840xi32, #tpu.memory_space<hbm>> -> memref<160xi32, #tpu.memory_space<hbm>>
      tpu.wait_dma2 semaphore(%run_scoped3A : memref<!tpu.dma_semaphore, #tpu.memory_space<semaphore_mem>>) src(%dma_wait3A_437 : memref<160xi32, #tpu.memory_space<hbm>>) dst(%arg9 : memref<160xi32, #tpu.memory_space<vmem>>)
      tpu.yield
    }) : () -> ()
    %get3A = arith.constant 0 : index
    %get3A_39 = tpu.vector_load %arg7[%get3A] {strides = array<i32>} : memref<160xi32, #tpu.memory_space<vmem>>, vector<16xi32>,
    %add3A_40 = vector.broadcast %mul3A_0 : i32 to vector<16xi32>
    %add3A_41 = arith.addi %get3A_39, %add3A_40 : vector<16xi32>
    %swap3A = arith.constant 0 : index
    %swap3A_42 = tpu.vector_load %arg8[%swap3A] {strides = array<i32>} : memref<160xi32, #tpu.memory_space<vmem>>, vector<16xi32>,
    tpu.vector_store %arg8[%swap3A], %add3A_41 {strides = array<i32>} : memref<160xi32, #tpu.memory_space<vmem>>, vector<16xi32>,
    %get3A_43 = arith.constant 16 : index
    %get3A_44 = tpu.vector_load %arg7[%get3A_43] {strides = array<i32>} : memref<160xi32, #tpu.memory_space<vmem>>, vector<16xi32>,
    %add3A_45 = vector.broadcast %mul3A_0 : i32 to vector<16xi32>
    %add3A_46 = arith.addi %get3A_44, %add3A_45 : vector<16xi32>
    %swap3A_47 = arith.constant 16 : index
    %swap3A_48 = tpu.vector_load %arg8[%swap3A_47] {strides = array<i32>} : memref<160xi32, #tpu.memory_space<vmem>>, vector<16xi32>,
    tpu.vector_store %arg8[%swap3A_47], %add3A_46 {strides = array<i32>} : memref<160xi32, #tpu.memory_space<vmem>>, vector<16xi32>,
    %get3A_49 = arith.constant 32 : index
    %get3A_50 = tpu.vector_load %arg7[%get3A_49] {strides = array<i32>} : memref<160xi32, #tpu.memory_space<vmem>>, vector<16xi32>,
    %add3A_51 = vector.broadcast %mul3A_0 : i32 to vector<16xi32>
    %add3A_52 = arith.addi %get3A_50, %add3A_51 : vector<16xi32>
    %swap3A_53 = arith.constant 32 : index
    %swap3A_54 = tpu.vector_load %arg8[%swap3A_53] {strides = array<i32>} : memref<160xi32, #tpu.memory_space<vmem>>, vector<16xi32>,
    tpu.vector_store %arg8[%swap3A_53], %add3A_52 {strides = array<i32>} : memref<160xi32, #tpu.memory_space<vmem>>, vector<16xi32>,
    %get3A_55 = arith.constant 48 : index
    %get3A_56 = tpu.vector_load %arg7[%get3A_55] {strides = array<i32>} : memref<160xi32, #tpu.memory_space<vmem>>, vector<16xi32>,
    %add3A_57 = vector.broadcast %mul3A_0 : i32 to vector<16xi32>
    %add3A_58 = arith.addi %get3A_56, %add3A_57 : vector<16xi32>
    %swap3A_59 = arith.constant 48 : index
    %swap3A_60 = tpu.vector_load %arg8[%swap3A_59] {strides = array<i32>} : memref<160xi32, #tpu.memory_space<vmem>>, vector<16xi32>,
    tpu.vector_store %arg8[%swap3A_59], %add3A_58 {strides = array<i32>} : memref<160xi32, #tpu.memory_space<vmem>>, vector<16xi32>,
    %get3A_61 = arith.constant 64 : index
    %get3A_62 = tpu.vector_load %arg7[%get3A_61] {strides = array<i32>} : memref<160xi32, #tpu.memory_space<vmem>>, vector<16xi32>,
    %add3A_63 = vector.broadcast %mul3A_0 : i32 to vector<16xi32>
    %add3A_64 = arith.addi %get3A_62, %add3A_63 : vector<16xi32>
    %swap3A_65 = arith.constant 64 : index
    %swap3A_66 = tpu.vector_load %arg8[%swap3A_65] {strides = array<i32>} : memref<160xi32, #tpu.memory_space<vmem>>, vector<16xi32>,
    tpu.vector_store %arg8[%swap3A_65], %add3A_64 {strides = array<i32>} : memref<160xi32, #tpu.memory_space<vmem>>, vector<16xi32>,
    %get3A_67 = arith.constant 80 : index
    %get3A_68 = tpu.vector_load %arg7[%get3A_67] {strides = array<i32>} : memref<160xi32, #tpu.memory_space<vmem>>, vector<16xi32>,
    %add3A_69 = vector.broadcast %mul3A_0 : i32 to vector<16xi32>
    %add3A_70 = arith.addi %get3A_68, %add3A_69 : vector<16xi32>
    %swap3A_71 = arith.constant 80 : index
    %swap3A_72 = tpu.vector_load %arg8[%swap3A_71] {strides = array<i32>} : memref<160xi32, #tpu.memory_space<vmem>>, vector<16xi32>,
    tpu.vector_store %arg8[%swap3A_71], %add3A_70 {strides = array<i32>} : memref<160xi32, #tpu.memory_space<vmem>>, vector<16xi32>,
    %get3A_73 = arith.constant 96 : index
    %get3A_74 = tpu.vector_load %arg7[%get3A_73] {strides = array<i32>} : memref<160xi32, #tpu.memory_space<vmem>>, vector<16xi32>,
    %add3A_75 = vector.broadcast %mul3A_0 : i32 to vector<16xi32>
    %add3A_76 = arith.addi %get3A_74, %add3A_75 : vector<16xi32>
    %swap3A_77 = arith.constant 96 : index
    %swap3A_78 = tpu.vector_load %arg8[%swap3A_77] {strides = array<i32>} : memref<160xi32, #tpu.memory_space<vmem>>, vector<16xi32>,
    tpu.vector_store %arg8[%swap3A_77], %add3A_76 {strides = array<i32>} : memref<160xi32, #tpu.memory_space<vmem>>, vector<16xi32>,
    %get3A_79 = arith.constant 112 : index
    %get3A_80 = tpu.vector_load %arg7[%get3A_79] {strides = array<i32>} : memref<160xi32, #tpu.memory_space<vmem>>, vector<16xi32>,
    %add3A_81 = vector.broadcast %mul3A_0 : i32 to vector<16xi32>
    %add3A_82 = arith.addi %get3A_80, %add3A_81 : vector<16xi32>
    %swap3A_83 = arith.constant 112 : index
    %swap3A_84 = tpu.vector_load %arg8[%swap3A_83] {strides = array<i32>} : memref<160xi32, #tpu.memory_space<vmem>>, vector<16xi32>,
    tpu.vector_store %arg8[%swap3A_83], %add3A_82 {strides = array<i32>} : memref<160xi32, #tpu.memory_space<vmem>>, vector<16xi32>,
    %get3A_85 = arith.constant 128 : index
    %get3A_86 = tpu.vector_load %arg7[%get3A_85] {strides = array<i32>} : memref<160xi32, #tpu.memory_space<vmem>>, vector<16xi32>,
    %add3A_87 = vector.broadcast %mul3A_0 : i32 to vector<16xi32>
    %add3A_88 = arith.addi %get3A_86, %add3A_87 : vector<16xi32>
    %swap3A_89 = arith.constant 128 : index
    %swap3A_90 = tpu.vector_load %arg8[%swap3A_89] {strides = array<i32>} : memref<160xi32, #tpu.memory_space<vmem>>, vector<16xi32>,
    tpu.vector_store %arg8[%swap3A_89], %add3A_88 {strides = array<i32>} : memref<160xi32, #tpu.memory_space<vmem>>, vector<16xi32>,
    %get3A_91 = arith.constant 144 : index
    %get3A_92 = tpu.vector_load %arg7[%get3A_91] {strides = array<i32>} : memref<160xi32, #tpu.memory_space<vmem>>, vector<16xi32>,
    %add3A_93 = vector.broadcast %mul3A_0 : i32 to vector<16xi32>
    %add3A_94 = arith.addi %get3A_92, %add3A_93 : vector<16xi32>
    %swap3A_95 = arith.constant 144 : index
    %swap3A_96 = tpu.vector_load %arg8[%swap3A_95] {strides = array<i32>} : memref<160xi32, #tpu.memory_space<vmem>>, vector<16xi32>,
    tpu.vector_store %arg8[%swap3A_95], %add3A_94 {strides = array<i32>} : memref<160xi32, #tpu.memory_space<vmem>>, vector<16xi32>,
    %dma_start3A = arith.constant 0 : i32
    %dma_start3A_97 = arith.constant 0 : i32
    %dma_start3A_98 = tpu.memref_slice %arg2[%dma_start3A, %dma_start3A_97] : memref<20224x128xf32, #tpu.memory_space<hbm>> -> memref<20224x128xf32, #tpu.memory_space<hbm>>
    tpu.enqueue_indirect_dma source(%dma_start3A_98 : memref<20224x128xf32, #tpu.memory_space<hbm>>) target(%arg10 : memref<160x128xf32, #tpu.memory_space<vmem>>) offsets(%arg8 : memref<160xi32, #tpu.memory_space<vmem>>) semaphore(%arg19 : memref<!tpu.dma_semaphore, #tpu.memory_space<semaphore_mem>>)
    %scan3A_99 = arith.constant 0 : i32
    %scan3A_100 = arith.constant 0 : i32
    %scan3A_101 = arith.constant 32 : i32
    %scan3A_102 = arith.addi %scan3A_100, %scan3A_101 : i32
    %scan3A_103 = arith.constant 1 : i32
    scf.for %scan3A_434 = %scan3A_100 to %scan3A_102 step %scan3A_103  : i32 {
      %mul3A_435 = arith.constant 2 : i32
      %mul3A_436 = arith.muli %scan3A_434, %mul3A_435 : i32
      %add3A_437 = arith.constant 1 : i32
      %add3A_438 = arith.addi %mul3A_436, %add3A_437 : i32
      %mul3A_439 = arith.constant 160 : i32
      %mul3A_440 = arith.muli %add3A_438, %mul3A_439 : i32
      %add3A_441 = arith.addi %multiple_of3A, %mul3A_440 : i32
      %multiple_of3A_442 = tpu.assume_multiple %add3A_441, 8 : i32
      "tpu.region"() ({
        %run_scoped3A = tpu.sem_alloc : memref<!tpu.dma_semaphore, #tpu.memory_space<semaphore_mem>>
        %dma_start3A_525 = tpu.memref_slice %arg3[%multiple_of3A_442] : memref<163840xi32, #tpu.memory_space<hbm>> -> memref<160xi32, #tpu.memory_space<hbm>>
        %dma_start3A_526 = tpu.memref_slice %arg3[%multiple_of3A_442] : memref<163840xi32, #tpu.memory_space<hbm>> -> memref<160xi32, #tpu.memory_space<hbm>>
        tpu.enqueue_dma source(%dma_start3A_526 : memref<160xi32, #tpu.memory_space<hbm>>) target(%arg11 : memref<160xi32, #tpu.memory_space<vmem>>) target_semaphore(%run_scoped3A : memref<!tpu.dma_semaphore, #tpu.memory_space<semaphore_mem>>)
        %dma_wait3A_527 = tpu.memref_slice %arg3[%multiple_of3A_442] : memref<163840xi32, #tpu.memory_space<hbm>> -> memref<160xi32, #tpu.memory_space<hbm>>
        %dma_wait3A_528 = tpu.memref_slice %arg3[%multiple_of3A_442] : memref<163840xi32, #tpu.memory_space<hbm>> -> memref<160xi32, #tpu.memory_space<hbm>>
        tpu.wait_dma2 semaphore(%run_scoped3A : memref<!tpu.dma_semaphore, #tpu.memory_space<semaphore_mem>>) src(%dma_wait3A_528 : memref<160xi32, #tpu.memory_space<hbm>>) dst(%arg11 : memref<160xi32, #tpu.memory_space<vmem>>)
        tpu.yield
      }) : () -> ()
      "tpu.region"() ({
        %run_scoped3A = tpu.sem_alloc : memref<!tpu.dma_semaphore, #tpu.memory_space<semaphore_mem>>
        %dma_start3A_525 = tpu.memref_slice %arg4[%multiple_of3A_442] : memref<163840xi32, #tpu.memory_space<hbm>> -> memref<160xi32, #tpu.memory_space<hbm>>
        %dma_start3A_526 = tpu.memref_slice %arg4[%multiple_of3A_442] : memref<163840xi32, #tpu.memory_space<hbm>> -> memref<160xi32, #tpu.memory_space<hbm>>
        tpu.enqueue_dma source(%dma_start3A_526 : memref<160xi32, #tpu.memory_space<hbm>>) target(%arg13 : memref<160xi32, #tpu.memory_space<vmem>>) target_semaphore(%run_scoped3A : memref<!tpu.dma_semaphore, #tpu.memory_space<semaphore_mem>>)
        %dma_wait3A_527 = tpu.memref_slice %arg4[%multiple_of3A_442] : memref<163840xi32, #tpu.memory_space<hbm>> -> memref<160xi32, #tpu.memory_space<hbm>>
        %dma_wait3A_528 = tpu.memref_slice %arg4[%multiple_of3A_442] : memref<163840xi32, #tpu.memory_space<hbm>> -> memref<160xi32, #tpu.memory_space<hbm>>
        tpu.wait_dma2 semaphore(%run_scoped3A : memref<!tpu.dma_semaphore, #tpu.memory_space<semaphore_mem>>) src(%dma_wait3A_528 : memref<160xi32, #tpu.memory_space<hbm>>) dst(%arg13 : memref<160xi32, #tpu.memory_space<vmem>>)
        tpu.yield
      }) : () -> ()
      %get3A_443 = arith.constant 0 : index
      %get3A_444 = tpu.vector_load %arg11[%get3A_443] {strides = array<i32>} : memref<160xi32, #tpu.memory_space<vmem>>, vector<16xi32>,
      %add3A_445 = vector.broadcast %mul3A_0 : i32 to vector<16xi32>
      %add3A_446 = arith.addi %get3A_444, %add3A_445 : vector<16xi32>
      %swap3A_447 = arith.constant 0 : index
      %swap3A_448 = tpu.vector_load %arg12[%swap3A_447] {strides = array<i32>} : memref<160xi32, #tpu.memory_space<vmem>>, vector<16xi32>,
      tpu.vector_store %arg12[%swap3A_447], %add3A_446 {strides = array<i32>} : memref<160xi32, #tpu.memory_space<vmem>>, vector<16xi32>,
      %get3A_449 = arith.constant 16 : index
      %get3A_450 = tpu.vector_load %arg11[%get3A_449] {strides = array<i32>} : memref<160xi32, #tpu.memory_space<vmem>>, vector<16xi32>,
      %add3A_451 = vector.broadcast %mul3A_0 : i32 to vector<16xi32>
      %add3A_452 = arith.addi %get3A_450, %add3A_451 : vector<16xi32>
      %swap3A_453 = arith.constant 16 : index
      %swap3A_454 = tpu.vector_load %arg12[%swap3A_453] {strides = array<i32>} : memref<160xi32, #tpu.memory_space<vmem>>, vector<16xi32>,
      tpu.vector_store %arg12[%swap3A_453], %add3A_452 {strides = array<i32>} : memref<160xi32, #tpu.memory_space<vmem>>, vector<16xi32>,
      %get3A_455 = arith.constant 32 : index
      %get3A_456 = tpu.vector_load %arg11[%get3A_455] {strides = array<i32>} : memref<160xi32, #tpu.memory_space<vmem>>, vector<16xi32>,
      %add3A_457 = vector.broadcast %mul3A_0 : i32 to vector<16xi32>
      %add3A_458 = arith.addi %get3A_456, %add3A_457 : vector<16xi32>
      %swap3A_459 = arith.constant 32 : index
      %swap3A_460 = tpu.vector_load %arg12[%swap3A_459] {strides = array<i32>} : memref<160xi32, #tpu.memory_space<vmem>>, vector<16xi32>,
      tpu.vector_store %arg12[%swap3A_459], %add3A_458 {strides = array<i32>} : memref<160xi32, #tpu.memory_space<vmem>>, vector<16xi32>,
      %get3A_461 = arith.constant 48 : index
      %get3A_462 = tpu.vector_load %arg11[%get3A_461] {strides = array<i32>} : memref<160xi32, #tpu.memory_space<vmem>>, vector<16xi32>,
      %add3A_463 = vector.broadcast %mul3A_0 : i32 to vector<16xi32>
      %add3A_464 = arith.addi %get3A_462, %add3A_463 : vector<16xi32>
      %swap3A_465 = arith.constant 48 : index
      %swap3A_466 = tpu.vector_load %arg12[%swap3A_465] {strides = array<i32>} : memref<160xi32, #tpu.memory_space<vmem>>, vector<16xi32>,
      tpu.vector_store %arg12[%swap3A_465], %add3A_464 {strides = array<i32>} : memref<160xi32, #tpu.memory_space<vmem>>, vector<16xi32>,
      %get3A_467 = arith.constant 64 : index
      %get3A_468 = tpu.vector_load %arg11[%get3A_467] {strides = array<i32>} : memref<160xi32, #tpu.memory_space<vmem>>, vector<16xi32>,
      %add3A_469 = vector.broadcast %mul3A_0 : i32 to vector<16xi32>
      %add3A_470 = arith.addi %get3A_468, %add3A_469 : vector<16xi32>
      %swap3A_471 = arith.constant 64 : index
      %swap3A_472 = tpu.vector_load %arg12[%swap3A_471] {strides = array<i32>} : memref<160xi32, #tpu.memory_space<vmem>>, vector<16xi32>,
      tpu.vector_store %arg12[%swap3A_471], %add3A_470 {strides = array<i32>} : memref<160xi32, #tpu.memory_space<vmem>>, vector<16xi32>,
      %get3A_473 = arith.constant 80 : index
      %get3A_474 = tpu.vector_load %arg11[%get3A_473] {strides = array<i32>} : memref<160xi32, #tpu.memory_space<vmem>>, vector<16xi32>,
      %add3A_475 = vector.broadcast %mul3A_0 : i32 to vector<16xi32>
      %add3A_476 = arith.addi %get3A_474, %add3A_475 : vector<16xi32>
      %swap3A_477 = arith.constant 80 : index
      %swap3A_478 = tpu.vector_load %arg12[%swap3A_477] {strides = array<i32>} : memref<160xi32, #tpu.memory_space<vmem>>, vector<16xi32>,
      tpu.vector_store %arg12[%swap3A_477], %add3A_476 {strides = array<i32>} : memref<160xi32, #tpu.memory_space<vmem>>, vector<16xi32>,
      %get3A_479 = arith.constant 96 : index
      %get3A_480 = tpu.vector_load %arg11[%get3A_479] {strides = array<i32>} : memref<160xi32, #tpu.memory_space<vmem>>, vector<16xi32>,
      %add3A_481 = vector.broadcast %mul3A_0 : i32 to vector<16xi32>
      %add3A_482 = arith.addi %get3A_480, %add3A_481 : vector<16xi32>
      %swap3A_483 = arith.constant 96 : index
      %swap3A_484 = tpu.vector_load %arg12[%swap3A_483] {strides = array<i32>} : memref<160xi32, #tpu.memory_space<vmem>>, vector<16xi32>,
      tpu.vector_store %arg12[%swap3A_483], %add3A_482 {strides = array<i32>} : memref<160xi32, #tpu.memory_space<vmem>>, vector<16xi32>,
      %get3A_485 = arith.constant 112 : index
      %get3A_486 = tpu.vector_load %arg11[%get3A_485] {strides = array<i32>} : memref<160xi32, #tpu.memory_space<vmem>>, vector<16xi32>,
      %add3A_487 = vector.broadcast %mul3A_0 : i32 to vector<16xi32>
      %add3A_488 = arith.addi %get3A_486, %add3A_487 : vector<16xi32>
      %swap3A_489 = arith.constant 112 : index
      %swap3A_490 = tpu.vector_load %arg12[%swap3A_489] {strides = array<i32>} : memref<160xi32, #tpu.memory_space<vmem>>, vector<16xi32>,
      tpu.vector_store %arg12[%swap3A_489], %add3A_488 {strides = array<i32>} : memref<160xi32, #tpu.memory_space<vmem>>, vector<16xi32>,
      %get3A_491 = arith.constant 128 : index
      %get3A_492 = tpu.vector_load %arg11[%get3A_491] {strides = array<i32>} : memref<160xi32, #tpu.memory_space<vmem>>, vector<16xi32>,
      %add3A_493 = vector.broadcast %mul3A_0 : i32 to vector<16xi32>
      %add3A_494 = arith.addi %get3A_492, %add3A_493 : vector<16xi32>
      %swap3A_495 = arith.constant 128 : index
      %swap3A_496 = tpu.vector_load %arg12[%swap3A_495] {strides = array<i32>} : memref<160xi32, #tpu.memory_space<vmem>>, vector<16xi32>,
      tpu.vector_store %arg12[%swap3A_495], %add3A_494 {strides = array<i32>} : memref<160xi32, #tpu.memory_space<vmem>>, vector<16xi32>,
      %get3A_497 = arith.constant 144 : index
      %get3A_498 = tpu.vector_load %arg11[%get3A_497] {strides = array<i32>} : memref<160xi32, #tpu.memory_space<vmem>>, vector<16xi32>,
      %add3A_499 = vector.broadcast %mul3A_0 : i32 to vector<16xi32>
      %add3A_500 = arith.addi %get3A_498, %add3A_499 : vector<16xi32>
      %swap3A_501 = arith.constant 144 : index
      %swap3A_502 = tpu.vector_load %arg12[%swap3A_501] {strides = array<i32>} : memref<160xi32, #tpu.memory_space<vmem>>, vector<16xi32>,
      tpu.vector_store %arg12[%swap3A_501], %add3A_500 {strides = array<i32>} : memref<160xi32, #tpu.memory_space<vmem>>, vector<16xi32>,
      %dma_start3A_503 = arith.constant 0 : i32
      %dma_start3A_504 = arith.constant 0 : i32
      %dma_start3A_505 = tpu.memref_slice %arg2[%dma_start3A_503, %dma_start3A_504] : memref<20224x128xf32, #tpu.memory_space<hbm>> -> memref<20224x128xf32, #tpu.memory_space<hbm>>
      tpu.enqueue_indirect_dma source(%dma_start3A_505 : memref<20224x128xf32, #tpu.memory_space<hbm>>) target(%arg14 : memref<160x128xf32, #tpu.memory_space<vmem>>) offsets(%arg12 : memref<160xi32, #tpu.memory_space<vmem>>) semaphore(%arg20 : memref<!tpu.dma_semaphore, #tpu.memory_space<semaphore_mem>>)
      %dma_wait3A_506 = arith.constant 0 : i32
      %dma_wait3A_507 = arith.constant 0 : i32
      %dma_wait3A_508 = tpu.memref_slice %arg2[%dma_wait3A_506, %dma_wait3A_507] : memref<20224x128xf32, #tpu.memory_space<hbm>> -> memref<160x128xf32, #tpu.memory_space<hbm>>
      %dma_wait3A_509 = arith.constant 0 : i32
      %dma_wait3A_510 = arith.constant 0 : i32
      %dma_wait3A_511 = tpu.memref_slice %arg2[%dma_wait3A_509, %dma_wait3A_510] : memref<20224x128xf32, #tpu.memory_space<hbm>> -> memref<160x128xf32, #tpu.memory_space<hbm>>
      tpu.wait_dma2 semaphore(%arg19 : memref<!tpu.dma_semaphore, #tpu.memory_space<semaphore_mem>>) src(%dma_wait3A_511 : memref<160x128xf32, #tpu.memory_space<hbm>>) dst(%arg10 : memref<160x128xf32, #tpu.memory_space<vmem>>)
      "tpu.region"() ({
        %run_scoped3A = tpu.sem_alloc : memref<!tpu.dma_semaphore, #tpu.memory_space<semaphore_mem>>
        %dma_start3A_525 = arith.constant 0 : i32
        %dma_start3A_526 = arith.constant 0 : i32
        %dma_start3A_527 = tpu.memref_slice %arg17[%dma_start3A_525, %dma_start3A_526] : memref<10112x128xf32, #tpu.memory_space<vmem_shared>> -> memref<10112x128xf32, #tpu.memory_space<vmem_shared>>
        tpu.enqueue_indirect_dma source(%arg10 : memref<160x128xf32, #tpu.memory_space<vmem>>) target(%dma_start3A_527 : memref<10112x128xf32, #tpu.memory_space<vmem_shared>>) offsets(%arg9 : memref<160xi32, #tpu.memory_space<vmem>>) semaphore(%run_scoped3A : memref<!tpu.dma_semaphore, #tpu.memory_space<semaphore_mem>>) {add = true}
        %dma_wait3A_528 = arith.constant 0 : i32
        %dma_wait3A_529 = arith.constant 0 : i32
        %dma_wait3A_530 = tpu.memref_slice %arg17[%dma_wait3A_528, %dma_wait3A_529] : memref<10112x128xf32, #tpu.memory_space<vmem_shared>> -> memref<10112x128xf32, #tpu.memory_space<vmem_shared>>
        tpu.wait_indirect_dma semaphore(%run_scoped3A : memref<!tpu.dma_semaphore, #tpu.memory_space<semaphore_mem>>) src(%arg10 : memref<160x128xf32, #tpu.memory_space<vmem>>) dst(%dma_wait3A_530 : memref<10112x128xf32, #tpu.memory_space<vmem_shared>>)
        tpu.yield
      }) : () -> ()
      "tpu.region"() ({
        %run_scoped3A = tpu.sem_alloc : memref<!tpu.dma_semaphore, #tpu.memory_space<semaphore_mem>>
        %dma_start3A_525 = arith.constant 0 : i32
        %dma_start3A_526 = tpu.memref_slice %arg18[%dma_start3A_525] : memref<6144xf32, #tpu.memory_space<vmem_shared>> -> memref<6144xf32, #tpu.memory_space<vmem_shared>>
        tpu.enqueue_indirect_dma source(%arg16 : memref<160xf32, #tpu.memory_space<vmem>>) target(%dma_start3A_526 : memref<6144xf32, #tpu.memory_space<vmem_shared>>) offsets(%arg9 : memref<160xi32, #tpu.memory_space<vmem>>) semaphore(%run_scoped3A : memref<!tpu.dma_semaphore, #tpu.memory_space<semaphore_mem>>) {add = true}
        %dma_wait3A_527 = arith.constant 0 : i32
        %dma_wait3A_528 = tpu.memref_slice %arg18[%dma_wait3A_527] : memref<6144xf32, #tpu.memory_space<vmem_shared>> -> memref<6144xf32, #tpu.memory_space<vmem_shared>>
        tpu.wait_indirect_dma semaphore(%run_scoped3A : memref<!tpu.dma_semaphore, #tpu.memory_space<semaphore_mem>>) src(%arg16 : memref<160xf32, #tpu.memory_space<vmem>>) dst(%dma_wait3A_528 : memref<6144xf32, #tpu.memory_space<vmem_shared>>)
        tpu.yield
      }) : () -> ()
      %add3A_512 = arith.constant 2 : i32
      %add3A_513 = arith.addi %mul3A_436, %add3A_512 : i32
      %lt3A_514 = arith.constant 64 : i32
      %lt3A_515 = arith.cmpi slt, %add3A_513, %lt3A_514 : i32
      %convert_element_type3A_516 = arith.extui %lt3A_515 : i1 to i32
      %cond3A_517 = arith.constant 0 : i32
      %cond3A_518 = arith.cmpi ne, %convert_element_type3A_516, %cond3A_517 : i32
      scf.if %cond3A_518 {
        %add3A_525 = arith.constant 2 : i32
        %add3A_526 = arith.addi %mul3A_436, %add3A_525 : i32
        %mul3A_527 = arith.constant 160 : i32
        %mul3A_528 = arith.muli %add3A_526, %mul3A_527 : i32
        %add3A_529 = arith.addi %multiple_of3A, %mul3A_528 : i32
        %multiple_of3A_530 = tpu.assume_multiple %add3A_529, 8 : i32
        "tpu.region"() ({
          %run_scoped3A = tpu.sem_alloc : memref<!tpu.dma_semaphore, #tpu.memory_space<semaphore_mem>>
          %dma_start3A_594 = tpu.memref_slice %arg3[%multiple_of3A_530] : memref<163840xi32, #tpu.memory_space<hbm>> -> memref<160xi32, #tpu.memory_space<hbm>>
          %dma_start3A_595 = tpu.memref_slice %arg3[%multiple_of3A_530] : memref<163840xi32, #tpu.memory_space<hbm>> -> memref<160xi32, #tpu.memory_space<hbm>>
          tpu.enqueue_dma source(%dma_start3A_595 : memref<160xi32, #tpu.memory_space<hbm>>) target(%arg7 : memref<160xi32, #tpu.memory_space<vmem>>) target_semaphore(%run_scoped3A : memref<!tpu.dma_semaphore, #tpu.memory_space<semaphore_mem>>)
          %dma_wait3A_596 = tpu.memref_slice %arg3[%multiple_of3A_530] : memref<163840xi32, #tpu.memory_space<hbm>> -> memref<160xi32, #tpu.memory_space<hbm>>
          %dma_wait3A_597 = tpu.memref_slice %arg3[%multiple_of3A_530] : memref<163840xi32, #tpu.memory_space<hbm>> -> memref<160xi32, #tpu.memory_space<hbm>>
          tpu.wait_dma2 semaphore(%run_scoped3A : memref<!tpu.dma_semaphore, #tpu.memory_space<semaphore_mem>>) src(%dma_wait3A_597 : memref<160xi32, #tpu.memory_space<hbm>>) dst(%arg7 : memref<160xi32, #tpu.memory_space<vmem>>)
          tpu.yield
        }) : () -> ()
        "tpu.region"() ({
          %run_scoped3A = tpu.sem_alloc : memref<!tpu.dma_semaphore, #tpu.memory_space<semaphore_mem>>
          %dma_start3A_594 = tpu.memref_slice %arg4[%multiple_of3A_530] : memref<163840xi32, #tpu.memory_space<hbm>> -> memref<160xi32, #tpu.memory_space<hbm>>
          %dma_start3A_595 = tpu.memref_slice %arg4[%multiple_of3A_530] : memref<163840xi32, #tpu.memory_space<hbm>> -> memref<160xi32, #tpu.memory_space<hbm>>
          tpu.enqueue_dma source(%dma_start3A_595 : memref<160xi32, #tpu.memory_space<hbm>>) target(%arg9 : memref<160xi32, #tpu.memory_space<vmem>>) target_semaphore(%run_scoped3A : memref<!tpu.dma_semaphore, #tpu.memory_space<semaphore_mem>>)
          %dma_wait3A_596 = tpu.memref_slice %arg4[%multiple_of3A_530] : memref<163840xi32, #tpu.memory_space<hbm>> -> memref<160xi32, #tpu.memory_space<hbm>>
          %dma_wait3A_597 = tpu.memref_slice %arg4[%multiple_of3A_530] : memref<163840xi32, #tpu.memory_space<hbm>> -> memref<160xi32, #tpu.memory_space<hbm>>
          tpu.wait_dma2 semaphore(%run_scoped3A : memref<!tpu.dma_semaphore, #tpu.memory_space<semaphore_mem>>) src(%dma_wait3A_597 : memref<160xi32, #tpu.memory_space<hbm>>) dst(%arg9 : memref<160xi32, #tpu.memory_space<vmem>>)
          tpu.yield
        }) : () -> ()
        %get3A_531 = arith.constant 0 : index
        %get3A_532 = tpu.vector_load %arg7[%get3A_531] {strides = array<i32>} : memref<160xi32, #tpu.memory_space<vmem>>, vector<16xi32>,
        %add3A_533 = vector.broadcast %mul3A_0 : i32 to vector<16xi32>
        %add3A_534 = arith.addi %get3A_532, %add3A_533 : vector<16xi32>
        %swap3A_535 = arith.constant 0 : index
        %swap3A_536 = tpu.vector_load %arg8[%swap3A_535] {strides = array<i32>} : memref<160xi32, #tpu.memory_space<vmem>>, vector<16xi32>,
        tpu.vector_store %arg8[%swap3A_535], %add3A_534 {strides = array<i32>} : memref<160xi32, #tpu.memory_space<vmem>>, vector<16xi32>,
        %get3A_537 = arith.constant 16 : index
        %get3A_538 = tpu.vector_load %arg7[%get3A_537] {strides = array<i32>} : memref<160xi32, #tpu.memory_space<vmem>>, vector<16xi32>,
        %add3A_539 = vector.broadcast %mul3A_0 : i32 to vector<16xi32>
        %add3A_540 = arith.addi %get3A_538, %add3A_539 : vector<16xi32>
        %swap3A_541 = arith.constant 16 : index
        %swap3A_542 = tpu.vector_load %arg8[%swap3A_541] {strides = array<i32>} : memref<160xi32, #tpu.memory_space<vmem>>, vector<16xi32>,
        tpu.vector_store %arg8[%swap3A_541], %add3A_540 {strides = array<i32>} : memref<160xi32, #tpu.memory_space<vmem>>, vector<16xi32>,
        %get3A_543 = arith.constant 32 : index
        %get3A_544 = tpu.vector_load %arg7[%get3A_543] {strides = array<i32>} : memref<160xi32, #tpu.memory_space<vmem>>, vector<16xi32>,
        %add3A_545 = vector.broadcast %mul3A_0 : i32 to vector<16xi32>
        %add3A_546 = arith.addi %get3A_544, %add3A_545 : vector<16xi32>
        %swap3A_547 = arith.constant 32 : index
        %swap3A_548 = tpu.vector_load %arg8[%swap3A_547] {strides = array<i32>} : memref<160xi32, #tpu.memory_space<vmem>>, vector<16xi32>,
        tpu.vector_store %arg8[%swap3A_547], %add3A_546 {strides = array<i32>} : memref<160xi32, #tpu.memory_space<vmem>>, vector<16xi32>,
        %get3A_549 = arith.constant 48 : index
        %get3A_550 = tpu.vector_load %arg7[%get3A_549] {strides = array<i32>} : memref<160xi32, #tpu.memory_space<vmem>>, vector<16xi32>,
        %add3A_551 = vector.broadcast %mul3A_0 : i32 to vector<16xi32>
        %add3A_552 = arith.addi %get3A_550, %add3A_551 : vector<16xi32>
        %swap3A_553 = arith.constant 48 : index
        %swap3A_554 = tpu.vector_load %arg8[%swap3A_553] {strides = array<i32>} : memref<160xi32, #tpu.memory_space<vmem>>, vector<16xi32>,
        tpu.vector_store %arg8[%swap3A_553], %add3A_552 {strides = array<i32>} : memref<160xi32, #tpu.memory_space<vmem>>, vector<16xi32>,
        %get3A_555 = arith.constant 64 : index
        %get3A_556 = tpu.vector_load %arg7[%get3A_555] {strides = array<i32>} : memref<160xi32, #tpu.memory_space<vmem>>, vector<16xi32>,
        %add3A_557 = vector.broadcast %mul3A_0 : i32 to vector<16xi32>
        %add3A_558 = arith.addi %get3A_556, %add3A_557 : vector<16xi32>
        %swap3A_559 = arith.constant 64 : index
        %swap3A_560 = tpu.vector_load %arg8[%swap3A_559] {strides = array<i32>} : memref<160xi32, #tpu.memory_space<vmem>>, vector<16xi32>,
        tpu.vector_store %arg8[%swap3A_559], %add3A_558 {strides = array<i32>} : memref<160xi32, #tpu.memory_space<vmem>>, vector<16xi32>,
        %get3A_561 = arith.constant 80 : index
        %get3A_562 = tpu.vector_load %arg7[%get3A_561] {strides = array<i32>} : memref<160xi32, #tpu.memory_space<vmem>>, vector<16xi32>,
        %add3A_563 = vector.broadcast %mul3A_0 : i32 to vector<16xi32>
        %add3A_564 = arith.addi %get3A_562, %add3A_563 : vector<16xi32>
        %swap3A_565 = arith.constant 80 : index
        %swap3A_566 = tpu.vector_load %arg8[%swap3A_565] {strides = array<i32>} : memref<160xi32, #tpu.memory_space<vmem>>, vector<16xi32>,
        tpu.vector_store %arg8[%swap3A_565], %add3A_564 {strides = array<i32>} : memref<160xi32, #tpu.memory_space<vmem>>, vector<16xi32>,
        %get3A_567 = arith.constant 96 : index
        %get3A_568 = tpu.vector_load %arg7[%get3A_567] {strides = array<i32>} : memref<160xi32, #tpu.memory_space<vmem>>, vector<16xi32>,
        %add3A_569 = vector.broadcast %mul3A_0 : i32 to vector<16xi32>
        %add3A_570 = arith.addi %get3A_568, %add3A_569 : vector<16xi32>
        %swap3A_571 = arith.constant 96 : index
        %swap3A_572 = tpu.vector_load %arg8[%swap3A_571] {strides = array<i32>} : memref<160xi32, #tpu.memory_space<vmem>>, vector<16xi32>,
        tpu.vector_store %arg8[%swap3A_571], %add3A_570 {strides = array<i32>} : memref<160xi32, #tpu.memory_space<vmem>>, vector<16xi32>,
        %get3A_573 = arith.constant 112 : index
        %get3A_574 = tpu.vector_load %arg7[%get3A_573] {strides = array<i32>} : memref<160xi32, #tpu.memory_space<vmem>>, vector<16xi32>,
        %add3A_575 = vector.broadcast %mul3A_0 : i32 to vector<16xi32>
        %add3A_576 = arith.addi %get3A_574, %add3A_575 : vector<16xi32>
        %swap3A_577 = arith.constant 112 : index
        %swap3A_578 = tpu.vector_load %arg8[%swap3A_577] {strides = array<i32>} : memref<160xi32, #tpu.memory_space<vmem>>, vector<16xi32>,
        tpu.vector_store %arg8[%swap3A_577], %add3A_576 {strides = array<i32>} : memref<160xi32, #tpu.memory_space<vmem>>, vector<16xi32>,
        %get3A_579 = arith.constant 128 : index
        %get3A_580 = tpu.vector_load %arg7[%get3A_579] {strides = array<i32>} : memref<160xi32, #tpu.memory_space<vmem>>, vector<16xi32>,
        %add3A_581 = vector.broadcast %mul3A_0 : i32 to vector<16xi32>
        %add3A_582 = arith.addi %get3A_580, %add3A_581 : vector<16xi32>
        %swap3A_583 = arith.constant 128 : index
        %swap3A_584 = tpu.vector_load %arg8[%swap3A_583] {strides = array<i32>} : memref<160xi32, #tpu.memory_space<vmem>>, vector<16xi32>,
        tpu.vector_store %arg8[%swap3A_583], %add3A_582 {strides = array<i32>} : memref<160xi32, #tpu.memory_space<vmem>>, vector<16xi32>,
        %get3A_585 = arith.constant 144 : index
        %get3A_586 = tpu.vector_load %arg7[%get3A_585] {strides = array<i32>} : memref<160xi32, #tpu.memory_space<vmem>>, vector<16xi32>,
        %add3A_587 = vector.broadcast %mul3A_0 : i32 to vector<16xi32>
        %add3A_588 = arith.addi %get3A_586, %add3A_587 : vector<16xi32>
        %swap3A_589 = arith.constant 144 : index
        %swap3A_590 = tpu.vector_load %arg8[%swap3A_589] {strides = array<i32>} : memref<160xi32, #tpu.memory_space<vmem>>, vector<16xi32>,
        tpu.vector_store %arg8[%swap3A_589], %add3A_588 {strides = array<i32>} : memref<160xi32, #tpu.memory_space<vmem>>, vector<16xi32>,
        %dma_start3A_591 = arith.constant 0 : i32
        %dma_start3A_592 = arith.constant 0 : i32
        %dma_start3A_593 = tpu.memref_slice %arg2[%dma_start3A_591, %dma_start3A_592] : memref<20224x128xf32, #tpu.memory_space<hbm>> -> memref<20224x128xf32, #tpu.memory_space<hbm>>
        tpu.enqueue_indirect_dma source(%dma_start3A_593 : memref<20224x128xf32, #tpu.memory_space<hbm>>) target(%arg10 : memref<160x128xf32, #tpu.memory_space<vmem>>) offsets(%arg8 : memref<160xi32, #tpu.memory_space<vmem>>) semaphore(%arg19 : memref<!tpu.dma_semaphore, #tpu.memory_space<semaphore_mem>>)
      } else {
      }
      %dma_wait3A_519 = arith.constant 0 : i32
      %dma_wait3A_520 = arith.constant 0 : i32
      %dma_wait3A_521 = tpu.memref_slice %arg2[%dma_wait3A_519, %dma_wait3A_520] : memref<20224x128xf32, #tpu.memory_space<hbm>> -> memref<160x128xf32, #tpu.memory_space<hbm>>
      %dma_wait3A_522 = arith.constant 0 : i32
      %dma_wait3A_523 = arith.constant 0 : i32
      %dma_wait3A_524 = tpu.memref_slice %arg2[%dma_wait3A_522, %dma_wait3A_523] : memref<20224x128xf32, #tpu.memory_space<hbm>> -> memref<160x128xf32, #tpu.memory_space<hbm>>
      tpu.wait_dma2 semaphore(%arg20 : memref<!tpu.dma_semaphore, #tpu.memory_space<semaphore_mem>>) src(%dma_wait3A_524 : memref<160x128xf32, #tpu.memory_space<hbm>>) dst(%arg14 : memref<160x128xf32, #tpu.memory_space<vmem>>)
      "tpu.region"() ({
        %run_scoped3A = tpu.sem_alloc : memref<!tpu.dma_semaphore, #tpu.memory_space<semaphore_mem>>
        %dma_start3A_525 = arith.constant 0 : i32
        %dma_start3A_526 = arith.constant 0 : i32
        %dma_start3A_527 = tpu.memref_slice %arg17[%dma_start3A_525, %dma_start3A_526] : memref<10112x128xf32, #tpu.memory_space<vmem_shared>> -> memref<10112x128xf32, #tpu.memory_space<vmem_shared>>
        tpu.enqueue_indirect_dma source(%arg14 : memref<160x128xf32, #tpu.memory_space<vmem>>) target(%dma_start3A_527 : memref<10112x128xf32, #tpu.memory_space<vmem_shared>>) offsets(%arg13 : memref<160xi32, #tpu.memory_space<vmem>>) semaphore(%run_scoped3A : memref<!tpu.dma_semaphore, #tpu.memory_space<semaphore_mem>>) {add = true}
        %dma_wait3A_528 = arith.constant 0 : i32
        %dma_wait3A_529 = arith.constant 0 : i32
        %dma_wait3A_530 = tpu.memref_slice %arg17[%dma_wait3A_528, %dma_wait3A_529] : memref<10112x128xf32, #tpu.memory_space<vmem_shared>> -> memref<10112x128xf32, #tpu.memory_space<vmem_shared>>
        tpu.wait_indirect_dma semaphore(%run_scoped3A : memref<!tpu.dma_semaphore, #tpu.memory_space<semaphore_mem>>) src(%arg14 : memref<160x128xf32, #tpu.memory_space<vmem>>) dst(%dma_wait3A_530 : memref<10112x128xf32, #tpu.memory_space<vmem_shared>>)
        tpu.yield
      }) : () -> ()
      "tpu.region"() ({
        %run_scoped3A = tpu.sem_alloc : memref<!tpu.dma_semaphore, #tpu.memory_space<semaphore_mem>>
        %dma_start3A_525 = arith.constant 0 : i32
        %dma_start3A_526 = tpu.memref_slice %arg18[%dma_start3A_525] : memref<6144xf32, #tpu.memory_space<vmem_shared>> -> memref<6144xf32, #tpu.memory_space<vmem_shared>>
        tpu.enqueue_indirect_dma source(%arg16 : memref<160xf32, #tpu.memory_space<vmem>>) target(%dma_start3A_526 : memref<6144xf32, #tpu.memory_space<vmem_shared>>) offsets(%arg13 : memref<160xi32, #tpu.memory_space<vmem>>) semaphore(%run_scoped3A : memref<!tpu.dma_semaphore, #tpu.memory_space<semaphore_mem>>) {add = true}
        %dma_wait3A_527 = arith.constant 0 : i32
        %dma_wait3A_528 = tpu.memref_slice %arg18[%dma_wait3A_527] : memref<6144xf32, #tpu.memory_space<vmem_shared>> -> memref<6144xf32, #tpu.memory_space<vmem_shared>>
        tpu.wait_indirect_dma semaphore(%run_scoped3A : memref<!tpu.dma_semaphore, #tpu.memory_space<semaphore_mem>>) src(%arg16 : memref<160xf32, #tpu.memory_space<vmem>>) dst(%dma_wait3A_528 : memref<6144xf32, #tpu.memory_space<vmem_shared>>)
        tpu.yield
      }) : () -> ()
    }
    %scan3A_104 = arith.constant 32 : i32
    %barrier3A_105 = arith.constant 0 : index
    tpu.barrier barrier_id(%barrier3A_105)
    %mul3A_106 = arith.constant 384 : i32
    %mul3A_107 = arith.muli %arg1, %mul3A_106 : i32
    "tpu.region"() ({
      %run_scoped3A = tpu.sem_alloc : memref<!tpu.dma_semaphore, #tpu.memory_space<semaphore_mem>>
      %dma_start3A_434 = tpu.memref_slice %arg18[%mul3A_107] : memref<6144xf32, #tpu.memory_space<vmem_shared>> -> memref<384xf32, #tpu.memory_space<vmem_shared>>
      %dma_start3A_435 = tpu.memref_slice %arg18[%mul3A_107] : memref<6144xf32, #tpu.memory_space<vmem_shared>> -> memref<384xf32, #tpu.memory_space<vmem_shared>>
      tpu.enqueue_dma source(%dma_start3A_435 : memref<384xf32, #tpu.memory_space<vmem_shared>>) target(%arg15 : memref<384xf32, #tpu.memory_space<vmem>>) target_semaphore(%run_scoped3A : memref<!tpu.dma_semaphore, #tpu.memory_space<semaphore_mem>>)
      %dma_wait3A_436 = tpu.memref_slice %arg18[%mul3A_107] : memref<6144xf32, #tpu.memory_space<vmem_shared>> -> memref<384xf32, #tpu.memory_space<vmem_shared>>
      %dma_wait3A_437 = tpu.memref_slice %arg18[%mul3A_107] : memref<6144xf32, #tpu.memory_space<vmem_shared>> -> memref<384xf32, #tpu.memory_space<vmem_shared>>
      tpu.wait_dma2 semaphore(%run_scoped3A : memref<!tpu.dma_semaphore, #tpu.memory_space<semaphore_mem>>) src(%dma_wait3A_437 : memref<384xf32, #tpu.memory_space<vmem_shared>>) dst(%arg15 : memref<384xf32, #tpu.memory_space<vmem>>)
      tpu.yield
    }) : () -> ()
    %mul3A_108 = arith.constant 384 : i32
    %mul3A_109 = arith.muli %arg1, %mul3A_108 : i32
    "tpu.region"() ({
      %run_scoped3A = tpu.sem_alloc : memref<!tpu.dma_semaphore, #tpu.memory_space<semaphore_mem>>
      %dma_start3A_434 = tpu.memref_slice %arg6[%mul3A_109] : memref<6144xf32, #tpu.memory_space<hbm>> -> memref<384xf32, #tpu.memory_space<hbm>>
      %dma_start3A_435 = tpu.memref_slice %arg6[%mul3A_109] : memref<6144xf32, #tpu.memory_space<hbm>> -> memref<384xf32, #tpu.memory_space<hbm>>
      tpu.enqueue_dma source(%arg15 : memref<384xf32, #tpu.memory_space<vmem>>) target(%dma_start3A_435 : memref<384xf32, #tpu.memory_space<hbm>>) target_semaphore(%run_scoped3A : memref<!tpu.dma_semaphore, #tpu.memory_space<semaphore_mem>>)
      %dma_wait3A_436 = tpu.memref_slice %arg6[%mul3A_109] : memref<6144xf32, #tpu.memory_space<hbm>> -> memref<384xf32, #tpu.memory_space<hbm>>
      %dma_wait3A_437 = tpu.memref_slice %arg6[%mul3A_109] : memref<6144xf32, #tpu.memory_space<hbm>> -> memref<384xf32, #tpu.memory_space<hbm>>
      tpu.wait_dma2 semaphore(%run_scoped3A : memref<!tpu.dma_semaphore, #tpu.memory_space<semaphore_mem>>) src(%arg15 : memref<384xf32, #tpu.memory_space<vmem>>) dst(%dma_wait3A_437 : memref<384xf32, #tpu.memory_space<hbm>>)
      tpu.yield
    }) : () -> ()
    %lt3A = arith.constant 14 : i32
    %lt3A_110 = arith.cmpi slt, %arg1, %lt3A : i32
    %convert_element_type3A = arith.extui %lt3A_110 : i1 to i32
    %cond3A = arith.constant 0 : i32
    %cond3A_111 = arith.cmpi ne, %convert_element_type3A, %cond3A : i32
    scf.if %cond3A_111 {
      %mul3A_434 = arith.constant 384 : i32
      %mul3A_435 = arith.muli %arg1, %mul3A_434 : i32
      %add3A_436 = arith.constant 0 : i32
      %add3A_437 = arith.addi %mul3A_435, %add3A_436 : i32
      "tpu.region"() ({
        %run_scoped3A = tpu.sem_alloc : memref<!tpu.dma_semaphore, #tpu.memory_space<semaphore_mem>>
        %dma_start3A_467 = arith.constant 0 : i32
        %dma_start3A_468 = arith.constant 0 : i32
        %dma_start3A_469 = tpu.memref_slice %arg10[%dma_start3A_467, %dma_start3A_468] : memref<160x128xf32, #tpu.memory_space<vmem>> -> memref<160x128xf32, #tpu.memory_space<vmem>>
        %dma_start3A_470 = arith.constant 0 : i32
        %dma_start3A_471 = tpu.memref_slice %arg17[%add3A_437, %dma_start3A_470] : memref<10112x128xf32, #tpu.memory_space<vmem_shared>> -> memref<160x128xf32, #tpu.memory_space<vmem_shared>>
        %dma_start3A_472 = arith.constant 0 : i32
        %dma_start3A_473 = arith.constant 0 : i32
        %dma_start3A_474 = tpu.memref_slice %arg10[%dma_start3A_472, %dma_start3A_473] : memref<160x128xf32, #tpu.memory_space<vmem>> -> memref<160x128xf32, #tpu.memory_space<vmem>>
        %dma_start3A_475 = arith.constant 0 : i32
        %dma_start3A_476 = tpu.memref_slice %arg17[%add3A_437, %dma_start3A_475] : memref<10112x128xf32, #tpu.memory_space<vmem_shared>> -> memref<160x128xf32, #tpu.memory_space<vmem_shared>>
        tpu.enqueue_dma source(%dma_start3A_476 : memref<160x128xf32, #tpu.memory_space<vmem_shared>>) target(%dma_start3A_474 : memref<160x128xf32, #tpu.memory_space<vmem>>) target_semaphore(%run_scoped3A : memref<!tpu.dma_semaphore, #tpu.memory_space<semaphore_mem>>)
        %dma_wait3A_477 = arith.constant 0 : i32
        %dma_wait3A_478 = arith.constant 0 : i32
        %dma_wait3A_479 = tpu.memref_slice %arg10[%dma_wait3A_477, %dma_wait3A_478] : memref<160x128xf32, #tpu.memory_space<vmem>> -> memref<160x128xf32, #tpu.memory_space<vmem>>
        %dma_wait3A_480 = arith.constant 0 : i32
        %dma_wait3A_481 = tpu.memref_slice %arg17[%add3A_437, %dma_wait3A_480] : memref<10112x128xf32, #tpu.memory_space<vmem_shared>> -> memref<160x128xf32, #tpu.memory_space<vmem_shared>>
        %dma_wait3A_482 = arith.constant 0 : i32
        %dma_wait3A_483 = arith.constant 0 : i32
        %dma_wait3A_484 = tpu.memref_slice %arg10[%dma_wait3A_482, %dma_wait3A_483] : memref<160x128xf32, #tpu.memory_space<vmem>> -> memref<160x128xf32, #tpu.memory_space<vmem>>
        %dma_wait3A_485 = arith.constant 0 : i32
        %dma_wait3A_486 = tpu.memref_slice %arg17[%add3A_437, %dma_wait3A_485] : memref<10112x128xf32, #tpu.memory_space<vmem_shared>> -> memref<160x128xf32, #tpu.memory_space<vmem_shared>>
        tpu.wait_dma2 semaphore(%run_scoped3A : memref<!tpu.dma_semaphore, #tpu.memory_space<semaphore_mem>>) src(%dma_wait3A_486 : memref<160x128xf32, #tpu.memory_space<vmem_shared>>) dst(%dma_wait3A_484 : memref<160x128xf32, #tpu.memory_space<vmem>>)
        tpu.yield
      }) : () -> ()
      %scan3A_438 = arith.constant 0 : i32
      %scan3A_439 = arith.constant 0 : i32
      %scan3A_440 = arith.constant 160 : i32
      %scan3A_441 = arith.addi %scan3A_439, %scan3A_440 : i32
      %scan3A_442 = arith.constant 1 : i32
      scf.for %scan3A_467 = %scan3A_439 to %scan3A_441 step %scan3A_442  : i32 {
        %add3A_468 = arith.constant 0 : i32
        %add3A_469 = arith.addi %add3A_468, %scan3A_467 : i32
        %broadcast_in_dim3A_470 = vector.broadcast %add3A_469 : i32 to vector<16xi32>
        %gather3A = tpu.vector_load_idx %arg15[%broadcast_in_dim3A_470] : memref<384xf32, #tpu.memory_space<vmem>>[vector<16xi32>], vector<16xf32>,
        %max3A = arith.constant 1.000000e+00 : f32
        %max3A_471 = vector.broadcast %max3A : f32 to vector<16xf32>
        %max3A_472 = arith.maximumf %gather3A, %max3A_471 : vector<16xf32>
        %div3A = arith.constant 1.000000e+00 : f32
        %div3A_473 = vector.broadcast %div3A : f32 to vector<16xf32>
        %div3A_474 = arith.divf %div3A_473, %max3A_472 : vector<16xf32>
        %get3A_475 = arith.index_cast %scan3A_467 : i32 to index
        %get3A_476 = arith.constant 0 : index
        %get3A_477 = tpu.vector_load %arg10[%get3A_475, %get3A_476] {strides = array<i32>} : memref<160x128xf32, #tpu.memory_space<vmem>>, vector<16xf32>,
        %mul3A_478 = arith.mulf %get3A_477, %div3A_474 : vector<16xf32>
        %swap3A_479 = arith.index_cast %scan3A_467 : i32 to index
        %swap3A_480 = arith.constant 0 : index
        %swap3A_481 = tpu.vector_load %arg10[%swap3A_479, %swap3A_480] {strides = array<i32>} : memref<160x128xf32, #tpu.memory_space<vmem>>, vector<16xf32>,
        tpu.vector_store %arg10[%swap3A_479, %swap3A_480], %mul3A_478 {strides = array<i32>} : memref<160x128xf32, #tpu.memory_space<vmem>>, vector<16xf32>,
        %get3A_482 = arith.index_cast %scan3A_467 : i32 to index
        %get3A_483 = arith.constant 16 : index
        %get3A_484 = tpu.vector_load %arg10[%get3A_482, %get3A_483] {strides = array<i32>} : memref<160x128xf32, #tpu.memory_space<vmem>>, vector<16xf32>,
        %mul3A_485 = arith.mulf %get3A_484, %div3A_474 : vector<16xf32>
        %swap3A_486 = arith.index_cast %scan3A_467 : i32 to index
        %swap3A_487 = arith.constant 16 : index
        %swap3A_488 = tpu.vector_load %arg10[%swap3A_486, %swap3A_487] {strides = array<i32>} : memref<160x128xf32, #tpu.memory_space<vmem>>, vector<16xf32>,
        tpu.vector_store %arg10[%swap3A_486, %swap3A_487], %mul3A_485 {strides = array<i32>} : memref<160x128xf32, #tpu.memory_space<vmem>>, vector<16xf32>,
        %get3A_489 = arith.index_cast %scan3A_467 : i32 to index
        %get3A_490 = arith.constant 32 : index
        %get3A_491 = tpu.vector_load %arg10[%get3A_489, %get3A_490] {strides = array<i32>} : memref<160x128xf32, #tpu.memory_space<vmem>>, vector<16xf32>,
        %mul3A_492 = arith.mulf %get3A_491, %div3A_474 : vector<16xf32>
        %swap3A_493 = arith.index_cast %scan3A_467 : i32 to index
        %swap3A_494 = arith.constant 32 : index
        %swap3A_495 = tpu.vector_load %arg10[%swap3A_493, %swap3A_494] {strides = array<i32>} : memref<160x128xf32, #tpu.memory_space<vmem>>, vector<16xf32>,
        tpu.vector_store %arg10[%swap3A_493, %swap3A_494], %mul3A_492 {strides = array<i32>} : memref<160x128xf32, #tpu.memory_space<vmem>>, vector<16xf32>,
        %get3A_496 = arith.index_cast %scan3A_467 : i32 to index
        %get3A_497 = arith.constant 48 : index
        %get3A_498 = tpu.vector_load %arg10[%get3A_496, %get3A_497] {strides = array<i32>} : memref<160x128xf32, #tpu.memory_space<vmem>>, vector<16xf32>,
        %mul3A_499 = arith.mulf %get3A_498, %div3A_474 : vector<16xf32>
        %swap3A_500 = arith.index_cast %scan3A_467 : i32 to index
        %swap3A_501 = arith.constant 48 : index
        %swap3A_502 = tpu.vector_load %arg10[%swap3A_500, %swap3A_501] {strides = array<i32>} : memref<160x128xf32, #tpu.memory_space<vmem>>, vector<16xf32>,
        tpu.vector_store %arg10[%swap3A_500, %swap3A_501], %mul3A_499 {strides = array<i32>} : memref<160x128xf32, #tpu.memory_space<vmem>>, vector<16xf32>,
        %get3A_503 = arith.index_cast %scan3A_467 : i32 to index
        %get3A_504 = arith.constant 64 : index
        %get3A_505 = tpu.vector_load %arg10[%get3A_503, %get3A_504] {strides = array<i32>} : memref<160x128xf32, #tpu.memory_space<vmem>>, vector<16xf32>,
        %mul3A_506 = arith.mulf %get3A_505, %div3A_474 : vector<16xf32>
        %swap3A_507 = arith.index_cast %scan3A_467 : i32 to index
        %swap3A_508 = arith.constant 64 : index
        %swap3A_509 = tpu.vector_load %arg10[%swap3A_507, %swap3A_508] {strides = array<i32>} : memref<160x128xf32, #tpu.memory_space<vmem>>, vector<16xf32>,
        tpu.vector_store %arg10[%swap3A_507, %swap3A_508], %mul3A_506 {strides = array<i32>} : memref<160x128xf32, #tpu.memory_space<vmem>>, vector<16xf32>,
        %get3A_510 = arith.index_cast %scan3A_467 : i32 to index
        %get3A_511 = arith.constant 80 : index
        %get3A_512 = tpu.vector_load %arg10[%get3A_510, %get3A_511] {strides = array<i32>} : memref<160x128xf32, #tpu.memory_space<vmem>>, vector<16xf32>,
        %mul3A_513 = arith.mulf %get3A_512, %div3A_474 : vector<16xf32>
        %swap3A_514 = arith.index_cast %scan3A_467 : i32 to index
        %swap3A_515 = arith.constant 80 : index
        %swap3A_516 = tpu.vector_load %arg10[%swap3A_514, %swap3A_515] {strides = array<i32>} : memref<160x128xf32, #tpu.memory_space<vmem>>, vector<16xf32>,
        tpu.vector_store %arg10[%swap3A_514, %swap3A_515], %mul3A_513 {strides = array<i32>} : memref<160x128xf32, #tpu.memory_space<vmem>>, vector<16xf32>,
        %get3A_517 = arith.index_cast %scan3A_467 : i32 to index
        %get3A_518 = arith.constant 96 : index
        %get3A_519 = tpu.vector_load %arg10[%get3A_517, %get3A_518] {strides = array<i32>} : memref<160x128xf32, #tpu.memory_space<vmem>>, vector<16xf32>,
        %mul3A_520 = arith.mulf %get3A_519, %div3A_474 : vector<16xf32>
        %swap3A_521 = arith.index_cast %scan3A_467 : i32 to index
        %swap3A_522 = arith.constant 96 : index
        %swap3A_523 = tpu.vector_load %arg10[%swap3A_521, %swap3A_522] {strides = array<i32>} : memref<160x128xf32, #tpu.memory_space<vmem>>, vector<16xf32>,
        tpu.vector_store %arg10[%swap3A_521, %swap3A_522], %mul3A_520 {strides = array<i32>} : memref<160x128xf32, #tpu.memory_space<vmem>>, vector<16xf32>,
        %get3A_524 = arith.index_cast %scan3A_467 : i32 to index
        %get3A_525 = arith.constant 112 : index
        %get3A_526 = tpu.vector_load %arg10[%get3A_524, %get3A_525] {strides = array<i32>} : memref<160x128xf32, #tpu.memory_space<vmem>>, vector<16xf32>,
        %mul3A_527 = arith.mulf %get3A_526, %div3A_474 : vector<16xf32>
        %swap3A_528 = arith.index_cast %scan3A_467 : i32 to index
        %swap3A_529 = arith.constant 112 : index
        %swap3A_530 = tpu.vector_load %arg10[%swap3A_528, %swap3A_529] {strides = array<i32>} : memref<160x128xf32, #tpu.memory_space<vmem>>, vector<16xf32>,
        tpu.vector_store %arg10[%swap3A_528, %swap3A_529], %mul3A_527 {strides = array<i32>} : memref<160x128xf32, #tpu.memory_space<vmem>>, vector<16xf32>,
      }
      %scan3A_443 = arith.constant 160 : i32
      %add3A_444 = arith.addi %mul3A_0, %add3A_437 : i32
      "tpu.region"() ({
        %run_scoped3A = tpu.sem_alloc : memref<!tpu.dma_semaphore, #tpu.memory_space<semaphore_mem>>
        %dma_start3A_467 = arith.constant 0 : i32
        %dma_start3A_468 = arith.constant 0 : i32
        %dma_start3A_469 = tpu.memref_slice %arg10[%dma_start3A_467, %dma_start3A_468] : memref<160x128xf32, #tpu.memory_space<vmem>> -> memref<160x128xf32, #tpu.memory_space<vmem>>
        %dma_start3A_470 = arith.constant 0 : i32
        %dma_start3A_471 = tpu.memref_slice %arg5[%add3A_444, %dma_start3A_470] : memref<20224x128xf32, #tpu.memory_space<hbm>> -> memref<160x128xf32, #tpu.memory_space<hbm>>
        %dma_start3A_472 = arith.constant 0 : i32
        %dma_start3A_473 = tpu.memref_slice %arg5[%add3A_444, %dma_start3A_472] : memref<20224x128xf32, #tpu.memory_space<hbm>> -> memref<160x128xf32, #tpu.memory_space<hbm>>
        %dma_start3A_474 = arith.constant 0 : i32
        %dma_start3A_475 = arith.constant 0 : i32
        %dma_start3A_476 = tpu.memref_slice %arg10[%dma_start3A_474, %dma_start3A_475] : memref<160x128xf32, #tpu.memory_space<vmem>> -> memref<160x128xf32, #tpu.memory_space<vmem>>
        tpu.enqueue_dma source(%dma_start3A_476 : memref<160x128xf32, #tpu.memory_space<vmem>>) target(%dma_start3A_473 : memref<160x128xf32, #tpu.memory_space<hbm>>) target_semaphore(%run_scoped3A : memref<!tpu.dma_semaphore, #tpu.memory_space<semaphore_mem>>)
        %dma_wait3A_477 = arith.constant 0 : i32
        %dma_wait3A_478 = arith.constant 0 : i32
        %dma_wait3A_479 = tpu.memref_slice %arg10[%dma_wait3A_477, %dma_wait3A_478] : memref<160x128xf32, #tpu.memory_space<vmem>> -> memref<160x128xf32, #tpu.memory_space<vmem>>
        %dma_wait3A_480 = arith.constant 0 : i32
        %dma_wait3A_481 = tpu.memref_slice %arg5[%add3A_444, %dma_wait3A_480] : memref<20224x128xf32, #tpu.memory_space<hbm>> -> memref<160x128xf32, #tpu.memory_space<hbm>>
        %dma_wait3A_482 = arith.constant 0 : i32
        %dma_wait3A_483 = tpu.memref_slice %arg5[%add3A_444, %dma_wait3A_482] : memref<20224x128xf32, #tpu.memory_space<hbm>> -> memref<160x128xf32, #tpu.memory_space<hbm>>
        %dma_wait3A_484 = arith.constant 0 : i32
        %dma_wait3A_485 = arith.constant 0 : i32
        %dma_wait3A_486 = tpu.memref_slice %arg10[%dma_wait3A_484, %dma_wait3A_485] : memref<160x128xf32, #tpu.memory_space<vmem>> -> memref<160x128xf32, #tpu.memory_space<vmem>>
        tpu.wait_dma2 semaphore(%run_scoped3A : memref<!tpu.dma_semaphore, #tpu.memory_space<semaphore_mem>>) src(%dma_wait3A_486 : memref<160x128xf32, #tpu.memory_space<vmem>>) dst(%dma_wait3A_483 : memref<160x128xf32, #tpu.memory_space<hbm>>)
        tpu.yield
      }) : () -> ()
      %mul3A_445 = arith.constant 384 : i32
      %mul3A_446 = arith.muli %arg1, %mul3A_445 : i32
      %add3A_447 = arith.constant 160 : i32
      %add3A_448 = arith.addi %mul3A_446, %add3A_447 : i32
      "tpu.region"() ({
        %run_scoped3A = tpu.sem_alloc : memref<!tpu.dma_semaphore, #tpu.memory_space<semaphore_mem>>
        %dma_start3A_467 = arith.constant 0 : i32
        %dma_start3A_468 = arith.constant 0 : i32
        %dma_start3A_469 = tpu.memref_slice %arg10[%dma_start3A_467, %dma_start3A_468] : memref<160x128xf32, #tpu.memory_space<vmem>> -> memref<160x128xf32, #tpu.memory_space<vmem>>
        %dma_start3A_470 = arith.constant 0 : i32
        %dma_start3A_471 = tpu.memref_slice %arg17[%add3A_448, %dma_start3A_470] : memref<10112x128xf32, #tpu.memory_space<vmem_shared>> -> memref<160x128xf32, #tpu.memory_space<vmem_shared>>
        %dma_start3A_472 = arith.constant 0 : i32
        %dma_start3A_473 = arith.constant 0 : i32
        %dma_start3A_474 = tpu.memref_slice %arg10[%dma_start3A_472, %dma_start3A_473] : memref<160x128xf32, #tpu.memory_space<vmem>> -> memref<160x128xf32, #tpu.memory_space<vmem>>
        %dma_start3A_475 = arith.constant 0 : i32
        %dma_start3A_476 = tpu.memref_slice %arg17[%add3A_448, %dma_start3A_475] : memref<10112x128xf32, #tpu.memory_space<vmem_shared>> -> memref<160x128xf32, #tpu.memory_space<vmem_shared>>
        tpu.enqueue_dma source(%dma_start3A_476 : memref<160x128xf32, #tpu.memory_space<vmem_shared>>) target(%dma_start3A_474 : memref<160x128xf32, #tpu.memory_space<vmem>>) target_semaphore(%run_scoped3A : memref<!tpu.dma_semaphore, #tpu.memory_space<semaphore_mem>>)
        %dma_wait3A_477 = arith.constant 0 : i32
        %dma_wait3A_478 = arith.constant 0 : i32
        %dma_wait3A_479 = tpu.memref_slice %arg10[%dma_wait3A_477, %dma_wait3A_478] : memref<160x128xf32, #tpu.memory_space<vmem>> -> memref<160x128xf32, #tpu.memory_space<vmem>>
        %dma_wait3A_480 = arith.constant 0 : i32
        %dma_wait3A_481 = tpu.memref_slice %arg17[%add3A_448, %dma_wait3A_480] : memref<10112x128xf32, #tpu.memory_space<vmem_shared>> -> memref<160x128xf32, #tpu.memory_space<vmem_shared>>
        %dma_wait3A_482 = arith.constant 0 : i32
        %dma_wait3A_483 = arith.constant 0 : i32
        %dma_wait3A_484 = tpu.memref_slice %arg10[%dma_wait3A_482, %dma_wait3A_483] : memref<160x128xf32, #tpu.memory_space<vmem>> -> memref<160x128xf32, #tpu.memory_space<vmem>>
        %dma_wait3A_485 = arith.constant 0 : i32
        %dma_wait3A_486 = tpu.memref_slice %arg17[%add3A_448, %dma_wait3A_485] : memref<10112x128xf32, #tpu.memory_space<vmem_shared>> -> memref<160x128xf32, #tpu.memory_space<vmem_shared>>
        tpu.wait_dma2 semaphore(%run_scoped3A : memref<!tpu.dma_semaphore, #tpu.memory_space<semaphore_mem>>) src(%dma_wait3A_486 : memref<160x128xf32, #tpu.memory_space<vmem_shared>>) dst(%dma_wait3A_484 : memref<160x128xf32, #tpu.memory_space<vmem>>)
        tpu.yield
      }) : () -> ()
      %scan3A_449 = arith.constant 0 : i32
      %scan3A_450 = arith.constant 0 : i32
      %scan3A_451 = arith.constant 160 : i32
      %scan3A_452 = arith.addi %scan3A_450, %scan3A_451 : i32
      %scan3A_453 = arith.constant 1 : i32
      scf.for %scan3A_467 = %scan3A_450 to %scan3A_452 step %scan3A_453  : i32 {
        %add3A_468 = arith.constant 160 : i32
        %add3A_469 = arith.addi %add3A_468, %scan3A_467 : i32
        %broadcast_in_dim3A_470 = vector.broadcast %add3A_469 : i32 to vector<16xi32>
        %gather3A = tpu.vector_load_idx %arg15[%broadcast_in_dim3A_470] : memref<384xf32, #tpu.memory_space<vmem>>[vector<16xi32>], vector<16xf32>,
        %max3A = arith.constant 1.000000e+00 : f32
        %max3A_471 = vector.broadcast %max3A : f32 to vector<16xf32>
        %max3A_472 = arith.maximumf %gather3A, %max3A_471 : vector<16xf32>
        %div3A = arith.constant 1.000000e+00 : f32
        %div3A_473 = vector.broadcast %div3A : f32 to vector<16xf32>
        %div3A_474 = arith.divf %div3A_473, %max3A_472 : vector<16xf32>
        %get3A_475 = arith.index_cast %scan3A_467 : i32 to index
        %get3A_476 = arith.constant 0 : index
        %get3A_477 = tpu.vector_load %arg10[%get3A_475, %get3A_476] {strides = array<i32>} : memref<160x128xf32, #tpu.memory_space<vmem>>, vector<16xf32>,
        %mul3A_478 = arith.mulf %get3A_477, %div3A_474 : vector<16xf32>
        %swap3A_479 = arith.index_cast %scan3A_467 : i32 to index
        %swap3A_480 = arith.constant 0 : index
        %swap3A_481 = tpu.vector_load %arg10[%swap3A_479, %swap3A_480] {strides = array<i32>} : memref<160x128xf32, #tpu.memory_space<vmem>>, vector<16xf32>,
        tpu.vector_store %arg10[%swap3A_479, %swap3A_480], %mul3A_478 {strides = array<i32>} : memref<160x128xf32, #tpu.memory_space<vmem>>, vector<16xf32>,
        %get3A_482 = arith.index_cast %scan3A_467 : i32 to index
        %get3A_483 = arith.constant 16 : index
        %get3A_484 = tpu.vector_load %arg10[%get3A_482, %get3A_483] {strides = array<i32>} : memref<160x128xf32, #tpu.memory_space<vmem>>, vector<16xf32>,
        %mul3A_485 = arith.mulf %get3A_484, %div3A_474 : vector<16xf32>
        %swap3A_486 = arith.index_cast %scan3A_467 : i32 to index
        %swap3A_487 = arith.constant 16 : index
        %swap3A_488 = tpu.vector_load %arg10[%swap3A_486, %swap3A_487] {strides = array<i32>} : memref<160x128xf32, #tpu.memory_space<vmem>>, vector<16xf32>,
        tpu.vector_store %arg10[%swap3A_486, %swap3A_487], %mul3A_485 {strides = array<i32>} : memref<160x128xf32, #tpu.memory_space<vmem>>, vector<16xf32>,
        %get3A_489 = arith.index_cast %scan3A_467 : i32 to index
        %get3A_490 = arith.constant 32 : index
        %get3A_491 = tpu.vector_load %arg10[%get3A_489, %get3A_490] {strides = array<i32>} : memref<160x128xf32, #tpu.memory_space<vmem>>, vector<16xf32>,
        %mul3A_492 = arith.mulf %get3A_491, %div3A_474 : vector<16xf32>
        %swap3A_493 = arith.index_cast %scan3A_467 : i32 to index
        %swap3A_494 = arith.constant 32 : index
        %swap3A_495 = tpu.vector_load %arg10[%swap3A_493, %swap3A_494] {strides = array<i32>} : memref<160x128xf32, #tpu.memory_space<vmem>>, vector<16xf32>,
        tpu.vector_store %arg10[%swap3A_493, %swap3A_494], %mul3A_492 {strides = array<i32>} : memref<160x128xf32, #tpu.memory_space<vmem>>, vector<16xf32>,
        %get3A_496 = arith.index_cast %scan3A_467 : i32 to index
        %get3A_497 = arith.constant 48 : index
        %get3A_498 = tpu.vector_load %arg10[%get3A_496, %get3A_497] {strides = array<i32>} : memref<160x128xf32, #tpu.memory_space<vmem>>, vector<16xf32>,
        %mul3A_499 = arith.mulf %get3A_498, %div3A_474 : vector<16xf32>
        %swap3A_500 = arith.index_cast %scan3A_467 : i32 to index
        %swap3A_501 = arith.constant 48 : index
        %swap3A_502 = tpu.vector_load %arg10[%swap3A_500, %swap3A_501] {strides = array<i32>} : memref<160x128xf32, #tpu.memory_space<vmem>>, vector<16xf32>,
        tpu.vector_store %arg10[%swap3A_500, %swap3A_501], %mul3A_499 {strides = array<i32>} : memref<160x128xf32, #tpu.memory_space<vmem>>, vector<16xf32>,
        %get3A_503 = arith.index_cast %scan3A_467 : i32 to index
        %get3A_504 = arith.constant 64 : index
        %get3A_505 = tpu.vector_load %arg10[%get3A_503, %get3A_504] {strides = array<i32>} : memref<160x128xf32, #tpu.memory_space<vmem>>, vector<16xf32>,
        %mul3A_506 = arith.mulf %get3A_505, %div3A_474 : vector<16xf32>
        %swap3A_507 = arith.index_cast %scan3A_467 : i32 to index
        %swap3A_508 = arith.constant 64 : index
        %swap3A_509 = tpu.vector_load %arg10[%swap3A_507, %swap3A_508] {strides = array<i32>} : memref<160x128xf32, #tpu.memory_space<vmem>>, vector<16xf32>,
        tpu.vector_store %arg10[%swap3A_507, %swap3A_508], %mul3A_506 {strides = array<i32>} : memref<160x128xf32, #tpu.memory_space<vmem>>, vector<16xf32>,
        %get3A_510 = arith.index_cast %scan3A_467 : i32 to index
        %get3A_511 = arith.constant 80 : index
        %get3A_512 = tpu.vector_load %arg10[%get3A_510, %get3A_511] {strides = array<i32>} : memref<160x128xf32, #tpu.memory_space<vmem>>, vector<16xf32>,
        %mul3A_513 = arith.mulf %get3A_512, %div3A_474 : vector<16xf32>
        %swap3A_514 = arith.index_cast %scan3A_467 : i32 to index
        %swap3A_515 = arith.constant 80 : index
        %swap3A_516 = tpu.vector_load %arg10[%swap3A_514, %swap3A_515] {strides = array<i32>} : memref<160x128xf32, #tpu.memory_space<vmem>>, vector<16xf32>,
        tpu.vector_store %arg10[%swap3A_514, %swap3A_515], %mul3A_513 {strides = array<i32>} : memref<160x128xf32, #tpu.memory_space<vmem>>, vector<16xf32>,
        %get3A_517 = arith.index_cast %scan3A_467 : i32 to index
        %get3A_518 = arith.constant 96 : index
        %get3A_519 = tpu.vector_load %arg10[%get3A_517, %get3A_518] {strides = array<i32>} : memref<160x128xf32, #tpu.memory_space<vmem>>, vector<16xf32>,
        %mul3A_520 = arith.mulf %get3A_519, %div3A_474 : vector<16xf32>
        %swap3A_521 = arith.index_cast %scan3A_467 : i32 to index
        %swap3A_522 = arith.constant 96 : index
        %swap3A_523 = tpu.vector_load %arg10[%swap3A_521, %swap3A_522] {strides = array<i32>} : memref<160x128xf32, #tpu.memory_space<vmem>>, vector<16xf32>,
        tpu.vector_store %arg10[%swap3A_521, %swap3A_522], %mul3A_520 {strides = array<i32>} : memref<160x128xf32, #tpu.memory_space<vmem>>, vector<16xf32>,
        %get3A_524 = arith.index_cast %scan3A_467 : i32 to index
        %get3A_525 = arith.constant 112 : index
        %get3A_526 = tpu.vector_load %arg10[%get3A_524, %get3A_525] {strides = array<i32>} : memref<160x128xf32, #tpu.memory_space<vmem>>, vector<16xf32>,
        %mul3A_527 = arith.mulf %get3A_526, %div3A_474 : vector<16xf32>
        %swap3A_528 = arith.index_cast %scan3A_467 : i32 to index
        %swap3A_529 = arith.constant 112 : index
        %swap3A_530 = tpu.vector_load %arg10[%swap3A_528, %swap3A_529] {strides = array<i32>} : memref<160x128xf32, #tpu.memory_space<vmem>>, vector<16xf32>,
        tpu.vector_store %arg10[%swap3A_528, %swap3A_529], %mul3A_527 {strides = array<i32>} : memref<160x128xf32, #tpu.memory_space<vmem>>, vector<16xf32>,
      }
      %scan3A_454 = arith.constant 160 : i32
      %add3A_455 = arith.addi %mul3A_0, %add3A_448 : i32
      "tpu.region"() ({
        %run_scoped3A = tpu.sem_alloc : memref<!tpu.dma_semaphore, #tpu.memory_space<semaphore_mem>>
        %dma_start3A_467 = arith.constant 0 : i32
        %dma_start3A_468 = arith.constant 0 : i32
        %dma_start3A_469 = tpu.memref_slice %arg10[%dma_start3A_467, %dma_start3A_468] : memref<160x128xf32, #tpu.memory_space<vmem>> -> memref<160x128xf32, #tpu.memory_space<vmem>>
        %dma_start3A_470 = arith.constant 0 : i32
        %dma_start3A_471 = tpu.memref_slice %arg5[%add3A_455, %dma_start3A_470] : memref<20224x128xf32, #tpu.memory_space<hbm>> -> memref<160x128xf32, #tpu.memory_space<hbm>>
        %dma_start3A_472 = arith.constant 0 : i32
        %dma_start3A_473 = tpu.memref_slice %arg5[%add3A_455, %dma_start3A_472] : memref<20224x128xf32, #tpu.memory_space<hbm>> -> memref<160x128xf32, #tpu.memory_space<hbm>>
        %dma_start3A_474 = arith.constant 0 : i32
        %dma_start3A_475 = arith.constant 0 : i32
        %dma_start3A_476 = tpu.memref_slice %arg10[%dma_start3A_474, %dma_start3A_475] : memref<160x128xf32, #tpu.memory_space<vmem>> -> memref<160x128xf32, #tpu.memory_space<vmem>>
        tpu.enqueue_dma source(%dma_start3A_476 : memref<160x128xf32, #tpu.memory_space<vmem>>) target(%dma_start3A_473 : memref<160x128xf32, #tpu.memory_space<hbm>>) target_semaphore(%run_scoped3A : memref<!tpu.dma_semaphore, #tpu.memory_space<semaphore_mem>>)
        %dma_wait3A_477 = arith.constant 0 : i32
        %dma_wait3A_478 = arith.constant 0 : i32
        %dma_wait3A_479 = tpu.memref_slice %arg10[%dma_wait3A_477, %dma_wait3A_478] : memref<160x128xf32, #tpu.memory_space<vmem>> -> memref<160x128xf32, #tpu.memory_space<vmem>>
        %dma_wait3A_480 = arith.constant 0 : i32
        %dma_wait3A_481 = tpu.memref_slice %arg5[%add3A_455, %dma_wait3A_480] : memref<20224x128xf32, #tpu.memory_space<hbm>> -> memref<160x128xf32, #tpu.memory_space<hbm>>
        %dma_wait3A_482 = arith.constant 0 : i32
        %dma_wait3A_483 = tpu.memref_slice %arg5[%add3A_455, %dma_wait3A_482] : memref<20224x128xf32, #tpu.memory_space<hbm>> -> memref<160x128xf32, #tpu.memory_space<hbm>>
        %dma_wait3A_484 = arith.constant 0 : i32
        %dma_wait3A_485 = arith.constant 0 : i32
        %dma_wait3A_486 = tpu.memref_slice %arg10[%dma_wait3A_484, %dma_wait3A_485] : memref<160x128xf32, #tpu.memory_space<vmem>> -> memref<160x128xf32, #tpu.memory_space<vmem>>
        tpu.wait_dma2 semaphore(%run_scoped3A : memref<!tpu.dma_semaphore, #tpu.memory_space<semaphore_mem>>) src(%dma_wait3A_486 : memref<160x128xf32, #tpu.memory_space<vmem>>) dst(%dma_wait3A_483 : memref<160x128xf32, #tpu.memory_space<hbm>>)
        tpu.yield
      }) : () -> ()
      %mul3A_456 = arith.constant 384 : i32
      %mul3A_457 = arith.muli %arg1, %mul3A_456 : i32
      %add3A_458 = arith.constant 320 : i32
      %add3A_459 = arith.addi %mul3A_457, %add3A_458 : i32
      "tpu.region"() ({
        %run_scoped3A = tpu.sem_alloc : memref<!tpu.dma_semaphore, #tpu.memory_space<semaphore_mem>>
        %dma_start3A_467 = arith.constant 0 : i32
        %dma_start3A_468 = arith.constant 0 : i32
        %dma_start3A_469 = tpu.memref_slice %arg10[%dma_start3A_467, %dma_start3A_468] : memref<160x128xf32, #tpu.memory_space<vmem>> -> memref<64x128xf32, #tpu.memory_space<vmem>>
        %dma_start3A_470 = arith.constant 0 : i32
        %dma_start3A_471 = tpu.memref_slice %arg17[%add3A_459, %dma_start3A_470] : memref<10112x128xf32, #tpu.memory_space<vmem_shared>> -> memref<64x128xf32, #tpu.memory_space<vmem_shared>>
        %dma_start3A_472 = arith.constant 0 : i32
        %dma_start3A_473 = arith.constant 0 : i32
        %dma_start3A_474 = tpu.memref_slice %arg10[%dma_start3A_472, %dma_start3A_473] : memref<160x128xf32, #tpu.memory_space<vmem>> -> memref<64x128xf32, #tpu.memory_space<vmem>>
        %dma_start3A_475 = arith.constant 0 : i32
        %dma_start3A_476 = tpu.memref_slice %arg17[%add3A_459, %dma_start3A_475] : memref<10112x128xf32, #tpu.memory_space<vmem_shared>> -> memref<64x128xf32, #tpu.memory_space<vmem_shared>>
        tpu.enqueue_dma source(%dma_start3A_476 : memref<64x128xf32, #tpu.memory_space<vmem_shared>>) target(%dma_start3A_474 : memref<64x128xf32, #tpu.memory_space<vmem>>) target_semaphore(%run_scoped3A : memref<!tpu.dma_semaphore, #tpu.memory_space<semaphore_mem>>)
        %dma_wait3A_477 = arith.constant 0 : i32
        %dma_wait3A_478 = arith.constant 0 : i32
        %dma_wait3A_479 = tpu.memref_slice %arg10[%dma_wait3A_477, %dma_wait3A_478] : memref<160x128xf32, #tpu.memory_space<vmem>> -> memref<64x128xf32, #tpu.memory_space<vmem>>
        %dma_wait3A_480 = arith.constant 0 : i32
        %dma_wait3A_481 = tpu.memref_slice %arg17[%add3A_459, %dma_wait3A_480] : memref<10112x128xf32, #tpu.memory_space<vmem_shared>> -> memref<64x128xf32, #tpu.memory_space<vmem_shared>>
        %dma_wait3A_482 = arith.constant 0 : i32
        %dma_wait3A_483 = arith.constant 0 : i32
        %dma_wait3A_484 = tpu.memref_slice %arg10[%dma_wait3A_482, %dma_wait3A_483] : memref<160x128xf32, #tpu.memory_space<vmem>> -> memref<64x128xf32, #tpu.memory_space<vmem>>
        %dma_wait3A_485 = arith.constant 0 : i32
        %dma_wait3A_486 = tpu.memref_slice %arg17[%add3A_459, %dma_wait3A_485] : memref<10112x128xf32, #tpu.memory_space<vmem_shared>> -> memref<64x128xf32, #tpu.memory_space<vmem_shared>>
        tpu.wait_dma2 semaphore(%run_scoped3A : memref<!tpu.dma_semaphore, #tpu.memory_space<semaphore_mem>>) src(%dma_wait3A_486 : memref<64x128xf32, #tpu.memory_space<vmem_shared>>) dst(%dma_wait3A_484 : memref<64x128xf32, #tpu.memory_space<vmem>>)
        tpu.yield
      }) : () -> ()
      %scan3A_460 = arith.constant 0 : i32
      %scan3A_461 = arith.constant 0 : i32
      %scan3A_462 = arith.constant 64 : i32
      %scan3A_463 = arith.addi %scan3A_461, %scan3A_462 : i32
      %scan3A_464 = arith.constant 1 : i32
      scf.for %scan3A_467 = %scan3A_461 to %scan3A_463 step %scan3A_464  : i32 {
        %add3A_468 = arith.constant 320 : i32
        %add3A_469 = arith.addi %add3A_468, %scan3A_467 : i32
        %broadcast_in_dim3A_470 = vector.broadcast %add3A_469 : i32 to vector<16xi32>
        %gather3A = tpu.vector_load_idx %arg15[%broadcast_in_dim3A_470] : memref<384xf32, #tpu.memory_space<vmem>>[vector<16xi32>], vector<16xf32>,
        %max3A = arith.constant 1.000000e+00 : f32
        %max3A_471 = vector.broadcast %max3A : f32 to vector<16xf32>
        %max3A_472 = arith.maximumf %gather3A, %max3A_471 : vector<16xf32>
        %div3A = arith.constant 1.000000e+00 : f32
        %div3A_473 = vector.broadcast %div3A : f32 to vector<16xf32>
        %div3A_474 = arith.divf %div3A_473, %max3A_472 : vector<16xf32>
        %get3A_475 = arith.index_cast %scan3A_467 : i32 to index
        %get3A_476 = arith.constant 0 : index
        %get3A_477 = tpu.vector_load %arg10[%get3A_475, %get3A_476] {strides = array<i32>} : memref<160x128xf32, #tpu.memory_space<vmem>>, vector<16xf32>,
        %mul3A_478 = arith.mulf %get3A_477, %div3A_474 : vector<16xf32>
        %swap3A_479 = arith.index_cast %scan3A_467 : i32 to index
        %swap3A_480 = arith.constant 0 : index
        %swap3A_481 = tpu.vector_load %arg10[%swap3A_479, %swap3A_480] {strides = array<i32>} : memref<160x128xf32, #tpu.memory_space<vmem>>, vector<16xf32>,
        tpu.vector_store %arg10[%swap3A_479, %swap3A_480], %mul3A_478 {strides = array<i32>} : memref<160x128xf32, #tpu.memory_space<vmem>>, vector<16xf32>,
        %get3A_482 = arith.index_cast %scan3A_467 : i32 to index
        %get3A_483 = arith.constant 16 : index
        %get3A_484 = tpu.vector_load %arg10[%get3A_482, %get3A_483] {strides = array<i32>} : memref<160x128xf32, #tpu.memory_space<vmem>>, vector<16xf32>,
        %mul3A_485 = arith.mulf %get3A_484, %div3A_474 : vector<16xf32>
        %swap3A_486 = arith.index_cast %scan3A_467 : i32 to index
        %swap3A_487 = arith.constant 16 : index
        %swap3A_488 = tpu.vector_load %arg10[%swap3A_486, %swap3A_487] {strides = array<i32>} : memref<160x128xf32, #tpu.memory_space<vmem>>, vector<16xf32>,
        tpu.vector_store %arg10[%swap3A_486, %swap3A_487], %mul3A_485 {strides = array<i32>} : memref<160x128xf32, #tpu.memory_space<vmem>>, vector<16xf32>,
        %get3A_489 = arith.index_cast %scan3A_467 : i32 to index
        %get3A_490 = arith.constant 32 : index
        %get3A_491 = tpu.vector_load %arg10[%get3A_489, %get3A_490] {strides = array<i32>} : memref<160x128xf32, #tpu.memory_space<vmem>>, vector<16xf32>,
        %mul3A_492 = arith.mulf %get3A_491, %div3A_474 : vector<16xf32>
        %swap3A_493 = arith.index_cast %scan3A_467 : i32 to index
        %swap3A_494 = arith.constant 32 : index
        %swap3A_495 = tpu.vector_load %arg10[%swap3A_493, %swap3A_494] {strides = array<i32>} : memref<160x128xf32, #tpu.memory_space<vmem>>, vector<16xf32>,
        tpu.vector_store %arg10[%swap3A_493, %swap3A_494], %mul3A_492 {strides = array<i32>} : memref<160x128xf32, #tpu.memory_space<vmem>>, vector<16xf32>,
        %get3A_496 = arith.index_cast %scan3A_467 : i32 to index
        %get3A_497 = arith.constant 48 : index
        %get3A_498 = tpu.vector_load %arg10[%get3A_496, %get3A_497] {strides = array<i32>} : memref<160x128xf32, #tpu.memory_space<vmem>>, vector<16xf32>,
        %mul3A_499 = arith.mulf %get3A_498, %div3A_474 : vector<16xf32>
        %swap3A_500 = arith.index_cast %scan3A_467 : i32 to index
        %swap3A_501 = arith.constant 48 : index
        %swap3A_502 = tpu.vector_load %arg10[%swap3A_500, %swap3A_501] {strides = array<i32>} : memref<160x128xf32, #tpu.memory_space<vmem>>, vector<16xf32>,
        tpu.vector_store %arg10[%swap3A_500, %swap3A_501], %mul3A_499 {strides = array<i32>} : memref<160x128xf32, #tpu.memory_space<vmem>>, vector<16xf32>,
        %get3A_503 = arith.index_cast %scan3A_467 : i32 to index
        %get3A_504 = arith.constant 64 : index
        %get3A_505 = tpu.vector_load %arg10[%get3A_503, %get3A_504] {strides = array<i32>} : memref<160x128xf32, #tpu.memory_space<vmem>>, vector<16xf32>,
        %mul3A_506 = arith.mulf %get3A_505, %div3A_474 : vector<16xf32>
        %swap3A_507 = arith.index_cast %scan3A_467 : i32 to index
        %swap3A_508 = arith.constant 64 : index
        %swap3A_509 = tpu.vector_load %arg10[%swap3A_507, %swap3A_508] {strides = array<i32>} : memref<160x128xf32, #tpu.memory_space<vmem>>, vector<16xf32>,
        tpu.vector_store %arg10[%swap3A_507, %swap3A_508], %mul3A_506 {strides = array<i32>} : memref<160x128xf32, #tpu.memory_space<vmem>>, vector<16xf32>,
        %get3A_510 = arith.index_cast %scan3A_467 : i32 to index
        %get3A_511 = arith.constant 80 : index
        %get3A_512 = tpu.vector_load %arg10[%get3A_510, %get3A_511] {strides = array<i32>} : memref<160x128xf32, #tpu.memory_space<vmem>>, vector<16xf32>,
        %mul3A_513 = arith.mulf %get3A_512, %div3A_474 : vector<16xf32>
        %swap3A_514 = arith.index_cast %scan3A_467 : i32 to index
        %swap3A_515 = arith.constant 80 : index
        %swap3A_516 = tpu.vector_load %arg10[%swap3A_514, %swap3A_515] {strides = array<i32>} : memref<160x128xf32, #tpu.memory_space<vmem>>, vector<16xf32>,
        tpu.vector_store %arg10[%swap3A_514, %swap3A_515], %mul3A_513 {strides = array<i32>} : memref<160x128xf32, #tpu.memory_space<vmem>>, vector<16xf32>,
        %get3A_517 = arith.index_cast %scan3A_467 : i32 to index
        %get3A_518 = arith.constant 96 : index
        %get3A_519 = tpu.vector_load %arg10[%get3A_517, %get3A_518] {strides = array<i32>} : memref<160x128xf32, #tpu.memory_space<vmem>>, vector<16xf32>,
        %mul3A_520 = arith.mulf %get3A_519, %div3A_474 : vector<16xf32>
        %swap3A_521 = arith.index_cast %scan3A_467 : i32 to index
        %swap3A_522 = arith.constant 96 : index
        %swap3A_523 = tpu.vector_load %arg10[%swap3A_521, %swap3A_522] {strides = array<i32>} : memref<160x128xf32, #tpu.memory_space<vmem>>, vector<16xf32>,
        tpu.vector_store %arg10[%swap3A_521, %swap3A_522], %mul3A_520 {strides = array<i32>} : memref<160x128xf32, #tpu.memory_space<vmem>>, vector<16xf32>,
        %get3A_524 = arith.index_cast %scan3A_467 : i32 to index
        %get3A_525 = arith.constant 112 : index
        %get3A_526 = tpu.vector_load %arg10[%get3A_524, %get3A_525] {strides = array<i32>} : memref<160x128xf32, #tpu.memory_space<vmem>>, vector<16xf32>,
        %mul3A_527 = arith.mulf %get3A_526, %div3A_474 : vector<16xf32>
        %swap3A_528 = arith.index_cast %scan3A_467 : i32 to index
        %swap3A_529 = arith.constant 112 : index
        %swap3A_530 = tpu.vector_load %arg10[%swap3A_528, %swap3A_529] {strides = array<i32>} : memref<160x128xf32, #tpu.memory_space<vmem>>, vector<16xf32>,
        tpu.vector_store %arg10[%swap3A_528, %swap3A_529], %mul3A_527 {strides = array<i32>} : memref<160x128xf32, #tpu.memory_space<vmem>>, vector<16xf32>,
      }
      %scan3A_465 = arith.constant 64 : i32
      %add3A_466 = arith.addi %mul3A_0, %add3A_459 : i32
      "tpu.region"() ({
        %run_scoped3A = tpu.sem_alloc : memref<!tpu.dma_semaphore, #tpu.memory_space<semaphore_mem>>
        %dma_start3A_467 = arith.constant 0 : i32
        %dma_start3A_468 = arith.constant 0 : i32
        %dma_start3A_469 = tpu.memref_slice %arg10[%dma_start3A_467, %dma_start3A_468] : memref<160x128xf32, #tpu.memory_space<vmem>> -> memref<64x128xf32, #tpu.memory_space<vmem>>
        %dma_start3A_470 = arith.constant 0 : i32
        %dma_start3A_471 = tpu.memref_slice %arg5[%add3A_466, %dma_start3A_470] : memref<20224x128xf32, #tpu.memory_space<hbm>> -> memref<64x128xf32, #tpu.memory_space<hbm>>
        %dma_start3A_472 = arith.constant 0 : i32
        %dma_start3A_473 = tpu.memref_slice %arg5[%add3A_466, %dma_start3A_472] : memref<20224x128xf32, #tpu.memory_space<hbm>> -> memref<64x128xf32, #tpu.memory_space<hbm>>
        %dma_start3A_474 = arith.constant 0 : i32
        %dma_start3A_475 = arith.constant 0 : i32
        %dma_start3A_476 = tpu.memref_slice %arg10[%dma_start3A_474, %dma_start3A_475] : memref<160x128xf32, #tpu.memory_space<vmem>> -> memref<64x128xf32, #tpu.memory_space<vmem>>
        tpu.enqueue_dma source(%dma_start3A_476 : memref<64x128xf32, #tpu.memory_space<vmem>>) target(%dma_start3A_473 : memref<64x128xf32, #tpu.memory_space<hbm>>) target_semaphore(%run_scoped3A : memref<!tpu.dma_semaphore, #tpu.memory_space<semaphore_mem>>)
        %dma_wait3A_477 = arith.constant 0 : i32
        %dma_wait3A_478 = arith.constant 0 : i32
        %dma_wait3A_479 = tpu.memref_slice %arg10[%dma_wait3A_477, %dma_wait3A_478] : memref<160x128xf32, #tpu.memory_space<vmem>> -> memref<64x128xf32, #tpu.memory_space<vmem>>
        %dma_wait3A_480 = arith.constant 0 : i32
        %dma_wait3A_481 = tpu.memref_slice %arg5[%add3A_466, %dma_wait3A_480] : memref<20224x128xf32, #tpu.memory_space<hbm>> -> memref<64x128xf32, #tpu.memory_space<hbm>>
        %dma_wait3A_482 = arith.constant 0 : i32
        %dma_wait3A_483 = tpu.memref_slice %arg5[%add3A_466, %dma_wait3A_482] : memref<20224x128xf32, #tpu.memory_space<hbm>> -> memref<64x128xf32, #tpu.memory_space<hbm>>
        %dma_wait3A_484 = arith.constant 0 : i32
        %dma_wait3A_485 = arith.constant 0 : i32
        %dma_wait3A_486 = tpu.memref_slice %arg10[%dma_wait3A_484, %dma_wait3A_485] : memref<160x128xf32, #tpu.memory_space<vmem>> -> memref<64x128xf32, #tpu.memory_space<vmem>>
        tpu.wait_dma2 semaphore(%run_scoped3A : memref<!tpu.dma_semaphore, #tpu.memory_space<semaphore_mem>>) src(%dma_wait3A_486 : memref<64x128xf32, #tpu.memory_space<vmem>>) dst(%dma_wait3A_483 : memref<64x128xf32, #tpu.memory_space<hbm>>)
        tpu.yield
      }) : () -> ()
    } else {
    }
    %barrier3A_112 = arith.constant 0 : index
    tpu.barrier barrier_id(%barrier3A_112)
    %mul3A_113 = arith.constant 632 : i32
    %mul3A_114 = arith.muli %arg1, %mul3A_113 : i32
    %add3A_115 = arith.addi %mul3A_0, %mul3A_114 : i32
    %add3A_116 = arith.constant 0 : i32
    %add3A_117 = arith.addi %add3A_115, %add3A_116 : i32
    %dma_start3A_118 = arith.constant 0 : i32
    %dma_start3A_119 = arith.constant 0 : i32
    %dma_start3A_120 = tpu.memref_slice %arg10[%dma_start3A_118, %dma_start3A_119] : memref<160x128xf32, #tpu.memory_space<vmem>> -> memref<160x128xf32, #tpu.memory_space<vmem>>
    %dma_start3A_121 = arith.constant 0 : i32
    %dma_start3A_122 = tpu.memref_slice %arg2[%add3A_117, %dma_start3A_121] : memref<20224x128xf32, #tpu.memory_space<hbm>> -> memref<160x128xf32, #tpu.memory_space<hbm>>
    %dma_start3A_123 = arith.constant 0 : i32
    %dma_start3A_124 = arith.constant 0 : i32
    %dma_start3A_125 = tpu.memref_slice %arg10[%dma_start3A_123, %dma_start3A_124] : memref<160x128xf32, #tpu.memory_space<vmem>> -> memref<160x128xf32, #tpu.memory_space<vmem>>
    %dma_start3A_126 = arith.constant 0 : i32
    %dma_start3A_127 = tpu.memref_slice %arg2[%add3A_117, %dma_start3A_126] : memref<20224x128xf32, #tpu.memory_space<hbm>> -> memref<160x128xf32, #tpu.memory_space<hbm>>
    tpu.enqueue_dma source(%dma_start3A_127 : memref<160x128xf32, #tpu.memory_space<hbm>>) target(%dma_start3A_125 : memref<160x128xf32, #tpu.memory_space<vmem>>) target_semaphore(%arg19 : memref<!tpu.dma_semaphore, #tpu.memory_space<semaphore_mem>>)
    %mul3A_128 = arith.constant 632 : i32
    %mul3A_129 = arith.muli %arg1, %mul3A_128 : i32
    %add3A_130 = arith.addi %mul3A_0, %mul3A_129 : i32
    %add3A_131 = arith.constant 160 : i32
    %add3A_132 = arith.addi %add3A_130, %add3A_131 : i32
    %dma_start3A_133 = arith.constant 0 : i32
    %dma_start3A_134 = arith.constant 0 : i32
    %dma_start3A_135 = tpu.memref_slice %arg14[%dma_start3A_133, %dma_start3A_134] : memref<160x128xf32, #tpu.memory_space<vmem>> -> memref<160x128xf32, #tpu.memory_space<vmem>>
    %dma_start3A_136 = arith.constant 0 : i32
    %dma_start3A_137 = tpu.memref_slice %arg2[%add3A_132, %dma_start3A_136] : memref<20224x128xf32, #tpu.memory_space<hbm>> -> memref<160x128xf32, #tpu.memory_space<hbm>>
    %dma_start3A_138 = arith.constant 0 : i32
    %dma_start3A_139 = arith.constant 0 : i32
    %dma_start3A_140 = tpu.memref_slice %arg14[%dma_start3A_138, %dma_start3A_139] : memref<160x128xf32, #tpu.memory_space<vmem>> -> memref<160x128xf32, #tpu.memory_space<vmem>>
    %dma_start3A_141 = arith.constant 0 : i32
    %dma_start3A_142 = tpu.memref_slice %arg2[%add3A_132, %dma_start3A_141] : memref<20224x128xf32, #tpu.memory_space<hbm>> -> memref<160x128xf32, #tpu.memory_space<hbm>>
    tpu.enqueue_dma source(%dma_start3A_142 : memref<160x128xf32, #tpu.memory_space<hbm>>) target(%dma_start3A_140 : memref<160x128xf32, #tpu.memory_space<vmem>>) target_semaphore(%arg20 : memref<!tpu.dma_semaphore, #tpu.memory_space<semaphore_mem>>)
    %dma_wait3A = arith.constant 0 : i32
    %dma_wait3A_143 = arith.constant 0 : i32
    %dma_wait3A_144 = tpu.memref_slice %arg10[%dma_wait3A, %dma_wait3A_143] : memref<160x128xf32, #tpu.memory_space<vmem>> -> memref<160x128xf32, #tpu.memory_space<vmem>>
    %dma_wait3A_145 = arith.constant 0 : i32
    %dma_wait3A_146 = arith.constant 0 : i32
    %dma_wait3A_147 = tpu.memref_slice %arg2[%dma_wait3A_145, %dma_wait3A_146] : memref<20224x128xf32, #tpu.memory_space<hbm>> -> memref<160x128xf32, #tpu.memory_space<hbm>>
    %dma_wait3A_148 = arith.constant 0 : i32
    %dma_wait3A_149 = arith.constant 0 : i32
    %dma_wait3A_150 = tpu.memref_slice %arg10[%dma_wait3A_148, %dma_wait3A_149] : memref<160x128xf32, #tpu.memory_space<vmem>> -> memref<160x128xf32, #tpu.memory_space<vmem>>
    %dma_wait3A_151 = arith.constant 0 : i32
    %dma_wait3A_152 = arith.constant 0 : i32
    %dma_wait3A_153 = tpu.memref_slice %arg2[%dma_wait3A_151, %dma_wait3A_152] : memref<20224x128xf32, #tpu.memory_space<hbm>> -> memref<160x128xf32, #tpu.memory_space<hbm>>
    tpu.wait_dma2 semaphore(%arg19 : memref<!tpu.dma_semaphore, #tpu.memory_space<semaphore_mem>>) src(%dma_wait3A_153 : memref<160x128xf32, #tpu.memory_space<hbm>>) dst(%dma_wait3A_150 : memref<160x128xf32, #tpu.memory_space<vmem>>)
    %mul3A_154 = arith.constant 632 : i32
    %mul3A_155 = arith.muli %arg1, %mul3A_154 : i32
    %add3A_156 = arith.constant 0 : i32
    %add3A_157 = arith.addi %mul3A_155, %add3A_156 : i32
    "tpu.region"() ({
      %run_scoped3A = tpu.sem_alloc : memref<!tpu.dma_semaphore, #tpu.memory_space<semaphore_mem>>
      %dma_start3A_434 = arith.constant 0 : i32
      %dma_start3A_435 = arith.constant 0 : i32
      %dma_start3A_436 = tpu.memref_slice %arg10[%dma_start3A_434, %dma_start3A_435] : memref<160x128xf32, #tpu.memory_space<vmem>> -> memref<160x128xf32, #tpu.memory_space<vmem>>
      %dma_start3A_437 = arith.constant 0 : i32
      %dma_start3A_438 = tpu.memref_slice %arg17[%add3A_157, %dma_start3A_437] : memref<10112x128xf32, #tpu.memory_space<vmem_shared>> -> memref<160x128xf32, #tpu.memory_space<vmem_shared>>
      %dma_start3A_439 = arith.constant 0 : i32
      %dma_start3A_440 = tpu.memref_slice %arg17[%add3A_157, %dma_start3A_439] : memref<10112x128xf32, #tpu.memory_space<vmem_shared>> -> memref<160x128xf32, #tpu.memory_space<vmem_shared>>
      %dma_start3A_441 = arith.constant 0 : i32
      %dma_start3A_442 = arith.constant 0 : i32
      %dma_start3A_443 = tpu.memref_slice %arg10[%dma_start3A_441, %dma_start3A_442] : memref<160x128xf32, #tpu.memory_space<vmem>> -> memref<160x128xf32, #tpu.memory_space<vmem>>
      tpu.enqueue_dma source(%dma_start3A_443 : memref<160x128xf32, #tpu.memory_space<vmem>>) target(%dma_start3A_440 : memref<160x128xf32, #tpu.memory_space<vmem_shared>>) target_semaphore(%run_scoped3A : memref<!tpu.dma_semaphore, #tpu.memory_space<semaphore_mem>>)
      %dma_wait3A_444 = arith.constant 0 : i32
      %dma_wait3A_445 = arith.constant 0 : i32
      %dma_wait3A_446 = tpu.memref_slice %arg10[%dma_wait3A_444, %dma_wait3A_445] : memref<160x128xf32, #tpu.memory_space<vmem>> -> memref<160x128xf32, #tpu.memory_space<vmem>>
      %dma_wait3A_447 = arith.constant 0 : i32
      %dma_wait3A_448 = tpu.memref_slice %arg17[%add3A_157, %dma_wait3A_447] : memref<10112x128xf32, #tpu.memory_space<vmem_shared>> -> memref<160x128xf32, #tpu.memory_space<vmem_shared>>
      %dma_wait3A_449 = arith.constant 0 : i32
      %dma_wait3A_450 = tpu.memref_slice %arg17[%add3A_157, %dma_wait3A_449] : memref<10112x128xf32, #tpu.memory_space<vmem_shared>> -> memref<160x128xf32, #tpu.memory_space<vmem_shared>>
      %dma_wait3A_451 = arith.constant 0 : i32
      %dma_wait3A_452 = arith.constant 0 : i32
      %dma_wait3A_453 = tpu.memref_slice %arg10[%dma_wait3A_451, %dma_wait3A_452] : memref<160x128xf32, #tpu.memory_space<vmem>> -> memref<160x128xf32, #tpu.memory_space<vmem>>
      tpu.wait_dma2 semaphore(%run_scoped3A : memref<!tpu.dma_semaphore, #tpu.memory_space<semaphore_mem>>) src(%dma_wait3A_453 : memref<160x128xf32, #tpu.memory_space<vmem>>) dst(%dma_wait3A_450 : memref<160x128xf32, #tpu.memory_space<vmem_shared>>)
      tpu.yield
    }) : () -> ()
    %mul3A_158 = arith.constant 632 : i32
    %mul3A_159 = arith.muli %arg1, %mul3A_158 : i32
    %add3A_160 = arith.addi %mul3A_0, %mul3A_159 : i32
    %add3A_161 = arith.constant 320 : i32
    %add3A_162 = arith.addi %add3A_160, %add3A_161 : i32
    %dma_start3A_163 = arith.constant 0 : i32
    %dma_start3A_164 = arith.constant 0 : i32
    %dma_start3A_165 = tpu.memref_slice %arg10[%dma_start3A_163, %dma_start3A_164] : memref<160x128xf32, #tpu.memory_space<vmem>> -> memref<160x128xf32, #tpu.memory_space<vmem>>
    %dma_start3A_166 = arith.constant 0 : i32
    %dma_start3A_167 = tpu.memref_slice %arg2[%add3A_162, %dma_start3A_166] : memref<20224x128xf32, #tpu.memory_space<hbm>> -> memref<160x128xf32, #tpu.memory_space<hbm>>
    %dma_start3A_168 = arith.constant 0 : i32
    %dma_start3A_169 = arith.constant 0 : i32
    %dma_start3A_170 = tpu.memref_slice %arg10[%dma_start3A_168, %dma_start3A_169] : memref<160x128xf32, #tpu.memory_space<vmem>> -> memref<160x128xf32, #tpu.memory_space<vmem>>
    %dma_start3A_171 = arith.constant 0 : i32
    %dma_start3A_172 = tpu.memref_slice %arg2[%add3A_162, %dma_start3A_171] : memref<20224x128xf32, #tpu.memory_space<hbm>> -> memref<160x128xf32, #tpu.memory_space<hbm>>
    tpu.enqueue_dma source(%dma_start3A_172 : memref<160x128xf32, #tpu.memory_space<hbm>>) target(%dma_start3A_170 : memref<160x128xf32, #tpu.memory_space<vmem>>) target_semaphore(%arg19 : memref<!tpu.dma_semaphore, #tpu.memory_space<semaphore_mem>>)
    %dma_wait3A_173 = arith.constant 0 : i32
    %dma_wait3A_174 = arith.constant 0 : i32
    %dma_wait3A_175 = tpu.memref_slice %arg14[%dma_wait3A_173, %dma_wait3A_174] : memref<160x128xf32, #tpu.memory_space<vmem>> -> memref<160x128xf32, #tpu.memory_space<vmem>>
    %dma_wait3A_176 = arith.constant 0 : i32
    %dma_wait3A_177 = arith.constant 0 : i32
    %dma_wait3A_178 = tpu.memref_slice %arg2[%dma_wait3A_176, %dma_wait3A_177] : memref<20224x128xf32, #tpu.memory_space<hbm>> -> memref<160x128xf32, #tpu.memory_space<hbm>>
    %dma_wait3A_179 = arith.constant 0 : i32
    %dma_wait3A_180 = arith.constant 0 : i32
    %dma_wait3A_181 = tpu.memref_slice %arg14[%dma_wait3A_179, %dma_wait3A_180] : memref<160x128xf32, #tpu.memory_space<vmem>> -> memref<160x128xf32, #tpu.memory_space<vmem>>
    %dma_wait3A_182 = arith.constant 0 : i32
    %dma_wait3A_183 = arith.constant 0 : i32
    %dma_wait3A_184 = tpu.memref_slice %arg2[%dma_wait3A_182, %dma_wait3A_183] : memref<20224x128xf32, #tpu.memory_space<hbm>> -> memref<160x128xf32, #tpu.memory_space<hbm>>
    tpu.wait_dma2 semaphore(%arg20 : memref<!tpu.dma_semaphore, #tpu.memory_space<semaphore_mem>>) src(%dma_wait3A_184 : memref<160x128xf32, #tpu.memory_space<hbm>>) dst(%dma_wait3A_181 : memref<160x128xf32, #tpu.memory_space<vmem>>)
    %mul3A_185 = arith.constant 632 : i32
    %mul3A_186 = arith.muli %arg1, %mul3A_185 : i32
    %add3A_187 = arith.constant 160 : i32
    %add3A_188 = arith.addi %mul3A_186, %add3A_187 : i32
    "tpu.region"() ({
      %run_scoped3A = tpu.sem_alloc : memref<!tpu.dma_semaphore, #tpu.memory_space<semaphore_mem>>
      %dma_start3A_434 = arith.constant 0 : i32
      %dma_start3A_435 = arith.constant 0 : i32
      %dma_start3A_436 = tpu.memref_slice %arg14[%dma_start3A_434, %dma_start3A_435] : memref<160x128xf32, #tpu.memory_space<vmem>> -> memref<160x128xf32, #tpu.memory_space<vmem>>
      %dma_start3A_437 = arith.constant 0 : i32
      %dma_start3A_438 = tpu.memref_slice %arg17[%add3A_188, %dma_start3A_437] : memref<10112x128xf32, #tpu.memory_space<vmem_shared>> -> memref<160x128xf32, #tpu.memory_space<vmem_shared>>
      %dma_start3A_439 = arith.constant 0 : i32
      %dma_start3A_440 = tpu.memref_slice %arg17[%add3A_188, %dma_start3A_439] : memref<10112x128xf32, #tpu.memory_space<vmem_shared>> -> memref<160x128xf32, #tpu.memory_space<vmem_shared>>
      %dma_start3A_441 = arith.constant 0 : i32
      %dma_start3A_442 = arith.constant 0 : i32
      %dma_start3A_443 = tpu.memref_slice %arg14[%dma_start3A_441, %dma_start3A_442] : memref<160x128xf32, #tpu.memory_space<vmem>> -> memref<160x128xf32, #tpu.memory_space<vmem>>
      tpu.enqueue_dma source(%dma_start3A_443 : memref<160x128xf32, #tpu.memory_space<vmem>>) target(%dma_start3A_440 : memref<160x128xf32, #tpu.memory_space<vmem_shared>>) target_semaphore(%run_scoped3A : memref<!tpu.dma_semaphore, #tpu.memory_space<semaphore_mem>>)
      %dma_wait3A_444 = arith.constant 0 : i32
      %dma_wait3A_445 = arith.constant 0 : i32
      %dma_wait3A_446 = tpu.memref_slice %arg14[%dma_wait3A_444, %dma_wait3A_445] : memref<160x128xf32, #tpu.memory_space<vmem>> -> memref<160x128xf32, #tpu.memory_space<vmem>>
      %dma_wait3A_447 = arith.constant 0 : i32
      %dma_wait3A_448 = tpu.memref_slice %arg17[%add3A_188, %dma_wait3A_447] : memref<10112x128xf32, #tpu.memory_space<vmem_shared>> -> memref<160x128xf32, #tpu.memory_space<vmem_shared>>
      %dma_wait3A_449 = arith.constant 0 : i32
      %dma_wait3A_450 = tpu.memref_slice %arg17[%add3A_188, %dma_wait3A_449] : memref<10112x128xf32, #tpu.memory_space<vmem_shared>> -> memref<160x128xf32, #tpu.memory_space<vmem_shared>>
      %dma_wait3A_451 = arith.constant 0 : i32
      %dma_wait3A_452 = arith.constant 0 : i32
      %dma_wait3A_453 = tpu.memref_slice %arg14[%dma_wait3A_451, %dma_wait3A_452] : memref<160x128xf32, #tpu.memory_space<vmem>> -> memref<160x128xf32, #tpu.memory_space<vmem>>
      tpu.wait_dma2 semaphore(%run_scoped3A : memref<!tpu.dma_semaphore, #tpu.memory_space<semaphore_mem>>) src(%dma_wait3A_453 : memref<160x128xf32, #tpu.memory_space<vmem>>) dst(%dma_wait3A_450 : memref<160x128xf32, #tpu.memory_space<vmem_shared>>)
      tpu.yield
    }) : () -> ()
    %mul3A_189 = arith.constant 632 : i32
    %mul3A_190 = arith.muli %arg1, %mul3A_189 : i32
    %add3A_191 = arith.addi %mul3A_0, %mul3A_190 : i32
    %add3A_192 = arith.constant 480 : i32
    %add3A_193 = arith.addi %add3A_191, %add3A_192 : i32
    %dma_start3A_194 = arith.constant 0 : i32
    %dma_start3A_195 = arith.constant 0 : i32
    %dma_start3A_196 = tpu.memref_slice %arg14[%dma_start3A_194, %dma_start3A_195] : memref<160x128xf32, #tpu.memory_space<vmem>> -> memref<152x128xf32, #tpu.memory_space<vmem>>
    %dma_start3A_197 = arith.constant 0 : i32
    %dma_start3A_198 = tpu.memref_slice %arg2[%add3A_193, %dma_start3A_197] : memref<20224x128xf32, #tpu.memory_space<hbm>> -> memref<152x128xf32, #tpu.memory_space<hbm>>
    %dma_start3A_199 = arith.constant 0 : i32
    %dma_start3A_200 = arith.constant 0 : i32
    %dma_start3A_201 = tpu.memref_slice %arg14[%dma_start3A_199, %dma_start3A_200] : memref<160x128xf32, #tpu.memory_space<vmem>> -> memref<152x128xf32, #tpu.memory_space<vmem>>
    %dma_start3A_202 = arith.constant 0 : i32
    %dma_start3A_203 = tpu.memref_slice %arg2[%add3A_193, %dma_start3A_202] : memref<20224x128xf32, #tpu.memory_space<hbm>> -> memref<152x128xf32, #tpu.memory_space<hbm>>
    tpu.enqueue_dma source(%dma_start3A_203 : memref<152x128xf32, #tpu.memory_space<hbm>>) target(%dma_start3A_201 : memref<152x128xf32, #tpu.memory_space<vmem>>) target_semaphore(%arg20 : memref<!tpu.dma_semaphore, #tpu.memory_space<semaphore_mem>>)
    %dma_wait3A_204 = arith.constant 0 : i32
    %dma_wait3A_205 = arith.constant 0 : i32
    %dma_wait3A_206 = tpu.memref_slice %arg10[%dma_wait3A_204, %dma_wait3A_205] : memref<160x128xf32, #tpu.memory_space<vmem>> -> memref<160x128xf32, #tpu.memory_space<vmem>>
    %dma_wait3A_207 = arith.constant 0 : i32
    %dma_wait3A_208 = arith.constant 0 : i32
    %dma_wait3A_209 = tpu.memref_slice %arg2[%dma_wait3A_207, %dma_wait3A_208] : memref<20224x128xf32, #tpu.memory_space<hbm>> -> memref<160x128xf32, #tpu.memory_space<hbm>>
    %dma_wait3A_210 = arith.constant 0 : i32
    %dma_wait3A_211 = arith.constant 0 : i32
    %dma_wait3A_212 = tpu.memref_slice %arg10[%dma_wait3A_210, %dma_wait3A_211] : memref<160x128xf32, #tpu.memory_space<vmem>> -> memref<160x128xf32, #tpu.memory_space<vmem>>
    %dma_wait3A_213 = arith.constant 0 : i32
    %dma_wait3A_214 = arith.constant 0 : i32
    %dma_wait3A_215 = tpu.memref_slice %arg2[%dma_wait3A_213, %dma_wait3A_214] : memref<20224x128xf32, #tpu.memory_space<hbm>> -> memref<160x128xf32, #tpu.memory_space<hbm>>
    tpu.wait_dma2 semaphore(%arg19 : memref<!tpu.dma_semaphore, #tpu.memory_space<semaphore_mem>>) src(%dma_wait3A_215 : memref<160x128xf32, #tpu.memory_space<hbm>>) dst(%dma_wait3A_212 : memref<160x128xf32, #tpu.memory_space<vmem>>)
    %mul3A_216 = arith.constant 632 : i32
    %mul3A_217 = arith.muli %arg1, %mul3A_216 : i32
    %add3A_218 = arith.constant 320 : i32
    %add3A_219 = arith.addi %mul3A_217, %add3A_218 : i32
    "tpu.region"() ({
      %run_scoped3A = tpu.sem_alloc : memref<!tpu.dma_semaphore, #tpu.memory_space<semaphore_mem>>
      %dma_start3A_434 = arith.constant 0 : i32
      %dma_start3A_435 = arith.constant 0 : i32
      %dma_start3A_436 = tpu.memref_slice %arg10[%dma_start3A_434, %dma_start3A_435] : memref<160x128xf32, #tpu.memory_space<vmem>> -> memref<160x128xf32, #tpu.memory_space<vmem>>
      %dma_start3A_437 = arith.constant 0 : i32
      %dma_start3A_438 = tpu.memref_slice %arg17[%add3A_219, %dma_start3A_437] : memref<10112x128xf32, #tpu.memory_space<vmem_shared>> -> memref<160x128xf32, #tpu.memory_space<vmem_shared>>
      %dma_start3A_439 = arith.constant 0 : i32
      %dma_start3A_440 = tpu.memref_slice %arg17[%add3A_219, %dma_start3A_439] : memref<10112x128xf32, #tpu.memory_space<vmem_shared>> -> memref<160x128xf32, #tpu.memory_space<vmem_shared>>
      %dma_start3A_441 = arith.constant 0 : i32
      %dma_start3A_442 = arith.constant 0 : i32
      %dma_start3A_443 = tpu.memref_slice %arg10[%dma_start3A_441, %dma_start3A_442] : memref<160x128xf32, #tpu.memory_space<vmem>> -> memref<160x128xf32, #tpu.memory_space<vmem>>
      tpu.enqueue_dma source(%dma_start3A_443 : memref<160x128xf32, #tpu.memory_space<vmem>>) target(%dma_start3A_440 : memref<160x128xf32, #tpu.memory_space<vmem_shared>>) target_semaphore(%run_scoped3A : memref<!tpu.dma_semaphore, #tpu.memory_space<semaphore_mem>>)
      %dma_wait3A_444 = arith.constant 0 : i32
      %dma_wait3A_445 = arith.constant 0 : i32
      %dma_wait3A_446 = tpu.memref_slice %arg10[%dma_wait3A_444, %dma_wait3A_445] : memref<160x128xf32, #tpu.memory_space<vmem>> -> memref<160x128xf32, #tpu.memory_space<vmem>>
      %dma_wait3A_447 = arith.constant 0 : i32
      %dma_wait3A_448 = tpu.memref_slice %arg17[%add3A_219, %dma_wait3A_447] : memref<10112x128xf32, #tpu.memory_space<vmem_shared>> -> memref<160x128xf32, #tpu.memory_space<vmem_shared>>
      %dma_wait3A_449 = arith.constant 0 : i32
      %dma_wait3A_450 = tpu.memref_slice %arg17[%add3A_219, %dma_wait3A_449] : memref<10112x128xf32, #tpu.memory_space<vmem_shared>> -> memref<160x128xf32, #tpu.memory_space<vmem_shared>>
      %dma_wait3A_451 = arith.constant 0 : i32
      %dma_wait3A_452 = arith.constant 0 : i32
      %dma_wait3A_453 = tpu.memref_slice %arg10[%dma_wait3A_451, %dma_wait3A_452] : memref<160x128xf32, #tpu.memory_space<vmem>> -> memref<160x128xf32, #tpu.memory_space<vmem>>
      tpu.wait_dma2 semaphore(%run_scoped3A : memref<!tpu.dma_semaphore, #tpu.memory_space<semaphore_mem>>) src(%dma_wait3A_453 : memref<160x128xf32, #tpu.memory_space<vmem>>) dst(%dma_wait3A_450 : memref<160x128xf32, #tpu.memory_space<vmem_shared>>)
      tpu.yield
    }) : () -> ()
    %dma_wait3A_220 = arith.constant 0 : i32
    %dma_wait3A_221 = arith.constant 0 : i32
    %dma_wait3A_222 = tpu.memref_slice %arg14[%dma_wait3A_220, %dma_wait3A_221] : memref<160x128xf32, #tpu.memory_space<vmem>> -> memref<152x128xf32, #tpu.memory_space<vmem>>
    %dma_wait3A_223 = arith.constant 0 : i32
    %dma_wait3A_224 = arith.constant 0 : i32
    %dma_wait3A_225 = tpu.memref_slice %arg2[%dma_wait3A_223, %dma_wait3A_224] : memref<20224x128xf32, #tpu.memory_space<hbm>> -> memref<152x128xf32, #tpu.memory_space<hbm>>
    %dma_wait3A_226 = arith.constant 0 : i32
    %dma_wait3A_227 = arith.constant 0 : i32
    %dma_wait3A_228 = tpu.memref_slice %arg14[%dma_wait3A_226, %dma_wait3A_227] : memref<160x128xf32, #tpu.memory_space<vmem>> -> memref<152x128xf32, #tpu.memory_space<vmem>>
    %dma_wait3A_229 = arith.constant 0 : i32
    %dma_wait3A_230 = arith.constant 0 : i32
    %dma_wait3A_231 = tpu.memref_slice %arg2[%dma_wait3A_229, %dma_wait3A_230] : memref<20224x128xf32, #tpu.memory_space<hbm>> -> memref<152x128xf32, #tpu.memory_space<hbm>>
    tpu.wait_dma2 semaphore(%arg20 : memref<!tpu.dma_semaphore, #tpu.memory_space<semaphore_mem>>) src(%dma_wait3A_231 : memref<152x128xf32, #tpu.memory_space<hbm>>) dst(%dma_wait3A_228 : memref<152x128xf32, #tpu.memory_space<vmem>>)
    %mul3A_232 = arith.constant 632 : i32
    %mul3A_233 = arith.muli %arg1, %mul3A_232 : i32
    %add3A_234 = arith.constant 480 : i32
    %add3A_235 = arith.addi %mul3A_233, %add3A_234 : i32
    "tpu.region"() ({
      %run_scoped3A = tpu.sem_alloc : memref<!tpu.dma_semaphore, #tpu.memory_space<semaphore_mem>>
      %dma_start3A_434 = arith.constant 0 : i32
      %dma_start3A_435 = arith.constant 0 : i32
      %dma_start3A_436 = tpu.memref_slice %arg14[%dma_start3A_434, %dma_start3A_435] : memref<160x128xf32, #tpu.memory_space<vmem>> -> memref<152x128xf32, #tpu.memory_space<vmem>>
      %dma_start3A_437 = arith.constant 0 : i32
      %dma_start3A_438 = tpu.memref_slice %arg17[%add3A_235, %dma_start3A_437] : memref<10112x128xf32, #tpu.memory_space<vmem_shared>> -> memref<152x128xf32, #tpu.memory_space<vmem_shared>>
      %dma_start3A_439 = arith.constant 0 : i32
      %dma_start3A_440 = tpu.memref_slice %arg17[%add3A_235, %dma_start3A_439] : memref<10112x128xf32, #tpu.memory_space<vmem_shared>> -> memref<152x128xf32, #tpu.memory_space<vmem_shared>>
      %dma_start3A_441 = arith.constant 0 : i32
      %dma_start3A_442 = arith.constant 0 : i32
      %dma_start3A_443 = tpu.memref_slice %arg14[%dma_start3A_441, %dma_start3A_442] : memref<160x128xf32, #tpu.memory_space<vmem>> -> memref<152x128xf32, #tpu.memory_space<vmem>>
      tpu.enqueue_dma source(%dma_start3A_443 : memref<152x128xf32, #tpu.memory_space<vmem>>) target(%dma_start3A_440 : memref<152x128xf32, #tpu.memory_space<vmem_shared>>) target_semaphore(%run_scoped3A : memref<!tpu.dma_semaphore, #tpu.memory_space<semaphore_mem>>)
      %dma_wait3A_444 = arith.constant 0 : i32
      %dma_wait3A_445 = arith.constant 0 : i32
      %dma_wait3A_446 = tpu.memref_slice %arg14[%dma_wait3A_444, %dma_wait3A_445] : memref<160x128xf32, #tpu.memory_space<vmem>> -> memref<152x128xf32, #tpu.memory_space<vmem>>
      %dma_wait3A_447 = arith.constant 0 : i32
      %dma_wait3A_448 = tpu.memref_slice %arg17[%add3A_235, %dma_wait3A_447] : memref<10112x128xf32, #tpu.memory_space<vmem_shared>> -> memref<152x128xf32, #tpu.memory_space<vmem_shared>>
      %dma_wait3A_449 = arith.constant 0 : i32
      %dma_wait3A_450 = tpu.memref_slice %arg17[%add3A_235, %dma_wait3A_449] : memref<10112x128xf32, #tpu.memory_space<vmem_shared>> -> memref<152x128xf32, #tpu.memory_space<vmem_shared>>
      %dma_wait3A_451 = arith.constant 0 : i32
      %dma_wait3A_452 = arith.constant 0 : i32
      %dma_wait3A_453 = tpu.memref_slice %arg14[%dma_wait3A_451, %dma_wait3A_452] : memref<160x128xf32, #tpu.memory_space<vmem>> -> memref<152x128xf32, #tpu.memory_space<vmem>>
      tpu.wait_dma2 semaphore(%run_scoped3A : memref<!tpu.dma_semaphore, #tpu.memory_space<semaphore_mem>>) src(%dma_wait3A_453 : memref<152x128xf32, #tpu.memory_space<vmem>>) dst(%dma_wait3A_450 : memref<152x128xf32, #tpu.memory_space<vmem_shared>>)
      tpu.yield
    }) : () -> ()
    %barrier3A_236 = arith.constant 0 : index
    tpu.barrier barrier_id(%barrier3A_236)
    %add3A_237 = arith.constant 0 : i32
    %add3A_238 = arith.addi %multiple_of3A, %add3A_237 : i32
    %multiple_of3A_239 = tpu.assume_multiple %add3A_238, 8 : i32
    "tpu.region"() ({
      %run_scoped3A = tpu.sem_alloc : memref<!tpu.dma_semaphore, #tpu.memory_space<semaphore_mem>>
      %dma_start3A_434 = tpu.memref_slice %arg3[%multiple_of3A_239] : memref<163840xi32, #tpu.memory_space<hbm>> -> memref<160xi32, #tpu.memory_space<hbm>>
      %dma_start3A_435 = tpu.memref_slice %arg3[%multiple_of3A_239] : memref<163840xi32, #tpu.memory_space<hbm>> -> memref<160xi32, #tpu.memory_space<hbm>>
      tpu.enqueue_dma source(%dma_start3A_435 : memref<160xi32, #tpu.memory_space<hbm>>) target(%arg7 : memref<160xi32, #tpu.memory_space<vmem>>) target_semaphore(%run_scoped3A : memref<!tpu.dma_semaphore, #tpu.memory_space<semaphore_mem>>)
      %dma_wait3A_436 = tpu.memref_slice %arg3[%multiple_of3A_239] : memref<163840xi32, #tpu.memory_space<hbm>> -> memref<160xi32, #tpu.memory_space<hbm>>
      %dma_wait3A_437 = tpu.memref_slice %arg3[%multiple_of3A_239] : memref<163840xi32, #tpu.memory_space<hbm>> -> memref<160xi32, #tpu.memory_space<hbm>>
      tpu.wait_dma2 semaphore(%run_scoped3A : memref<!tpu.dma_semaphore, #tpu.memory_space<semaphore_mem>>) src(%dma_wait3A_437 : memref<160xi32, #tpu.memory_space<hbm>>) dst(%arg7 : memref<160xi32, #tpu.memory_space<vmem>>)
      tpu.yield
    }) : () -> ()
    "tpu.region"() ({
      %run_scoped3A = tpu.sem_alloc : memref<!tpu.dma_semaphore, #tpu.memory_space<semaphore_mem>>
      %dma_start3A_434 = tpu.memref_slice %arg4[%multiple_of3A_239] : memref<163840xi32, #tpu.memory_space<hbm>> -> memref<160xi32, #tpu.memory_space<hbm>>
      %dma_start3A_435 = tpu.memref_slice %arg4[%multiple_of3A_239] : memref<163840xi32, #tpu.memory_space<hbm>> -> memref<160xi32, #tpu.memory_space<hbm>>
      tpu.enqueue_dma source(%dma_start3A_435 : memref<160xi32, #tpu.memory_space<hbm>>) target(%arg9 : memref<160xi32, #tpu.memory_space<vmem>>) target_semaphore(%run_scoped3A : memref<!tpu.dma_semaphore, #tpu.memory_space<semaphore_mem>>)
      %dma_wait3A_436 = tpu.memref_slice %arg4[%multiple_of3A_239] : memref<163840xi32, #tpu.memory_space<hbm>> -> memref<160xi32, #tpu.memory_space<hbm>>
      %dma_wait3A_437 = tpu.memref_slice %arg4[%multiple_of3A_239] : memref<163840xi32, #tpu.memory_space<hbm>> -> memref<160xi32, #tpu.memory_space<hbm>>
      tpu.wait_dma2 semaphore(%run_scoped3A : memref<!tpu.dma_semaphore, #tpu.memory_space<semaphore_mem>>) src(%dma_wait3A_437 : memref<160xi32, #tpu.memory_space<hbm>>) dst(%arg9 : memref<160xi32, #tpu.memory_space<vmem>>)
      tpu.yield
    }) : () -> ()
    %get3A_240 = arith.constant 0 : index
    %get3A_241 = tpu.vector_load %arg9[%get3A_240] {strides = array<i32>} : memref<160xi32, #tpu.memory_space<vmem>>, vector<16xi32>,
    %add3A_242 = vector.broadcast %mul3A_0 : i32 to vector<16xi32>
    %add3A_243 = arith.addi %get3A_241, %add3A_242 : vector<16xi32>
    %swap3A_244 = arith.constant 0 : index
    %swap3A_245 = tpu.vector_load %arg8[%swap3A_244] {strides = array<i32>} : memref<160xi32, #tpu.memory_space<vmem>>, vector<16xi32>,
    tpu.vector_store %arg8[%swap3A_244], %add3A_243 {strides = array<i32>} : memref<160xi32, #tpu.memory_space<vmem>>, vector<16xi32>,
    %get3A_246 = arith.constant 16 : index
    %get3A_247 = tpu.vector_load %arg9[%get3A_246] {strides = array<i32>} : memref<160xi32, #tpu.memory_space<vmem>>, vector<16xi32>,
    %add3A_248 = vector.broadcast %mul3A_0 : i32 to vector<16xi32>
    %add3A_249 = arith.addi %get3A_247, %add3A_248 : vector<16xi32>
    %swap3A_250 = arith.constant 16 : index
    %swap3A_251 = tpu.vector_load %arg8[%swap3A_250] {strides = array<i32>} : memref<160xi32, #tpu.memory_space<vmem>>, vector<16xi32>,
    tpu.vector_store %arg8[%swap3A_250], %add3A_249 {strides = array<i32>} : memref<160xi32, #tpu.memory_space<vmem>>, vector<16xi32>,
    %get3A_252 = arith.constant 32 : index
    %get3A_253 = tpu.vector_load %arg9[%get3A_252] {strides = array<i32>} : memref<160xi32, #tpu.memory_space<vmem>>, vector<16xi32>,
    %add3A_254 = vector.broadcast %mul3A_0 : i32 to vector<16xi32>
    %add3A_255 = arith.addi %get3A_253, %add3A_254 : vector<16xi32>
    %swap3A_256 = arith.constant 32 : index
    %swap3A_257 = tpu.vector_load %arg8[%swap3A_256] {strides = array<i32>} : memref<160xi32, #tpu.memory_space<vmem>>, vector<16xi32>,
    tpu.vector_store %arg8[%swap3A_256], %add3A_255 {strides = array<i32>} : memref<160xi32, #tpu.memory_space<vmem>>, vector<16xi32>,
    %get3A_258 = arith.constant 48 : index
    %get3A_259 = tpu.vector_load %arg9[%get3A_258] {strides = array<i32>} : memref<160xi32, #tpu.memory_space<vmem>>, vector<16xi32>,
    %add3A_260 = vector.broadcast %mul3A_0 : i32 to vector<16xi32>
    %add3A_261 = arith.addi %get3A_259, %add3A_260 : vector<16xi32>
    %swap3A_262 = arith.constant 48 : index
    %swap3A_263 = tpu.vector_load %arg8[%swap3A_262] {strides = array<i32>} : memref<160xi32, #tpu.memory_space<vmem>>, vector<16xi32>,
    tpu.vector_store %arg8[%swap3A_262], %add3A_261 {strides = array<i32>} : memref<160xi32, #tpu.memory_space<vmem>>, vector<16xi32>,
    %get3A_264 = arith.constant 64 : index
    %get3A_265 = tpu.vector_load %arg9[%get3A_264] {strides = array<i32>} : memref<160xi32, #tpu.memory_space<vmem>>, vector<16xi32>,
    %add3A_266 = vector.broadcast %mul3A_0 : i32 to vector<16xi32>
    %add3A_267 = arith.addi %get3A_265, %add3A_266 : vector<16xi32>
    %swap3A_268 = arith.constant 64 : index
    %swap3A_269 = tpu.vector_load %arg8[%swap3A_268] {strides = array<i32>} : memref<160xi32, #tpu.memory_space<vmem>>, vector<16xi32>,
    tpu.vector_store %arg8[%swap3A_268], %add3A_267 {strides = array<i32>} : memref<160xi32, #tpu.memory_space<vmem>>, vector<16xi32>,
    %get3A_270 = arith.constant 80 : index
    %get3A_271 = tpu.vector_load %arg9[%get3A_270] {strides = array<i32>} : memref<160xi32, #tpu.memory_space<vmem>>, vector<16xi32>,
    %add3A_272 = vector.broadcast %mul3A_0 : i32 to vector<16xi32>
    %add3A_273 = arith.addi %get3A_271, %add3A_272 : vector<16xi32>
    %swap3A_274 = arith.constant 80 : index
    %swap3A_275 = tpu.vector_load %arg8[%swap3A_274] {strides = array<i32>} : memref<160xi32, #tpu.memory_space<vmem>>, vector<16xi32>,
    tpu.vector_store %arg8[%swap3A_274], %add3A_273 {strides = array<i32>} : memref<160xi32, #tpu.memory_space<vmem>>, vector<16xi32>,
    %get3A_276 = arith.constant 96 : index
    %get3A_277 = tpu.vector_load %arg9[%get3A_276] {strides = array<i32>} : memref<160xi32, #tpu.memory_space<vmem>>, vector<16xi32>,
    %add3A_278 = vector.broadcast %mul3A_0 : i32 to vector<16xi32>
    %add3A_279 = arith.addi %get3A_277, %add3A_278 : vector<16xi32>
    %swap3A_280 = arith.constant 96 : index
    %swap3A_281 = tpu.vector_load %arg8[%swap3A_280] {strides = array<i32>} : memref<160xi32, #tpu.memory_space<vmem>>, vector<16xi32>,
    tpu.vector_store %arg8[%swap3A_280], %add3A_279 {strides = array<i32>} : memref<160xi32, #tpu.memory_space<vmem>>, vector<16xi32>,
    %get3A_282 = arith.constant 112 : index
    %get3A_283 = tpu.vector_load %arg9[%get3A_282] {strides = array<i32>} : memref<160xi32, #tpu.memory_space<vmem>>, vector<16xi32>,
    %add3A_284 = vector.broadcast %mul3A_0 : i32 to vector<16xi32>
    %add3A_285 = arith.addi %get3A_283, %add3A_284 : vector<16xi32>
    %swap3A_286 = arith.constant 112 : index
    %swap3A_287 = tpu.vector_load %arg8[%swap3A_286] {strides = array<i32>} : memref<160xi32, #tpu.memory_space<vmem>>, vector<16xi32>,
    tpu.vector_store %arg8[%swap3A_286], %add3A_285 {strides = array<i32>} : memref<160xi32, #tpu.memory_space<vmem>>, vector<16xi32>,
    %get3A_288 = arith.constant 128 : index
    %get3A_289 = tpu.vector_load %arg9[%get3A_288] {strides = array<i32>} : memref<160xi32, #tpu.memory_space<vmem>>, vector<16xi32>,
    %add3A_290 = vector.broadcast %mul3A_0 : i32 to vector<16xi32>
    %add3A_291 = arith.addi %get3A_289, %add3A_290 : vector<16xi32>
    %swap3A_292 = arith.constant 128 : index
    %swap3A_293 = tpu.vector_load %arg8[%swap3A_292] {strides = array<i32>} : memref<160xi32, #tpu.memory_space<vmem>>, vector<16xi32>,
    tpu.vector_store %arg8[%swap3A_292], %add3A_291 {strides = array<i32>} : memref<160xi32, #tpu.memory_space<vmem>>, vector<16xi32>,
    %get3A_294 = arith.constant 144 : index
    %get3A_295 = tpu.vector_load %arg9[%get3A_294] {strides = array<i32>} : memref<160xi32, #tpu.memory_space<vmem>>, vector<16xi32>,
    %add3A_296 = vector.broadcast %mul3A_0 : i32 to vector<16xi32>
    %add3A_297 = arith.addi %get3A_295, %add3A_296 : vector<16xi32>
    %swap3A_298 = arith.constant 144 : index
    %swap3A_299 = tpu.vector_load %arg8[%swap3A_298] {strides = array<i32>} : memref<160xi32, #tpu.memory_space<vmem>>, vector<16xi32>,
    tpu.vector_store %arg8[%swap3A_298], %add3A_297 {strides = array<i32>} : memref<160xi32, #tpu.memory_space<vmem>>, vector<16xi32>,
    %dma_start3A_300 = arith.constant 0 : i32
    %dma_start3A_301 = arith.constant 0 : i32
    %dma_start3A_302 = tpu.memref_slice %arg5[%dma_start3A_300, %dma_start3A_301] : memref<20224x128xf32, #tpu.memory_space<hbm>> -> memref<20224x128xf32, #tpu.memory_space<hbm>>
    tpu.enqueue_indirect_dma source(%dma_start3A_302 : memref<20224x128xf32, #tpu.memory_space<hbm>>) target(%arg10 : memref<160x128xf32, #tpu.memory_space<vmem>>) offsets(%arg8 : memref<160xi32, #tpu.memory_space<vmem>>) semaphore(%arg19 : memref<!tpu.dma_semaphore, #tpu.memory_space<semaphore_mem>>)
    %scan3A_303 = arith.constant 0 : i32
    %scan3A_304 = arith.constant 0 : i32
    %scan3A_305 = arith.constant 32 : i32
    %scan3A_306 = arith.addi %scan3A_304, %scan3A_305 : i32
    %scan3A_307 = arith.constant 1 : i32
    scf.for %scan3A_434 = %scan3A_304 to %scan3A_306 step %scan3A_307  : i32 {
      %mul3A_435 = arith.constant 2 : i32
      %mul3A_436 = arith.muli %scan3A_434, %mul3A_435 : i32
      %add3A_437 = arith.constant 1 : i32
      %add3A_438 = arith.addi %mul3A_436, %add3A_437 : i32
      %mul3A_439 = arith.constant 160 : i32
      %mul3A_440 = arith.muli %add3A_438, %mul3A_439 : i32
      %add3A_441 = arith.addi %multiple_of3A, %mul3A_440 : i32
      %multiple_of3A_442 = tpu.assume_multiple %add3A_441, 8 : i32
      "tpu.region"() ({
        %run_scoped3A = tpu.sem_alloc : memref<!tpu.dma_semaphore, #tpu.memory_space<semaphore_mem>>
        %dma_start3A_525 = tpu.memref_slice %arg3[%multiple_of3A_442] : memref<163840xi32, #tpu.memory_space<hbm>> -> memref<160xi32, #tpu.memory_space<hbm>>
        %dma_start3A_526 = tpu.memref_slice %arg3[%multiple_of3A_442] : memref<163840xi32, #tpu.memory_space<hbm>> -> memref<160xi32, #tpu.memory_space<hbm>>
        tpu.enqueue_dma source(%dma_start3A_526 : memref<160xi32, #tpu.memory_space<hbm>>) target(%arg11 : memref<160xi32, #tpu.memory_space<vmem>>) target_semaphore(%run_scoped3A : memref<!tpu.dma_semaphore, #tpu.memory_space<semaphore_mem>>)
        %dma_wait3A_527 = tpu.memref_slice %arg3[%multiple_of3A_442] : memref<163840xi32, #tpu.memory_space<hbm>> -> memref<160xi32, #tpu.memory_space<hbm>>
        %dma_wait3A_528 = tpu.memref_slice %arg3[%multiple_of3A_442] : memref<163840xi32, #tpu.memory_space<hbm>> -> memref<160xi32, #tpu.memory_space<hbm>>
        tpu.wait_dma2 semaphore(%run_scoped3A : memref<!tpu.dma_semaphore, #tpu.memory_space<semaphore_mem>>) src(%dma_wait3A_528 : memref<160xi32, #tpu.memory_space<hbm>>) dst(%arg11 : memref<160xi32, #tpu.memory_space<vmem>>)
        tpu.yield
      }) : () -> ()
      "tpu.region"() ({
        %run_scoped3A = tpu.sem_alloc : memref<!tpu.dma_semaphore, #tpu.memory_space<semaphore_mem>>
        %dma_start3A_525 = tpu.memref_slice %arg4[%multiple_of3A_442] : memref<163840xi32, #tpu.memory_space<hbm>> -> memref<160xi32, #tpu.memory_space<hbm>>
        %dma_start3A_526 = tpu.memref_slice %arg4[%multiple_of3A_442] : memref<163840xi32, #tpu.memory_space<hbm>> -> memref<160xi32, #tpu.memory_space<hbm>>
        tpu.enqueue_dma source(%dma_start3A_526 : memref<160xi32, #tpu.memory_space<hbm>>) target(%arg13 : memref<160xi32, #tpu.memory_space<vmem>>) target_semaphore(%run_scoped3A : memref<!tpu.dma_semaphore, #tpu.memory_space<semaphore_mem>>)
        %dma_wait3A_527 = tpu.memref_slice %arg4[%multiple_of3A_442] : memref<163840xi32, #tpu.memory_space<hbm>> -> memref<160xi32, #tpu.memory_space<hbm>>
        %dma_wait3A_528 = tpu.memref_slice %arg4[%multiple_of3A_442] : memref<163840xi32, #tpu.memory_space<hbm>> -> memref<160xi32, #tpu.memory_space<hbm>>
        tpu.wait_dma2 semaphore(%run_scoped3A : memref<!tpu.dma_semaphore, #tpu.memory_space<semaphore_mem>>) src(%dma_wait3A_528 : memref<160xi32, #tpu.memory_space<hbm>>) dst(%arg13 : memref<160xi32, #tpu.memory_space<vmem>>)
        tpu.yield
      }) : () -> ()
      %get3A_443 = arith.constant 0 : index
      %get3A_444 = tpu.vector_load %arg13[%get3A_443] {strides = array<i32>} : memref<160xi32, #tpu.memory_space<vmem>>, vector<16xi32>,
      %add3A_445 = vector.broadcast %mul3A_0 : i32 to vector<16xi32>
      %add3A_446 = arith.addi %get3A_444, %add3A_445 : vector<16xi32>
      %swap3A_447 = arith.constant 0 : index
      %swap3A_448 = tpu.vector_load %arg12[%swap3A_447] {strides = array<i32>} : memref<160xi32, #tpu.memory_space<vmem>>, vector<16xi32>,
      tpu.vector_store %arg12[%swap3A_447], %add3A_446 {strides = array<i32>} : memref<160xi32, #tpu.memory_space<vmem>>, vector<16xi32>,
      %get3A_449 = arith.constant 16 : index
      %get3A_450 = tpu.vector_load %arg13[%get3A_449] {strides = array<i32>} : memref<160xi32, #tpu.memory_space<vmem>>, vector<16xi32>,
      %add3A_451 = vector.broadcast %mul3A_0 : i32 to vector<16xi32>
      %add3A_452 = arith.addi %get3A_450, %add3A_451 : vector<16xi32>
      %swap3A_453 = arith.constant 16 : index
      %swap3A_454 = tpu.vector_load %arg12[%swap3A_453] {strides = array<i32>} : memref<160xi32, #tpu.memory_space<vmem>>, vector<16xi32>,
      tpu.vector_store %arg12[%swap3A_453], %add3A_452 {strides = array<i32>} : memref<160xi32, #tpu.memory_space<vmem>>, vector<16xi32>,
      %get3A_455 = arith.constant 32 : index
      %get3A_456 = tpu.vector_load %arg13[%get3A_455] {strides = array<i32>} : memref<160xi32, #tpu.memory_space<vmem>>, vector<16xi32>,
      %add3A_457 = vector.broadcast %mul3A_0 : i32 to vector<16xi32>
      %add3A_458 = arith.addi %get3A_456, %add3A_457 : vector<16xi32>
      %swap3A_459 = arith.constant 32 : index
      %swap3A_460 = tpu.vector_load %arg12[%swap3A_459] {strides = array<i32>} : memref<160xi32, #tpu.memory_space<vmem>>, vector<16xi32>,
      tpu.vector_store %arg12[%swap3A_459], %add3A_458 {strides = array<i32>} : memref<160xi32, #tpu.memory_space<vmem>>, vector<16xi32>,
      %get3A_461 = arith.constant 48 : index
      %get3A_462 = tpu.vector_load %arg13[%get3A_461] {strides = array<i32>} : memref<160xi32, #tpu.memory_space<vmem>>, vector<16xi32>,
      %add3A_463 = vector.broadcast %mul3A_0 : i32 to vector<16xi32>
      %add3A_464 = arith.addi %get3A_462, %add3A_463 : vector<16xi32>
      %swap3A_465 = arith.constant 48 : index
      %swap3A_466 = tpu.vector_load %arg12[%swap3A_465] {strides = array<i32>} : memref<160xi32, #tpu.memory_space<vmem>>, vector<16xi32>,
      tpu.vector_store %arg12[%swap3A_465], %add3A_464 {strides = array<i32>} : memref<160xi32, #tpu.memory_space<vmem>>, vector<16xi32>,
      %get3A_467 = arith.constant 64 : index
      %get3A_468 = tpu.vector_load %arg13[%get3A_467] {strides = array<i32>} : memref<160xi32, #tpu.memory_space<vmem>>, vector<16xi32>,
      %add3A_469 = vector.broadcast %mul3A_0 : i32 to vector<16xi32>
      %add3A_470 = arith.addi %get3A_468, %add3A_469 : vector<16xi32>
      %swap3A_471 = arith.constant 64 : index
      %swap3A_472 = tpu.vector_load %arg12[%swap3A_471] {strides = array<i32>} : memref<160xi32, #tpu.memory_space<vmem>>, vector<16xi32>,
      tpu.vector_store %arg12[%swap3A_471], %add3A_470 {strides = array<i32>} : memref<160xi32, #tpu.memory_space<vmem>>, vector<16xi32>,
      %get3A_473 = arith.constant 80 : index
      %get3A_474 = tpu.vector_load %arg13[%get3A_473] {strides = array<i32>} : memref<160xi32, #tpu.memory_space<vmem>>, vector<16xi32>,
      %add3A_475 = vector.broadcast %mul3A_0 : i32 to vector<16xi32>
      %add3A_476 = arith.addi %get3A_474, %add3A_475 : vector<16xi32>
      %swap3A_477 = arith.constant 80 : index
      %swap3A_478 = tpu.vector_load %arg12[%swap3A_477] {strides = array<i32>} : memref<160xi32, #tpu.memory_space<vmem>>, vector<16xi32>,
      tpu.vector_store %arg12[%swap3A_477], %add3A_476 {strides = array<i32>} : memref<160xi32, #tpu.memory_space<vmem>>, vector<16xi32>,
      %get3A_479 = arith.constant 96 : index
      %get3A_480 = tpu.vector_load %arg13[%get3A_479] {strides = array<i32>} : memref<160xi32, #tpu.memory_space<vmem>>, vector<16xi32>,
      %add3A_481 = vector.broadcast %mul3A_0 : i32 to vector<16xi32>
      %add3A_482 = arith.addi %get3A_480, %add3A_481 : vector<16xi32>
      %swap3A_483 = arith.constant 96 : index
      %swap3A_484 = tpu.vector_load %arg12[%swap3A_483] {strides = array<i32>} : memref<160xi32, #tpu.memory_space<vmem>>, vector<16xi32>,
      tpu.vector_store %arg12[%swap3A_483], %add3A_482 {strides = array<i32>} : memref<160xi32, #tpu.memory_space<vmem>>, vector<16xi32>,
      %get3A_485 = arith.constant 112 : index
      %get3A_486 = tpu.vector_load %arg13[%get3A_485] {strides = array<i32>} : memref<160xi32, #tpu.memory_space<vmem>>, vector<16xi32>,
      %add3A_487 = vector.broadcast %mul3A_0 : i32 to vector<16xi32>
      %add3A_488 = arith.addi %get3A_486, %add3A_487 : vector<16xi32>
      %swap3A_489 = arith.constant 112 : index
      %swap3A_490 = tpu.vector_load %arg12[%swap3A_489] {strides = array<i32>} : memref<160xi32, #tpu.memory_space<vmem>>, vector<16xi32>,
      tpu.vector_store %arg12[%swap3A_489], %add3A_488 {strides = array<i32>} : memref<160xi32, #tpu.memory_space<vmem>>, vector<16xi32>,
      %get3A_491 = arith.constant 128 : index
      %get3A_492 = tpu.vector_load %arg13[%get3A_491] {strides = array<i32>} : memref<160xi32, #tpu.memory_space<vmem>>, vector<16xi32>,
      %add3A_493 = vector.broadcast %mul3A_0 : i32 to vector<16xi32>
      %add3A_494 = arith.addi %get3A_492, %add3A_493 : vector<16xi32>
      %swap3A_495 = arith.constant 128 : index
      %swap3A_496 = tpu.vector_load %arg12[%swap3A_495] {strides = array<i32>} : memref<160xi32, #tpu.memory_space<vmem>>, vector<16xi32>,
      tpu.vector_store %arg12[%swap3A_495], %add3A_494 {strides = array<i32>} : memref<160xi32, #tpu.memory_space<vmem>>, vector<16xi32>,
      %get3A_497 = arith.constant 144 : index
      %get3A_498 = tpu.vector_load %arg13[%get3A_497] {strides = array<i32>} : memref<160xi32, #tpu.memory_space<vmem>>, vector<16xi32>,
      %add3A_499 = vector.broadcast %mul3A_0 : i32 to vector<16xi32>
      %add3A_500 = arith.addi %get3A_498, %add3A_499 : vector<16xi32>
      %swap3A_501 = arith.constant 144 : index
      %swap3A_502 = tpu.vector_load %arg12[%swap3A_501] {strides = array<i32>} : memref<160xi32, #tpu.memory_space<vmem>>, vector<16xi32>,
      tpu.vector_store %arg12[%swap3A_501], %add3A_500 {strides = array<i32>} : memref<160xi32, #tpu.memory_space<vmem>>, vector<16xi32>,
      %dma_start3A_503 = arith.constant 0 : i32
      %dma_start3A_504 = arith.constant 0 : i32
      %dma_start3A_505 = tpu.memref_slice %arg5[%dma_start3A_503, %dma_start3A_504] : memref<20224x128xf32, #tpu.memory_space<hbm>> -> memref<20224x128xf32, #tpu.memory_space<hbm>>
      tpu.enqueue_indirect_dma source(%dma_start3A_505 : memref<20224x128xf32, #tpu.memory_space<hbm>>) target(%arg14 : memref<160x128xf32, #tpu.memory_space<vmem>>) offsets(%arg12 : memref<160xi32, #tpu.memory_space<vmem>>) semaphore(%arg20 : memref<!tpu.dma_semaphore, #tpu.memory_space<semaphore_mem>>)
      %dma_wait3A_506 = arith.constant 0 : i32
      %dma_wait3A_507 = arith.constant 0 : i32
      %dma_wait3A_508 = tpu.memref_slice %arg5[%dma_wait3A_506, %dma_wait3A_507] : memref<20224x128xf32, #tpu.memory_space<hbm>> -> memref<160x128xf32, #tpu.memory_space<hbm>>
      %dma_wait3A_509 = arith.constant 0 : i32
      %dma_wait3A_510 = arith.constant 0 : i32
      %dma_wait3A_511 = tpu.memref_slice %arg5[%dma_wait3A_509, %dma_wait3A_510] : memref<20224x128xf32, #tpu.memory_space<hbm>> -> memref<160x128xf32, #tpu.memory_space<hbm>>
      tpu.wait_dma2 semaphore(%arg19 : memref<!tpu.dma_semaphore, #tpu.memory_space<semaphore_mem>>) src(%dma_wait3A_511 : memref<160x128xf32, #tpu.memory_space<hbm>>) dst(%arg10 : memref<160x128xf32, #tpu.memory_space<vmem>>)
      "tpu.region"() ({
        %run_scoped3A = tpu.sem_alloc : memref<!tpu.dma_semaphore, #tpu.memory_space<semaphore_mem>>
        %dma_start3A_525 = arith.constant 0 : i32
        %dma_start3A_526 = arith.constant 0 : i32
        %dma_start3A_527 = tpu.memref_slice %arg17[%dma_start3A_525, %dma_start3A_526] : memref<10112x128xf32, #tpu.memory_space<vmem_shared>> -> memref<10112x128xf32, #tpu.memory_space<vmem_shared>>
        tpu.enqueue_indirect_dma source(%arg10 : memref<160x128xf32, #tpu.memory_space<vmem>>) target(%dma_start3A_527 : memref<10112x128xf32, #tpu.memory_space<vmem_shared>>) offsets(%arg7 : memref<160xi32, #tpu.memory_space<vmem>>) semaphore(%run_scoped3A : memref<!tpu.dma_semaphore, #tpu.memory_space<semaphore_mem>>) {add = true}
        %dma_wait3A_528 = arith.constant 0 : i32
        %dma_wait3A_529 = arith.constant 0 : i32
        %dma_wait3A_530 = tpu.memref_slice %arg17[%dma_wait3A_528, %dma_wait3A_529] : memref<10112x128xf32, #tpu.memory_space<vmem_shared>> -> memref<10112x128xf32, #tpu.memory_space<vmem_shared>>
        tpu.wait_indirect_dma semaphore(%run_scoped3A : memref<!tpu.dma_semaphore, #tpu.memory_space<semaphore_mem>>) src(%arg10 : memref<160x128xf32, #tpu.memory_space<vmem>>) dst(%dma_wait3A_530 : memref<10112x128xf32, #tpu.memory_space<vmem_shared>>)
        tpu.yield
      }) : () -> ()
      %add3A_512 = arith.constant 2 : i32
      %add3A_513 = arith.addi %mul3A_436, %add3A_512 : i32
      %lt3A_514 = arith.constant 64 : i32
      %lt3A_515 = arith.cmpi slt, %add3A_513, %lt3A_514 : i32
      %convert_element_type3A_516 = arith.extui %lt3A_515 : i1 to i32
      %cond3A_517 = arith.constant 0 : i32
      %cond3A_518 = arith.cmpi ne, %convert_element_type3A_516, %cond3A_517 : i32
      scf.if %cond3A_518 {
        %add3A_525 = arith.constant 2 : i32
        %add3A_526 = arith.addi %mul3A_436, %add3A_525 : i32
        %mul3A_527 = arith.constant 160 : i32
        %mul3A_528 = arith.muli %add3A_526, %mul3A_527 : i32
        %add3A_529 = arith.addi %multiple_of3A, %mul3A_528 : i32
        %multiple_of3A_530 = tpu.assume_multiple %add3A_529, 8 : i32
        "tpu.region"() ({
          %run_scoped3A = tpu.sem_alloc : memref<!tpu.dma_semaphore, #tpu.memory_space<semaphore_mem>>
          %dma_start3A_594 = tpu.memref_slice %arg3[%multiple_of3A_530] : memref<163840xi32, #tpu.memory_space<hbm>> -> memref<160xi32, #tpu.memory_space<hbm>>
          %dma_start3A_595 = tpu.memref_slice %arg3[%multiple_of3A_530] : memref<163840xi32, #tpu.memory_space<hbm>> -> memref<160xi32, #tpu.memory_space<hbm>>
          tpu.enqueue_dma source(%dma_start3A_595 : memref<160xi32, #tpu.memory_space<hbm>>) target(%arg7 : memref<160xi32, #tpu.memory_space<vmem>>) target_semaphore(%run_scoped3A : memref<!tpu.dma_semaphore, #tpu.memory_space<semaphore_mem>>)
          %dma_wait3A_596 = tpu.memref_slice %arg3[%multiple_of3A_530] : memref<163840xi32, #tpu.memory_space<hbm>> -> memref<160xi32, #tpu.memory_space<hbm>>
          %dma_wait3A_597 = tpu.memref_slice %arg3[%multiple_of3A_530] : memref<163840xi32, #tpu.memory_space<hbm>> -> memref<160xi32, #tpu.memory_space<hbm>>
          tpu.wait_dma2 semaphore(%run_scoped3A : memref<!tpu.dma_semaphore, #tpu.memory_space<semaphore_mem>>) src(%dma_wait3A_597 : memref<160xi32, #tpu.memory_space<hbm>>) dst(%arg7 : memref<160xi32, #tpu.memory_space<vmem>>)
          tpu.yield
        }) : () -> ()
        "tpu.region"() ({
          %run_scoped3A = tpu.sem_alloc : memref<!tpu.dma_semaphore, #tpu.memory_space<semaphore_mem>>
          %dma_start3A_594 = tpu.memref_slice %arg4[%multiple_of3A_530] : memref<163840xi32, #tpu.memory_space<hbm>> -> memref<160xi32, #tpu.memory_space<hbm>>
          %dma_start3A_595 = tpu.memref_slice %arg4[%multiple_of3A_530] : memref<163840xi32, #tpu.memory_space<hbm>> -> memref<160xi32, #tpu.memory_space<hbm>>
          tpu.enqueue_dma source(%dma_start3A_595 : memref<160xi32, #tpu.memory_space<hbm>>) target(%arg9 : memref<160xi32, #tpu.memory_space<vmem>>) target_semaphore(%run_scoped3A : memref<!tpu.dma_semaphore, #tpu.memory_space<semaphore_mem>>)
          %dma_wait3A_596 = tpu.memref_slice %arg4[%multiple_of3A_530] : memref<163840xi32, #tpu.memory_space<hbm>> -> memref<160xi32, #tpu.memory_space<hbm>>
          %dma_wait3A_597 = tpu.memref_slice %arg4[%multiple_of3A_530] : memref<163840xi32, #tpu.memory_space<hbm>> -> memref<160xi32, #tpu.memory_space<hbm>>
          tpu.wait_dma2 semaphore(%run_scoped3A : memref<!tpu.dma_semaphore, #tpu.memory_space<semaphore_mem>>) src(%dma_wait3A_597 : memref<160xi32, #tpu.memory_space<hbm>>) dst(%arg9 : memref<160xi32, #tpu.memory_space<vmem>>)
          tpu.yield
        }) : () -> ()
        %get3A_531 = arith.constant 0 : index
        %get3A_532 = tpu.vector_load %arg9[%get3A_531] {strides = array<i32>} : memref<160xi32, #tpu.memory_space<vmem>>, vector<16xi32>,
        %add3A_533 = vector.broadcast %mul3A_0 : i32 to vector<16xi32>
        %add3A_534 = arith.addi %get3A_532, %add3A_533 : vector<16xi32>
        %swap3A_535 = arith.constant 0 : index
        %swap3A_536 = tpu.vector_load %arg8[%swap3A_535] {strides = array<i32>} : memref<160xi32, #tpu.memory_space<vmem>>, vector<16xi32>,
        tpu.vector_store %arg8[%swap3A_535], %add3A_534 {strides = array<i32>} : memref<160xi32, #tpu.memory_space<vmem>>, vector<16xi32>,
        %get3A_537 = arith.constant 16 : index
        %get3A_538 = tpu.vector_load %arg9[%get3A_537] {strides = array<i32>} : memref<160xi32, #tpu.memory_space<vmem>>, vector<16xi32>,
        %add3A_539 = vector.broadcast %mul3A_0 : i32 to vector<16xi32>
        %add3A_540 = arith.addi %get3A_538, %add3A_539 : vector<16xi32>
        %swap3A_541 = arith.constant 16 : index
        %swap3A_542 = tpu.vector_load %arg8[%swap3A_541] {strides = array<i32>} : memref<160xi32, #tpu.memory_space<vmem>>, vector<16xi32>,
        tpu.vector_store %arg8[%swap3A_541], %add3A_540 {strides = array<i32>} : memref<160xi32, #tpu.memory_space<vmem>>, vector<16xi32>,
        %get3A_543 = arith.constant 32 : index
        %get3A_544 = tpu.vector_load %arg9[%get3A_543] {strides = array<i32>} : memref<160xi32, #tpu.memory_space<vmem>>, vector<16xi32>,
        %add3A_545 = vector.broadcast %mul3A_0 : i32 to vector<16xi32>
        %add3A_546 = arith.addi %get3A_544, %add3A_545 : vector<16xi32>
        %swap3A_547 = arith.constant 32 : index
        %swap3A_548 = tpu.vector_load %arg8[%swap3A_547] {strides = array<i32>} : memref<160xi32, #tpu.memory_space<vmem>>, vector<16xi32>,
        tpu.vector_store %arg8[%swap3A_547], %add3A_546 {strides = array<i32>} : memref<160xi32, #tpu.memory_space<vmem>>, vector<16xi32>,
        %get3A_549 = arith.constant 48 : index
        %get3A_550 = tpu.vector_load %arg9[%get3A_549] {strides = array<i32>} : memref<160xi32, #tpu.memory_space<vmem>>, vector<16xi32>,
        %add3A_551 = vector.broadcast %mul3A_0 : i32 to vector<16xi32>
        %add3A_552 = arith.addi %get3A_550, %add3A_551 : vector<16xi32>
        %swap3A_553 = arith.constant 48 : index
        %swap3A_554 = tpu.vector_load %arg8[%swap3A_553] {strides = array<i32>} : memref<160xi32, #tpu.memory_space<vmem>>, vector<16xi32>,
        tpu.vector_store %arg8[%swap3A_553], %add3A_552 {strides = array<i32>} : memref<160xi32, #tpu.memory_space<vmem>>, vector<16xi32>,
        %get3A_555 = arith.constant 64 : index
        %get3A_556 = tpu.vector_load %arg9[%get3A_555] {strides = array<i32>} : memref<160xi32, #tpu.memory_space<vmem>>, vector<16xi32>,
        %add3A_557 = vector.broadcast %mul3A_0 : i32 to vector<16xi32>
        %add3A_558 = arith.addi %get3A_556, %add3A_557 : vector<16xi32>
        %swap3A_559 = arith.constant 64 : index
        %swap3A_560 = tpu.vector_load %arg8[%swap3A_559] {strides = array<i32>} : memref<160xi32, #tpu.memory_space<vmem>>, vector<16xi32>,
        tpu.vector_store %arg8[%swap3A_559], %add3A_558 {strides = array<i32>} : memref<160xi32, #tpu.memory_space<vmem>>, vector<16xi32>,
        %get3A_561 = arith.constant 80 : index
        %get3A_562 = tpu.vector_load %arg9[%get3A_561] {strides = array<i32>} : memref<160xi32, #tpu.memory_space<vmem>>, vector<16xi32>,
        %add3A_563 = vector.broadcast %mul3A_0 : i32 to vector<16xi32>
        %add3A_564 = arith.addi %get3A_562, %add3A_563 : vector<16xi32>
        %swap3A_565 = arith.constant 80 : index
        %swap3A_566 = tpu.vector_load %arg8[%swap3A_565] {strides = array<i32>} : memref<160xi32, #tpu.memory_space<vmem>>, vector<16xi32>,
        tpu.vector_store %arg8[%swap3A_565], %add3A_564 {strides = array<i32>} : memref<160xi32, #tpu.memory_space<vmem>>, vector<16xi32>,
        %get3A_567 = arith.constant 96 : index
        %get3A_568 = tpu.vector_load %arg9[%get3A_567] {strides = array<i32>} : memref<160xi32, #tpu.memory_space<vmem>>, vector<16xi32>,
        %add3A_569 = vector.broadcast %mul3A_0 : i32 to vector<16xi32>
        %add3A_570 = arith.addi %get3A_568, %add3A_569 : vector<16xi32>
        %swap3A_571 = arith.constant 96 : index
        %swap3A_572 = tpu.vector_load %arg8[%swap3A_571] {strides = array<i32>} : memref<160xi32, #tpu.memory_space<vmem>>, vector<16xi32>,
        tpu.vector_store %arg8[%swap3A_571], %add3A_570 {strides = array<i32>} : memref<160xi32, #tpu.memory_space<vmem>>, vector<16xi32>,
        %get3A_573 = arith.constant 112 : index
        %get3A_574 = tpu.vector_load %arg9[%get3A_573] {strides = array<i32>} : memref<160xi32, #tpu.memory_space<vmem>>, vector<16xi32>,
        %add3A_575 = vector.broadcast %mul3A_0 : i32 to vector<16xi32>
        %add3A_576 = arith.addi %get3A_574, %add3A_575 : vector<16xi32>
        %swap3A_577 = arith.constant 112 : index
        %swap3A_578 = tpu.vector_load %arg8[%swap3A_577] {strides = array<i32>} : memref<160xi32, #tpu.memory_space<vmem>>, vector<16xi32>,
        tpu.vector_store %arg8[%swap3A_577], %add3A_576 {strides = array<i32>} : memref<160xi32, #tpu.memory_space<vmem>>, vector<16xi32>,
        %get3A_579 = arith.constant 128 : index
        %get3A_580 = tpu.vector_load %arg9[%get3A_579] {strides = array<i32>} : memref<160xi32, #tpu.memory_space<vmem>>, vector<16xi32>,
        %add3A_581 = vector.broadcast %mul3A_0 : i32 to vector<16xi32>
        %add3A_582 = arith.addi %get3A_580, %add3A_581 : vector<16xi32>
        %swap3A_583 = arith.constant 128 : index
        %swap3A_584 = tpu.vector_load %arg8[%swap3A_583] {strides = array<i32>} : memref<160xi32, #tpu.memory_space<vmem>>, vector<16xi32>,
        tpu.vector_store %arg8[%swap3A_583], %add3A_582 {strides = array<i32>} : memref<160xi32, #tpu.memory_space<vmem>>, vector<16xi32>,
        %get3A_585 = arith.constant 144 : index
        %get3A_586 = tpu.vector_load %arg9[%get3A_585] {strides = array<i32>} : memref<160xi32, #tpu.memory_space<vmem>>, vector<16xi32>,
        %add3A_587 = vector.broadcast %mul3A_0 : i32 to vector<16xi32>
        %add3A_588 = arith.addi %get3A_586, %add3A_587 : vector<16xi32>
        %swap3A_589 = arith.constant 144 : index
        %swap3A_590 = tpu.vector_load %arg8[%swap3A_589] {strides = array<i32>} : memref<160xi32, #tpu.memory_space<vmem>>, vector<16xi32>,
        tpu.vector_store %arg8[%swap3A_589], %add3A_588 {strides = array<i32>} : memref<160xi32, #tpu.memory_space<vmem>>, vector<16xi32>,
        %dma_start3A_591 = arith.constant 0 : i32
        %dma_start3A_592 = arith.constant 0 : i32
        %dma_start3A_593 = tpu.memref_slice %arg5[%dma_start3A_591, %dma_start3A_592] : memref<20224x128xf32, #tpu.memory_space<hbm>> -> memref<20224x128xf32, #tpu.memory_space<hbm>>
        tpu.enqueue_indirect_dma source(%dma_start3A_593 : memref<20224x128xf32, #tpu.memory_space<hbm>>) target(%arg10 : memref<160x128xf32, #tpu.memory_space<vmem>>) offsets(%arg8 : memref<160xi32, #tpu.memory_space<vmem>>) semaphore(%arg19 : memref<!tpu.dma_semaphore, #tpu.memory_space<semaphore_mem>>)
      } else {
      }
      %dma_wait3A_519 = arith.constant 0 : i32
      %dma_wait3A_520 = arith.constant 0 : i32
      %dma_wait3A_521 = tpu.memref_slice %arg5[%dma_wait3A_519, %dma_wait3A_520] : memref<20224x128xf32, #tpu.memory_space<hbm>> -> memref<160x128xf32, #tpu.memory_space<hbm>>
      %dma_wait3A_522 = arith.constant 0 : i32
      %dma_wait3A_523 = arith.constant 0 : i32
      %dma_wait3A_524 = tpu.memref_slice %arg5[%dma_wait3A_522, %dma_wait3A_523] : memref<20224x128xf32, #tpu.memory_space<hbm>> -> memref<160x128xf32, #tpu.memory_space<hbm>>
      tpu.wait_dma2 semaphore(%arg20 : memref<!tpu.dma_semaphore, #tpu.memory_space<semaphore_mem>>) src(%dma_wait3A_524 : memref<160x128xf32, #tpu.memory_space<hbm>>) dst(%arg14 : memref<160x128xf32, #tpu.memory_space<vmem>>)
      "tpu.region"() ({
        %run_scoped3A = tpu.sem_alloc : memref<!tpu.dma_semaphore, #tpu.memory_space<semaphore_mem>>
        %dma_start3A_525 = arith.constant 0 : i32
        %dma_start3A_526 = arith.constant 0 : i32
        %dma_start3A_527 = tpu.memref_slice %arg17[%dma_start3A_525, %dma_start3A_526] : memref<10112x128xf32, #tpu.memory_space<vmem_shared>> -> memref<10112x128xf32, #tpu.memory_space<vmem_shared>>
        tpu.enqueue_indirect_dma source(%arg14 : memref<160x128xf32, #tpu.memory_space<vmem>>) target(%dma_start3A_527 : memref<10112x128xf32, #tpu.memory_space<vmem_shared>>) offsets(%arg11 : memref<160xi32, #tpu.memory_space<vmem>>) semaphore(%run_scoped3A : memref<!tpu.dma_semaphore, #tpu.memory_space<semaphore_mem>>) {add = true}
        %dma_wait3A_528 = arith.constant 0 : i32
        %dma_wait3A_529 = arith.constant 0 : i32
        %dma_wait3A_530 = tpu.memref_slice %arg17[%dma_wait3A_528, %dma_wait3A_529] : memref<10112x128xf32, #tpu.memory_space<vmem_shared>> -> memref<10112x128xf32, #tpu.memory_space<vmem_shared>>
        tpu.wait_indirect_dma semaphore(%run_scoped3A : memref<!tpu.dma_semaphore, #tpu.memory_space<semaphore_mem>>) src(%arg14 : memref<160x128xf32, #tpu.memory_space<vmem>>) dst(%dma_wait3A_530 : memref<10112x128xf32, #tpu.memory_space<vmem_shared>>)
        tpu.yield
      }) : () -> ()
    }
    %scan3A_308 = arith.constant 32 : i32
    %barrier3A_309 = arith.constant 0 : index
    tpu.barrier barrier_id(%barrier3A_309)
    %mul3A_310 = arith.constant 632 : i32
    %mul3A_311 = arith.muli %arg1, %mul3A_310 : i32
    %add3A_312 = arith.constant 0 : i32
    %add3A_313 = arith.addi %mul3A_311, %add3A_312 : i32
    %dma_start3A_314 = arith.constant 0 : i32
    %dma_start3A_315 = arith.constant 0 : i32
    %dma_start3A_316 = tpu.memref_slice %arg10[%dma_start3A_314, %dma_start3A_315] : memref<160x128xf32, #tpu.memory_space<vmem>> -> memref<160x128xf32, #tpu.memory_space<vmem>>
    %dma_start3A_317 = arith.constant 0 : i32
    %dma_start3A_318 = tpu.memref_slice %arg17[%add3A_313, %dma_start3A_317] : memref<10112x128xf32, #tpu.memory_space<vmem_shared>> -> memref<160x128xf32, #tpu.memory_space<vmem_shared>>
    %dma_start3A_319 = arith.constant 0 : i32
    %dma_start3A_320 = arith.constant 0 : i32
    %dma_start3A_321 = tpu.memref_slice %arg10[%dma_start3A_319, %dma_start3A_320] : memref<160x128xf32, #tpu.memory_space<vmem>> -> memref<160x128xf32, #tpu.memory_space<vmem>>
    %dma_start3A_322 = arith.constant 0 : i32
    %dma_start3A_323 = tpu.memref_slice %arg17[%add3A_313, %dma_start3A_322] : memref<10112x128xf32, #tpu.memory_space<vmem_shared>> -> memref<160x128xf32, #tpu.memory_space<vmem_shared>>
    tpu.enqueue_dma source(%dma_start3A_323 : memref<160x128xf32, #tpu.memory_space<vmem_shared>>) target(%dma_start3A_321 : memref<160x128xf32, #tpu.memory_space<vmem>>) target_semaphore(%arg19 : memref<!tpu.dma_semaphore, #tpu.memory_space<semaphore_mem>>)
    %mul3A_324 = arith.constant 632 : i32
    %mul3A_325 = arith.muli %arg1, %mul3A_324 : i32
    %add3A_326 = arith.constant 160 : i32
    %add3A_327 = arith.addi %mul3A_325, %add3A_326 : i32
    %dma_start3A_328 = arith.constant 0 : i32
    %dma_start3A_329 = arith.constant 0 : i32
    %dma_start3A_330 = tpu.memref_slice %arg14[%dma_start3A_328, %dma_start3A_329] : memref<160x128xf32, #tpu.memory_space<vmem>> -> memref<160x128xf32, #tpu.memory_space<vmem>>
    %dma_start3A_331 = arith.constant 0 : i32
    %dma_start3A_332 = tpu.memref_slice %arg17[%add3A_327, %dma_start3A_331] : memref<10112x128xf32, #tpu.memory_space<vmem_shared>> -> memref<160x128xf32, #tpu.memory_space<vmem_shared>>
    %dma_start3A_333 = arith.constant 0 : i32
    %dma_start3A_334 = arith.constant 0 : i32
    %dma_start3A_335 = tpu.memref_slice %arg14[%dma_start3A_333, %dma_start3A_334] : memref<160x128xf32, #tpu.memory_space<vmem>> -> memref<160x128xf32, #tpu.memory_space<vmem>>
    %dma_start3A_336 = arith.constant 0 : i32
    %dma_start3A_337 = tpu.memref_slice %arg17[%add3A_327, %dma_start3A_336] : memref<10112x128xf32, #tpu.memory_space<vmem_shared>> -> memref<160x128xf32, #tpu.memory_space<vmem_shared>>
    tpu.enqueue_dma source(%dma_start3A_337 : memref<160x128xf32, #tpu.memory_space<vmem_shared>>) target(%dma_start3A_335 : memref<160x128xf32, #tpu.memory_space<vmem>>) target_semaphore(%arg20 : memref<!tpu.dma_semaphore, #tpu.memory_space<semaphore_mem>>)
    %dma_wait3A_338 = arith.constant 0 : i32
    %dma_wait3A_339 = arith.constant 0 : i32
    %dma_wait3A_340 = tpu.memref_slice %arg10[%dma_wait3A_338, %dma_wait3A_339] : memref<160x128xf32, #tpu.memory_space<vmem>> -> memref<160x128xf32, #tpu.memory_space<vmem>>
    %dma_wait3A_341 = arith.constant 0 : i32
    %dma_wait3A_342 = arith.constant 0 : i32
    %dma_wait3A_343 = tpu.memref_slice %arg2[%dma_wait3A_341, %dma_wait3A_342] : memref<20224x128xf32, #tpu.memory_space<hbm>> -> memref<160x128xf32, #tpu.memory_space<hbm>>
    %dma_wait3A_344 = arith.constant 0 : i32
    %dma_wait3A_345 = arith.constant 0 : i32
    %dma_wait3A_346 = tpu.memref_slice %arg10[%dma_wait3A_344, %dma_wait3A_345] : memref<160x128xf32, #tpu.memory_space<vmem>> -> memref<160x128xf32, #tpu.memory_space<vmem>>
    %dma_wait3A_347 = arith.constant 0 : i32
    %dma_wait3A_348 = arith.constant 0 : i32
    %dma_wait3A_349 = tpu.memref_slice %arg2[%dma_wait3A_347, %dma_wait3A_348] : memref<20224x128xf32, #tpu.memory_space<hbm>> -> memref<160x128xf32, #tpu.memory_space<hbm>>
    tpu.wait_dma2 semaphore(%arg19 : memref<!tpu.dma_semaphore, #tpu.memory_space<semaphore_mem>>) src(%dma_wait3A_349 : memref<160x128xf32, #tpu.memory_space<hbm>>) dst(%dma_wait3A_346 : memref<160x128xf32, #tpu.memory_space<vmem>>)
    %mul3A_350 = arith.constant 632 : i32
    %mul3A_351 = arith.muli %arg1, %mul3A_350 : i32
    %add3A_352 = arith.addi %mul3A_0, %mul3A_351 : i32
    %add3A_353 = arith.constant 0 : i32
    %add3A_354 = arith.addi %add3A_352, %add3A_353 : i32
    "tpu.region"() ({
      %run_scoped3A = tpu.sem_alloc : memref<!tpu.dma_semaphore, #tpu.memory_space<semaphore_mem>>
      %dma_start3A_434 = arith.constant 0 : i32
      %dma_start3A_435 = arith.constant 0 : i32
      %dma_start3A_436 = tpu.memref_slice %arg10[%dma_start3A_434, %dma_start3A_435] : memref<160x128xf32, #tpu.memory_space<vmem>> -> memref<160x128xf32, #tpu.memory_space<vmem>>
      %dma_start3A_437 = arith.constant 0 : i32
      %dma_start3A_438 = tpu.memref_slice %arg5[%add3A_354, %dma_start3A_437] : memref<20224x128xf32, #tpu.memory_space<hbm>> -> memref<160x128xf32, #tpu.memory_space<hbm>>
      %dma_start3A_439 = arith.constant 0 : i32
      %dma_start3A_440 = tpu.memref_slice %arg5[%add3A_354, %dma_start3A_439] : memref<20224x128xf32, #tpu.memory_space<hbm>> -> memref<160x128xf32, #tpu.memory_space<hbm>>
      %dma_start3A_441 = arith.constant 0 : i32
      %dma_start3A_442 = arith.constant 0 : i32
      %dma_start3A_443 = tpu.memref_slice %arg10[%dma_start3A_441, %dma_start3A_442] : memref<160x128xf32, #tpu.memory_space<vmem>> -> memref<160x128xf32, #tpu.memory_space<vmem>>
      tpu.enqueue_dma source(%dma_start3A_443 : memref<160x128xf32, #tpu.memory_space<vmem>>) target(%dma_start3A_440 : memref<160x128xf32, #tpu.memory_space<hbm>>) target_semaphore(%run_scoped3A : memref<!tpu.dma_semaphore, #tpu.memory_space<semaphore_mem>>)
      %dma_wait3A_444 = arith.constant 0 : i32
      %dma_wait3A_445 = arith.constant 0 : i32
      %dma_wait3A_446 = tpu.memref_slice %arg10[%dma_wait3A_444, %dma_wait3A_445] : memref<160x128xf32, #tpu.memory_space<vmem>> -> memref<160x128xf32, #tpu.memory_space<vmem>>
      %dma_wait3A_447 = arith.constant 0 : i32
      %dma_wait3A_448 = tpu.memref_slice %arg5[%add3A_354, %dma_wait3A_447] : memref<20224x128xf32, #tpu.memory_space<hbm>> -> memref<160x128xf32, #tpu.memory_space<hbm>>
      %dma_wait3A_449 = arith.constant 0 : i32
      %dma_wait3A_450 = tpu.memref_slice %arg5[%add3A_354, %dma_wait3A_449] : memref<20224x128xf32, #tpu.memory_space<hbm>> -> memref<160x128xf32, #tpu.memory_space<hbm>>
      %dma_wait3A_451 = arith.constant 0 : i32
      %dma_wait3A_452 = arith.constant 0 : i32
      %dma_wait3A_453 = tpu.memref_slice %arg10[%dma_wait3A_451, %dma_wait3A_452] : memref<160x128xf32, #tpu.memory_space<vmem>> -> memref<160x128xf32, #tpu.memory_space<vmem>>
      tpu.wait_dma2 semaphore(%run_scoped3A : memref<!tpu.dma_semaphore, #tpu.memory_space<semaphore_mem>>) src(%dma_wait3A_453 : memref<160x128xf32, #tpu.memory_space<vmem>>) dst(%dma_wait3A_450 : memref<160x128xf32, #tpu.memory_space<hbm>>)
      tpu.yield
    }) : () -> ()
    %mul3A_355 = arith.constant 632 : i32
    %mul3A_356 = arith.muli %arg1, %mul3A_355 : i32
    %add3A_357 = arith.constant 320 : i32
    %add3A_358 = arith.addi %mul3A_356, %add3A_357 : i32
    %dma_start3A_359 = arith.constant 0 : i32
    %dma_start3A_360 = arith.constant 0 : i32
    %dma_start3A_361 = tpu.memref_slice %arg10[%dma_start3A_359, %dma_start3A_360] : memref<160x128xf32, #tpu.memory_space<vmem>> -> memref<160x128xf32, #tpu.memory_space<vmem>>
    %dma_start3A_362 = arith.constant 0 : i32
    %dma_start3A_363 = tpu.memref_slice %arg17[%add3A_358, %dma_start3A_362] : memref<10112x128xf32, #tpu.memory_space<vmem_shared>> -> memref<160x128xf32, #tpu.memory_space<vmem_shared>>
    %dma_start3A_364 = arith.constant 0 : i32
    %dma_start3A_365 = arith.constant 0 : i32
    %dma_start3A_366 = tpu.memref_slice %arg10[%dma_start3A_364, %dma_start3A_365] : memref<160x128xf32, #tpu.memory_space<vmem>> -> memref<160x128xf32, #tpu.memory_space<vmem>>
    %dma_start3A_367 = arith.constant 0 : i32
    %dma_start3A_368 = tpu.memref_slice %arg17[%add3A_358, %dma_start3A_367] : memref<10112x128xf32, #tpu.memory_space<vmem_shared>> -> memref<160x128xf32, #tpu.memory_space<vmem_shared>>
    tpu.enqueue_dma source(%dma_start3A_368 : memref<160x128xf32, #tpu.memory_space<vmem_shared>>) target(%dma_start3A_366 : memref<160x128xf32, #tpu.memory_space<vmem>>) target_semaphore(%arg19 : memref<!tpu.dma_semaphore, #tpu.memory_space<semaphore_mem>>)
    %dma_wait3A_369 = arith.constant 0 : i32
    %dma_wait3A_370 = arith.constant 0 : i32
    %dma_wait3A_371 = tpu.memref_slice %arg14[%dma_wait3A_369, %dma_wait3A_370] : memref<160x128xf32, #tpu.memory_space<vmem>> -> memref<160x128xf32, #tpu.memory_space<vmem>>
    %dma_wait3A_372 = arith.constant 0 : i32
    %dma_wait3A_373 = arith.constant 0 : i32
    %dma_wait3A_374 = tpu.memref_slice %arg2[%dma_wait3A_372, %dma_wait3A_373] : memref<20224x128xf32, #tpu.memory_space<hbm>> -> memref<160x128xf32, #tpu.memory_space<hbm>>
    %dma_wait3A_375 = arith.constant 0 : i32
    %dma_wait3A_376 = arith.constant 0 : i32
    %dma_wait3A_377 = tpu.memref_slice %arg14[%dma_wait3A_375, %dma_wait3A_376] : memref<160x128xf32, #tpu.memory_space<vmem>> -> memref<160x128xf32, #tpu.memory_space<vmem>>
    %dma_wait3A_378 = arith.constant 0 : i32
    %dma_wait3A_379 = arith.constant 0 : i32
    %dma_wait3A_380 = tpu.memref_slice %arg2[%dma_wait3A_378, %dma_wait3A_379] : memref<20224x128xf32, #tpu.memory_space<hbm>> -> memref<160x128xf32, #tpu.memory_space<hbm>>
    tpu.wait_dma2 semaphore(%arg20 : memref<!tpu.dma_semaphore, #tpu.memory_space<semaphore_mem>>) src(%dma_wait3A_380 : memref<160x128xf32, #tpu.memory_space<hbm>>) dst(%dma_wait3A_377 : memref<160x128xf32, #tpu.memory_space<vmem>>)
    %mul3A_381 = arith.constant 632 : i32
    %mul3A_382 = arith.muli %arg1, %mul3A_381 : i32
    %add3A_383 = arith.addi %mul3A_0, %mul3A_382 : i32
    %add3A_384 = arith.constant 160 : i32
    %add3A_385 = arith.addi %add3A_383, %add3A_384 : i32
    "tpu.region"() ({
      %run_scoped3A = tpu.sem_alloc : memref<!tpu.dma_semaphore, #tpu.memory_space<semaphore_mem>>
      %dma_start3A_434 = arith.constant 0 : i32
      %dma_start3A_435 = arith.constant 0 : i32
      %dma_start3A_436 = tpu.memref_slice %arg14[%dma_start3A_434, %dma_start3A_435] : memref<160x128xf32, #tpu.memory_space<vmem>> -> memref<160x128xf32, #tpu.memory_space<vmem>>
      %dma_start3A_437 = arith.constant 0 : i32
      %dma_start3A_438 = tpu.memref_slice %arg5[%add3A_385, %dma_start3A_437] : memref<20224x128xf32, #tpu.memory_space<hbm>> -> memref<160x128xf32, #tpu.memory_space<hbm>>
      %dma_start3A_439 = arith.constant 0 : i32
      %dma_start3A_440 = tpu.memref_slice %arg5[%add3A_385, %dma_start3A_439] : memref<20224x128xf32, #tpu.memory_space<hbm>> -> memref<160x128xf32, #tpu.memory_space<hbm>>
      %dma_start3A_441 = arith.constant 0 : i32
      %dma_start3A_442 = arith.constant 0 : i32
      %dma_start3A_443 = tpu.memref_slice %arg14[%dma_start3A_441, %dma_start3A_442] : memref<160x128xf32, #tpu.memory_space<vmem>> -> memref<160x128xf32, #tpu.memory_space<vmem>>
      tpu.enqueue_dma source(%dma_start3A_443 : memref<160x128xf32, #tpu.memory_space<vmem>>) target(%dma_start3A_440 : memref<160x128xf32, #tpu.memory_space<hbm>>) target_semaphore(%run_scoped3A : memref<!tpu.dma_semaphore, #tpu.memory_space<semaphore_mem>>)
      %dma_wait3A_444 = arith.constant 0 : i32
      %dma_wait3A_445 = arith.constant 0 : i32
      %dma_wait3A_446 = tpu.memref_slice %arg14[%dma_wait3A_444, %dma_wait3A_445] : memref<160x128xf32, #tpu.memory_space<vmem>> -> memref<160x128xf32, #tpu.memory_space<vmem>>
      %dma_wait3A_447 = arith.constant 0 : i32
      %dma_wait3A_448 = tpu.memref_slice %arg5[%add3A_385, %dma_wait3A_447] : memref<20224x128xf32, #tpu.memory_space<hbm>> -> memref<160x128xf32, #tpu.memory_space<hbm>>
      %dma_wait3A_449 = arith.constant 0 : i32
      %dma_wait3A_450 = tpu.memref_slice %arg5[%add3A_385, %dma_wait3A_449] : memref<20224x128xf32, #tpu.memory_space<hbm>> -> memref<160x128xf32, #tpu.memory_space<hbm>>
      %dma_wait3A_451 = arith.constant 0 : i32
      %dma_wait3A_452 = arith.constant 0 : i32
      %dma_wait3A_453 = tpu.memref_slice %arg14[%dma_wait3A_451, %dma_wait3A_452] : memref<160x128xf32, #tpu.memory_space<vmem>> -> memref<160x128xf32, #tpu.memory_space<vmem>>
      tpu.wait_dma2 semaphore(%run_scoped3A : memref<!tpu.dma_semaphore, #tpu.memory_space<semaphore_mem>>) src(%dma_wait3A_453 : memref<160x128xf32, #tpu.memory_space<vmem>>) dst(%dma_wait3A_450 : memref<160x128xf32, #tpu.memory_space<hbm>>)
      tpu.yield
    }) : () -> ()
    %mul3A_386 = arith.constant 632 : i32
    %mul3A_387 = arith.muli %arg1, %mul3A_386 : i32
    %add3A_388 = arith.constant 480 : i32
    %add3A_389 = arith.addi %mul3A_387, %add3A_388 : i32
    %dma_start3A_390 = arith.constant 0 : i32
    %dma_start3A_391 = arith.constant 0 : i32
    %dma_start3A_392 = tpu.memref_slice %arg14[%dma_start3A_390, %dma_start3A_391] : memref<160x128xf32, #tpu.memory_space<vmem>> -> memref<152x128xf32, #tpu.memory_space<vmem>>
    %dma_start3A_393 = arith.constant 0 : i32
    %dma_start3A_394 = tpu.memref_slice %arg17[%add3A_389, %dma_start3A_393] : memref<10112x128xf32, #tpu.memory_space<vmem_shared>> -> memref<152x128xf32, #tpu.memory_space<vmem_shared>>
    %dma_start3A_395 = arith.constant 0 : i32
    %dma_start3A_396 = arith.constant 0 : i32
    %dma_start3A_397 = tpu.memref_slice %arg14[%dma_start3A_395, %dma_start3A_396] : memref<160x128xf32, #tpu.memory_space<vmem>> -> memref<152x128xf32, #tpu.memory_space<vmem>>
    %dma_start3A_398 = arith.constant 0 : i32
    %dma_start3A_399 = tpu.memref_slice %arg17[%add3A_389, %dma_start3A_398] : memref<10112x128xf32, #tpu.memory_space<vmem_shared>> -> memref<152x128xf32, #tpu.memory_space<vmem_shared>>
    tpu.enqueue_dma source(%dma_start3A_399 : memref<152x128xf32, #tpu.memory_space<vmem_shared>>) target(%dma_start3A_397 : memref<152x128xf32, #tpu.memory_space<vmem>>) target_semaphore(%arg20 : memref<!tpu.dma_semaphore, #tpu.memory_space<semaphore_mem>>)
    %dma_wait3A_400 = arith.constant 0 : i32
    %dma_wait3A_401 = arith.constant 0 : i32
    %dma_wait3A_402 = tpu.memref_slice %arg10[%dma_wait3A_400, %dma_wait3A_401] : memref<160x128xf32, #tpu.memory_space<vmem>> -> memref<160x128xf32, #tpu.memory_space<vmem>>
    %dma_wait3A_403 = arith.constant 0 : i32
    %dma_wait3A_404 = arith.constant 0 : i32
    %dma_wait3A_405 = tpu.memref_slice %arg2[%dma_wait3A_403, %dma_wait3A_404] : memref<20224x128xf32, #tpu.memory_space<hbm>> -> memref<160x128xf32, #tpu.memory_space<hbm>>
    %dma_wait3A_406 = arith.constant 0 : i32
    %dma_wait3A_407 = arith.constant 0 : i32
    %dma_wait3A_408 = tpu.memref_slice %arg10[%dma_wait3A_406, %dma_wait3A_407] : memref<160x128xf32, #tpu.memory_space<vmem>> -> memref<160x128xf32, #tpu.memory_space<vmem>>
    %dma_wait3A_409 = arith.constant 0 : i32
    %dma_wait3A_410 = arith.constant 0 : i32
    %dma_wait3A_411 = tpu.memref_slice %arg2[%dma_wait3A_409, %dma_wait3A_410] : memref<20224x128xf32, #tpu.memory_space<hbm>> -> memref<160x128xf32, #tpu.memory_space<hbm>>
    tpu.wait_dma2 semaphore(%arg19 : memref<!tpu.dma_semaphore, #tpu.memory_space<semaphore_mem>>) src(%dma_wait3A_411 : memref<160x128xf32, #tpu.memory_space<hbm>>) dst(%dma_wait3A_408 : memref<160x128xf32, #tpu.memory_space<vmem>>)
    %mul3A_412 = arith.constant 632 : i32
    %mul3A_413 = arith.muli %arg1, %mul3A_412 : i32
    %add3A_414 = arith.addi %mul3A_0, %mul3A_413 : i32
    %add3A_415 = arith.constant 320 : i32
    %add3A_416 = arith.addi %add3A_414, %add3A_415 : i32
    "tpu.region"() ({
      %run_scoped3A = tpu.sem_alloc : memref<!tpu.dma_semaphore, #tpu.memory_space<semaphore_mem>>
      %dma_start3A_434 = arith.constant 0 : i32
      %dma_start3A_435 = arith.constant 0 : i32
      %dma_start3A_436 = tpu.memref_slice %arg10[%dma_start3A_434, %dma_start3A_435] : memref<160x128xf32, #tpu.memory_space<vmem>> -> memref<160x128xf32, #tpu.memory_space<vmem>>
      %dma_start3A_437 = arith.constant 0 : i32
      %dma_start3A_438 = tpu.memref_slice %arg5[%add3A_416, %dma_start3A_437] : memref<20224x128xf32, #tpu.memory_space<hbm>> -> memref<160x128xf32, #tpu.memory_space<hbm>>
      %dma_start3A_439 = arith.constant 0 : i32
      %dma_start3A_440 = tpu.memref_slice %arg5[%add3A_416, %dma_start3A_439] : memref<20224x128xf32, #tpu.memory_space<hbm>> -> memref<160x128xf32, #tpu.memory_space<hbm>>
      %dma_start3A_441 = arith.constant 0 : i32
      %dma_start3A_442 = arith.constant 0 : i32
      %dma_start3A_443 = tpu.memref_slice %arg10[%dma_start3A_441, %dma_start3A_442] : memref<160x128xf32, #tpu.memory_space<vmem>> -> memref<160x128xf32, #tpu.memory_space<vmem>>
      tpu.enqueue_dma source(%dma_start3A_443 : memref<160x128xf32, #tpu.memory_space<vmem>>) target(%dma_start3A_440 : memref<160x128xf32, #tpu.memory_space<hbm>>) target_semaphore(%run_scoped3A : memref<!tpu.dma_semaphore, #tpu.memory_space<semaphore_mem>>)
      %dma_wait3A_444 = arith.constant 0 : i32
      %dma_wait3A_445 = arith.constant 0 : i32
      %dma_wait3A_446 = tpu.memref_slice %arg10[%dma_wait3A_444, %dma_wait3A_445] : memref<160x128xf32, #tpu.memory_space<vmem>> -> memref<160x128xf32, #tpu.memory_space<vmem>>
      %dma_wait3A_447 = arith.constant 0 : i32
      %dma_wait3A_448 = tpu.memref_slice %arg5[%add3A_416, %dma_wait3A_447] : memref<20224x128xf32, #tpu.memory_space<hbm>> -> memref<160x128xf32, #tpu.memory_space<hbm>>
      %dma_wait3A_449 = arith.constant 0 : i32
      %dma_wait3A_450 = tpu.memref_slice %arg5[%add3A_416, %dma_wait3A_449] : memref<20224x128xf32, #tpu.memory_space<hbm>> -> memref<160x128xf32, #tpu.memory_space<hbm>>
      %dma_wait3A_451 = arith.constant 0 : i32
      %dma_wait3A_452 = arith.constant 0 : i32
      %dma_wait3A_453 = tpu.memref_slice %arg10[%dma_wait3A_451, %dma_wait3A_452] : memref<160x128xf32, #tpu.memory_space<vmem>> -> memref<160x128xf32, #tpu.memory_space<vmem>>
      tpu.wait_dma2 semaphore(%run_scoped3A : memref<!tpu.dma_semaphore, #tpu.memory_space<semaphore_mem>>) src(%dma_wait3A_453 : memref<160x128xf32, #tpu.memory_space<vmem>>) dst(%dma_wait3A_450 : memref<160x128xf32, #tpu.memory_space<hbm>>)
      tpu.yield
    }) : () -> ()
    %dma_wait3A_417 = arith.constant 0 : i32
    %dma_wait3A_418 = arith.constant 0 : i32
    %dma_wait3A_419 = tpu.memref_slice %arg14[%dma_wait3A_417, %dma_wait3A_418] : memref<160x128xf32, #tpu.memory_space<vmem>> -> memref<152x128xf32, #tpu.memory_space<vmem>>
    %dma_wait3A_420 = arith.constant 0 : i32
    %dma_wait3A_421 = arith.constant 0 : i32
    %dma_wait3A_422 = tpu.memref_slice %arg2[%dma_wait3A_420, %dma_wait3A_421] : memref<20224x128xf32, #tpu.memory_space<hbm>> -> memref<152x128xf32, #tpu.memory_space<hbm>>
    %dma_wait3A_423 = arith.constant 0 : i32
    %dma_wait3A_424 = arith.constant 0 : i32
    %dma_wait3A_425 = tpu.memref_slice %arg14[%dma_wait3A_423, %dma_wait3A_424] : memref<160x128xf32, #tpu.memory_space<vmem>> -> memref<152x128xf32, #tpu.memory_space<vmem>>
    %dma_wait3A_426 = arith.constant 0 : i32
    %dma_wait3A_427 = arith.constant 0 : i32
    %dma_wait3A_428 = tpu.memref_slice %arg2[%dma_wait3A_426, %dma_wait3A_427] : memref<20224x128xf32, #tpu.memory_space<hbm>> -> memref<152x128xf32, #tpu.memory_space<hbm>>
    tpu.wait_dma2 semaphore(%arg20 : memref<!tpu.dma_semaphore, #tpu.memory_space<semaphore_mem>>) src(%dma_wait3A_428 : memref<152x128xf32, #tpu.memory_space<hbm>>) dst(%dma_wait3A_425 : memref<152x128xf32, #tpu.memory_space<vmem>>)
    %mul3A_429 = arith.constant 632 : i32
    %mul3A_430 = arith.muli %arg1, %mul3A_429 : i32
    %add3A_431 = arith.addi %mul3A_0, %mul3A_430 : i32
    %add3A_432 = arith.constant 480 : i32
    %add3A_433 = arith.addi %add3A_431, %add3A_432 : i32
    "tpu.region"() ({
      %run_scoped3A = tpu.sem_alloc : memref<!tpu.dma_semaphore, #tpu.memory_space<semaphore_mem>>
      %dma_start3A_434 = arith.constant 0 : i32
      %dma_start3A_435 = arith.constant 0 : i32
      %dma_start3A_436 = tpu.memref_slice %arg14[%dma_start3A_434, %dma_start3A_435] : memref<160x128xf32, #tpu.memory_space<vmem>> -> memref<152x128xf32, #tpu.memory_space<vmem>>
      %dma_start3A_437 = arith.constant 0 : i32
      %dma_start3A_438 = tpu.memref_slice %arg5[%add3A_433, %dma_start3A_437] : memref<20224x128xf32, #tpu.memory_space<hbm>> -> memref<152x128xf32, #tpu.memory_space<hbm>>
      %dma_start3A_439 = arith.constant 0 : i32
      %dma_start3A_440 = tpu.memref_slice %arg5[%add3A_433, %dma_start3A_439] : memref<20224x128xf32, #tpu.memory_space<hbm>> -> memref<152x128xf32, #tpu.memory_space<hbm>>
      %dma_start3A_441 = arith.constant 0 : i32
      %dma_start3A_442 = arith.constant 0 : i32
      %dma_start3A_443 = tpu.memref_slice %arg14[%dma_start3A_441, %dma_start3A_442] : memref<160x128xf32, #tpu.memory_space<vmem>> -> memref<152x128xf32, #tpu.memory_space<vmem>>
      tpu.enqueue_dma source(%dma_start3A_443 : memref<152x128xf32, #tpu.memory_space<vmem>>) target(%dma_start3A_440 : memref<152x128xf32, #tpu.memory_space<hbm>>) target_semaphore(%run_scoped3A : memref<!tpu.dma_semaphore, #tpu.memory_space<semaphore_mem>>)
      %dma_wait3A_444 = arith.constant 0 : i32
      %dma_wait3A_445 = arith.constant 0 : i32
      %dma_wait3A_446 = tpu.memref_slice %arg14[%dma_wait3A_444, %dma_wait3A_445] : memref<160x128xf32, #tpu.memory_space<vmem>> -> memref<152x128xf32, #tpu.memory_space<vmem>>
      %dma_wait3A_447 = arith.constant 0 : i32
      %dma_wait3A_448 = tpu.memref_slice %arg5[%add3A_433, %dma_wait3A_447] : memref<20224x128xf32, #tpu.memory_space<hbm>> -> memref<152x128xf32, #tpu.memory_space<hbm>>
      %dma_wait3A_449 = arith.constant 0 : i32
      %dma_wait3A_450 = tpu.memref_slice %arg5[%add3A_433, %dma_wait3A_449] : memref<20224x128xf32, #tpu.memory_space<hbm>> -> memref<152x128xf32, #tpu.memory_space<hbm>>
      %dma_wait3A_451 = arith.constant 0 : i32
      %dma_wait3A_452 = arith.constant 0 : i32
      %dma_wait3A_453 = tpu.memref_slice %arg14[%dma_wait3A_451, %dma_wait3A_452] : memref<160x128xf32, #tpu.memory_space<vmem>> -> memref<152x128xf32, #tpu.memory_space<vmem>>
      tpu.wait_dma2 semaphore(%run_scoped3A : memref<!tpu.dma_semaphore, #tpu.memory_space<semaphore_mem>>) src(%dma_wait3A_453 : memref<152x128xf32, #tpu.memory_space<vmem>>) dst(%dma_wait3A_450 : memref<152x128xf32, #tpu.memory_space<hbm>>)
      tpu.yield
    }) : () -> ()
    return
  }
}

#map = affine_map<(d0, d1) -> (0, 0)>
#map1 = affine_map<(d0, d1) -> (0)>
module attributes {stable_mosaic.version = 14 : i64} {
  func.func @agg(%arg0: i32, %arg1: i32, %arg2: memref<20224x32xf32, #tpu.memory_space<hbm>>, %arg3: memref<163840xi32, #tpu.memory_space<hbm>>, %arg4: memref<163840xi32, #tpu.memory_space<hbm>>, %arg5: memref<6144xf32, #tpu.memory_space<hbm>>, %arg6: memref<20224x32xf32, #tpu.memory_space<hbm>>, %arg7: memref<512xi32, #tpu.memory_space<vmem>>, %arg8: memref<512xi32, #tpu.memory_space<vmem>>, %arg9: memref<512xi32, #tpu.memory_space<vmem>>, %arg10: memref<512x32xf32, #tpu.memory_space<vmem>>, %arg11: memref<512xi32, #tpu.memory_space<vmem>>, %arg12: memref<512xi32, #tpu.memory_space<vmem>>, %arg13: memref<512xi32, #tpu.memory_space<vmem>>, %arg14: memref<512x32xf32, #tpu.memory_space<vmem>>, %arg15: memref<384xf32, #tpu.memory_space<vmem>>, %arg16: memref<512xf32, #tpu.memory_space<vmem>>, %arg17: memref<10112x32xf32, #tpu.memory_space<vmem_shared>>, %arg18: memref<!tpu.dma_semaphore, #tpu.memory_space<semaphore_mem>>, %arg19: memref<!tpu.dma_semaphore, #tpu.memory_space<semaphore_mem>>) attributes {dimension_semantics = [#tpu.dimension_semantics<core_parallel>, #tpu.dimension_semantics<subcore_parallel>], iteration_bounds = array<i64: 2, 16>, scalar_prefetch = 0 : i64, scratch_operands = 13 : i64, tpu.core_type = #tpu.core_type<sc_vector_subcore>, window_params = [{transform_indices = #map}, {transform_indices = #map1}, {transform_indices = #map1}, {transform_indices = #map1}, {transform_indices = #map}]} {
    %mul3A = arith.constant 10112 : i32
    %mul3A_0 = arith.muli %arg0, %mul3A : i32
    %mul3A_1 = arith.constant 10240 : i32
    %mul3A_2 = arith.muli %arg1, %mul3A_1 : i32
    %multiple_of3A = tpu.assume_multiple %mul3A_2, 8 : i32
    %broadcast_in_dim3A = arith.constant 0.000000e+00 : f32
    %broadcast_in_dim3A_3 = vector.broadcast %broadcast_in_dim3A : f32 to vector<16xf32>
    %broadcast_in_dim3A_4 = arith.constant 1.000000e+00 : f32
    %broadcast_in_dim3A_5 = vector.broadcast %broadcast_in_dim3A_4 : f32 to vector<16xf32>
    %scan3A = arith.constant 0 : i32
    %scan3A_6 = arith.constant 0 : i32
    %scan3A_7 = arith.constant 512 : i32
    %scan3A_8 = arith.addi %scan3A_6, %scan3A_7 : i32
    %scan3A_9 = arith.constant 1 : i32
    scf.for %scan3A_548 = %scan3A_6 to %scan3A_8 step %scan3A_9  : i32 {
      %swap3A_549 = arith.index_cast %scan3A_548 : i32 to index
      %swap3A_550 = arith.constant 0 : index
      %swap3A_551 = tpu.vector_load %arg10[%swap3A_549, %swap3A_550] {strides = array<i32>} : memref<512x32xf32, #tpu.memory_space<vmem>>, vector<16xf32>,
      tpu.vector_store %arg10[%swap3A_549, %swap3A_550], %broadcast_in_dim3A_3 {strides = array<i32>} : memref<512x32xf32, #tpu.memory_space<vmem>>, vector<16xf32>,
      %swap3A_552 = arith.index_cast %scan3A_548 : i32 to index
      %swap3A_553 = arith.constant 16 : index
      %swap3A_554 = tpu.vector_load %arg10[%swap3A_552, %swap3A_553] {strides = array<i32>} : memref<512x32xf32, #tpu.memory_space<vmem>>, vector<16xf32>,
      tpu.vector_store %arg10[%swap3A_552, %swap3A_553], %broadcast_in_dim3A_3 {strides = array<i32>} : memref<512x32xf32, #tpu.memory_space<vmem>>, vector<16xf32>,
    }
    %scan3A_10 = arith.constant 512 : i32
    %mul3A_11 = arith.constant 336 : i32
    %mul3A_12 = arith.muli %arg1, %mul3A_11 : i32
    %add3A = arith.constant 0 : i32
    %add3A_13 = arith.addi %mul3A_12, %add3A : i32
    "tpu.region"() ({
      %run_scoped3A = tpu.sem_alloc : memref<!tpu.dma_semaphore, #tpu.memory_space<semaphore_mem>>
      %dma_start3A_548 = arith.constant 0 : i32
      %dma_start3A_549 = arith.constant 0 : i32
      %dma_start3A_550 = tpu.memref_slice %arg10[%dma_start3A_548, %dma_start3A_549] : memref<512x32xf32, #tpu.memory_space<vmem>> -> memref<336x32xf32, #tpu.memory_space<vmem>>
      %dma_start3A_551 = arith.constant 0 : i32
      %dma_start3A_552 = tpu.memref_slice %arg17[%add3A_13, %dma_start3A_551] : memref<10112x32xf32, #tpu.memory_space<vmem_shared>> -> memref<336x32xf32, #tpu.memory_space<vmem_shared>>
      %dma_start3A_553 = arith.constant 0 : i32
      %dma_start3A_554 = tpu.memref_slice %arg17[%add3A_13, %dma_start3A_553] : memref<10112x32xf32, #tpu.memory_space<vmem_shared>> -> memref<336x32xf32, #tpu.memory_space<vmem_shared>>
      %dma_start3A_555 = arith.constant 0 : i32
      %dma_start3A_556 = arith.constant 0 : i32
      %dma_start3A_557 = tpu.memref_slice %arg10[%dma_start3A_555, %dma_start3A_556] : memref<512x32xf32, #tpu.memory_space<vmem>> -> memref<336x32xf32, #tpu.memory_space<vmem>>
      tpu.enqueue_dma source(%dma_start3A_557 : memref<336x32xf32, #tpu.memory_space<vmem>>) target(%dma_start3A_554 : memref<336x32xf32, #tpu.memory_space<vmem_shared>>) target_semaphore(%run_scoped3A : memref<!tpu.dma_semaphore, #tpu.memory_space<semaphore_mem>>)
      %dma_wait3A_558 = arith.constant 0 : i32
      %dma_wait3A_559 = arith.constant 0 : i32
      %dma_wait3A_560 = tpu.memref_slice %arg10[%dma_wait3A_558, %dma_wait3A_559] : memref<512x32xf32, #tpu.memory_space<vmem>> -> memref<336x32xf32, #tpu.memory_space<vmem>>
      %dma_wait3A_561 = arith.constant 0 : i32
      %dma_wait3A_562 = tpu.memref_slice %arg17[%add3A_13, %dma_wait3A_561] : memref<10112x32xf32, #tpu.memory_space<vmem_shared>> -> memref<336x32xf32, #tpu.memory_space<vmem_shared>>
      %dma_wait3A_563 = arith.constant 0 : i32
      %dma_wait3A_564 = tpu.memref_slice %arg17[%add3A_13, %dma_wait3A_563] : memref<10112x32xf32, #tpu.memory_space<vmem_shared>> -> memref<336x32xf32, #tpu.memory_space<vmem_shared>>
      %dma_wait3A_565 = arith.constant 0 : i32
      %dma_wait3A_566 = arith.constant 0 : i32
      %dma_wait3A_567 = tpu.memref_slice %arg10[%dma_wait3A_565, %dma_wait3A_566] : memref<512x32xf32, #tpu.memory_space<vmem>> -> memref<336x32xf32, #tpu.memory_space<vmem>>
      tpu.wait_dma2 semaphore(%run_scoped3A : memref<!tpu.dma_semaphore, #tpu.memory_space<semaphore_mem>>) src(%dma_wait3A_567 : memref<336x32xf32, #tpu.memory_space<vmem>>) dst(%dma_wait3A_564 : memref<336x32xf32, #tpu.memory_space<vmem_shared>>)
      tpu.yield
    }) : () -> ()
    %barrier3A = arith.constant 0 : index
    tpu.barrier barrier_id(%barrier3A)
    %add3A_14 = arith.constant 0 : i32
    %add3A_15 = arith.addi %multiple_of3A, %add3A_14 : i32
    %multiple_of3A_16 = tpu.assume_multiple %add3A_15, 8 : i32
    "tpu.region"() ({
      %run_scoped3A = tpu.sem_alloc : memref<!tpu.dma_semaphore, #tpu.memory_space<semaphore_mem>>
      %dma_start3A_548 = tpu.memref_slice %arg3[%multiple_of3A_16] : memref<163840xi32, #tpu.memory_space<hbm>> -> memref<512xi32, #tpu.memory_space<hbm>>
      %dma_start3A_549 = tpu.memref_slice %arg3[%multiple_of3A_16] : memref<163840xi32, #tpu.memory_space<hbm>> -> memref<512xi32, #tpu.memory_space<hbm>>
      tpu.enqueue_dma source(%dma_start3A_549 : memref<512xi32, #tpu.memory_space<hbm>>) target(%arg7 : memref<512xi32, #tpu.memory_space<vmem>>) target_semaphore(%run_scoped3A : memref<!tpu.dma_semaphore, #tpu.memory_space<semaphore_mem>>)
      %dma_wait3A_550 = tpu.memref_slice %arg3[%multiple_of3A_16] : memref<163840xi32, #tpu.memory_space<hbm>> -> memref<512xi32, #tpu.memory_space<hbm>>
      %dma_wait3A_551 = tpu.memref_slice %arg3[%multiple_of3A_16] : memref<163840xi32, #tpu.memory_space<hbm>> -> memref<512xi32, #tpu.memory_space<hbm>>
      tpu.wait_dma2 semaphore(%run_scoped3A : memref<!tpu.dma_semaphore, #tpu.memory_space<semaphore_mem>>) src(%dma_wait3A_551 : memref<512xi32, #tpu.memory_space<hbm>>) dst(%arg7 : memref<512xi32, #tpu.memory_space<vmem>>)
      tpu.yield
    }) : () -> ()
    "tpu.region"() ({
      %run_scoped3A = tpu.sem_alloc : memref<!tpu.dma_semaphore, #tpu.memory_space<semaphore_mem>>
      %dma_start3A_548 = tpu.memref_slice %arg4[%multiple_of3A_16] : memref<163840xi32, #tpu.memory_space<hbm>> -> memref<512xi32, #tpu.memory_space<hbm>>
      %dma_start3A_549 = tpu.memref_slice %arg4[%multiple_of3A_16] : memref<163840xi32, #tpu.memory_space<hbm>> -> memref<512xi32, #tpu.memory_space<hbm>>
      tpu.enqueue_dma source(%dma_start3A_549 : memref<512xi32, #tpu.memory_space<hbm>>) target(%arg9 : memref<512xi32, #tpu.memory_space<vmem>>) target_semaphore(%run_scoped3A : memref<!tpu.dma_semaphore, #tpu.memory_space<semaphore_mem>>)
      %dma_wait3A_550 = tpu.memref_slice %arg4[%multiple_of3A_16] : memref<163840xi32, #tpu.memory_space<hbm>> -> memref<512xi32, #tpu.memory_space<hbm>>
      %dma_wait3A_551 = tpu.memref_slice %arg4[%multiple_of3A_16] : memref<163840xi32, #tpu.memory_space<hbm>> -> memref<512xi32, #tpu.memory_space<hbm>>
      tpu.wait_dma2 semaphore(%run_scoped3A : memref<!tpu.dma_semaphore, #tpu.memory_space<semaphore_mem>>) src(%dma_wait3A_551 : memref<512xi32, #tpu.memory_space<hbm>>) dst(%arg9 : memref<512xi32, #tpu.memory_space<vmem>>)
      tpu.yield
    }) : () -> ()
    %get3A = arith.constant 0 : index
    %get3A_17 = tpu.vector_load %arg7[%get3A] {strides = array<i32>} : memref<512xi32, #tpu.memory_space<vmem>>, vector<16xi32>,
    %add3A_18 = vector.broadcast %mul3A_0 : i32 to vector<16xi32>
    %add3A_19 = arith.addi %get3A_17, %add3A_18 : vector<16xi32>
    %swap3A = arith.constant 0 : index
    %swap3A_20 = tpu.vector_load %arg8[%swap3A] {strides = array<i32>} : memref<512xi32, #tpu.memory_space<vmem>>, vector<16xi32>,
    tpu.vector_store %arg8[%swap3A], %add3A_19 {strides = array<i32>} : memref<512xi32, #tpu.memory_space<vmem>>, vector<16xi32>,
    %get3A_21 = arith.constant 16 : index
    %get3A_22 = tpu.vector_load %arg7[%get3A_21] {strides = array<i32>} : memref<512xi32, #tpu.memory_space<vmem>>, vector<16xi32>,
    %add3A_23 = vector.broadcast %mul3A_0 : i32 to vector<16xi32>
    %add3A_24 = arith.addi %get3A_22, %add3A_23 : vector<16xi32>
    %swap3A_25 = arith.constant 16 : index
    %swap3A_26 = tpu.vector_load %arg8[%swap3A_25] {strides = array<i32>} : memref<512xi32, #tpu.memory_space<vmem>>, vector<16xi32>,
    tpu.vector_store %arg8[%swap3A_25], %add3A_24 {strides = array<i32>} : memref<512xi32, #tpu.memory_space<vmem>>, vector<16xi32>,
    %get3A_27 = arith.constant 32 : index
    %get3A_28 = tpu.vector_load %arg7[%get3A_27] {strides = array<i32>} : memref<512xi32, #tpu.memory_space<vmem>>, vector<16xi32>,
    %add3A_29 = vector.broadcast %mul3A_0 : i32 to vector<16xi32>
    %add3A_30 = arith.addi %get3A_28, %add3A_29 : vector<16xi32>
    %swap3A_31 = arith.constant 32 : index
    %swap3A_32 = tpu.vector_load %arg8[%swap3A_31] {strides = array<i32>} : memref<512xi32, #tpu.memory_space<vmem>>, vector<16xi32>,
    tpu.vector_store %arg8[%swap3A_31], %add3A_30 {strides = array<i32>} : memref<512xi32, #tpu.memory_space<vmem>>, vector<16xi32>,
    %get3A_33 = arith.constant 48 : index
    %get3A_34 = tpu.vector_load %arg7[%get3A_33] {strides = array<i32>} : memref<512xi32, #tpu.memory_space<vmem>>, vector<16xi32>,
    %add3A_35 = vector.broadcast %mul3A_0 : i32 to vector<16xi32>
    %add3A_36 = arith.addi %get3A_34, %add3A_35 : vector<16xi32>
    %swap3A_37 = arith.constant 48 : index
    %swap3A_38 = tpu.vector_load %arg8[%swap3A_37] {strides = array<i32>} : memref<512xi32, #tpu.memory_space<vmem>>, vector<16xi32>,
    tpu.vector_store %arg8[%swap3A_37], %add3A_36 {strides = array<i32>} : memref<512xi32, #tpu.memory_space<vmem>>, vector<16xi32>,
    %get3A_39 = arith.constant 64 : index
    %get3A_40 = tpu.vector_load %arg7[%get3A_39] {strides = array<i32>} : memref<512xi32, #tpu.memory_space<vmem>>, vector<16xi32>,
    %add3A_41 = vector.broadcast %mul3A_0 : i32 to vector<16xi32>
    %add3A_42 = arith.addi %get3A_40, %add3A_41 : vector<16xi32>
    %swap3A_43 = arith.constant 64 : index
    %swap3A_44 = tpu.vector_load %arg8[%swap3A_43] {strides = array<i32>} : memref<512xi32, #tpu.memory_space<vmem>>, vector<16xi32>,
    tpu.vector_store %arg8[%swap3A_43], %add3A_42 {strides = array<i32>} : memref<512xi32, #tpu.memory_space<vmem>>, vector<16xi32>,
    %get3A_45 = arith.constant 80 : index
    %get3A_46 = tpu.vector_load %arg7[%get3A_45] {strides = array<i32>} : memref<512xi32, #tpu.memory_space<vmem>>, vector<16xi32>,
    %add3A_47 = vector.broadcast %mul3A_0 : i32 to vector<16xi32>
    %add3A_48 = arith.addi %get3A_46, %add3A_47 : vector<16xi32>
    %swap3A_49 = arith.constant 80 : index
    %swap3A_50 = tpu.vector_load %arg8[%swap3A_49] {strides = array<i32>} : memref<512xi32, #tpu.memory_space<vmem>>, vector<16xi32>,
    tpu.vector_store %arg8[%swap3A_49], %add3A_48 {strides = array<i32>} : memref<512xi32, #tpu.memory_space<vmem>>, vector<16xi32>,
    %get3A_51 = arith.constant 96 : index
    %get3A_52 = tpu.vector_load %arg7[%get3A_51] {strides = array<i32>} : memref<512xi32, #tpu.memory_space<vmem>>, vector<16xi32>,
    %add3A_53 = vector.broadcast %mul3A_0 : i32 to vector<16xi32>
    %add3A_54 = arith.addi %get3A_52, %add3A_53 : vector<16xi32>
    %swap3A_55 = arith.constant 96 : index
    %swap3A_56 = tpu.vector_load %arg8[%swap3A_55] {strides = array<i32>} : memref<512xi32, #tpu.memory_space<vmem>>, vector<16xi32>,
    tpu.vector_store %arg8[%swap3A_55], %add3A_54 {strides = array<i32>} : memref<512xi32, #tpu.memory_space<vmem>>, vector<16xi32>,
    %get3A_57 = arith.constant 112 : index
    %get3A_58 = tpu.vector_load %arg7[%get3A_57] {strides = array<i32>} : memref<512xi32, #tpu.memory_space<vmem>>, vector<16xi32>,
    %add3A_59 = vector.broadcast %mul3A_0 : i32 to vector<16xi32>
    %add3A_60 = arith.addi %get3A_58, %add3A_59 : vector<16xi32>
    %swap3A_61 = arith.constant 112 : index
    %swap3A_62 = tpu.vector_load %arg8[%swap3A_61] {strides = array<i32>} : memref<512xi32, #tpu.memory_space<vmem>>, vector<16xi32>,
    tpu.vector_store %arg8[%swap3A_61], %add3A_60 {strides = array<i32>} : memref<512xi32, #tpu.memory_space<vmem>>, vector<16xi32>,
    %get3A_63 = arith.constant 128 : index
    %get3A_64 = tpu.vector_load %arg7[%get3A_63] {strides = array<i32>} : memref<512xi32, #tpu.memory_space<vmem>>, vector<16xi32>,
    %add3A_65 = vector.broadcast %mul3A_0 : i32 to vector<16xi32>
    %add3A_66 = arith.addi %get3A_64, %add3A_65 : vector<16xi32>
    %swap3A_67 = arith.constant 128 : index
    %swap3A_68 = tpu.vector_load %arg8[%swap3A_67] {strides = array<i32>} : memref<512xi32, #tpu.memory_space<vmem>>, vector<16xi32>,
    tpu.vector_store %arg8[%swap3A_67], %add3A_66 {strides = array<i32>} : memref<512xi32, #tpu.memory_space<vmem>>, vector<16xi32>,
    %get3A_69 = arith.constant 144 : index
    %get3A_70 = tpu.vector_load %arg7[%get3A_69] {strides = array<i32>} : memref<512xi32, #tpu.memory_space<vmem>>, vector<16xi32>,
    %add3A_71 = vector.broadcast %mul3A_0 : i32 to vector<16xi32>
    %add3A_72 = arith.addi %get3A_70, %add3A_71 : vector<16xi32>
    %swap3A_73 = arith.constant 144 : index
    %swap3A_74 = tpu.vector_load %arg8[%swap3A_73] {strides = array<i32>} : memref<512xi32, #tpu.memory_space<vmem>>, vector<16xi32>,
    tpu.vector_store %arg8[%swap3A_73], %add3A_72 {strides = array<i32>} : memref<512xi32, #tpu.memory_space<vmem>>, vector<16xi32>,
    %get3A_75 = arith.constant 160 : index
    %get3A_76 = tpu.vector_load %arg7[%get3A_75] {strides = array<i32>} : memref<512xi32, #tpu.memory_space<vmem>>, vector<16xi32>,
    %add3A_77 = vector.broadcast %mul3A_0 : i32 to vector<16xi32>
    %add3A_78 = arith.addi %get3A_76, %add3A_77 : vector<16xi32>
    %swap3A_79 = arith.constant 160 : index
    %swap3A_80 = tpu.vector_load %arg8[%swap3A_79] {strides = array<i32>} : memref<512xi32, #tpu.memory_space<vmem>>, vector<16xi32>,
    tpu.vector_store %arg8[%swap3A_79], %add3A_78 {strides = array<i32>} : memref<512xi32, #tpu.memory_space<vmem>>, vector<16xi32>,
    %get3A_81 = arith.constant 176 : index
    %get3A_82 = tpu.vector_load %arg7[%get3A_81] {strides = array<i32>} : memref<512xi32, #tpu.memory_space<vmem>>, vector<16xi32>,
    %add3A_83 = vector.broadcast %mul3A_0 : i32 to vector<16xi32>
    %add3A_84 = arith.addi %get3A_82, %add3A_83 : vector<16xi32>
    %swap3A_85 = arith.constant 176 : index
    %swap3A_86 = tpu.vector_load %arg8[%swap3A_85] {strides = array<i32>} : memref<512xi32, #tpu.memory_space<vmem>>, vector<16xi32>,
    tpu.vector_store %arg8[%swap3A_85], %add3A_84 {strides = array<i32>} : memref<512xi32, #tpu.memory_space<vmem>>, vector<16xi32>,
    %get3A_87 = arith.constant 192 : index
    %get3A_88 = tpu.vector_load %arg7[%get3A_87] {strides = array<i32>} : memref<512xi32, #tpu.memory_space<vmem>>, vector<16xi32>,
    %add3A_89 = vector.broadcast %mul3A_0 : i32 to vector<16xi32>
    %add3A_90 = arith.addi %get3A_88, %add3A_89 : vector<16xi32>
    %swap3A_91 = arith.constant 192 : index
    %swap3A_92 = tpu.vector_load %arg8[%swap3A_91] {strides = array<i32>} : memref<512xi32, #tpu.memory_space<vmem>>, vector<16xi32>,
    tpu.vector_store %arg8[%swap3A_91], %add3A_90 {strides = array<i32>} : memref<512xi32, #tpu.memory_space<vmem>>, vector<16xi32>,
    %get3A_93 = arith.constant 208 : index
    %get3A_94 = tpu.vector_load %arg7[%get3A_93] {strides = array<i32>} : memref<512xi32, #tpu.memory_space<vmem>>, vector<16xi32>,
    %add3A_95 = vector.broadcast %mul3A_0 : i32 to vector<16xi32>
    %add3A_96 = arith.addi %get3A_94, %add3A_95 : vector<16xi32>
    %swap3A_97 = arith.constant 208 : index
    %swap3A_98 = tpu.vector_load %arg8[%swap3A_97] {strides = array<i32>} : memref<512xi32, #tpu.memory_space<vmem>>, vector<16xi32>,
    tpu.vector_store %arg8[%swap3A_97], %add3A_96 {strides = array<i32>} : memref<512xi32, #tpu.memory_space<vmem>>, vector<16xi32>,
    %get3A_99 = arith.constant 224 : index
    %get3A_100 = tpu.vector_load %arg7[%get3A_99] {strides = array<i32>} : memref<512xi32, #tpu.memory_space<vmem>>, vector<16xi32>,
    %add3A_101 = vector.broadcast %mul3A_0 : i32 to vector<16xi32>
    %add3A_102 = arith.addi %get3A_100, %add3A_101 : vector<16xi32>
    %swap3A_103 = arith.constant 224 : index
    %swap3A_104 = tpu.vector_load %arg8[%swap3A_103] {strides = array<i32>} : memref<512xi32, #tpu.memory_space<vmem>>, vector<16xi32>,
    tpu.vector_store %arg8[%swap3A_103], %add3A_102 {strides = array<i32>} : memref<512xi32, #tpu.memory_space<vmem>>, vector<16xi32>,
    %get3A_105 = arith.constant 240 : index
    %get3A_106 = tpu.vector_load %arg7[%get3A_105] {strides = array<i32>} : memref<512xi32, #tpu.memory_space<vmem>>, vector<16xi32>,
    %add3A_107 = vector.broadcast %mul3A_0 : i32 to vector<16xi32>
    %add3A_108 = arith.addi %get3A_106, %add3A_107 : vector<16xi32>
    %swap3A_109 = arith.constant 240 : index
    %swap3A_110 = tpu.vector_load %arg8[%swap3A_109] {strides = array<i32>} : memref<512xi32, #tpu.memory_space<vmem>>, vector<16xi32>,
    tpu.vector_store %arg8[%swap3A_109], %add3A_108 {strides = array<i32>} : memref<512xi32, #tpu.memory_space<vmem>>, vector<16xi32>,
    %get3A_111 = arith.constant 256 : index
    %get3A_112 = tpu.vector_load %arg7[%get3A_111] {strides = array<i32>} : memref<512xi32, #tpu.memory_space<vmem>>, vector<16xi32>,
    %add3A_113 = vector.broadcast %mul3A_0 : i32 to vector<16xi32>
    %add3A_114 = arith.addi %get3A_112, %add3A_113 : vector<16xi32>
    %swap3A_115 = arith.constant 256 : index
    %swap3A_116 = tpu.vector_load %arg8[%swap3A_115] {strides = array<i32>} : memref<512xi32, #tpu.memory_space<vmem>>, vector<16xi32>,
    tpu.vector_store %arg8[%swap3A_115], %add3A_114 {strides = array<i32>} : memref<512xi32, #tpu.memory_space<vmem>>, vector<16xi32>,
    %get3A_117 = arith.constant 272 : index
    %get3A_118 = tpu.vector_load %arg7[%get3A_117] {strides = array<i32>} : memref<512xi32, #tpu.memory_space<vmem>>, vector<16xi32>,
    %add3A_119 = vector.broadcast %mul3A_0 : i32 to vector<16xi32>
    %add3A_120 = arith.addi %get3A_118, %add3A_119 : vector<16xi32>
    %swap3A_121 = arith.constant 272 : index
    %swap3A_122 = tpu.vector_load %arg8[%swap3A_121] {strides = array<i32>} : memref<512xi32, #tpu.memory_space<vmem>>, vector<16xi32>,
    tpu.vector_store %arg8[%swap3A_121], %add3A_120 {strides = array<i32>} : memref<512xi32, #tpu.memory_space<vmem>>, vector<16xi32>,
    %get3A_123 = arith.constant 288 : index
    %get3A_124 = tpu.vector_load %arg7[%get3A_123] {strides = array<i32>} : memref<512xi32, #tpu.memory_space<vmem>>, vector<16xi32>,
    %add3A_125 = vector.broadcast %mul3A_0 : i32 to vector<16xi32>
    %add3A_126 = arith.addi %get3A_124, %add3A_125 : vector<16xi32>
    %swap3A_127 = arith.constant 288 : index
    %swap3A_128 = tpu.vector_load %arg8[%swap3A_127] {strides = array<i32>} : memref<512xi32, #tpu.memory_space<vmem>>, vector<16xi32>,
    tpu.vector_store %arg8[%swap3A_127], %add3A_126 {strides = array<i32>} : memref<512xi32, #tpu.memory_space<vmem>>, vector<16xi32>,
    %get3A_129 = arith.constant 304 : index
    %get3A_130 = tpu.vector_load %arg7[%get3A_129] {strides = array<i32>} : memref<512xi32, #tpu.memory_space<vmem>>, vector<16xi32>,
    %add3A_131 = vector.broadcast %mul3A_0 : i32 to vector<16xi32>
    %add3A_132 = arith.addi %get3A_130, %add3A_131 : vector<16xi32>
    %swap3A_133 = arith.constant 304 : index
    %swap3A_134 = tpu.vector_load %arg8[%swap3A_133] {strides = array<i32>} : memref<512xi32, #tpu.memory_space<vmem>>, vector<16xi32>,
    tpu.vector_store %arg8[%swap3A_133], %add3A_132 {strides = array<i32>} : memref<512xi32, #tpu.memory_space<vmem>>, vector<16xi32>,
    %get3A_135 = arith.constant 320 : index
    %get3A_136 = tpu.vector_load %arg7[%get3A_135] {strides = array<i32>} : memref<512xi32, #tpu.memory_space<vmem>>, vector<16xi32>,
    %add3A_137 = vector.broadcast %mul3A_0 : i32 to vector<16xi32>
    %add3A_138 = arith.addi %get3A_136, %add3A_137 : vector<16xi32>
    %swap3A_139 = arith.constant 320 : index
    %swap3A_140 = tpu.vector_load %arg8[%swap3A_139] {strides = array<i32>} : memref<512xi32, #tpu.memory_space<vmem>>, vector<16xi32>,
    tpu.vector_store %arg8[%swap3A_139], %add3A_138 {strides = array<i32>} : memref<512xi32, #tpu.memory_space<vmem>>, vector<16xi32>,
    %get3A_141 = arith.constant 336 : index
    %get3A_142 = tpu.vector_load %arg7[%get3A_141] {strides = array<i32>} : memref<512xi32, #tpu.memory_space<vmem>>, vector<16xi32>,
    %add3A_143 = vector.broadcast %mul3A_0 : i32 to vector<16xi32>
    %add3A_144 = arith.addi %get3A_142, %add3A_143 : vector<16xi32>
    %swap3A_145 = arith.constant 336 : index
    %swap3A_146 = tpu.vector_load %arg8[%swap3A_145] {strides = array<i32>} : memref<512xi32, #tpu.memory_space<vmem>>, vector<16xi32>,
    tpu.vector_store %arg8[%swap3A_145], %add3A_144 {strides = array<i32>} : memref<512xi32, #tpu.memory_space<vmem>>, vector<16xi32>,
    %get3A_147 = arith.constant 352 : index
    %get3A_148 = tpu.vector_load %arg7[%get3A_147] {strides = array<i32>} : memref<512xi32, #tpu.memory_space<vmem>>, vector<16xi32>,
    %add3A_149 = vector.broadcast %mul3A_0 : i32 to vector<16xi32>
    %add3A_150 = arith.addi %get3A_148, %add3A_149 : vector<16xi32>
    %swap3A_151 = arith.constant 352 : index
    %swap3A_152 = tpu.vector_load %arg8[%swap3A_151] {strides = array<i32>} : memref<512xi32, #tpu.memory_space<vmem>>, vector<16xi32>,
    tpu.vector_store %arg8[%swap3A_151], %add3A_150 {strides = array<i32>} : memref<512xi32, #tpu.memory_space<vmem>>, vector<16xi32>,
    %get3A_153 = arith.constant 368 : index
    %get3A_154 = tpu.vector_load %arg7[%get3A_153] {strides = array<i32>} : memref<512xi32, #tpu.memory_space<vmem>>, vector<16xi32>,
    %add3A_155 = vector.broadcast %mul3A_0 : i32 to vector<16xi32>
    %add3A_156 = arith.addi %get3A_154, %add3A_155 : vector<16xi32>
    %swap3A_157 = arith.constant 368 : index
    %swap3A_158 = tpu.vector_load %arg8[%swap3A_157] {strides = array<i32>} : memref<512xi32, #tpu.memory_space<vmem>>, vector<16xi32>,
    tpu.vector_store %arg8[%swap3A_157], %add3A_156 {strides = array<i32>} : memref<512xi32, #tpu.memory_space<vmem>>, vector<16xi32>,
    %get3A_159 = arith.constant 384 : index
    %get3A_160 = tpu.vector_load %arg7[%get3A_159] {strides = array<i32>} : memref<512xi32, #tpu.memory_space<vmem>>, vector<16xi32>,
    %add3A_161 = vector.broadcast %mul3A_0 : i32 to vector<16xi32>
    %add3A_162 = arith.addi %get3A_160, %add3A_161 : vector<16xi32>
    %swap3A_163 = arith.constant 384 : index
    %swap3A_164 = tpu.vector_load %arg8[%swap3A_163] {strides = array<i32>} : memref<512xi32, #tpu.memory_space<vmem>>, vector<16xi32>,
    tpu.vector_store %arg8[%swap3A_163], %add3A_162 {strides = array<i32>} : memref<512xi32, #tpu.memory_space<vmem>>, vector<16xi32>,
    %get3A_165 = arith.constant 400 : index
    %get3A_166 = tpu.vector_load %arg7[%get3A_165] {strides = array<i32>} : memref<512xi32, #tpu.memory_space<vmem>>, vector<16xi32>,
    %add3A_167 = vector.broadcast %mul3A_0 : i32 to vector<16xi32>
    %add3A_168 = arith.addi %get3A_166, %add3A_167 : vector<16xi32>
    %swap3A_169 = arith.constant 400 : index
    %swap3A_170 = tpu.vector_load %arg8[%swap3A_169] {strides = array<i32>} : memref<512xi32, #tpu.memory_space<vmem>>, vector<16xi32>,
    tpu.vector_store %arg8[%swap3A_169], %add3A_168 {strides = array<i32>} : memref<512xi32, #tpu.memory_space<vmem>>, vector<16xi32>,
    %get3A_171 = arith.constant 416 : index
    %get3A_172 = tpu.vector_load %arg7[%get3A_171] {strides = array<i32>} : memref<512xi32, #tpu.memory_space<vmem>>, vector<16xi32>,
    %add3A_173 = vector.broadcast %mul3A_0 : i32 to vector<16xi32>
    %add3A_174 = arith.addi %get3A_172, %add3A_173 : vector<16xi32>
    %swap3A_175 = arith.constant 416 : index
    %swap3A_176 = tpu.vector_load %arg8[%swap3A_175] {strides = array<i32>} : memref<512xi32, #tpu.memory_space<vmem>>, vector<16xi32>,
    tpu.vector_store %arg8[%swap3A_175], %add3A_174 {strides = array<i32>} : memref<512xi32, #tpu.memory_space<vmem>>, vector<16xi32>,
    %get3A_177 = arith.constant 432 : index
    %get3A_178 = tpu.vector_load %arg7[%get3A_177] {strides = array<i32>} : memref<512xi32, #tpu.memory_space<vmem>>, vector<16xi32>,
    %add3A_179 = vector.broadcast %mul3A_0 : i32 to vector<16xi32>
    %add3A_180 = arith.addi %get3A_178, %add3A_179 : vector<16xi32>
    %swap3A_181 = arith.constant 432 : index
    %swap3A_182 = tpu.vector_load %arg8[%swap3A_181] {strides = array<i32>} : memref<512xi32, #tpu.memory_space<vmem>>, vector<16xi32>,
    tpu.vector_store %arg8[%swap3A_181], %add3A_180 {strides = array<i32>} : memref<512xi32, #tpu.memory_space<vmem>>, vector<16xi32>,
    %get3A_183 = arith.constant 448 : index
    %get3A_184 = tpu.vector_load %arg7[%get3A_183] {strides = array<i32>} : memref<512xi32, #tpu.memory_space<vmem>>, vector<16xi32>,
    %add3A_185 = vector.broadcast %mul3A_0 : i32 to vector<16xi32>
    %add3A_186 = arith.addi %get3A_184, %add3A_185 : vector<16xi32>
    %swap3A_187 = arith.constant 448 : index
    %swap3A_188 = tpu.vector_load %arg8[%swap3A_187] {strides = array<i32>} : memref<512xi32, #tpu.memory_space<vmem>>, vector<16xi32>,
    tpu.vector_store %arg8[%swap3A_187], %add3A_186 {strides = array<i32>} : memref<512xi32, #tpu.memory_space<vmem>>, vector<16xi32>,
    %get3A_189 = arith.constant 464 : index
    %get3A_190 = tpu.vector_load %arg7[%get3A_189] {strides = array<i32>} : memref<512xi32, #tpu.memory_space<vmem>>, vector<16xi32>,
    %add3A_191 = vector.broadcast %mul3A_0 : i32 to vector<16xi32>
    %add3A_192 = arith.addi %get3A_190, %add3A_191 : vector<16xi32>
    %swap3A_193 = arith.constant 464 : index
    %swap3A_194 = tpu.vector_load %arg8[%swap3A_193] {strides = array<i32>} : memref<512xi32, #tpu.memory_space<vmem>>, vector<16xi32>,
    tpu.vector_store %arg8[%swap3A_193], %add3A_192 {strides = array<i32>} : memref<512xi32, #tpu.memory_space<vmem>>, vector<16xi32>,
    %get3A_195 = arith.constant 480 : index
    %get3A_196 = tpu.vector_load %arg7[%get3A_195] {strides = array<i32>} : memref<512xi32, #tpu.memory_space<vmem>>, vector<16xi32>,
    %add3A_197 = vector.broadcast %mul3A_0 : i32 to vector<16xi32>
    %add3A_198 = arith.addi %get3A_196, %add3A_197 : vector<16xi32>
    %swap3A_199 = arith.constant 480 : index
    %swap3A_200 = tpu.vector_load %arg8[%swap3A_199] {strides = array<i32>} : memref<512xi32, #tpu.memory_space<vmem>>, vector<16xi32>,
    tpu.vector_store %arg8[%swap3A_199], %add3A_198 {strides = array<i32>} : memref<512xi32, #tpu.memory_space<vmem>>, vector<16xi32>,
    %get3A_201 = arith.constant 496 : index
    %get3A_202 = tpu.vector_load %arg7[%get3A_201] {strides = array<i32>} : memref<512xi32, #tpu.memory_space<vmem>>, vector<16xi32>,
    %add3A_203 = vector.broadcast %mul3A_0 : i32 to vector<16xi32>
    %add3A_204 = arith.addi %get3A_202, %add3A_203 : vector<16xi32>
    %swap3A_205 = arith.constant 496 : index
    %swap3A_206 = tpu.vector_load %arg8[%swap3A_205] {strides = array<i32>} : memref<512xi32, #tpu.memory_space<vmem>>, vector<16xi32>,
    tpu.vector_store %arg8[%swap3A_205], %add3A_204 {strides = array<i32>} : memref<512xi32, #tpu.memory_space<vmem>>, vector<16xi32>,
    %dma_start3A = arith.constant 0 : i32
    %dma_start3A_207 = arith.constant 0 : i32
    %dma_start3A_208 = tpu.memref_slice %arg2[%dma_start3A, %dma_start3A_207] : memref<20224x32xf32, #tpu.memory_space<hbm>> -> memref<20224x32xf32, #tpu.memory_space<hbm>>
    tpu.enqueue_indirect_dma source(%dma_start3A_208 : memref<20224x32xf32, #tpu.memory_space<hbm>>) target(%arg10 : memref<512x32xf32, #tpu.memory_space<vmem>>) offsets(%arg8 : memref<512xi32, #tpu.memory_space<vmem>>) semaphore(%arg18 : memref<!tpu.dma_semaphore, #tpu.memory_space<semaphore_mem>>)
    %scan3A_209 = arith.constant 0 : i32
    %scan3A_210 = arith.constant 0 : i32
    %scan3A_211 = arith.constant 10 : i32
    %scan3A_212 = arith.addi %scan3A_210, %scan3A_211 : i32
    %scan3A_213 = arith.constant 1 : i32
    scf.for %scan3A_548 = %scan3A_210 to %scan3A_212 step %scan3A_213  : i32 {
      %mul3A_549 = arith.constant 2 : i32
      %mul3A_550 = arith.muli %scan3A_548, %mul3A_549 : i32
      %add3A_551 = arith.constant 1 : i32
      %add3A_552 = arith.addi %mul3A_550, %add3A_551 : i32
      %mul3A_553 = arith.constant 512 : i32
      %mul3A_554 = arith.muli %add3A_552, %mul3A_553 : i32
      %add3A_555 = arith.addi %multiple_of3A, %mul3A_554 : i32
      %multiple_of3A_556 = tpu.assume_multiple %add3A_555, 8 : i32
      "tpu.region"() ({
        %run_scoped3A = tpu.sem_alloc : memref<!tpu.dma_semaphore, #tpu.memory_space<semaphore_mem>>
        %dma_start3A_771 = tpu.memref_slice %arg3[%multiple_of3A_556] : memref<163840xi32, #tpu.memory_space<hbm>> -> memref<512xi32, #tpu.memory_space<hbm>>
        %dma_start3A_772 = tpu.memref_slice %arg3[%multiple_of3A_556] : memref<163840xi32, #tpu.memory_space<hbm>> -> memref<512xi32, #tpu.memory_space<hbm>>
        tpu.enqueue_dma source(%dma_start3A_772 : memref<512xi32, #tpu.memory_space<hbm>>) target(%arg11 : memref<512xi32, #tpu.memory_space<vmem>>) target_semaphore(%run_scoped3A : memref<!tpu.dma_semaphore, #tpu.memory_space<semaphore_mem>>)
        %dma_wait3A_773 = tpu.memref_slice %arg3[%multiple_of3A_556] : memref<163840xi32, #tpu.memory_space<hbm>> -> memref<512xi32, #tpu.memory_space<hbm>>
        %dma_wait3A_774 = tpu.memref_slice %arg3[%multiple_of3A_556] : memref<163840xi32, #tpu.memory_space<hbm>> -> memref<512xi32, #tpu.memory_space<hbm>>
        tpu.wait_dma2 semaphore(%run_scoped3A : memref<!tpu.dma_semaphore, #tpu.memory_space<semaphore_mem>>) src(%dma_wait3A_774 : memref<512xi32, #tpu.memory_space<hbm>>) dst(%arg11 : memref<512xi32, #tpu.memory_space<vmem>>)
        tpu.yield
      }) : () -> ()
      "tpu.region"() ({
        %run_scoped3A = tpu.sem_alloc : memref<!tpu.dma_semaphore, #tpu.memory_space<semaphore_mem>>
        %dma_start3A_771 = tpu.memref_slice %arg4[%multiple_of3A_556] : memref<163840xi32, #tpu.memory_space<hbm>> -> memref<512xi32, #tpu.memory_space<hbm>>
        %dma_start3A_772 = tpu.memref_slice %arg4[%multiple_of3A_556] : memref<163840xi32, #tpu.memory_space<hbm>> -> memref<512xi32, #tpu.memory_space<hbm>>
        tpu.enqueue_dma source(%dma_start3A_772 : memref<512xi32, #tpu.memory_space<hbm>>) target(%arg13 : memref<512xi32, #tpu.memory_space<vmem>>) target_semaphore(%run_scoped3A : memref<!tpu.dma_semaphore, #tpu.memory_space<semaphore_mem>>)
        %dma_wait3A_773 = tpu.memref_slice %arg4[%multiple_of3A_556] : memref<163840xi32, #tpu.memory_space<hbm>> -> memref<512xi32, #tpu.memory_space<hbm>>
        %dma_wait3A_774 = tpu.memref_slice %arg4[%multiple_of3A_556] : memref<163840xi32, #tpu.memory_space<hbm>> -> memref<512xi32, #tpu.memory_space<hbm>>
        tpu.wait_dma2 semaphore(%run_scoped3A : memref<!tpu.dma_semaphore, #tpu.memory_space<semaphore_mem>>) src(%dma_wait3A_774 : memref<512xi32, #tpu.memory_space<hbm>>) dst(%arg13 : memref<512xi32, #tpu.memory_space<vmem>>)
        tpu.yield
      }) : () -> ()
      %get3A_557 = arith.constant 0 : index
      %get3A_558 = tpu.vector_load %arg11[%get3A_557] {strides = array<i32>} : memref<512xi32, #tpu.memory_space<vmem>>, vector<16xi32>,
      %add3A_559 = vector.broadcast %mul3A_0 : i32 to vector<16xi32>
      %add3A_560 = arith.addi %get3A_558, %add3A_559 : vector<16xi32>
      %swap3A_561 = arith.constant 0 : index
      %swap3A_562 = tpu.vector_load %arg12[%swap3A_561] {strides = array<i32>} : memref<512xi32, #tpu.memory_space<vmem>>, vector<16xi32>,
      tpu.vector_store %arg12[%swap3A_561], %add3A_560 {strides = array<i32>} : memref<512xi32, #tpu.memory_space<vmem>>, vector<16xi32>,
      %get3A_563 = arith.constant 16 : index
      %get3A_564 = tpu.vector_load %arg11[%get3A_563] {strides = array<i32>} : memref<512xi32, #tpu.memory_space<vmem>>, vector<16xi32>,
      %add3A_565 = vector.broadcast %mul3A_0 : i32 to vector<16xi32>
      %add3A_566 = arith.addi %get3A_564, %add3A_565 : vector<16xi32>
      %swap3A_567 = arith.constant 16 : index
      %swap3A_568 = tpu.vector_load %arg12[%swap3A_567] {strides = array<i32>} : memref<512xi32, #tpu.memory_space<vmem>>, vector<16xi32>,
      tpu.vector_store %arg12[%swap3A_567], %add3A_566 {strides = array<i32>} : memref<512xi32, #tpu.memory_space<vmem>>, vector<16xi32>,
      %get3A_569 = arith.constant 32 : index
      %get3A_570 = tpu.vector_load %arg11[%get3A_569] {strides = array<i32>} : memref<512xi32, #tpu.memory_space<vmem>>, vector<16xi32>,
      %add3A_571 = vector.broadcast %mul3A_0 : i32 to vector<16xi32>
      %add3A_572 = arith.addi %get3A_570, %add3A_571 : vector<16xi32>
      %swap3A_573 = arith.constant 32 : index
      %swap3A_574 = tpu.vector_load %arg12[%swap3A_573] {strides = array<i32>} : memref<512xi32, #tpu.memory_space<vmem>>, vector<16xi32>,
      tpu.vector_store %arg12[%swap3A_573], %add3A_572 {strides = array<i32>} : memref<512xi32, #tpu.memory_space<vmem>>, vector<16xi32>,
      %get3A_575 = arith.constant 48 : index
      %get3A_576 = tpu.vector_load %arg11[%get3A_575] {strides = array<i32>} : memref<512xi32, #tpu.memory_space<vmem>>, vector<16xi32>,
      %add3A_577 = vector.broadcast %mul3A_0 : i32 to vector<16xi32>
      %add3A_578 = arith.addi %get3A_576, %add3A_577 : vector<16xi32>
      %swap3A_579 = arith.constant 48 : index
      %swap3A_580 = tpu.vector_load %arg12[%swap3A_579] {strides = array<i32>} : memref<512xi32, #tpu.memory_space<vmem>>, vector<16xi32>,
      tpu.vector_store %arg12[%swap3A_579], %add3A_578 {strides = array<i32>} : memref<512xi32, #tpu.memory_space<vmem>>, vector<16xi32>,
      %get3A_581 = arith.constant 64 : index
      %get3A_582 = tpu.vector_load %arg11[%get3A_581] {strides = array<i32>} : memref<512xi32, #tpu.memory_space<vmem>>, vector<16xi32>,
      %add3A_583 = vector.broadcast %mul3A_0 : i32 to vector<16xi32>
      %add3A_584 = arith.addi %get3A_582, %add3A_583 : vector<16xi32>
      %swap3A_585 = arith.constant 64 : index
      %swap3A_586 = tpu.vector_load %arg12[%swap3A_585] {strides = array<i32>} : memref<512xi32, #tpu.memory_space<vmem>>, vector<16xi32>,
      tpu.vector_store %arg12[%swap3A_585], %add3A_584 {strides = array<i32>} : memref<512xi32, #tpu.memory_space<vmem>>, vector<16xi32>,
      %get3A_587 = arith.constant 80 : index
      %get3A_588 = tpu.vector_load %arg11[%get3A_587] {strides = array<i32>} : memref<512xi32, #tpu.memory_space<vmem>>, vector<16xi32>,
      %add3A_589 = vector.broadcast %mul3A_0 : i32 to vector<16xi32>
      %add3A_590 = arith.addi %get3A_588, %add3A_589 : vector<16xi32>
      %swap3A_591 = arith.constant 80 : index
      %swap3A_592 = tpu.vector_load %arg12[%swap3A_591] {strides = array<i32>} : memref<512xi32, #tpu.memory_space<vmem>>, vector<16xi32>,
      tpu.vector_store %arg12[%swap3A_591], %add3A_590 {strides = array<i32>} : memref<512xi32, #tpu.memory_space<vmem>>, vector<16xi32>,
      %get3A_593 = arith.constant 96 : index
      %get3A_594 = tpu.vector_load %arg11[%get3A_593] {strides = array<i32>} : memref<512xi32, #tpu.memory_space<vmem>>, vector<16xi32>,
      %add3A_595 = vector.broadcast %mul3A_0 : i32 to vector<16xi32>
      %add3A_596 = arith.addi %get3A_594, %add3A_595 : vector<16xi32>
      %swap3A_597 = arith.constant 96 : index
      %swap3A_598 = tpu.vector_load %arg12[%swap3A_597] {strides = array<i32>} : memref<512xi32, #tpu.memory_space<vmem>>, vector<16xi32>,
      tpu.vector_store %arg12[%swap3A_597], %add3A_596 {strides = array<i32>} : memref<512xi32, #tpu.memory_space<vmem>>, vector<16xi32>,
      %get3A_599 = arith.constant 112 : index
      %get3A_600 = tpu.vector_load %arg11[%get3A_599] {strides = array<i32>} : memref<512xi32, #tpu.memory_space<vmem>>, vector<16xi32>,
      %add3A_601 = vector.broadcast %mul3A_0 : i32 to vector<16xi32>
      %add3A_602 = arith.addi %get3A_600, %add3A_601 : vector<16xi32>
      %swap3A_603 = arith.constant 112 : index
      %swap3A_604 = tpu.vector_load %arg12[%swap3A_603] {strides = array<i32>} : memref<512xi32, #tpu.memory_space<vmem>>, vector<16xi32>,
      tpu.vector_store %arg12[%swap3A_603], %add3A_602 {strides = array<i32>} : memref<512xi32, #tpu.memory_space<vmem>>, vector<16xi32>,
      %get3A_605 = arith.constant 128 : index
      %get3A_606 = tpu.vector_load %arg11[%get3A_605] {strides = array<i32>} : memref<512xi32, #tpu.memory_space<vmem>>, vector<16xi32>,
      %add3A_607 = vector.broadcast %mul3A_0 : i32 to vector<16xi32>
      %add3A_608 = arith.addi %get3A_606, %add3A_607 : vector<16xi32>
      %swap3A_609 = arith.constant 128 : index
      %swap3A_610 = tpu.vector_load %arg12[%swap3A_609] {strides = array<i32>} : memref<512xi32, #tpu.memory_space<vmem>>, vector<16xi32>,
      tpu.vector_store %arg12[%swap3A_609], %add3A_608 {strides = array<i32>} : memref<512xi32, #tpu.memory_space<vmem>>, vector<16xi32>,
      %get3A_611 = arith.constant 144 : index
      %get3A_612 = tpu.vector_load %arg11[%get3A_611] {strides = array<i32>} : memref<512xi32, #tpu.memory_space<vmem>>, vector<16xi32>,
      %add3A_613 = vector.broadcast %mul3A_0 : i32 to vector<16xi32>
      %add3A_614 = arith.addi %get3A_612, %add3A_613 : vector<16xi32>
      %swap3A_615 = arith.constant 144 : index
      %swap3A_616 = tpu.vector_load %arg12[%swap3A_615] {strides = array<i32>} : memref<512xi32, #tpu.memory_space<vmem>>, vector<16xi32>,
      tpu.vector_store %arg12[%swap3A_615], %add3A_614 {strides = array<i32>} : memref<512xi32, #tpu.memory_space<vmem>>, vector<16xi32>,
      %get3A_617 = arith.constant 160 : index
      %get3A_618 = tpu.vector_load %arg11[%get3A_617] {strides = array<i32>} : memref<512xi32, #tpu.memory_space<vmem>>, vector<16xi32>,
      %add3A_619 = vector.broadcast %mul3A_0 : i32 to vector<16xi32>
      %add3A_620 = arith.addi %get3A_618, %add3A_619 : vector<16xi32>
      %swap3A_621 = arith.constant 160 : index
      %swap3A_622 = tpu.vector_load %arg12[%swap3A_621] {strides = array<i32>} : memref<512xi32, #tpu.memory_space<vmem>>, vector<16xi32>,
      tpu.vector_store %arg12[%swap3A_621], %add3A_620 {strides = array<i32>} : memref<512xi32, #tpu.memory_space<vmem>>, vector<16xi32>,
      %get3A_623 = arith.constant 176 : index
      %get3A_624 = tpu.vector_load %arg11[%get3A_623] {strides = array<i32>} : memref<512xi32, #tpu.memory_space<vmem>>, vector<16xi32>,
      %add3A_625 = vector.broadcast %mul3A_0 : i32 to vector<16xi32>
      %add3A_626 = arith.addi %get3A_624, %add3A_625 : vector<16xi32>
      %swap3A_627 = arith.constant 176 : index
      %swap3A_628 = tpu.vector_load %arg12[%swap3A_627] {strides = array<i32>} : memref<512xi32, #tpu.memory_space<vmem>>, vector<16xi32>,
      tpu.vector_store %arg12[%swap3A_627], %add3A_626 {strides = array<i32>} : memref<512xi32, #tpu.memory_space<vmem>>, vector<16xi32>,
      %get3A_629 = arith.constant 192 : index
      %get3A_630 = tpu.vector_load %arg11[%get3A_629] {strides = array<i32>} : memref<512xi32, #tpu.memory_space<vmem>>, vector<16xi32>,
      %add3A_631 = vector.broadcast %mul3A_0 : i32 to vector<16xi32>
      %add3A_632 = arith.addi %get3A_630, %add3A_631 : vector<16xi32>
      %swap3A_633 = arith.constant 192 : index
      %swap3A_634 = tpu.vector_load %arg12[%swap3A_633] {strides = array<i32>} : memref<512xi32, #tpu.memory_space<vmem>>, vector<16xi32>,
      tpu.vector_store %arg12[%swap3A_633], %add3A_632 {strides = array<i32>} : memref<512xi32, #tpu.memory_space<vmem>>, vector<16xi32>,
      %get3A_635 = arith.constant 208 : index
      %get3A_636 = tpu.vector_load %arg11[%get3A_635] {strides = array<i32>} : memref<512xi32, #tpu.memory_space<vmem>>, vector<16xi32>,
      %add3A_637 = vector.broadcast %mul3A_0 : i32 to vector<16xi32>
      %add3A_638 = arith.addi %get3A_636, %add3A_637 : vector<16xi32>
      %swap3A_639 = arith.constant 208 : index
      %swap3A_640 = tpu.vector_load %arg12[%swap3A_639] {strides = array<i32>} : memref<512xi32, #tpu.memory_space<vmem>>, vector<16xi32>,
      tpu.vector_store %arg12[%swap3A_639], %add3A_638 {strides = array<i32>} : memref<512xi32, #tpu.memory_space<vmem>>, vector<16xi32>,
      %get3A_641 = arith.constant 224 : index
      %get3A_642 = tpu.vector_load %arg11[%get3A_641] {strides = array<i32>} : memref<512xi32, #tpu.memory_space<vmem>>, vector<16xi32>,
      %add3A_643 = vector.broadcast %mul3A_0 : i32 to vector<16xi32>
      %add3A_644 = arith.addi %get3A_642, %add3A_643 : vector<16xi32>
      %swap3A_645 = arith.constant 224 : index
      %swap3A_646 = tpu.vector_load %arg12[%swap3A_645] {strides = array<i32>} : memref<512xi32, #tpu.memory_space<vmem>>, vector<16xi32>,
      tpu.vector_store %arg12[%swap3A_645], %add3A_644 {strides = array<i32>} : memref<512xi32, #tpu.memory_space<vmem>>, vector<16xi32>,
      %get3A_647 = arith.constant 240 : index
      %get3A_648 = tpu.vector_load %arg11[%get3A_647] {strides = array<i32>} : memref<512xi32, #tpu.memory_space<vmem>>, vector<16xi32>,
      %add3A_649 = vector.broadcast %mul3A_0 : i32 to vector<16xi32>
      %add3A_650 = arith.addi %get3A_648, %add3A_649 : vector<16xi32>
      %swap3A_651 = arith.constant 240 : index
      %swap3A_652 = tpu.vector_load %arg12[%swap3A_651] {strides = array<i32>} : memref<512xi32, #tpu.memory_space<vmem>>, vector<16xi32>,
      tpu.vector_store %arg12[%swap3A_651], %add3A_650 {strides = array<i32>} : memref<512xi32, #tpu.memory_space<vmem>>, vector<16xi32>,
      %get3A_653 = arith.constant 256 : index
      %get3A_654 = tpu.vector_load %arg11[%get3A_653] {strides = array<i32>} : memref<512xi32, #tpu.memory_space<vmem>>, vector<16xi32>,
      %add3A_655 = vector.broadcast %mul3A_0 : i32 to vector<16xi32>
      %add3A_656 = arith.addi %get3A_654, %add3A_655 : vector<16xi32>
      %swap3A_657 = arith.constant 256 : index
      %swap3A_658 = tpu.vector_load %arg12[%swap3A_657] {strides = array<i32>} : memref<512xi32, #tpu.memory_space<vmem>>, vector<16xi32>,
      tpu.vector_store %arg12[%swap3A_657], %add3A_656 {strides = array<i32>} : memref<512xi32, #tpu.memory_space<vmem>>, vector<16xi32>,
      %get3A_659 = arith.constant 272 : index
      %get3A_660 = tpu.vector_load %arg11[%get3A_659] {strides = array<i32>} : memref<512xi32, #tpu.memory_space<vmem>>, vector<16xi32>,
      %add3A_661 = vector.broadcast %mul3A_0 : i32 to vector<16xi32>
      %add3A_662 = arith.addi %get3A_660, %add3A_661 : vector<16xi32>
      %swap3A_663 = arith.constant 272 : index
      %swap3A_664 = tpu.vector_load %arg12[%swap3A_663] {strides = array<i32>} : memref<512xi32, #tpu.memory_space<vmem>>, vector<16xi32>,
      tpu.vector_store %arg12[%swap3A_663], %add3A_662 {strides = array<i32>} : memref<512xi32, #tpu.memory_space<vmem>>, vector<16xi32>,
      %get3A_665 = arith.constant 288 : index
      %get3A_666 = tpu.vector_load %arg11[%get3A_665] {strides = array<i32>} : memref<512xi32, #tpu.memory_space<vmem>>, vector<16xi32>,
      %add3A_667 = vector.broadcast %mul3A_0 : i32 to vector<16xi32>
      %add3A_668 = arith.addi %get3A_666, %add3A_667 : vector<16xi32>
      %swap3A_669 = arith.constant 288 : index
      %swap3A_670 = tpu.vector_load %arg12[%swap3A_669] {strides = array<i32>} : memref<512xi32, #tpu.memory_space<vmem>>, vector<16xi32>,
      tpu.vector_store %arg12[%swap3A_669], %add3A_668 {strides = array<i32>} : memref<512xi32, #tpu.memory_space<vmem>>, vector<16xi32>,
      %get3A_671 = arith.constant 304 : index
      %get3A_672 = tpu.vector_load %arg11[%get3A_671] {strides = array<i32>} : memref<512xi32, #tpu.memory_space<vmem>>, vector<16xi32>,
      %add3A_673 = vector.broadcast %mul3A_0 : i32 to vector<16xi32>
      %add3A_674 = arith.addi %get3A_672, %add3A_673 : vector<16xi32>
      %swap3A_675 = arith.constant 304 : index
      %swap3A_676 = tpu.vector_load %arg12[%swap3A_675] {strides = array<i32>} : memref<512xi32, #tpu.memory_space<vmem>>, vector<16xi32>,
      tpu.vector_store %arg12[%swap3A_675], %add3A_674 {strides = array<i32>} : memref<512xi32, #tpu.memory_space<vmem>>, vector<16xi32>,
      %get3A_677 = arith.constant 320 : index
      %get3A_678 = tpu.vector_load %arg11[%get3A_677] {strides = array<i32>} : memref<512xi32, #tpu.memory_space<vmem>>, vector<16xi32>,
      %add3A_679 = vector.broadcast %mul3A_0 : i32 to vector<16xi32>
      %add3A_680 = arith.addi %get3A_678, %add3A_679 : vector<16xi32>
      %swap3A_681 = arith.constant 320 : index
      %swap3A_682 = tpu.vector_load %arg12[%swap3A_681] {strides = array<i32>} : memref<512xi32, #tpu.memory_space<vmem>>, vector<16xi32>,
      tpu.vector_store %arg12[%swap3A_681], %add3A_680 {strides = array<i32>} : memref<512xi32, #tpu.memory_space<vmem>>, vector<16xi32>,
      %get3A_683 = arith.constant 336 : index
      %get3A_684 = tpu.vector_load %arg11[%get3A_683] {strides = array<i32>} : memref<512xi32, #tpu.memory_space<vmem>>, vector<16xi32>,
      %add3A_685 = vector.broadcast %mul3A_0 : i32 to vector<16xi32>
      %add3A_686 = arith.addi %get3A_684, %add3A_685 : vector<16xi32>
      %swap3A_687 = arith.constant 336 : index
      %swap3A_688 = tpu.vector_load %arg12[%swap3A_687] {strides = array<i32>} : memref<512xi32, #tpu.memory_space<vmem>>, vector<16xi32>,
      tpu.vector_store %arg12[%swap3A_687], %add3A_686 {strides = array<i32>} : memref<512xi32, #tpu.memory_space<vmem>>, vector<16xi32>,
      %get3A_689 = arith.constant 352 : index
      %get3A_690 = tpu.vector_load %arg11[%get3A_689] {strides = array<i32>} : memref<512xi32, #tpu.memory_space<vmem>>, vector<16xi32>,
      %add3A_691 = vector.broadcast %mul3A_0 : i32 to vector<16xi32>
      %add3A_692 = arith.addi %get3A_690, %add3A_691 : vector<16xi32>
      %swap3A_693 = arith.constant 352 : index
      %swap3A_694 = tpu.vector_load %arg12[%swap3A_693] {strides = array<i32>} : memref<512xi32, #tpu.memory_space<vmem>>, vector<16xi32>,
      tpu.vector_store %arg12[%swap3A_693], %add3A_692 {strides = array<i32>} : memref<512xi32, #tpu.memory_space<vmem>>, vector<16xi32>,
      %get3A_695 = arith.constant 368 : index
      %get3A_696 = tpu.vector_load %arg11[%get3A_695] {strides = array<i32>} : memref<512xi32, #tpu.memory_space<vmem>>, vector<16xi32>,
      %add3A_697 = vector.broadcast %mul3A_0 : i32 to vector<16xi32>
      %add3A_698 = arith.addi %get3A_696, %add3A_697 : vector<16xi32>
      %swap3A_699 = arith.constant 368 : index
      %swap3A_700 = tpu.vector_load %arg12[%swap3A_699] {strides = array<i32>} : memref<512xi32, #tpu.memory_space<vmem>>, vector<16xi32>,
      tpu.vector_store %arg12[%swap3A_699], %add3A_698 {strides = array<i32>} : memref<512xi32, #tpu.memory_space<vmem>>, vector<16xi32>,
      %get3A_701 = arith.constant 384 : index
      %get3A_702 = tpu.vector_load %arg11[%get3A_701] {strides = array<i32>} : memref<512xi32, #tpu.memory_space<vmem>>, vector<16xi32>,
      %add3A_703 = vector.broadcast %mul3A_0 : i32 to vector<16xi32>
      %add3A_704 = arith.addi %get3A_702, %add3A_703 : vector<16xi32>
      %swap3A_705 = arith.constant 384 : index
      %swap3A_706 = tpu.vector_load %arg12[%swap3A_705] {strides = array<i32>} : memref<512xi32, #tpu.memory_space<vmem>>, vector<16xi32>,
      tpu.vector_store %arg12[%swap3A_705], %add3A_704 {strides = array<i32>} : memref<512xi32, #tpu.memory_space<vmem>>, vector<16xi32>,
      %get3A_707 = arith.constant 400 : index
      %get3A_708 = tpu.vector_load %arg11[%get3A_707] {strides = array<i32>} : memref<512xi32, #tpu.memory_space<vmem>>, vector<16xi32>,
      %add3A_709 = vector.broadcast %mul3A_0 : i32 to vector<16xi32>
      %add3A_710 = arith.addi %get3A_708, %add3A_709 : vector<16xi32>
      %swap3A_711 = arith.constant 400 : index
      %swap3A_712 = tpu.vector_load %arg12[%swap3A_711] {strides = array<i32>} : memref<512xi32, #tpu.memory_space<vmem>>, vector<16xi32>,
      tpu.vector_store %arg12[%swap3A_711], %add3A_710 {strides = array<i32>} : memref<512xi32, #tpu.memory_space<vmem>>, vector<16xi32>,
      %get3A_713 = arith.constant 416 : index
      %get3A_714 = tpu.vector_load %arg11[%get3A_713] {strides = array<i32>} : memref<512xi32, #tpu.memory_space<vmem>>, vector<16xi32>,
      %add3A_715 = vector.broadcast %mul3A_0 : i32 to vector<16xi32>
      %add3A_716 = arith.addi %get3A_714, %add3A_715 : vector<16xi32>
      %swap3A_717 = arith.constant 416 : index
      %swap3A_718 = tpu.vector_load %arg12[%swap3A_717] {strides = array<i32>} : memref<512xi32, #tpu.memory_space<vmem>>, vector<16xi32>,
      tpu.vector_store %arg12[%swap3A_717], %add3A_716 {strides = array<i32>} : memref<512xi32, #tpu.memory_space<vmem>>, vector<16xi32>,
      %get3A_719 = arith.constant 432 : index
      %get3A_720 = tpu.vector_load %arg11[%get3A_719] {strides = array<i32>} : memref<512xi32, #tpu.memory_space<vmem>>, vector<16xi32>,
      %add3A_721 = vector.broadcast %mul3A_0 : i32 to vector<16xi32>
      %add3A_722 = arith.addi %get3A_720, %add3A_721 : vector<16xi32>
      %swap3A_723 = arith.constant 432 : index
      %swap3A_724 = tpu.vector_load %arg12[%swap3A_723] {strides = array<i32>} : memref<512xi32, #tpu.memory_space<vmem>>, vector<16xi32>,
      tpu.vector_store %arg12[%swap3A_723], %add3A_722 {strides = array<i32>} : memref<512xi32, #tpu.memory_space<vmem>>, vector<16xi32>,
      %get3A_725 = arith.constant 448 : index
      %get3A_726 = tpu.vector_load %arg11[%get3A_725] {strides = array<i32>} : memref<512xi32, #tpu.memory_space<vmem>>, vector<16xi32>,
      %add3A_727 = vector.broadcast %mul3A_0 : i32 to vector<16xi32>
      %add3A_728 = arith.addi %get3A_726, %add3A_727 : vector<16xi32>
      %swap3A_729 = arith.constant 448 : index
      %swap3A_730 = tpu.vector_load %arg12[%swap3A_729] {strides = array<i32>} : memref<512xi32, #tpu.memory_space<vmem>>, vector<16xi32>,
      tpu.vector_store %arg12[%swap3A_729], %add3A_728 {strides = array<i32>} : memref<512xi32, #tpu.memory_space<vmem>>, vector<16xi32>,
      %get3A_731 = arith.constant 464 : index
      %get3A_732 = tpu.vector_load %arg11[%get3A_731] {strides = array<i32>} : memref<512xi32, #tpu.memory_space<vmem>>, vector<16xi32>,
      %add3A_733 = vector.broadcast %mul3A_0 : i32 to vector<16xi32>
      %add3A_734 = arith.addi %get3A_732, %add3A_733 : vector<16xi32>
      %swap3A_735 = arith.constant 464 : index
      %swap3A_736 = tpu.vector_load %arg12[%swap3A_735] {strides = array<i32>} : memref<512xi32, #tpu.memory_space<vmem>>, vector<16xi32>,
      tpu.vector_store %arg12[%swap3A_735], %add3A_734 {strides = array<i32>} : memref<512xi32, #tpu.memory_space<vmem>>, vector<16xi32>,
      %get3A_737 = arith.constant 480 : index
      %get3A_738 = tpu.vector_load %arg11[%get3A_737] {strides = array<i32>} : memref<512xi32, #tpu.memory_space<vmem>>, vector<16xi32>,
      %add3A_739 = vector.broadcast %mul3A_0 : i32 to vector<16xi32>
      %add3A_740 = arith.addi %get3A_738, %add3A_739 : vector<16xi32>
      %swap3A_741 = arith.constant 480 : index
      %swap3A_742 = tpu.vector_load %arg12[%swap3A_741] {strides = array<i32>} : memref<512xi32, #tpu.memory_space<vmem>>, vector<16xi32>,
      tpu.vector_store %arg12[%swap3A_741], %add3A_740 {strides = array<i32>} : memref<512xi32, #tpu.memory_space<vmem>>, vector<16xi32>,
      %get3A_743 = arith.constant 496 : index
      %get3A_744 = tpu.vector_load %arg11[%get3A_743] {strides = array<i32>} : memref<512xi32, #tpu.memory_space<vmem>>, vector<16xi32>,
      %add3A_745 = vector.broadcast %mul3A_0 : i32 to vector<16xi32>
      %add3A_746 = arith.addi %get3A_744, %add3A_745 : vector<16xi32>
      %swap3A_747 = arith.constant 496 : index
      %swap3A_748 = tpu.vector_load %arg12[%swap3A_747] {strides = array<i32>} : memref<512xi32, #tpu.memory_space<vmem>>, vector<16xi32>,
      tpu.vector_store %arg12[%swap3A_747], %add3A_746 {strides = array<i32>} : memref<512xi32, #tpu.memory_space<vmem>>, vector<16xi32>,
      %dma_start3A_749 = arith.constant 0 : i32
      %dma_start3A_750 = arith.constant 0 : i32
      %dma_start3A_751 = tpu.memref_slice %arg2[%dma_start3A_749, %dma_start3A_750] : memref<20224x32xf32, #tpu.memory_space<hbm>> -> memref<20224x32xf32, #tpu.memory_space<hbm>>
      tpu.enqueue_indirect_dma source(%dma_start3A_751 : memref<20224x32xf32, #tpu.memory_space<hbm>>) target(%arg14 : memref<512x32xf32, #tpu.memory_space<vmem>>) offsets(%arg12 : memref<512xi32, #tpu.memory_space<vmem>>) semaphore(%arg19 : memref<!tpu.dma_semaphore, #tpu.memory_space<semaphore_mem>>)
      %dma_wait3A_752 = arith.constant 0 : i32
      %dma_wait3A_753 = arith.constant 0 : i32
      %dma_wait3A_754 = tpu.memref_slice %arg2[%dma_wait3A_752, %dma_wait3A_753] : memref<20224x32xf32, #tpu.memory_space<hbm>> -> memref<512x32xf32, #tpu.memory_space<hbm>>
      %dma_wait3A_755 = arith.constant 0 : i32
      %dma_wait3A_756 = arith.constant 0 : i32
      %dma_wait3A_757 = tpu.memref_slice %arg2[%dma_wait3A_755, %dma_wait3A_756] : memref<20224x32xf32, #tpu.memory_space<hbm>> -> memref<512x32xf32, #tpu.memory_space<hbm>>
      tpu.wait_dma2 semaphore(%arg18 : memref<!tpu.dma_semaphore, #tpu.memory_space<semaphore_mem>>) src(%dma_wait3A_757 : memref<512x32xf32, #tpu.memory_space<hbm>>) dst(%arg10 : memref<512x32xf32, #tpu.memory_space<vmem>>)
      "tpu.region"() ({
        %run_scoped3A = tpu.sem_alloc : memref<!tpu.dma_semaphore, #tpu.memory_space<semaphore_mem>>
        %dma_start3A_771 = arith.constant 0 : i32
        %dma_start3A_772 = arith.constant 0 : i32
        %dma_start3A_773 = tpu.memref_slice %arg17[%dma_start3A_771, %dma_start3A_772] : memref<10112x32xf32, #tpu.memory_space<vmem_shared>> -> memref<10112x32xf32, #tpu.memory_space<vmem_shared>>
        tpu.enqueue_indirect_dma source(%arg10 : memref<512x32xf32, #tpu.memory_space<vmem>>) target(%dma_start3A_773 : memref<10112x32xf32, #tpu.memory_space<vmem_shared>>) offsets(%arg9 : memref<512xi32, #tpu.memory_space<vmem>>) semaphore(%run_scoped3A : memref<!tpu.dma_semaphore, #tpu.memory_space<semaphore_mem>>) {add = true}
        %dma_wait3A_774 = arith.constant 0 : i32
        %dma_wait3A_775 = arith.constant 0 : i32
        %dma_wait3A_776 = tpu.memref_slice %arg17[%dma_wait3A_774, %dma_wait3A_775] : memref<10112x32xf32, #tpu.memory_space<vmem_shared>> -> memref<10112x32xf32, #tpu.memory_space<vmem_shared>>
        tpu.wait_indirect_dma semaphore(%run_scoped3A : memref<!tpu.dma_semaphore, #tpu.memory_space<semaphore_mem>>) src(%arg10 : memref<512x32xf32, #tpu.memory_space<vmem>>) dst(%dma_wait3A_776 : memref<10112x32xf32, #tpu.memory_space<vmem_shared>>)
        tpu.yield
      }) : () -> ()
      %add3A_758 = arith.constant 2 : i32
      %add3A_759 = arith.addi %mul3A_550, %add3A_758 : i32
      %lt3A_760 = arith.constant 20 : i32
      %lt3A_761 = arith.cmpi slt, %add3A_759, %lt3A_760 : i32
      %convert_element_type3A_762 = arith.extui %lt3A_761 : i1 to i32
      %cond3A_763 = arith.constant 0 : i32
      %cond3A_764 = arith.cmpi ne, %convert_element_type3A_762, %cond3A_763 : i32
      scf.if %cond3A_764 {
        %add3A_771 = arith.constant 2 : i32
        %add3A_772 = arith.addi %mul3A_550, %add3A_771 : i32
        %mul3A_773 = arith.constant 512 : i32
        %mul3A_774 = arith.muli %add3A_772, %mul3A_773 : i32
        %add3A_775 = arith.addi %multiple_of3A, %mul3A_774 : i32
        %multiple_of3A_776 = tpu.assume_multiple %add3A_775, 8 : i32
        "tpu.region"() ({
          %run_scoped3A = tpu.sem_alloc : memref<!tpu.dma_semaphore, #tpu.memory_space<semaphore_mem>>
          %dma_start3A_972 = tpu.memref_slice %arg3[%multiple_of3A_776] : memref<163840xi32, #tpu.memory_space<hbm>> -> memref<512xi32, #tpu.memory_space<hbm>>
          %dma_start3A_973 = tpu.memref_slice %arg3[%multiple_of3A_776] : memref<163840xi32, #tpu.memory_space<hbm>> -> memref<512xi32, #tpu.memory_space<hbm>>
          tpu.enqueue_dma source(%dma_start3A_973 : memref<512xi32, #tpu.memory_space<hbm>>) target(%arg7 : memref<512xi32, #tpu.memory_space<vmem>>) target_semaphore(%run_scoped3A : memref<!tpu.dma_semaphore, #tpu.memory_space<semaphore_mem>>)
          %dma_wait3A_974 = tpu.memref_slice %arg3[%multiple_of3A_776] : memref<163840xi32, #tpu.memory_space<hbm>> -> memref<512xi32, #tpu.memory_space<hbm>>
          %dma_wait3A_975 = tpu.memref_slice %arg3[%multiple_of3A_776] : memref<163840xi32, #tpu.memory_space<hbm>> -> memref<512xi32, #tpu.memory_space<hbm>>
          tpu.wait_dma2 semaphore(%run_scoped3A : memref<!tpu.dma_semaphore, #tpu.memory_space<semaphore_mem>>) src(%dma_wait3A_975 : memref<512xi32, #tpu.memory_space<hbm>>) dst(%arg7 : memref<512xi32, #tpu.memory_space<vmem>>)
          tpu.yield
        }) : () -> ()
        "tpu.region"() ({
          %run_scoped3A = tpu.sem_alloc : memref<!tpu.dma_semaphore, #tpu.memory_space<semaphore_mem>>
          %dma_start3A_972 = tpu.memref_slice %arg4[%multiple_of3A_776] : memref<163840xi32, #tpu.memory_space<hbm>> -> memref<512xi32, #tpu.memory_space<hbm>>
          %dma_start3A_973 = tpu.memref_slice %arg4[%multiple_of3A_776] : memref<163840xi32, #tpu.memory_space<hbm>> -> memref<512xi32, #tpu.memory_space<hbm>>
          tpu.enqueue_dma source(%dma_start3A_973 : memref<512xi32, #tpu.memory_space<hbm>>) target(%arg9 : memref<512xi32, #tpu.memory_space<vmem>>) target_semaphore(%run_scoped3A : memref<!tpu.dma_semaphore, #tpu.memory_space<semaphore_mem>>)
          %dma_wait3A_974 = tpu.memref_slice %arg4[%multiple_of3A_776] : memref<163840xi32, #tpu.memory_space<hbm>> -> memref<512xi32, #tpu.memory_space<hbm>>
          %dma_wait3A_975 = tpu.memref_slice %arg4[%multiple_of3A_776] : memref<163840xi32, #tpu.memory_space<hbm>> -> memref<512xi32, #tpu.memory_space<hbm>>
          tpu.wait_dma2 semaphore(%run_scoped3A : memref<!tpu.dma_semaphore, #tpu.memory_space<semaphore_mem>>) src(%dma_wait3A_975 : memref<512xi32, #tpu.memory_space<hbm>>) dst(%arg9 : memref<512xi32, #tpu.memory_space<vmem>>)
          tpu.yield
        }) : () -> ()
        %get3A_777 = arith.constant 0 : index
        %get3A_778 = tpu.vector_load %arg7[%get3A_777] {strides = array<i32>} : memref<512xi32, #tpu.memory_space<vmem>>, vector<16xi32>,
        %add3A_779 = vector.broadcast %mul3A_0 : i32 to vector<16xi32>
        %add3A_780 = arith.addi %get3A_778, %add3A_779 : vector<16xi32>
        %swap3A_781 = arith.constant 0 : index
        %swap3A_782 = tpu.vector_load %arg8[%swap3A_781] {strides = array<i32>} : memref<512xi32, #tpu.memory_space<vmem>>, vector<16xi32>,
        tpu.vector_store %arg8[%swap3A_781], %add3A_780 {strides = array<i32>} : memref<512xi32, #tpu.memory_space<vmem>>, vector<16xi32>,
        %get3A_783 = arith.constant 16 : index
        %get3A_784 = tpu.vector_load %arg7[%get3A_783] {strides = array<i32>} : memref<512xi32, #tpu.memory_space<vmem>>, vector<16xi32>,
        %add3A_785 = vector.broadcast %mul3A_0 : i32 to vector<16xi32>
        %add3A_786 = arith.addi %get3A_784, %add3A_785 : vector<16xi32>
        %swap3A_787 = arith.constant 16 : index
        %swap3A_788 = tpu.vector_load %arg8[%swap3A_787] {strides = array<i32>} : memref<512xi32, #tpu.memory_space<vmem>>, vector<16xi32>,
        tpu.vector_store %arg8[%swap3A_787], %add3A_786 {strides = array<i32>} : memref<512xi32, #tpu.memory_space<vmem>>, vector<16xi32>,
        %get3A_789 = arith.constant 32 : index
        %get3A_790 = tpu.vector_load %arg7[%get3A_789] {strides = array<i32>} : memref<512xi32, #tpu.memory_space<vmem>>, vector<16xi32>,
        %add3A_791 = vector.broadcast %mul3A_0 : i32 to vector<16xi32>
        %add3A_792 = arith.addi %get3A_790, %add3A_791 : vector<16xi32>
        %swap3A_793 = arith.constant 32 : index
        %swap3A_794 = tpu.vector_load %arg8[%swap3A_793] {strides = array<i32>} : memref<512xi32, #tpu.memory_space<vmem>>, vector<16xi32>,
        tpu.vector_store %arg8[%swap3A_793], %add3A_792 {strides = array<i32>} : memref<512xi32, #tpu.memory_space<vmem>>, vector<16xi32>,
        %get3A_795 = arith.constant 48 : index
        %get3A_796 = tpu.vector_load %arg7[%get3A_795] {strides = array<i32>} : memref<512xi32, #tpu.memory_space<vmem>>, vector<16xi32>,
        %add3A_797 = vector.broadcast %mul3A_0 : i32 to vector<16xi32>
        %add3A_798 = arith.addi %get3A_796, %add3A_797 : vector<16xi32>
        %swap3A_799 = arith.constant 48 : index
        %swap3A_800 = tpu.vector_load %arg8[%swap3A_799] {strides = array<i32>} : memref<512xi32, #tpu.memory_space<vmem>>, vector<16xi32>,
        tpu.vector_store %arg8[%swap3A_799], %add3A_798 {strides = array<i32>} : memref<512xi32, #tpu.memory_space<vmem>>, vector<16xi32>,
        %get3A_801 = arith.constant 64 : index
        %get3A_802 = tpu.vector_load %arg7[%get3A_801] {strides = array<i32>} : memref<512xi32, #tpu.memory_space<vmem>>, vector<16xi32>,
        %add3A_803 = vector.broadcast %mul3A_0 : i32 to vector<16xi32>
        %add3A_804 = arith.addi %get3A_802, %add3A_803 : vector<16xi32>
        %swap3A_805 = arith.constant 64 : index
        %swap3A_806 = tpu.vector_load %arg8[%swap3A_805] {strides = array<i32>} : memref<512xi32, #tpu.memory_space<vmem>>, vector<16xi32>,
        tpu.vector_store %arg8[%swap3A_805], %add3A_804 {strides = array<i32>} : memref<512xi32, #tpu.memory_space<vmem>>, vector<16xi32>,
        %get3A_807 = arith.constant 80 : index
        %get3A_808 = tpu.vector_load %arg7[%get3A_807] {strides = array<i32>} : memref<512xi32, #tpu.memory_space<vmem>>, vector<16xi32>,
        %add3A_809 = vector.broadcast %mul3A_0 : i32 to vector<16xi32>
        %add3A_810 = arith.addi %get3A_808, %add3A_809 : vector<16xi32>
        %swap3A_811 = arith.constant 80 : index
        %swap3A_812 = tpu.vector_load %arg8[%swap3A_811] {strides = array<i32>} : memref<512xi32, #tpu.memory_space<vmem>>, vector<16xi32>,
        tpu.vector_store %arg8[%swap3A_811], %add3A_810 {strides = array<i32>} : memref<512xi32, #tpu.memory_space<vmem>>, vector<16xi32>,
        %get3A_813 = arith.constant 96 : index
        %get3A_814 = tpu.vector_load %arg7[%get3A_813] {strides = array<i32>} : memref<512xi32, #tpu.memory_space<vmem>>, vector<16xi32>,
        %add3A_815 = vector.broadcast %mul3A_0 : i32 to vector<16xi32>
        %add3A_816 = arith.addi %get3A_814, %add3A_815 : vector<16xi32>
        %swap3A_817 = arith.constant 96 : index
        %swap3A_818 = tpu.vector_load %arg8[%swap3A_817] {strides = array<i32>} : memref<512xi32, #tpu.memory_space<vmem>>, vector<16xi32>,
        tpu.vector_store %arg8[%swap3A_817], %add3A_816 {strides = array<i32>} : memref<512xi32, #tpu.memory_space<vmem>>, vector<16xi32>,
        %get3A_819 = arith.constant 112 : index
        %get3A_820 = tpu.vector_load %arg7[%get3A_819] {strides = array<i32>} : memref<512xi32, #tpu.memory_space<vmem>>, vector<16xi32>,
        %add3A_821 = vector.broadcast %mul3A_0 : i32 to vector<16xi32>
        %add3A_822 = arith.addi %get3A_820, %add3A_821 : vector<16xi32>
        %swap3A_823 = arith.constant 112 : index
        %swap3A_824 = tpu.vector_load %arg8[%swap3A_823] {strides = array<i32>} : memref<512xi32, #tpu.memory_space<vmem>>, vector<16xi32>,
        tpu.vector_store %arg8[%swap3A_823], %add3A_822 {strides = array<i32>} : memref<512xi32, #tpu.memory_space<vmem>>, vector<16xi32>,
        %get3A_825 = arith.constant 128 : index
        %get3A_826 = tpu.vector_load %arg7[%get3A_825] {strides = array<i32>} : memref<512xi32, #tpu.memory_space<vmem>>, vector<16xi32>,
        %add3A_827 = vector.broadcast %mul3A_0 : i32 to vector<16xi32>
        %add3A_828 = arith.addi %get3A_826, %add3A_827 : vector<16xi32>
        %swap3A_829 = arith.constant 128 : index
        %swap3A_830 = tpu.vector_load %arg8[%swap3A_829] {strides = array<i32>} : memref<512xi32, #tpu.memory_space<vmem>>, vector<16xi32>,
        tpu.vector_store %arg8[%swap3A_829], %add3A_828 {strides = array<i32>} : memref<512xi32, #tpu.memory_space<vmem>>, vector<16xi32>,
        %get3A_831 = arith.constant 144 : index
        %get3A_832 = tpu.vector_load %arg7[%get3A_831] {strides = array<i32>} : memref<512xi32, #tpu.memory_space<vmem>>, vector<16xi32>,
        %add3A_833 = vector.broadcast %mul3A_0 : i32 to vector<16xi32>
        %add3A_834 = arith.addi %get3A_832, %add3A_833 : vector<16xi32>
        %swap3A_835 = arith.constant 144 : index
        %swap3A_836 = tpu.vector_load %arg8[%swap3A_835] {strides = array<i32>} : memref<512xi32, #tpu.memory_space<vmem>>, vector<16xi32>,
        tpu.vector_store %arg8[%swap3A_835], %add3A_834 {strides = array<i32>} : memref<512xi32, #tpu.memory_space<vmem>>, vector<16xi32>,
        %get3A_837 = arith.constant 160 : index
        %get3A_838 = tpu.vector_load %arg7[%get3A_837] {strides = array<i32>} : memref<512xi32, #tpu.memory_space<vmem>>, vector<16xi32>,
        %add3A_839 = vector.broadcast %mul3A_0 : i32 to vector<16xi32>
        %add3A_840 = arith.addi %get3A_838, %add3A_839 : vector<16xi32>
        %swap3A_841 = arith.constant 160 : index
        %swap3A_842 = tpu.vector_load %arg8[%swap3A_841] {strides = array<i32>} : memref<512xi32, #tpu.memory_space<vmem>>, vector<16xi32>,
        tpu.vector_store %arg8[%swap3A_841], %add3A_840 {strides = array<i32>} : memref<512xi32, #tpu.memory_space<vmem>>, vector<16xi32>,
        %get3A_843 = arith.constant 176 : index
        %get3A_844 = tpu.vector_load %arg7[%get3A_843] {strides = array<i32>} : memref<512xi32, #tpu.memory_space<vmem>>, vector<16xi32>,
        %add3A_845 = vector.broadcast %mul3A_0 : i32 to vector<16xi32>
        %add3A_846 = arith.addi %get3A_844, %add3A_845 : vector<16xi32>
        %swap3A_847 = arith.constant 176 : index
        %swap3A_848 = tpu.vector_load %arg8[%swap3A_847] {strides = array<i32>} : memref<512xi32, #tpu.memory_space<vmem>>, vector<16xi32>,
        tpu.vector_store %arg8[%swap3A_847], %add3A_846 {strides = array<i32>} : memref<512xi32, #tpu.memory_space<vmem>>, vector<16xi32>,
        %get3A_849 = arith.constant 192 : index
        %get3A_850 = tpu.vector_load %arg7[%get3A_849] {strides = array<i32>} : memref<512xi32, #tpu.memory_space<vmem>>, vector<16xi32>,
        %add3A_851 = vector.broadcast %mul3A_0 : i32 to vector<16xi32>
        %add3A_852 = arith.addi %get3A_850, %add3A_851 : vector<16xi32>
        %swap3A_853 = arith.constant 192 : index
        %swap3A_854 = tpu.vector_load %arg8[%swap3A_853] {strides = array<i32>} : memref<512xi32, #tpu.memory_space<vmem>>, vector<16xi32>,
        tpu.vector_store %arg8[%swap3A_853], %add3A_852 {strides = array<i32>} : memref<512xi32, #tpu.memory_space<vmem>>, vector<16xi32>,
        %get3A_855 = arith.constant 208 : index
        %get3A_856 = tpu.vector_load %arg7[%get3A_855] {strides = array<i32>} : memref<512xi32, #tpu.memory_space<vmem>>, vector<16xi32>,
        %add3A_857 = vector.broadcast %mul3A_0 : i32 to vector<16xi32>
        %add3A_858 = arith.addi %get3A_856, %add3A_857 : vector<16xi32>
        %swap3A_859 = arith.constant 208 : index
        %swap3A_860 = tpu.vector_load %arg8[%swap3A_859] {strides = array<i32>} : memref<512xi32, #tpu.memory_space<vmem>>, vector<16xi32>,
        tpu.vector_store %arg8[%swap3A_859], %add3A_858 {strides = array<i32>} : memref<512xi32, #tpu.memory_space<vmem>>, vector<16xi32>,
        %get3A_861 = arith.constant 224 : index
        %get3A_862 = tpu.vector_load %arg7[%get3A_861] {strides = array<i32>} : memref<512xi32, #tpu.memory_space<vmem>>, vector<16xi32>,
        %add3A_863 = vector.broadcast %mul3A_0 : i32 to vector<16xi32>
        %add3A_864 = arith.addi %get3A_862, %add3A_863 : vector<16xi32>
        %swap3A_865 = arith.constant 224 : index
        %swap3A_866 = tpu.vector_load %arg8[%swap3A_865] {strides = array<i32>} : memref<512xi32, #tpu.memory_space<vmem>>, vector<16xi32>,
        tpu.vector_store %arg8[%swap3A_865], %add3A_864 {strides = array<i32>} : memref<512xi32, #tpu.memory_space<vmem>>, vector<16xi32>,
        %get3A_867 = arith.constant 240 : index
        %get3A_868 = tpu.vector_load %arg7[%get3A_867] {strides = array<i32>} : memref<512xi32, #tpu.memory_space<vmem>>, vector<16xi32>,
        %add3A_869 = vector.broadcast %mul3A_0 : i32 to vector<16xi32>
        %add3A_870 = arith.addi %get3A_868, %add3A_869 : vector<16xi32>
        %swap3A_871 = arith.constant 240 : index
        %swap3A_872 = tpu.vector_load %arg8[%swap3A_871] {strides = array<i32>} : memref<512xi32, #tpu.memory_space<vmem>>, vector<16xi32>,
        tpu.vector_store %arg8[%swap3A_871], %add3A_870 {strides = array<i32>} : memref<512xi32, #tpu.memory_space<vmem>>, vector<16xi32>,
        %get3A_873 = arith.constant 256 : index
        %get3A_874 = tpu.vector_load %arg7[%get3A_873] {strides = array<i32>} : memref<512xi32, #tpu.memory_space<vmem>>, vector<16xi32>,
        %add3A_875 = vector.broadcast %mul3A_0 : i32 to vector<16xi32>
        %add3A_876 = arith.addi %get3A_874, %add3A_875 : vector<16xi32>
        %swap3A_877 = arith.constant 256 : index
        %swap3A_878 = tpu.vector_load %arg8[%swap3A_877] {strides = array<i32>} : memref<512xi32, #tpu.memory_space<vmem>>, vector<16xi32>,
        tpu.vector_store %arg8[%swap3A_877], %add3A_876 {strides = array<i32>} : memref<512xi32, #tpu.memory_space<vmem>>, vector<16xi32>,
        %get3A_879 = arith.constant 272 : index
        %get3A_880 = tpu.vector_load %arg7[%get3A_879] {strides = array<i32>} : memref<512xi32, #tpu.memory_space<vmem>>, vector<16xi32>,
        %add3A_881 = vector.broadcast %mul3A_0 : i32 to vector<16xi32>
        %add3A_882 = arith.addi %get3A_880, %add3A_881 : vector<16xi32>
        %swap3A_883 = arith.constant 272 : index
        %swap3A_884 = tpu.vector_load %arg8[%swap3A_883] {strides = array<i32>} : memref<512xi32, #tpu.memory_space<vmem>>, vector<16xi32>,
        tpu.vector_store %arg8[%swap3A_883], %add3A_882 {strides = array<i32>} : memref<512xi32, #tpu.memory_space<vmem>>, vector<16xi32>,
        %get3A_885 = arith.constant 288 : index
        %get3A_886 = tpu.vector_load %arg7[%get3A_885] {strides = array<i32>} : memref<512xi32, #tpu.memory_space<vmem>>, vector<16xi32>,
        %add3A_887 = vector.broadcast %mul3A_0 : i32 to vector<16xi32>
        %add3A_888 = arith.addi %get3A_886, %add3A_887 : vector<16xi32>
        %swap3A_889 = arith.constant 288 : index
        %swap3A_890 = tpu.vector_load %arg8[%swap3A_889] {strides = array<i32>} : memref<512xi32, #tpu.memory_space<vmem>>, vector<16xi32>,
        tpu.vector_store %arg8[%swap3A_889], %add3A_888 {strides = array<i32>} : memref<512xi32, #tpu.memory_space<vmem>>, vector<16xi32>,
        %get3A_891 = arith.constant 304 : index
        %get3A_892 = tpu.vector_load %arg7[%get3A_891] {strides = array<i32>} : memref<512xi32, #tpu.memory_space<vmem>>, vector<16xi32>,
        %add3A_893 = vector.broadcast %mul3A_0 : i32 to vector<16xi32>
        %add3A_894 = arith.addi %get3A_892, %add3A_893 : vector<16xi32>
        %swap3A_895 = arith.constant 304 : index
        %swap3A_896 = tpu.vector_load %arg8[%swap3A_895] {strides = array<i32>} : memref<512xi32, #tpu.memory_space<vmem>>, vector<16xi32>,
        tpu.vector_store %arg8[%swap3A_895], %add3A_894 {strides = array<i32>} : memref<512xi32, #tpu.memory_space<vmem>>, vector<16xi32>,
        %get3A_897 = arith.constant 320 : index
        %get3A_898 = tpu.vector_load %arg7[%get3A_897] {strides = array<i32>} : memref<512xi32, #tpu.memory_space<vmem>>, vector<16xi32>,
        %add3A_899 = vector.broadcast %mul3A_0 : i32 to vector<16xi32>
        %add3A_900 = arith.addi %get3A_898, %add3A_899 : vector<16xi32>
        %swap3A_901 = arith.constant 320 : index
        %swap3A_902 = tpu.vector_load %arg8[%swap3A_901] {strides = array<i32>} : memref<512xi32, #tpu.memory_space<vmem>>, vector<16xi32>,
        tpu.vector_store %arg8[%swap3A_901], %add3A_900 {strides = array<i32>} : memref<512xi32, #tpu.memory_space<vmem>>, vector<16xi32>,
        %get3A_903 = arith.constant 336 : index
        %get3A_904 = tpu.vector_load %arg7[%get3A_903] {strides = array<i32>} : memref<512xi32, #tpu.memory_space<vmem>>, vector<16xi32>,
        %add3A_905 = vector.broadcast %mul3A_0 : i32 to vector<16xi32>
        %add3A_906 = arith.addi %get3A_904, %add3A_905 : vector<16xi32>
        %swap3A_907 = arith.constant 336 : index
        %swap3A_908 = tpu.vector_load %arg8[%swap3A_907] {strides = array<i32>} : memref<512xi32, #tpu.memory_space<vmem>>, vector<16xi32>,
        tpu.vector_store %arg8[%swap3A_907], %add3A_906 {strides = array<i32>} : memref<512xi32, #tpu.memory_space<vmem>>, vector<16xi32>,
        %get3A_909 = arith.constant 352 : index
        %get3A_910 = tpu.vector_load %arg7[%get3A_909] {strides = array<i32>} : memref<512xi32, #tpu.memory_space<vmem>>, vector<16xi32>,
        %add3A_911 = vector.broadcast %mul3A_0 : i32 to vector<16xi32>
        %add3A_912 = arith.addi %get3A_910, %add3A_911 : vector<16xi32>
        %swap3A_913 = arith.constant 352 : index
        %swap3A_914 = tpu.vector_load %arg8[%swap3A_913] {strides = array<i32>} : memref<512xi32, #tpu.memory_space<vmem>>, vector<16xi32>,
        tpu.vector_store %arg8[%swap3A_913], %add3A_912 {strides = array<i32>} : memref<512xi32, #tpu.memory_space<vmem>>, vector<16xi32>,
        %get3A_915 = arith.constant 368 : index
        %get3A_916 = tpu.vector_load %arg7[%get3A_915] {strides = array<i32>} : memref<512xi32, #tpu.memory_space<vmem>>, vector<16xi32>,
        %add3A_917 = vector.broadcast %mul3A_0 : i32 to vector<16xi32>
        %add3A_918 = arith.addi %get3A_916, %add3A_917 : vector<16xi32>
        %swap3A_919 = arith.constant 368 : index
        %swap3A_920 = tpu.vector_load %arg8[%swap3A_919] {strides = array<i32>} : memref<512xi32, #tpu.memory_space<vmem>>, vector<16xi32>,
        tpu.vector_store %arg8[%swap3A_919], %add3A_918 {strides = array<i32>} : memref<512xi32, #tpu.memory_space<vmem>>, vector<16xi32>,
        %get3A_921 = arith.constant 384 : index
        %get3A_922 = tpu.vector_load %arg7[%get3A_921] {strides = array<i32>} : memref<512xi32, #tpu.memory_space<vmem>>, vector<16xi32>,
        %add3A_923 = vector.broadcast %mul3A_0 : i32 to vector<16xi32>
        %add3A_924 = arith.addi %get3A_922, %add3A_923 : vector<16xi32>
        %swap3A_925 = arith.constant 384 : index
        %swap3A_926 = tpu.vector_load %arg8[%swap3A_925] {strides = array<i32>} : memref<512xi32, #tpu.memory_space<vmem>>, vector<16xi32>,
        tpu.vector_store %arg8[%swap3A_925], %add3A_924 {strides = array<i32>} : memref<512xi32, #tpu.memory_space<vmem>>, vector<16xi32>,
        %get3A_927 = arith.constant 400 : index
        %get3A_928 = tpu.vector_load %arg7[%get3A_927] {strides = array<i32>} : memref<512xi32, #tpu.memory_space<vmem>>, vector<16xi32>,
        %add3A_929 = vector.broadcast %mul3A_0 : i32 to vector<16xi32>
        %add3A_930 = arith.addi %get3A_928, %add3A_929 : vector<16xi32>
        %swap3A_931 = arith.constant 400 : index
        %swap3A_932 = tpu.vector_load %arg8[%swap3A_931] {strides = array<i32>} : memref<512xi32, #tpu.memory_space<vmem>>, vector<16xi32>,
        tpu.vector_store %arg8[%swap3A_931], %add3A_930 {strides = array<i32>} : memref<512xi32, #tpu.memory_space<vmem>>, vector<16xi32>,
        %get3A_933 = arith.constant 416 : index
        %get3A_934 = tpu.vector_load %arg7[%get3A_933] {strides = array<i32>} : memref<512xi32, #tpu.memory_space<vmem>>, vector<16xi32>,
        %add3A_935 = vector.broadcast %mul3A_0 : i32 to vector<16xi32>
        %add3A_936 = arith.addi %get3A_934, %add3A_935 : vector<16xi32>
        %swap3A_937 = arith.constant 416 : index
        %swap3A_938 = tpu.vector_load %arg8[%swap3A_937] {strides = array<i32>} : memref<512xi32, #tpu.memory_space<vmem>>, vector<16xi32>,
        tpu.vector_store %arg8[%swap3A_937], %add3A_936 {strides = array<i32>} : memref<512xi32, #tpu.memory_space<vmem>>, vector<16xi32>,
        %get3A_939 = arith.constant 432 : index
        %get3A_940 = tpu.vector_load %arg7[%get3A_939] {strides = array<i32>} : memref<512xi32, #tpu.memory_space<vmem>>, vector<16xi32>,
        %add3A_941 = vector.broadcast %mul3A_0 : i32 to vector<16xi32>
        %add3A_942 = arith.addi %get3A_940, %add3A_941 : vector<16xi32>
        %swap3A_943 = arith.constant 432 : index
        %swap3A_944 = tpu.vector_load %arg8[%swap3A_943] {strides = array<i32>} : memref<512xi32, #tpu.memory_space<vmem>>, vector<16xi32>,
        tpu.vector_store %arg8[%swap3A_943], %add3A_942 {strides = array<i32>} : memref<512xi32, #tpu.memory_space<vmem>>, vector<16xi32>,
        %get3A_945 = arith.constant 448 : index
        %get3A_946 = tpu.vector_load %arg7[%get3A_945] {strides = array<i32>} : memref<512xi32, #tpu.memory_space<vmem>>, vector<16xi32>,
        %add3A_947 = vector.broadcast %mul3A_0 : i32 to vector<16xi32>
        %add3A_948 = arith.addi %get3A_946, %add3A_947 : vector<16xi32>
        %swap3A_949 = arith.constant 448 : index
        %swap3A_950 = tpu.vector_load %arg8[%swap3A_949] {strides = array<i32>} : memref<512xi32, #tpu.memory_space<vmem>>, vector<16xi32>,
        tpu.vector_store %arg8[%swap3A_949], %add3A_948 {strides = array<i32>} : memref<512xi32, #tpu.memory_space<vmem>>, vector<16xi32>,
        %get3A_951 = arith.constant 464 : index
        %get3A_952 = tpu.vector_load %arg7[%get3A_951] {strides = array<i32>} : memref<512xi32, #tpu.memory_space<vmem>>, vector<16xi32>,
        %add3A_953 = vector.broadcast %mul3A_0 : i32 to vector<16xi32>
        %add3A_954 = arith.addi %get3A_952, %add3A_953 : vector<16xi32>
        %swap3A_955 = arith.constant 464 : index
        %swap3A_956 = tpu.vector_load %arg8[%swap3A_955] {strides = array<i32>} : memref<512xi32, #tpu.memory_space<vmem>>, vector<16xi32>,
        tpu.vector_store %arg8[%swap3A_955], %add3A_954 {strides = array<i32>} : memref<512xi32, #tpu.memory_space<vmem>>, vector<16xi32>,
        %get3A_957 = arith.constant 480 : index
        %get3A_958 = tpu.vector_load %arg7[%get3A_957] {strides = array<i32>} : memref<512xi32, #tpu.memory_space<vmem>>, vector<16xi32>,
        %add3A_959 = vector.broadcast %mul3A_0 : i32 to vector<16xi32>
        %add3A_960 = arith.addi %get3A_958, %add3A_959 : vector<16xi32>
        %swap3A_961 = arith.constant 480 : index
        %swap3A_962 = tpu.vector_load %arg8[%swap3A_961] {strides = array<i32>} : memref<512xi32, #tpu.memory_space<vmem>>, vector<16xi32>,
        tpu.vector_store %arg8[%swap3A_961], %add3A_960 {strides = array<i32>} : memref<512xi32, #tpu.memory_space<vmem>>, vector<16xi32>,
        %get3A_963 = arith.constant 496 : index
        %get3A_964 = tpu.vector_load %arg7[%get3A_963] {strides = array<i32>} : memref<512xi32, #tpu.memory_space<vmem>>, vector<16xi32>,
        %add3A_965 = vector.broadcast %mul3A_0 : i32 to vector<16xi32>
        %add3A_966 = arith.addi %get3A_964, %add3A_965 : vector<16xi32>
        %swap3A_967 = arith.constant 496 : index
        %swap3A_968 = tpu.vector_load %arg8[%swap3A_967] {strides = array<i32>} : memref<512xi32, #tpu.memory_space<vmem>>, vector<16xi32>,
        tpu.vector_store %arg8[%swap3A_967], %add3A_966 {strides = array<i32>} : memref<512xi32, #tpu.memory_space<vmem>>, vector<16xi32>,
        %dma_start3A_969 = arith.constant 0 : i32
        %dma_start3A_970 = arith.constant 0 : i32
        %dma_start3A_971 = tpu.memref_slice %arg2[%dma_start3A_969, %dma_start3A_970] : memref<20224x32xf32, #tpu.memory_space<hbm>> -> memref<20224x32xf32, #tpu.memory_space<hbm>>
        tpu.enqueue_indirect_dma source(%dma_start3A_971 : memref<20224x32xf32, #tpu.memory_space<hbm>>) target(%arg10 : memref<512x32xf32, #tpu.memory_space<vmem>>) offsets(%arg8 : memref<512xi32, #tpu.memory_space<vmem>>) semaphore(%arg18 : memref<!tpu.dma_semaphore, #tpu.memory_space<semaphore_mem>>)
      } else {
      }
      %dma_wait3A_765 = arith.constant 0 : i32
      %dma_wait3A_766 = arith.constant 0 : i32
      %dma_wait3A_767 = tpu.memref_slice %arg2[%dma_wait3A_765, %dma_wait3A_766] : memref<20224x32xf32, #tpu.memory_space<hbm>> -> memref<512x32xf32, #tpu.memory_space<hbm>>
      %dma_wait3A_768 = arith.constant 0 : i32
      %dma_wait3A_769 = arith.constant 0 : i32
      %dma_wait3A_770 = tpu.memref_slice %arg2[%dma_wait3A_768, %dma_wait3A_769] : memref<20224x32xf32, #tpu.memory_space<hbm>> -> memref<512x32xf32, #tpu.memory_space<hbm>>
      tpu.wait_dma2 semaphore(%arg19 : memref<!tpu.dma_semaphore, #tpu.memory_space<semaphore_mem>>) src(%dma_wait3A_770 : memref<512x32xf32, #tpu.memory_space<hbm>>) dst(%arg14 : memref<512x32xf32, #tpu.memory_space<vmem>>)
      "tpu.region"() ({
        %run_scoped3A = tpu.sem_alloc : memref<!tpu.dma_semaphore, #tpu.memory_space<semaphore_mem>>
        %dma_start3A_771 = arith.constant 0 : i32
        %dma_start3A_772 = arith.constant 0 : i32
        %dma_start3A_773 = tpu.memref_slice %arg17[%dma_start3A_771, %dma_start3A_772] : memref<10112x32xf32, #tpu.memory_space<vmem_shared>> -> memref<10112x32xf32, #tpu.memory_space<vmem_shared>>
        tpu.enqueue_indirect_dma source(%arg14 : memref<512x32xf32, #tpu.memory_space<vmem>>) target(%dma_start3A_773 : memref<10112x32xf32, #tpu.memory_space<vmem_shared>>) offsets(%arg13 : memref<512xi32, #tpu.memory_space<vmem>>) semaphore(%run_scoped3A : memref<!tpu.dma_semaphore, #tpu.memory_space<semaphore_mem>>) {add = true}
        %dma_wait3A_774 = arith.constant 0 : i32
        %dma_wait3A_775 = arith.constant 0 : i32
        %dma_wait3A_776 = tpu.memref_slice %arg17[%dma_wait3A_774, %dma_wait3A_775] : memref<10112x32xf32, #tpu.memory_space<vmem_shared>> -> memref<10112x32xf32, #tpu.memory_space<vmem_shared>>
        tpu.wait_indirect_dma semaphore(%run_scoped3A : memref<!tpu.dma_semaphore, #tpu.memory_space<semaphore_mem>>) src(%arg14 : memref<512x32xf32, #tpu.memory_space<vmem>>) dst(%dma_wait3A_776 : memref<10112x32xf32, #tpu.memory_space<vmem_shared>>)
        tpu.yield
      }) : () -> ()
    }
    %scan3A_214 = arith.constant 10 : i32
    %barrier3A_215 = arith.constant 0 : index
    tpu.barrier barrier_id(%barrier3A_215)
    %lt3A = arith.constant 14 : i32
    %lt3A_216 = arith.cmpi slt, %arg1, %lt3A : i32
    %convert_element_type3A = arith.extui %lt3A_216 : i1 to i32
    %cond3A = arith.constant 0 : i32
    %cond3A_217 = arith.cmpi ne, %convert_element_type3A, %cond3A : i32
    scf.if %cond3A_217 {
      %mul3A_548 = arith.constant 384 : i32
      %mul3A_549 = arith.muli %arg1, %mul3A_548 : i32
      "tpu.region"() ({
        %run_scoped3A = tpu.sem_alloc : memref<!tpu.dma_semaphore, #tpu.memory_space<semaphore_mem>>
        %dma_start3A_561 = tpu.memref_slice %arg5[%mul3A_549] : memref<6144xf32, #tpu.memory_space<hbm>> -> memref<384xf32, #tpu.memory_space<hbm>>
        %dma_start3A_562 = tpu.memref_slice %arg5[%mul3A_549] : memref<6144xf32, #tpu.memory_space<hbm>> -> memref<384xf32, #tpu.memory_space<hbm>>
        tpu.enqueue_dma source(%dma_start3A_562 : memref<384xf32, #tpu.memory_space<hbm>>) target(%arg15 : memref<384xf32, #tpu.memory_space<vmem>>) target_semaphore(%run_scoped3A : memref<!tpu.dma_semaphore, #tpu.memory_space<semaphore_mem>>)
        %dma_wait3A_563 = tpu.memref_slice %arg5[%mul3A_549] : memref<6144xf32, #tpu.memory_space<hbm>> -> memref<384xf32, #tpu.memory_space<hbm>>
        %dma_wait3A_564 = tpu.memref_slice %arg5[%mul3A_549] : memref<6144xf32, #tpu.memory_space<hbm>> -> memref<384xf32, #tpu.memory_space<hbm>>
        tpu.wait_dma2 semaphore(%run_scoped3A : memref<!tpu.dma_semaphore, #tpu.memory_space<semaphore_mem>>) src(%dma_wait3A_564 : memref<384xf32, #tpu.memory_space<hbm>>) dst(%arg15 : memref<384xf32, #tpu.memory_space<vmem>>)
        tpu.yield
      }) : () -> ()
      %mul3A_550 = arith.constant 384 : i32
      %mul3A_551 = arith.muli %arg1, %mul3A_550 : i32
      %add3A_552 = arith.constant 0 : i32
      %add3A_553 = arith.addi %mul3A_551, %add3A_552 : i32
      "tpu.region"() ({
        %run_scoped3A = tpu.sem_alloc : memref<!tpu.dma_semaphore, #tpu.memory_space<semaphore_mem>>
        %dma_start3A_561 = arith.constant 0 : i32
        %dma_start3A_562 = arith.constant 0 : i32
        %dma_start3A_563 = tpu.memref_slice %arg10[%dma_start3A_561, %dma_start3A_562] : memref<512x32xf32, #tpu.memory_space<vmem>> -> memref<384x32xf32, #tpu.memory_space<vmem>>
        %dma_start3A_564 = arith.constant 0 : i32
        %dma_start3A_565 = tpu.memref_slice %arg17[%add3A_553, %dma_start3A_564] : memref<10112x32xf32, #tpu.memory_space<vmem_shared>> -> memref<384x32xf32, #tpu.memory_space<vmem_shared>>
        %dma_start3A_566 = arith.constant 0 : i32
        %dma_start3A_567 = arith.constant 0 : i32
        %dma_start3A_568 = tpu.memref_slice %arg10[%dma_start3A_566, %dma_start3A_567] : memref<512x32xf32, #tpu.memory_space<vmem>> -> memref<384x32xf32, #tpu.memory_space<vmem>>
        %dma_start3A_569 = arith.constant 0 : i32
        %dma_start3A_570 = tpu.memref_slice %arg17[%add3A_553, %dma_start3A_569] : memref<10112x32xf32, #tpu.memory_space<vmem_shared>> -> memref<384x32xf32, #tpu.memory_space<vmem_shared>>
        tpu.enqueue_dma source(%dma_start3A_570 : memref<384x32xf32, #tpu.memory_space<vmem_shared>>) target(%dma_start3A_568 : memref<384x32xf32, #tpu.memory_space<vmem>>) target_semaphore(%run_scoped3A : memref<!tpu.dma_semaphore, #tpu.memory_space<semaphore_mem>>)
        %dma_wait3A_571 = arith.constant 0 : i32
        %dma_wait3A_572 = arith.constant 0 : i32
        %dma_wait3A_573 = tpu.memref_slice %arg10[%dma_wait3A_571, %dma_wait3A_572] : memref<512x32xf32, #tpu.memory_space<vmem>> -> memref<384x32xf32, #tpu.memory_space<vmem>>
        %dma_wait3A_574 = arith.constant 0 : i32
        %dma_wait3A_575 = tpu.memref_slice %arg17[%add3A_553, %dma_wait3A_574] : memref<10112x32xf32, #tpu.memory_space<vmem_shared>> -> memref<384x32xf32, #tpu.memory_space<vmem_shared>>
        %dma_wait3A_576 = arith.constant 0 : i32
        %dma_wait3A_577 = arith.constant 0 : i32
        %dma_wait3A_578 = tpu.memref_slice %arg10[%dma_wait3A_576, %dma_wait3A_577] : memref<512x32xf32, #tpu.memory_space<vmem>> -> memref<384x32xf32, #tpu.memory_space<vmem>>
        %dma_wait3A_579 = arith.constant 0 : i32
        %dma_wait3A_580 = tpu.memref_slice %arg17[%add3A_553, %dma_wait3A_579] : memref<10112x32xf32, #tpu.memory_space<vmem_shared>> -> memref<384x32xf32, #tpu.memory_space<vmem_shared>>
        tpu.wait_dma2 semaphore(%run_scoped3A : memref<!tpu.dma_semaphore, #tpu.memory_space<semaphore_mem>>) src(%dma_wait3A_580 : memref<384x32xf32, #tpu.memory_space<vmem_shared>>) dst(%dma_wait3A_578 : memref<384x32xf32, #tpu.memory_space<vmem>>)
        tpu.yield
      }) : () -> ()
      %scan3A_554 = arith.constant 0 : i32
      %scan3A_555 = arith.constant 0 : i32
      %scan3A_556 = arith.constant 384 : i32
      %scan3A_557 = arith.addi %scan3A_555, %scan3A_556 : i32
      %scan3A_558 = arith.constant 1 : i32
      scf.for %scan3A_561 = %scan3A_555 to %scan3A_557 step %scan3A_558  : i32 {
        %add3A_562 = arith.constant 0 : i32
        %add3A_563 = arith.addi %add3A_562, %scan3A_561 : i32
        %broadcast_in_dim3A_564 = vector.broadcast %add3A_563 : i32 to vector<16xi32>
        %gather3A = tpu.vector_load_idx %arg15[%broadcast_in_dim3A_564] : memref<384xf32, #tpu.memory_space<vmem>>[vector<16xi32>], vector<16xf32>,
        %max3A = arith.constant 1.000000e+00 : f32
        %max3A_565 = vector.broadcast %max3A : f32 to vector<16xf32>
        %max3A_566 = arith.maximumf %gather3A, %max3A_565 : vector<16xf32>
        %div3A = arith.constant 1.000000e+00 : f32
        %div3A_567 = vector.broadcast %div3A : f32 to vector<16xf32>
        %div3A_568 = arith.divf %div3A_567, %max3A_566 : vector<16xf32>
        %get3A_569 = arith.index_cast %scan3A_561 : i32 to index
        %get3A_570 = arith.constant 0 : index
        %get3A_571 = tpu.vector_load %arg10[%get3A_569, %get3A_570] {strides = array<i32>} : memref<512x32xf32, #tpu.memory_space<vmem>>, vector<16xf32>,
        %mul3A_572 = arith.mulf %get3A_571, %div3A_568 : vector<16xf32>
        %swap3A_573 = arith.index_cast %scan3A_561 : i32 to index
        %swap3A_574 = arith.constant 0 : index
        %swap3A_575 = tpu.vector_load %arg10[%swap3A_573, %swap3A_574] {strides = array<i32>} : memref<512x32xf32, #tpu.memory_space<vmem>>, vector<16xf32>,
        tpu.vector_store %arg10[%swap3A_573, %swap3A_574], %mul3A_572 {strides = array<i32>} : memref<512x32xf32, #tpu.memory_space<vmem>>, vector<16xf32>,
        %get3A_576 = arith.index_cast %scan3A_561 : i32 to index
        %get3A_577 = arith.constant 16 : index
        %get3A_578 = tpu.vector_load %arg10[%get3A_576, %get3A_577] {strides = array<i32>} : memref<512x32xf32, #tpu.memory_space<vmem>>, vector<16xf32>,
        %mul3A_579 = arith.mulf %get3A_578, %div3A_568 : vector<16xf32>
        %swap3A_580 = arith.index_cast %scan3A_561 : i32 to index
        %swap3A_581 = arith.constant 16 : index
        %swap3A_582 = tpu.vector_load %arg10[%swap3A_580, %swap3A_581] {strides = array<i32>} : memref<512x32xf32, #tpu.memory_space<vmem>>, vector<16xf32>,
        tpu.vector_store %arg10[%swap3A_580, %swap3A_581], %mul3A_579 {strides = array<i32>} : memref<512x32xf32, #tpu.memory_space<vmem>>, vector<16xf32>,
      }
      %scan3A_559 = arith.constant 384 : i32
      %add3A_560 = arith.addi %mul3A_0, %add3A_553 : i32
      "tpu.region"() ({
        %run_scoped3A = tpu.sem_alloc : memref<!tpu.dma_semaphore, #tpu.memory_space<semaphore_mem>>
        %dma_start3A_561 = arith.constant 0 : i32
        %dma_start3A_562 = arith.constant 0 : i32
        %dma_start3A_563 = tpu.memref_slice %arg10[%dma_start3A_561, %dma_start3A_562] : memref<512x32xf32, #tpu.memory_space<vmem>> -> memref<384x32xf32, #tpu.memory_space<vmem>>
        %dma_start3A_564 = arith.constant 0 : i32
        %dma_start3A_565 = tpu.memref_slice %arg6[%add3A_560, %dma_start3A_564] : memref<20224x32xf32, #tpu.memory_space<hbm>> -> memref<384x32xf32, #tpu.memory_space<hbm>>
        %dma_start3A_566 = arith.constant 0 : i32
        %dma_start3A_567 = tpu.memref_slice %arg6[%add3A_560, %dma_start3A_566] : memref<20224x32xf32, #tpu.memory_space<hbm>> -> memref<384x32xf32, #tpu.memory_space<hbm>>
        %dma_start3A_568 = arith.constant 0 : i32
        %dma_start3A_569 = arith.constant 0 : i32
        %dma_start3A_570 = tpu.memref_slice %arg10[%dma_start3A_568, %dma_start3A_569] : memref<512x32xf32, #tpu.memory_space<vmem>> -> memref<384x32xf32, #tpu.memory_space<vmem>>
        tpu.enqueue_dma source(%dma_start3A_570 : memref<384x32xf32, #tpu.memory_space<vmem>>) target(%dma_start3A_567 : memref<384x32xf32, #tpu.memory_space<hbm>>) target_semaphore(%run_scoped3A : memref<!tpu.dma_semaphore, #tpu.memory_space<semaphore_mem>>)
        %dma_wait3A_571 = arith.constant 0 : i32
        %dma_wait3A_572 = arith.constant 0 : i32
        %dma_wait3A_573 = tpu.memref_slice %arg10[%dma_wait3A_571, %dma_wait3A_572] : memref<512x32xf32, #tpu.memory_space<vmem>> -> memref<384x32xf32, #tpu.memory_space<vmem>>
        %dma_wait3A_574 = arith.constant 0 : i32
        %dma_wait3A_575 = tpu.memref_slice %arg6[%add3A_560, %dma_wait3A_574] : memref<20224x32xf32, #tpu.memory_space<hbm>> -> memref<384x32xf32, #tpu.memory_space<hbm>>
        %dma_wait3A_576 = arith.constant 0 : i32
        %dma_wait3A_577 = tpu.memref_slice %arg6[%add3A_560, %dma_wait3A_576] : memref<20224x32xf32, #tpu.memory_space<hbm>> -> memref<384x32xf32, #tpu.memory_space<hbm>>
        %dma_wait3A_578 = arith.constant 0 : i32
        %dma_wait3A_579 = arith.constant 0 : i32
        %dma_wait3A_580 = tpu.memref_slice %arg10[%dma_wait3A_578, %dma_wait3A_579] : memref<512x32xf32, #tpu.memory_space<vmem>> -> memref<384x32xf32, #tpu.memory_space<vmem>>
        tpu.wait_dma2 semaphore(%run_scoped3A : memref<!tpu.dma_semaphore, #tpu.memory_space<semaphore_mem>>) src(%dma_wait3A_580 : memref<384x32xf32, #tpu.memory_space<vmem>>) dst(%dma_wait3A_577 : memref<384x32xf32, #tpu.memory_space<hbm>>)
        tpu.yield
      }) : () -> ()
    } else {
    }
    %barrier3A_218 = arith.constant 0 : index
    tpu.barrier barrier_id(%barrier3A_218)
    %mul3A_219 = arith.constant 632 : i32
    %mul3A_220 = arith.muli %arg1, %mul3A_219 : i32
    %add3A_221 = arith.addi %mul3A_0, %mul3A_220 : i32
    %add3A_222 = arith.constant 0 : i32
    %add3A_223 = arith.addi %add3A_221, %add3A_222 : i32
    %dma_start3A_224 = arith.constant 0 : i32
    %dma_start3A_225 = arith.constant 0 : i32
    %dma_start3A_226 = tpu.memref_slice %arg10[%dma_start3A_224, %dma_start3A_225] : memref<512x32xf32, #tpu.memory_space<vmem>> -> memref<512x32xf32, #tpu.memory_space<vmem>>
    %dma_start3A_227 = arith.constant 0 : i32
    %dma_start3A_228 = tpu.memref_slice %arg2[%add3A_223, %dma_start3A_227] : memref<20224x32xf32, #tpu.memory_space<hbm>> -> memref<512x32xf32, #tpu.memory_space<hbm>>
    %dma_start3A_229 = arith.constant 0 : i32
    %dma_start3A_230 = arith.constant 0 : i32
    %dma_start3A_231 = tpu.memref_slice %arg10[%dma_start3A_229, %dma_start3A_230] : memref<512x32xf32, #tpu.memory_space<vmem>> -> memref<512x32xf32, #tpu.memory_space<vmem>>
    %dma_start3A_232 = arith.constant 0 : i32
    %dma_start3A_233 = tpu.memref_slice %arg2[%add3A_223, %dma_start3A_232] : memref<20224x32xf32, #tpu.memory_space<hbm>> -> memref<512x32xf32, #tpu.memory_space<hbm>>
    tpu.enqueue_dma source(%dma_start3A_233 : memref<512x32xf32, #tpu.memory_space<hbm>>) target(%dma_start3A_231 : memref<512x32xf32, #tpu.memory_space<vmem>>) target_semaphore(%arg18 : memref<!tpu.dma_semaphore, #tpu.memory_space<semaphore_mem>>)
    %mul3A_234 = arith.constant 632 : i32
    %mul3A_235 = arith.muli %arg1, %mul3A_234 : i32
    %add3A_236 = arith.addi %mul3A_0, %mul3A_235 : i32
    %add3A_237 = arith.constant 512 : i32
    %add3A_238 = arith.addi %add3A_236, %add3A_237 : i32
    %dma_start3A_239 = arith.constant 0 : i32
    %dma_start3A_240 = arith.constant 0 : i32
    %dma_start3A_241 = tpu.memref_slice %arg14[%dma_start3A_239, %dma_start3A_240] : memref<512x32xf32, #tpu.memory_space<vmem>> -> memref<120x32xf32, #tpu.memory_space<vmem>>
    %dma_start3A_242 = arith.constant 0 : i32
    %dma_start3A_243 = tpu.memref_slice %arg2[%add3A_238, %dma_start3A_242] : memref<20224x32xf32, #tpu.memory_space<hbm>> -> memref<120x32xf32, #tpu.memory_space<hbm>>
    %dma_start3A_244 = arith.constant 0 : i32
    %dma_start3A_245 = arith.constant 0 : i32
    %dma_start3A_246 = tpu.memref_slice %arg14[%dma_start3A_244, %dma_start3A_245] : memref<512x32xf32, #tpu.memory_space<vmem>> -> memref<120x32xf32, #tpu.memory_space<vmem>>
    %dma_start3A_247 = arith.constant 0 : i32
    %dma_start3A_248 = tpu.memref_slice %arg2[%add3A_238, %dma_start3A_247] : memref<20224x32xf32, #tpu.memory_space<hbm>> -> memref<120x32xf32, #tpu.memory_space<hbm>>
    tpu.enqueue_dma source(%dma_start3A_248 : memref<120x32xf32, #tpu.memory_space<hbm>>) target(%dma_start3A_246 : memref<120x32xf32, #tpu.memory_space<vmem>>) target_semaphore(%arg19 : memref<!tpu.dma_semaphore, #tpu.memory_space<semaphore_mem>>)
    %dma_wait3A = arith.constant 0 : i32
    %dma_wait3A_249 = arith.constant 0 : i32
    %dma_wait3A_250 = tpu.memref_slice %arg10[%dma_wait3A, %dma_wait3A_249] : memref<512x32xf32, #tpu.memory_space<vmem>> -> memref<512x32xf32, #tpu.memory_space<vmem>>
    %dma_wait3A_251 = arith.constant 0 : i32
    %dma_wait3A_252 = arith.constant 0 : i32
    %dma_wait3A_253 = tpu.memref_slice %arg2[%dma_wait3A_251, %dma_wait3A_252] : memref<20224x32xf32, #tpu.memory_space<hbm>> -> memref<512x32xf32, #tpu.memory_space<hbm>>
    %dma_wait3A_254 = arith.constant 0 : i32
    %dma_wait3A_255 = arith.constant 0 : i32
    %dma_wait3A_256 = tpu.memref_slice %arg10[%dma_wait3A_254, %dma_wait3A_255] : memref<512x32xf32, #tpu.memory_space<vmem>> -> memref<512x32xf32, #tpu.memory_space<vmem>>
    %dma_wait3A_257 = arith.constant 0 : i32
    %dma_wait3A_258 = arith.constant 0 : i32
    %dma_wait3A_259 = tpu.memref_slice %arg2[%dma_wait3A_257, %dma_wait3A_258] : memref<20224x32xf32, #tpu.memory_space<hbm>> -> memref<512x32xf32, #tpu.memory_space<hbm>>
    tpu.wait_dma2 semaphore(%arg18 : memref<!tpu.dma_semaphore, #tpu.memory_space<semaphore_mem>>) src(%dma_wait3A_259 : memref<512x32xf32, #tpu.memory_space<hbm>>) dst(%dma_wait3A_256 : memref<512x32xf32, #tpu.memory_space<vmem>>)
    %mul3A_260 = arith.constant 632 : i32
    %mul3A_261 = arith.muli %arg1, %mul3A_260 : i32
    %add3A_262 = arith.constant 0 : i32
    %add3A_263 = arith.addi %mul3A_261, %add3A_262 : i32
    "tpu.region"() ({
      %run_scoped3A = tpu.sem_alloc : memref<!tpu.dma_semaphore, #tpu.memory_space<semaphore_mem>>
      %dma_start3A_548 = arith.constant 0 : i32
      %dma_start3A_549 = arith.constant 0 : i32
      %dma_start3A_550 = tpu.memref_slice %arg10[%dma_start3A_548, %dma_start3A_549] : memref<512x32xf32, #tpu.memory_space<vmem>> -> memref<512x32xf32, #tpu.memory_space<vmem>>
      %dma_start3A_551 = arith.constant 0 : i32
      %dma_start3A_552 = tpu.memref_slice %arg17[%add3A_263, %dma_start3A_551] : memref<10112x32xf32, #tpu.memory_space<vmem_shared>> -> memref<512x32xf32, #tpu.memory_space<vmem_shared>>
      %dma_start3A_553 = arith.constant 0 : i32
      %dma_start3A_554 = tpu.memref_slice %arg17[%add3A_263, %dma_start3A_553] : memref<10112x32xf32, #tpu.memory_space<vmem_shared>> -> memref<512x32xf32, #tpu.memory_space<vmem_shared>>
      %dma_start3A_555 = arith.constant 0 : i32
      %dma_start3A_556 = arith.constant 0 : i32
      %dma_start3A_557 = tpu.memref_slice %arg10[%dma_start3A_555, %dma_start3A_556] : memref<512x32xf32, #tpu.memory_space<vmem>> -> memref<512x32xf32, #tpu.memory_space<vmem>>
      tpu.enqueue_dma source(%dma_start3A_557 : memref<512x32xf32, #tpu.memory_space<vmem>>) target(%dma_start3A_554 : memref<512x32xf32, #tpu.memory_space<vmem_shared>>) target_semaphore(%run_scoped3A : memref<!tpu.dma_semaphore, #tpu.memory_space<semaphore_mem>>)
      %dma_wait3A_558 = arith.constant 0 : i32
      %dma_wait3A_559 = arith.constant 0 : i32
      %dma_wait3A_560 = tpu.memref_slice %arg10[%dma_wait3A_558, %dma_wait3A_559] : memref<512x32xf32, #tpu.memory_space<vmem>> -> memref<512x32xf32, #tpu.memory_space<vmem>>
      %dma_wait3A_561 = arith.constant 0 : i32
      %dma_wait3A_562 = tpu.memref_slice %arg17[%add3A_263, %dma_wait3A_561] : memref<10112x32xf32, #tpu.memory_space<vmem_shared>> -> memref<512x32xf32, #tpu.memory_space<vmem_shared>>
      %dma_wait3A_563 = arith.constant 0 : i32
      %dma_wait3A_564 = tpu.memref_slice %arg17[%add3A_263, %dma_wait3A_563] : memref<10112x32xf32, #tpu.memory_space<vmem_shared>> -> memref<512x32xf32, #tpu.memory_space<vmem_shared>>
      %dma_wait3A_565 = arith.constant 0 : i32
      %dma_wait3A_566 = arith.constant 0 : i32
      %dma_wait3A_567 = tpu.memref_slice %arg10[%dma_wait3A_565, %dma_wait3A_566] : memref<512x32xf32, #tpu.memory_space<vmem>> -> memref<512x32xf32, #tpu.memory_space<vmem>>
      tpu.wait_dma2 semaphore(%run_scoped3A : memref<!tpu.dma_semaphore, #tpu.memory_space<semaphore_mem>>) src(%dma_wait3A_567 : memref<512x32xf32, #tpu.memory_space<vmem>>) dst(%dma_wait3A_564 : memref<512x32xf32, #tpu.memory_space<vmem_shared>>)
      tpu.yield
    }) : () -> ()
    %dma_wait3A_264 = arith.constant 0 : i32
    %dma_wait3A_265 = arith.constant 0 : i32
    %dma_wait3A_266 = tpu.memref_slice %arg14[%dma_wait3A_264, %dma_wait3A_265] : memref<512x32xf32, #tpu.memory_space<vmem>> -> memref<120x32xf32, #tpu.memory_space<vmem>>
    %dma_wait3A_267 = arith.constant 0 : i32
    %dma_wait3A_268 = arith.constant 0 : i32
    %dma_wait3A_269 = tpu.memref_slice %arg2[%dma_wait3A_267, %dma_wait3A_268] : memref<20224x32xf32, #tpu.memory_space<hbm>> -> memref<120x32xf32, #tpu.memory_space<hbm>>
    %dma_wait3A_270 = arith.constant 0 : i32
    %dma_wait3A_271 = arith.constant 0 : i32
    %dma_wait3A_272 = tpu.memref_slice %arg14[%dma_wait3A_270, %dma_wait3A_271] : memref<512x32xf32, #tpu.memory_space<vmem>> -> memref<120x32xf32, #tpu.memory_space<vmem>>
    %dma_wait3A_273 = arith.constant 0 : i32
    %dma_wait3A_274 = arith.constant 0 : i32
    %dma_wait3A_275 = tpu.memref_slice %arg2[%dma_wait3A_273, %dma_wait3A_274] : memref<20224x32xf32, #tpu.memory_space<hbm>> -> memref<120x32xf32, #tpu.memory_space<hbm>>
    tpu.wait_dma2 semaphore(%arg19 : memref<!tpu.dma_semaphore, #tpu.memory_space<semaphore_mem>>) src(%dma_wait3A_275 : memref<120x32xf32, #tpu.memory_space<hbm>>) dst(%dma_wait3A_272 : memref<120x32xf32, #tpu.memory_space<vmem>>)
    %mul3A_276 = arith.constant 632 : i32
    %mul3A_277 = arith.muli %arg1, %mul3A_276 : i32
    %add3A_278 = arith.constant 512 : i32
    %add3A_279 = arith.addi %mul3A_277, %add3A_278 : i32
    "tpu.region"() ({
      %run_scoped3A = tpu.sem_alloc : memref<!tpu.dma_semaphore, #tpu.memory_space<semaphore_mem>>
      %dma_start3A_548 = arith.constant 0 : i32
      %dma_start3A_549 = arith.constant 0 : i32
      %dma_start3A_550 = tpu.memref_slice %arg14[%dma_start3A_548, %dma_start3A_549] : memref<512x32xf32, #tpu.memory_space<vmem>> -> memref<120x32xf32, #tpu.memory_space<vmem>>
      %dma_start3A_551 = arith.constant 0 : i32
      %dma_start3A_552 = tpu.memref_slice %arg17[%add3A_279, %dma_start3A_551] : memref<10112x32xf32, #tpu.memory_space<vmem_shared>> -> memref<120x32xf32, #tpu.memory_space<vmem_shared>>
      %dma_start3A_553 = arith.constant 0 : i32
      %dma_start3A_554 = tpu.memref_slice %arg17[%add3A_279, %dma_start3A_553] : memref<10112x32xf32, #tpu.memory_space<vmem_shared>> -> memref<120x32xf32, #tpu.memory_space<vmem_shared>>
      %dma_start3A_555 = arith.constant 0 : i32
      %dma_start3A_556 = arith.constant 0 : i32
      %dma_start3A_557 = tpu.memref_slice %arg14[%dma_start3A_555, %dma_start3A_556] : memref<512x32xf32, #tpu.memory_space<vmem>> -> memref<120x32xf32, #tpu.memory_space<vmem>>
      tpu.enqueue_dma source(%dma_start3A_557 : memref<120x32xf32, #tpu.memory_space<vmem>>) target(%dma_start3A_554 : memref<120x32xf32, #tpu.memory_space<vmem_shared>>) target_semaphore(%run_scoped3A : memref<!tpu.dma_semaphore, #tpu.memory_space<semaphore_mem>>)
      %dma_wait3A_558 = arith.constant 0 : i32
      %dma_wait3A_559 = arith.constant 0 : i32
      %dma_wait3A_560 = tpu.memref_slice %arg14[%dma_wait3A_558, %dma_wait3A_559] : memref<512x32xf32, #tpu.memory_space<vmem>> -> memref<120x32xf32, #tpu.memory_space<vmem>>
      %dma_wait3A_561 = arith.constant 0 : i32
      %dma_wait3A_562 = tpu.memref_slice %arg17[%add3A_279, %dma_wait3A_561] : memref<10112x32xf32, #tpu.memory_space<vmem_shared>> -> memref<120x32xf32, #tpu.memory_space<vmem_shared>>
      %dma_wait3A_563 = arith.constant 0 : i32
      %dma_wait3A_564 = tpu.memref_slice %arg17[%add3A_279, %dma_wait3A_563] : memref<10112x32xf32, #tpu.memory_space<vmem_shared>> -> memref<120x32xf32, #tpu.memory_space<vmem_shared>>
      %dma_wait3A_565 = arith.constant 0 : i32
      %dma_wait3A_566 = arith.constant 0 : i32
      %dma_wait3A_567 = tpu.memref_slice %arg14[%dma_wait3A_565, %dma_wait3A_566] : memref<512x32xf32, #tpu.memory_space<vmem>> -> memref<120x32xf32, #tpu.memory_space<vmem>>
      tpu.wait_dma2 semaphore(%run_scoped3A : memref<!tpu.dma_semaphore, #tpu.memory_space<semaphore_mem>>) src(%dma_wait3A_567 : memref<120x32xf32, #tpu.memory_space<vmem>>) dst(%dma_wait3A_564 : memref<120x32xf32, #tpu.memory_space<vmem_shared>>)
      tpu.yield
    }) : () -> ()
    %barrier3A_280 = arith.constant 0 : index
    tpu.barrier barrier_id(%barrier3A_280)
    %add3A_281 = arith.constant 0 : i32
    %add3A_282 = arith.addi %multiple_of3A, %add3A_281 : i32
    %multiple_of3A_283 = tpu.assume_multiple %add3A_282, 8 : i32
    "tpu.region"() ({
      %run_scoped3A = tpu.sem_alloc : memref<!tpu.dma_semaphore, #tpu.memory_space<semaphore_mem>>
      %dma_start3A_548 = tpu.memref_slice %arg3[%multiple_of3A_283] : memref<163840xi32, #tpu.memory_space<hbm>> -> memref<512xi32, #tpu.memory_space<hbm>>
      %dma_start3A_549 = tpu.memref_slice %arg3[%multiple_of3A_283] : memref<163840xi32, #tpu.memory_space<hbm>> -> memref<512xi32, #tpu.memory_space<hbm>>
      tpu.enqueue_dma source(%dma_start3A_549 : memref<512xi32, #tpu.memory_space<hbm>>) target(%arg7 : memref<512xi32, #tpu.memory_space<vmem>>) target_semaphore(%run_scoped3A : memref<!tpu.dma_semaphore, #tpu.memory_space<semaphore_mem>>)
      %dma_wait3A_550 = tpu.memref_slice %arg3[%multiple_of3A_283] : memref<163840xi32, #tpu.memory_space<hbm>> -> memref<512xi32, #tpu.memory_space<hbm>>
      %dma_wait3A_551 = tpu.memref_slice %arg3[%multiple_of3A_283] : memref<163840xi32, #tpu.memory_space<hbm>> -> memref<512xi32, #tpu.memory_space<hbm>>
      tpu.wait_dma2 semaphore(%run_scoped3A : memref<!tpu.dma_semaphore, #tpu.memory_space<semaphore_mem>>) src(%dma_wait3A_551 : memref<512xi32, #tpu.memory_space<hbm>>) dst(%arg7 : memref<512xi32, #tpu.memory_space<vmem>>)
      tpu.yield
    }) : () -> ()
    "tpu.region"() ({
      %run_scoped3A = tpu.sem_alloc : memref<!tpu.dma_semaphore, #tpu.memory_space<semaphore_mem>>
      %dma_start3A_548 = tpu.memref_slice %arg4[%multiple_of3A_283] : memref<163840xi32, #tpu.memory_space<hbm>> -> memref<512xi32, #tpu.memory_space<hbm>>
      %dma_start3A_549 = tpu.memref_slice %arg4[%multiple_of3A_283] : memref<163840xi32, #tpu.memory_space<hbm>> -> memref<512xi32, #tpu.memory_space<hbm>>
      tpu.enqueue_dma source(%dma_start3A_549 : memref<512xi32, #tpu.memory_space<hbm>>) target(%arg9 : memref<512xi32, #tpu.memory_space<vmem>>) target_semaphore(%run_scoped3A : memref<!tpu.dma_semaphore, #tpu.memory_space<semaphore_mem>>)
      %dma_wait3A_550 = tpu.memref_slice %arg4[%multiple_of3A_283] : memref<163840xi32, #tpu.memory_space<hbm>> -> memref<512xi32, #tpu.memory_space<hbm>>
      %dma_wait3A_551 = tpu.memref_slice %arg4[%multiple_of3A_283] : memref<163840xi32, #tpu.memory_space<hbm>> -> memref<512xi32, #tpu.memory_space<hbm>>
      tpu.wait_dma2 semaphore(%run_scoped3A : memref<!tpu.dma_semaphore, #tpu.memory_space<semaphore_mem>>) src(%dma_wait3A_551 : memref<512xi32, #tpu.memory_space<hbm>>) dst(%arg9 : memref<512xi32, #tpu.memory_space<vmem>>)
      tpu.yield
    }) : () -> ()
    %get3A_284 = arith.constant 0 : index
    %get3A_285 = tpu.vector_load %arg9[%get3A_284] {strides = array<i32>} : memref<512xi32, #tpu.memory_space<vmem>>, vector<16xi32>,
    %add3A_286 = vector.broadcast %mul3A_0 : i32 to vector<16xi32>
    %add3A_287 = arith.addi %get3A_285, %add3A_286 : vector<16xi32>
    %swap3A_288 = arith.constant 0 : index
    %swap3A_289 = tpu.vector_load %arg8[%swap3A_288] {strides = array<i32>} : memref<512xi32, #tpu.memory_space<vmem>>, vector<16xi32>,
    tpu.vector_store %arg8[%swap3A_288], %add3A_287 {strides = array<i32>} : memref<512xi32, #tpu.memory_space<vmem>>, vector<16xi32>,
    %get3A_290 = arith.constant 16 : index
    %get3A_291 = tpu.vector_load %arg9[%get3A_290] {strides = array<i32>} : memref<512xi32, #tpu.memory_space<vmem>>, vector<16xi32>,
    %add3A_292 = vector.broadcast %mul3A_0 : i32 to vector<16xi32>
    %add3A_293 = arith.addi %get3A_291, %add3A_292 : vector<16xi32>
    %swap3A_294 = arith.constant 16 : index
    %swap3A_295 = tpu.vector_load %arg8[%swap3A_294] {strides = array<i32>} : memref<512xi32, #tpu.memory_space<vmem>>, vector<16xi32>,
    tpu.vector_store %arg8[%swap3A_294], %add3A_293 {strides = array<i32>} : memref<512xi32, #tpu.memory_space<vmem>>, vector<16xi32>,
    %get3A_296 = arith.constant 32 : index
    %get3A_297 = tpu.vector_load %arg9[%get3A_296] {strides = array<i32>} : memref<512xi32, #tpu.memory_space<vmem>>, vector<16xi32>,
    %add3A_298 = vector.broadcast %mul3A_0 : i32 to vector<16xi32>
    %add3A_299 = arith.addi %get3A_297, %add3A_298 : vector<16xi32>
    %swap3A_300 = arith.constant 32 : index
    %swap3A_301 = tpu.vector_load %arg8[%swap3A_300] {strides = array<i32>} : memref<512xi32, #tpu.memory_space<vmem>>, vector<16xi32>,
    tpu.vector_store %arg8[%swap3A_300], %add3A_299 {strides = array<i32>} : memref<512xi32, #tpu.memory_space<vmem>>, vector<16xi32>,
    %get3A_302 = arith.constant 48 : index
    %get3A_303 = tpu.vector_load %arg9[%get3A_302] {strides = array<i32>} : memref<512xi32, #tpu.memory_space<vmem>>, vector<16xi32>,
    %add3A_304 = vector.broadcast %mul3A_0 : i32 to vector<16xi32>
    %add3A_305 = arith.addi %get3A_303, %add3A_304 : vector<16xi32>
    %swap3A_306 = arith.constant 48 : index
    %swap3A_307 = tpu.vector_load %arg8[%swap3A_306] {strides = array<i32>} : memref<512xi32, #tpu.memory_space<vmem>>, vector<16xi32>,
    tpu.vector_store %arg8[%swap3A_306], %add3A_305 {strides = array<i32>} : memref<512xi32, #tpu.memory_space<vmem>>, vector<16xi32>,
    %get3A_308 = arith.constant 64 : index
    %get3A_309 = tpu.vector_load %arg9[%get3A_308] {strides = array<i32>} : memref<512xi32, #tpu.memory_space<vmem>>, vector<16xi32>,
    %add3A_310 = vector.broadcast %mul3A_0 : i32 to vector<16xi32>
    %add3A_311 = arith.addi %get3A_309, %add3A_310 : vector<16xi32>
    %swap3A_312 = arith.constant 64 : index
    %swap3A_313 = tpu.vector_load %arg8[%swap3A_312] {strides = array<i32>} : memref<512xi32, #tpu.memory_space<vmem>>, vector<16xi32>,
    tpu.vector_store %arg8[%swap3A_312], %add3A_311 {strides = array<i32>} : memref<512xi32, #tpu.memory_space<vmem>>, vector<16xi32>,
    %get3A_314 = arith.constant 80 : index
    %get3A_315 = tpu.vector_load %arg9[%get3A_314] {strides = array<i32>} : memref<512xi32, #tpu.memory_space<vmem>>, vector<16xi32>,
    %add3A_316 = vector.broadcast %mul3A_0 : i32 to vector<16xi32>
    %add3A_317 = arith.addi %get3A_315, %add3A_316 : vector<16xi32>
    %swap3A_318 = arith.constant 80 : index
    %swap3A_319 = tpu.vector_load %arg8[%swap3A_318] {strides = array<i32>} : memref<512xi32, #tpu.memory_space<vmem>>, vector<16xi32>,
    tpu.vector_store %arg8[%swap3A_318], %add3A_317 {strides = array<i32>} : memref<512xi32, #tpu.memory_space<vmem>>, vector<16xi32>,
    %get3A_320 = arith.constant 96 : index
    %get3A_321 = tpu.vector_load %arg9[%get3A_320] {strides = array<i32>} : memref<512xi32, #tpu.memory_space<vmem>>, vector<16xi32>,
    %add3A_322 = vector.broadcast %mul3A_0 : i32 to vector<16xi32>
    %add3A_323 = arith.addi %get3A_321, %add3A_322 : vector<16xi32>
    %swap3A_324 = arith.constant 96 : index
    %swap3A_325 = tpu.vector_load %arg8[%swap3A_324] {strides = array<i32>} : memref<512xi32, #tpu.memory_space<vmem>>, vector<16xi32>,
    tpu.vector_store %arg8[%swap3A_324], %add3A_323 {strides = array<i32>} : memref<512xi32, #tpu.memory_space<vmem>>, vector<16xi32>,
    %get3A_326 = arith.constant 112 : index
    %get3A_327 = tpu.vector_load %arg9[%get3A_326] {strides = array<i32>} : memref<512xi32, #tpu.memory_space<vmem>>, vector<16xi32>,
    %add3A_328 = vector.broadcast %mul3A_0 : i32 to vector<16xi32>
    %add3A_329 = arith.addi %get3A_327, %add3A_328 : vector<16xi32>
    %swap3A_330 = arith.constant 112 : index
    %swap3A_331 = tpu.vector_load %arg8[%swap3A_330] {strides = array<i32>} : memref<512xi32, #tpu.memory_space<vmem>>, vector<16xi32>,
    tpu.vector_store %arg8[%swap3A_330], %add3A_329 {strides = array<i32>} : memref<512xi32, #tpu.memory_space<vmem>>, vector<16xi32>,
    %get3A_332 = arith.constant 128 : index
    %get3A_333 = tpu.vector_load %arg9[%get3A_332] {strides = array<i32>} : memref<512xi32, #tpu.memory_space<vmem>>, vector<16xi32>,
    %add3A_334 = vector.broadcast %mul3A_0 : i32 to vector<16xi32>
    %add3A_335 = arith.addi %get3A_333, %add3A_334 : vector<16xi32>
    %swap3A_336 = arith.constant 128 : index
    %swap3A_337 = tpu.vector_load %arg8[%swap3A_336] {strides = array<i32>} : memref<512xi32, #tpu.memory_space<vmem>>, vector<16xi32>,
    tpu.vector_store %arg8[%swap3A_336], %add3A_335 {strides = array<i32>} : memref<512xi32, #tpu.memory_space<vmem>>, vector<16xi32>,
    %get3A_338 = arith.constant 144 : index
    %get3A_339 = tpu.vector_load %arg9[%get3A_338] {strides = array<i32>} : memref<512xi32, #tpu.memory_space<vmem>>, vector<16xi32>,
    %add3A_340 = vector.broadcast %mul3A_0 : i32 to vector<16xi32>
    %add3A_341 = arith.addi %get3A_339, %add3A_340 : vector<16xi32>
    %swap3A_342 = arith.constant 144 : index
    %swap3A_343 = tpu.vector_load %arg8[%swap3A_342] {strides = array<i32>} : memref<512xi32, #tpu.memory_space<vmem>>, vector<16xi32>,
    tpu.vector_store %arg8[%swap3A_342], %add3A_341 {strides = array<i32>} : memref<512xi32, #tpu.memory_space<vmem>>, vector<16xi32>,
    %get3A_344 = arith.constant 160 : index
    %get3A_345 = tpu.vector_load %arg9[%get3A_344] {strides = array<i32>} : memref<512xi32, #tpu.memory_space<vmem>>, vector<16xi32>,
    %add3A_346 = vector.broadcast %mul3A_0 : i32 to vector<16xi32>
    %add3A_347 = arith.addi %get3A_345, %add3A_346 : vector<16xi32>
    %swap3A_348 = arith.constant 160 : index
    %swap3A_349 = tpu.vector_load %arg8[%swap3A_348] {strides = array<i32>} : memref<512xi32, #tpu.memory_space<vmem>>, vector<16xi32>,
    tpu.vector_store %arg8[%swap3A_348], %add3A_347 {strides = array<i32>} : memref<512xi32, #tpu.memory_space<vmem>>, vector<16xi32>,
    %get3A_350 = arith.constant 176 : index
    %get3A_351 = tpu.vector_load %arg9[%get3A_350] {strides = array<i32>} : memref<512xi32, #tpu.memory_space<vmem>>, vector<16xi32>,
    %add3A_352 = vector.broadcast %mul3A_0 : i32 to vector<16xi32>
    %add3A_353 = arith.addi %get3A_351, %add3A_352 : vector<16xi32>
    %swap3A_354 = arith.constant 176 : index
    %swap3A_355 = tpu.vector_load %arg8[%swap3A_354] {strides = array<i32>} : memref<512xi32, #tpu.memory_space<vmem>>, vector<16xi32>,
    tpu.vector_store %arg8[%swap3A_354], %add3A_353 {strides = array<i32>} : memref<512xi32, #tpu.memory_space<vmem>>, vector<16xi32>,
    %get3A_356 = arith.constant 192 : index
    %get3A_357 = tpu.vector_load %arg9[%get3A_356] {strides = array<i32>} : memref<512xi32, #tpu.memory_space<vmem>>, vector<16xi32>,
    %add3A_358 = vector.broadcast %mul3A_0 : i32 to vector<16xi32>
    %add3A_359 = arith.addi %get3A_357, %add3A_358 : vector<16xi32>
    %swap3A_360 = arith.constant 192 : index
    %swap3A_361 = tpu.vector_load %arg8[%swap3A_360] {strides = array<i32>} : memref<512xi32, #tpu.memory_space<vmem>>, vector<16xi32>,
    tpu.vector_store %arg8[%swap3A_360], %add3A_359 {strides = array<i32>} : memref<512xi32, #tpu.memory_space<vmem>>, vector<16xi32>,
    %get3A_362 = arith.constant 208 : index
    %get3A_363 = tpu.vector_load %arg9[%get3A_362] {strides = array<i32>} : memref<512xi32, #tpu.memory_space<vmem>>, vector<16xi32>,
    %add3A_364 = vector.broadcast %mul3A_0 : i32 to vector<16xi32>
    %add3A_365 = arith.addi %get3A_363, %add3A_364 : vector<16xi32>
    %swap3A_366 = arith.constant 208 : index
    %swap3A_367 = tpu.vector_load %arg8[%swap3A_366] {strides = array<i32>} : memref<512xi32, #tpu.memory_space<vmem>>, vector<16xi32>,
    tpu.vector_store %arg8[%swap3A_366], %add3A_365 {strides = array<i32>} : memref<512xi32, #tpu.memory_space<vmem>>, vector<16xi32>,
    %get3A_368 = arith.constant 224 : index
    %get3A_369 = tpu.vector_load %arg9[%get3A_368] {strides = array<i32>} : memref<512xi32, #tpu.memory_space<vmem>>, vector<16xi32>,
    %add3A_370 = vector.broadcast %mul3A_0 : i32 to vector<16xi32>
    %add3A_371 = arith.addi %get3A_369, %add3A_370 : vector<16xi32>
    %swap3A_372 = arith.constant 224 : index
    %swap3A_373 = tpu.vector_load %arg8[%swap3A_372] {strides = array<i32>} : memref<512xi32, #tpu.memory_space<vmem>>, vector<16xi32>,
    tpu.vector_store %arg8[%swap3A_372], %add3A_371 {strides = array<i32>} : memref<512xi32, #tpu.memory_space<vmem>>, vector<16xi32>,
    %get3A_374 = arith.constant 240 : index
    %get3A_375 = tpu.vector_load %arg9[%get3A_374] {strides = array<i32>} : memref<512xi32, #tpu.memory_space<vmem>>, vector<16xi32>,
    %add3A_376 = vector.broadcast %mul3A_0 : i32 to vector<16xi32>
    %add3A_377 = arith.addi %get3A_375, %add3A_376 : vector<16xi32>
    %swap3A_378 = arith.constant 240 : index
    %swap3A_379 = tpu.vector_load %arg8[%swap3A_378] {strides = array<i32>} : memref<512xi32, #tpu.memory_space<vmem>>, vector<16xi32>,
    tpu.vector_store %arg8[%swap3A_378], %add3A_377 {strides = array<i32>} : memref<512xi32, #tpu.memory_space<vmem>>, vector<16xi32>,
    %get3A_380 = arith.constant 256 : index
    %get3A_381 = tpu.vector_load %arg9[%get3A_380] {strides = array<i32>} : memref<512xi32, #tpu.memory_space<vmem>>, vector<16xi32>,
    %add3A_382 = vector.broadcast %mul3A_0 : i32 to vector<16xi32>
    %add3A_383 = arith.addi %get3A_381, %add3A_382 : vector<16xi32>
    %swap3A_384 = arith.constant 256 : index
    %swap3A_385 = tpu.vector_load %arg8[%swap3A_384] {strides = array<i32>} : memref<512xi32, #tpu.memory_space<vmem>>, vector<16xi32>,
    tpu.vector_store %arg8[%swap3A_384], %add3A_383 {strides = array<i32>} : memref<512xi32, #tpu.memory_space<vmem>>, vector<16xi32>,
    %get3A_386 = arith.constant 272 : index
    %get3A_387 = tpu.vector_load %arg9[%get3A_386] {strides = array<i32>} : memref<512xi32, #tpu.memory_space<vmem>>, vector<16xi32>,
    %add3A_388 = vector.broadcast %mul3A_0 : i32 to vector<16xi32>
    %add3A_389 = arith.addi %get3A_387, %add3A_388 : vector<16xi32>
    %swap3A_390 = arith.constant 272 : index
    %swap3A_391 = tpu.vector_load %arg8[%swap3A_390] {strides = array<i32>} : memref<512xi32, #tpu.memory_space<vmem>>, vector<16xi32>,
    tpu.vector_store %arg8[%swap3A_390], %add3A_389 {strides = array<i32>} : memref<512xi32, #tpu.memory_space<vmem>>, vector<16xi32>,
    %get3A_392 = arith.constant 288 : index
    %get3A_393 = tpu.vector_load %arg9[%get3A_392] {strides = array<i32>} : memref<512xi32, #tpu.memory_space<vmem>>, vector<16xi32>,
    %add3A_394 = vector.broadcast %mul3A_0 : i32 to vector<16xi32>
    %add3A_395 = arith.addi %get3A_393, %add3A_394 : vector<16xi32>
    %swap3A_396 = arith.constant 288 : index
    %swap3A_397 = tpu.vector_load %arg8[%swap3A_396] {strides = array<i32>} : memref<512xi32, #tpu.memory_space<vmem>>, vector<16xi32>,
    tpu.vector_store %arg8[%swap3A_396], %add3A_395 {strides = array<i32>} : memref<512xi32, #tpu.memory_space<vmem>>, vector<16xi32>,
    %get3A_398 = arith.constant 304 : index
    %get3A_399 = tpu.vector_load %arg9[%get3A_398] {strides = array<i32>} : memref<512xi32, #tpu.memory_space<vmem>>, vector<16xi32>,
    %add3A_400 = vector.broadcast %mul3A_0 : i32 to vector<16xi32>
    %add3A_401 = arith.addi %get3A_399, %add3A_400 : vector<16xi32>
    %swap3A_402 = arith.constant 304 : index
    %swap3A_403 = tpu.vector_load %arg8[%swap3A_402] {strides = array<i32>} : memref<512xi32, #tpu.memory_space<vmem>>, vector<16xi32>,
    tpu.vector_store %arg8[%swap3A_402], %add3A_401 {strides = array<i32>} : memref<512xi32, #tpu.memory_space<vmem>>, vector<16xi32>,
    %get3A_404 = arith.constant 320 : index
    %get3A_405 = tpu.vector_load %arg9[%get3A_404] {strides = array<i32>} : memref<512xi32, #tpu.memory_space<vmem>>, vector<16xi32>,
    %add3A_406 = vector.broadcast %mul3A_0 : i32 to vector<16xi32>
    %add3A_407 = arith.addi %get3A_405, %add3A_406 : vector<16xi32>
    %swap3A_408 = arith.constant 320 : index
    %swap3A_409 = tpu.vector_load %arg8[%swap3A_408] {strides = array<i32>} : memref<512xi32, #tpu.memory_space<vmem>>, vector<16xi32>,
    tpu.vector_store %arg8[%swap3A_408], %add3A_407 {strides = array<i32>} : memref<512xi32, #tpu.memory_space<vmem>>, vector<16xi32>,
    %get3A_410 = arith.constant 336 : index
    %get3A_411 = tpu.vector_load %arg9[%get3A_410] {strides = array<i32>} : memref<512xi32, #tpu.memory_space<vmem>>, vector<16xi32>,
    %add3A_412 = vector.broadcast %mul3A_0 : i32 to vector<16xi32>
    %add3A_413 = arith.addi %get3A_411, %add3A_412 : vector<16xi32>
    %swap3A_414 = arith.constant 336 : index
    %swap3A_415 = tpu.vector_load %arg8[%swap3A_414] {strides = array<i32>} : memref<512xi32, #tpu.memory_space<vmem>>, vector<16xi32>,
    tpu.vector_store %arg8[%swap3A_414], %add3A_413 {strides = array<i32>} : memref<512xi32, #tpu.memory_space<vmem>>, vector<16xi32>,
    %get3A_416 = arith.constant 352 : index
    %get3A_417 = tpu.vector_load %arg9[%get3A_416] {strides = array<i32>} : memref<512xi32, #tpu.memory_space<vmem>>, vector<16xi32>,
    %add3A_418 = vector.broadcast %mul3A_0 : i32 to vector<16xi32>
    %add3A_419 = arith.addi %get3A_417, %add3A_418 : vector<16xi32>
    %swap3A_420 = arith.constant 352 : index
    %swap3A_421 = tpu.vector_load %arg8[%swap3A_420] {strides = array<i32>} : memref<512xi32, #tpu.memory_space<vmem>>, vector<16xi32>,
    tpu.vector_store %arg8[%swap3A_420], %add3A_419 {strides = array<i32>} : memref<512xi32, #tpu.memory_space<vmem>>, vector<16xi32>,
    %get3A_422 = arith.constant 368 : index
    %get3A_423 = tpu.vector_load %arg9[%get3A_422] {strides = array<i32>} : memref<512xi32, #tpu.memory_space<vmem>>, vector<16xi32>,
    %add3A_424 = vector.broadcast %mul3A_0 : i32 to vector<16xi32>
    %add3A_425 = arith.addi %get3A_423, %add3A_424 : vector<16xi32>
    %swap3A_426 = arith.constant 368 : index
    %swap3A_427 = tpu.vector_load %arg8[%swap3A_426] {strides = array<i32>} : memref<512xi32, #tpu.memory_space<vmem>>, vector<16xi32>,
    tpu.vector_store %arg8[%swap3A_426], %add3A_425 {strides = array<i32>} : memref<512xi32, #tpu.memory_space<vmem>>, vector<16xi32>,
    %get3A_428 = arith.constant 384 : index
    %get3A_429 = tpu.vector_load %arg9[%get3A_428] {strides = array<i32>} : memref<512xi32, #tpu.memory_space<vmem>>, vector<16xi32>,
    %add3A_430 = vector.broadcast %mul3A_0 : i32 to vector<16xi32>
    %add3A_431 = arith.addi %get3A_429, %add3A_430 : vector<16xi32>
    %swap3A_432 = arith.constant 384 : index
    %swap3A_433 = tpu.vector_load %arg8[%swap3A_432] {strides = array<i32>} : memref<512xi32, #tpu.memory_space<vmem>>, vector<16xi32>,
    tpu.vector_store %arg8[%swap3A_432], %add3A_431 {strides = array<i32>} : memref<512xi32, #tpu.memory_space<vmem>>, vector<16xi32>,
    %get3A_434 = arith.constant 400 : index
    %get3A_435 = tpu.vector_load %arg9[%get3A_434] {strides = array<i32>} : memref<512xi32, #tpu.memory_space<vmem>>, vector<16xi32>,
    %add3A_436 = vector.broadcast %mul3A_0 : i32 to vector<16xi32>
    %add3A_437 = arith.addi %get3A_435, %add3A_436 : vector<16xi32>
    %swap3A_438 = arith.constant 400 : index
    %swap3A_439 = tpu.vector_load %arg8[%swap3A_438] {strides = array<i32>} : memref<512xi32, #tpu.memory_space<vmem>>, vector<16xi32>,
    tpu.vector_store %arg8[%swap3A_438], %add3A_437 {strides = array<i32>} : memref<512xi32, #tpu.memory_space<vmem>>, vector<16xi32>,
    %get3A_440 = arith.constant 416 : index
    %get3A_441 = tpu.vector_load %arg9[%get3A_440] {strides = array<i32>} : memref<512xi32, #tpu.memory_space<vmem>>, vector<16xi32>,
    %add3A_442 = vector.broadcast %mul3A_0 : i32 to vector<16xi32>
    %add3A_443 = arith.addi %get3A_441, %add3A_442 : vector<16xi32>
    %swap3A_444 = arith.constant 416 : index
    %swap3A_445 = tpu.vector_load %arg8[%swap3A_444] {strides = array<i32>} : memref<512xi32, #tpu.memory_space<vmem>>, vector<16xi32>,
    tpu.vector_store %arg8[%swap3A_444], %add3A_443 {strides = array<i32>} : memref<512xi32, #tpu.memory_space<vmem>>, vector<16xi32>,
    %get3A_446 = arith.constant 432 : index
    %get3A_447 = tpu.vector_load %arg9[%get3A_446] {strides = array<i32>} : memref<512xi32, #tpu.memory_space<vmem>>, vector<16xi32>,
    %add3A_448 = vector.broadcast %mul3A_0 : i32 to vector<16xi32>
    %add3A_449 = arith.addi %get3A_447, %add3A_448 : vector<16xi32>
    %swap3A_450 = arith.constant 432 : index
    %swap3A_451 = tpu.vector_load %arg8[%swap3A_450] {strides = array<i32>} : memref<512xi32, #tpu.memory_space<vmem>>, vector<16xi32>,
    tpu.vector_store %arg8[%swap3A_450], %add3A_449 {strides = array<i32>} : memref<512xi32, #tpu.memory_space<vmem>>, vector<16xi32>,
    %get3A_452 = arith.constant 448 : index
    %get3A_453 = tpu.vector_load %arg9[%get3A_452] {strides = array<i32>} : memref<512xi32, #tpu.memory_space<vmem>>, vector<16xi32>,
    %add3A_454 = vector.broadcast %mul3A_0 : i32 to vector<16xi32>
    %add3A_455 = arith.addi %get3A_453, %add3A_454 : vector<16xi32>
    %swap3A_456 = arith.constant 448 : index
    %swap3A_457 = tpu.vector_load %arg8[%swap3A_456] {strides = array<i32>} : memref<512xi32, #tpu.memory_space<vmem>>, vector<16xi32>,
    tpu.vector_store %arg8[%swap3A_456], %add3A_455 {strides = array<i32>} : memref<512xi32, #tpu.memory_space<vmem>>, vector<16xi32>,
    %get3A_458 = arith.constant 464 : index
    %get3A_459 = tpu.vector_load %arg9[%get3A_458] {strides = array<i32>} : memref<512xi32, #tpu.memory_space<vmem>>, vector<16xi32>,
    %add3A_460 = vector.broadcast %mul3A_0 : i32 to vector<16xi32>
    %add3A_461 = arith.addi %get3A_459, %add3A_460 : vector<16xi32>
    %swap3A_462 = arith.constant 464 : index
    %swap3A_463 = tpu.vector_load %arg8[%swap3A_462] {strides = array<i32>} : memref<512xi32, #tpu.memory_space<vmem>>, vector<16xi32>,
    tpu.vector_store %arg8[%swap3A_462], %add3A_461 {strides = array<i32>} : memref<512xi32, #tpu.memory_space<vmem>>, vector<16xi32>,
    %get3A_464 = arith.constant 480 : index
    %get3A_465 = tpu.vector_load %arg9[%get3A_464] {strides = array<i32>} : memref<512xi32, #tpu.memory_space<vmem>>, vector<16xi32>,
    %add3A_466 = vector.broadcast %mul3A_0 : i32 to vector<16xi32>
    %add3A_467 = arith.addi %get3A_465, %add3A_466 : vector<16xi32>
    %swap3A_468 = arith.constant 480 : index
    %swap3A_469 = tpu.vector_load %arg8[%swap3A_468] {strides = array<i32>} : memref<512xi32, #tpu.memory_space<vmem>>, vector<16xi32>,
    tpu.vector_store %arg8[%swap3A_468], %add3A_467 {strides = array<i32>} : memref<512xi32, #tpu.memory_space<vmem>>, vector<16xi32>,
    %get3A_470 = arith.constant 496 : index
    %get3A_471 = tpu.vector_load %arg9[%get3A_470] {strides = array<i32>} : memref<512xi32, #tpu.memory_space<vmem>>, vector<16xi32>,
    %add3A_472 = vector.broadcast %mul3A_0 : i32 to vector<16xi32>
    %add3A_473 = arith.addi %get3A_471, %add3A_472 : vector<16xi32>
    %swap3A_474 = arith.constant 496 : index
    %swap3A_475 = tpu.vector_load %arg8[%swap3A_474] {strides = array<i32>} : memref<512xi32, #tpu.memory_space<vmem>>, vector<16xi32>,
    tpu.vector_store %arg8[%swap3A_474], %add3A_473 {strides = array<i32>} : memref<512xi32, #tpu.memory_space<vmem>>, vector<16xi32>,
    %dma_start3A_476 = arith.constant 0 : i32
    %dma_start3A_477 = arith.constant 0 : i32
    %dma_start3A_478 = tpu.memref_slice %arg6[%dma_start3A_476, %dma_start3A_477] : memref<20224x32xf32, #tpu.memory_space<hbm>> -> memref<20224x32xf32, #tpu.memory_space<hbm>>
    tpu.enqueue_indirect_dma source(%dma_start3A_478 : memref<20224x32xf32, #tpu.memory_space<hbm>>) target(%arg10 : memref<512x32xf32, #tpu.memory_space<vmem>>) offsets(%arg8 : memref<512xi32, #tpu.memory_space<vmem>>) semaphore(%arg18 : memref<!tpu.dma_semaphore, #tpu.memory_space<semaphore_mem>>)
    %scan3A_479 = arith.constant 0 : i32
    %scan3A_480 = arith.constant 0 : i32
    %scan3A_481 = arith.constant 10 : i32
    %scan3A_482 = arith.addi %scan3A_480, %scan3A_481 : i32
    %scan3A_483 = arith.constant 1 : i32
    scf.for %scan3A_548 = %scan3A_480 to %scan3A_482 step %scan3A_483  : i32 {
      %mul3A_549 = arith.constant 2 : i32
      %mul3A_550 = arith.muli %scan3A_548, %mul3A_549 : i32
      %add3A_551 = arith.constant 1 : i32
      %add3A_552 = arith.addi %mul3A_550, %add3A_551 : i32
      %mul3A_553 = arith.constant 512 : i32
      %mul3A_554 = arith.muli %add3A_552, %mul3A_553 : i32
      %add3A_555 = arith.addi %multiple_of3A, %mul3A_554 : i32
      %multiple_of3A_556 = tpu.assume_multiple %add3A_555, 8 : i32
      "tpu.region"() ({
        %run_scoped3A = tpu.sem_alloc : memref<!tpu.dma_semaphore, #tpu.memory_space<semaphore_mem>>
        %dma_start3A_771 = tpu.memref_slice %arg3[%multiple_of3A_556] : memref<163840xi32, #tpu.memory_space<hbm>> -> memref<512xi32, #tpu.memory_space<hbm>>
        %dma_start3A_772 = tpu.memref_slice %arg3[%multiple_of3A_556] : memref<163840xi32, #tpu.memory_space<hbm>> -> memref<512xi32, #tpu.memory_space<hbm>>
        tpu.enqueue_dma source(%dma_start3A_772 : memref<512xi32, #tpu.memory_space<hbm>>) target(%arg11 : memref<512xi32, #tpu.memory_space<vmem>>) target_semaphore(%run_scoped3A : memref<!tpu.dma_semaphore, #tpu.memory_space<semaphore_mem>>)
        %dma_wait3A_773 = tpu.memref_slice %arg3[%multiple_of3A_556] : memref<163840xi32, #tpu.memory_space<hbm>> -> memref<512xi32, #tpu.memory_space<hbm>>
        %dma_wait3A_774 = tpu.memref_slice %arg3[%multiple_of3A_556] : memref<163840xi32, #tpu.memory_space<hbm>> -> memref<512xi32, #tpu.memory_space<hbm>>
        tpu.wait_dma2 semaphore(%run_scoped3A : memref<!tpu.dma_semaphore, #tpu.memory_space<semaphore_mem>>) src(%dma_wait3A_774 : memref<512xi32, #tpu.memory_space<hbm>>) dst(%arg11 : memref<512xi32, #tpu.memory_space<vmem>>)
        tpu.yield
      }) : () -> ()
      "tpu.region"() ({
        %run_scoped3A = tpu.sem_alloc : memref<!tpu.dma_semaphore, #tpu.memory_space<semaphore_mem>>
        %dma_start3A_771 = tpu.memref_slice %arg4[%multiple_of3A_556] : memref<163840xi32, #tpu.memory_space<hbm>> -> memref<512xi32, #tpu.memory_space<hbm>>
        %dma_start3A_772 = tpu.memref_slice %arg4[%multiple_of3A_556] : memref<163840xi32, #tpu.memory_space<hbm>> -> memref<512xi32, #tpu.memory_space<hbm>>
        tpu.enqueue_dma source(%dma_start3A_772 : memref<512xi32, #tpu.memory_space<hbm>>) target(%arg13 : memref<512xi32, #tpu.memory_space<vmem>>) target_semaphore(%run_scoped3A : memref<!tpu.dma_semaphore, #tpu.memory_space<semaphore_mem>>)
        %dma_wait3A_773 = tpu.memref_slice %arg4[%multiple_of3A_556] : memref<163840xi32, #tpu.memory_space<hbm>> -> memref<512xi32, #tpu.memory_space<hbm>>
        %dma_wait3A_774 = tpu.memref_slice %arg4[%multiple_of3A_556] : memref<163840xi32, #tpu.memory_space<hbm>> -> memref<512xi32, #tpu.memory_space<hbm>>
        tpu.wait_dma2 semaphore(%run_scoped3A : memref<!tpu.dma_semaphore, #tpu.memory_space<semaphore_mem>>) src(%dma_wait3A_774 : memref<512xi32, #tpu.memory_space<hbm>>) dst(%arg13 : memref<512xi32, #tpu.memory_space<vmem>>)
        tpu.yield
      }) : () -> ()
      %get3A_557 = arith.constant 0 : index
      %get3A_558 = tpu.vector_load %arg13[%get3A_557] {strides = array<i32>} : memref<512xi32, #tpu.memory_space<vmem>>, vector<16xi32>,
      %add3A_559 = vector.broadcast %mul3A_0 : i32 to vector<16xi32>
      %add3A_560 = arith.addi %get3A_558, %add3A_559 : vector<16xi32>
      %swap3A_561 = arith.constant 0 : index
      %swap3A_562 = tpu.vector_load %arg12[%swap3A_561] {strides = array<i32>} : memref<512xi32, #tpu.memory_space<vmem>>, vector<16xi32>,
      tpu.vector_store %arg12[%swap3A_561], %add3A_560 {strides = array<i32>} : memref<512xi32, #tpu.memory_space<vmem>>, vector<16xi32>,
      %get3A_563 = arith.constant 16 : index
      %get3A_564 = tpu.vector_load %arg13[%get3A_563] {strides = array<i32>} : memref<512xi32, #tpu.memory_space<vmem>>, vector<16xi32>,
      %add3A_565 = vector.broadcast %mul3A_0 : i32 to vector<16xi32>
      %add3A_566 = arith.addi %get3A_564, %add3A_565 : vector<16xi32>
      %swap3A_567 = arith.constant 16 : index
      %swap3A_568 = tpu.vector_load %arg12[%swap3A_567] {strides = array<i32>} : memref<512xi32, #tpu.memory_space<vmem>>, vector<16xi32>,
      tpu.vector_store %arg12[%swap3A_567], %add3A_566 {strides = array<i32>} : memref<512xi32, #tpu.memory_space<vmem>>, vector<16xi32>,
      %get3A_569 = arith.constant 32 : index
      %get3A_570 = tpu.vector_load %arg13[%get3A_569] {strides = array<i32>} : memref<512xi32, #tpu.memory_space<vmem>>, vector<16xi32>,
      %add3A_571 = vector.broadcast %mul3A_0 : i32 to vector<16xi32>
      %add3A_572 = arith.addi %get3A_570, %add3A_571 : vector<16xi32>
      %swap3A_573 = arith.constant 32 : index
      %swap3A_574 = tpu.vector_load %arg12[%swap3A_573] {strides = array<i32>} : memref<512xi32, #tpu.memory_space<vmem>>, vector<16xi32>,
      tpu.vector_store %arg12[%swap3A_573], %add3A_572 {strides = array<i32>} : memref<512xi32, #tpu.memory_space<vmem>>, vector<16xi32>,
      %get3A_575 = arith.constant 48 : index
      %get3A_576 = tpu.vector_load %arg13[%get3A_575] {strides = array<i32>} : memref<512xi32, #tpu.memory_space<vmem>>, vector<16xi32>,
      %add3A_577 = vector.broadcast %mul3A_0 : i32 to vector<16xi32>
      %add3A_578 = arith.addi %get3A_576, %add3A_577 : vector<16xi32>
      %swap3A_579 = arith.constant 48 : index
      %swap3A_580 = tpu.vector_load %arg12[%swap3A_579] {strides = array<i32>} : memref<512xi32, #tpu.memory_space<vmem>>, vector<16xi32>,
      tpu.vector_store %arg12[%swap3A_579], %add3A_578 {strides = array<i32>} : memref<512xi32, #tpu.memory_space<vmem>>, vector<16xi32>,
      %get3A_581 = arith.constant 64 : index
      %get3A_582 = tpu.vector_load %arg13[%get3A_581] {strides = array<i32>} : memref<512xi32, #tpu.memory_space<vmem>>, vector<16xi32>,
      %add3A_583 = vector.broadcast %mul3A_0 : i32 to vector<16xi32>
      %add3A_584 = arith.addi %get3A_582, %add3A_583 : vector<16xi32>
      %swap3A_585 = arith.constant 64 : index
      %swap3A_586 = tpu.vector_load %arg12[%swap3A_585] {strides = array<i32>} : memref<512xi32, #tpu.memory_space<vmem>>, vector<16xi32>,
      tpu.vector_store %arg12[%swap3A_585], %add3A_584 {strides = array<i32>} : memref<512xi32, #tpu.memory_space<vmem>>, vector<16xi32>,
      %get3A_587 = arith.constant 80 : index
      %get3A_588 = tpu.vector_load %arg13[%get3A_587] {strides = array<i32>} : memref<512xi32, #tpu.memory_space<vmem>>, vector<16xi32>,
      %add3A_589 = vector.broadcast %mul3A_0 : i32 to vector<16xi32>
      %add3A_590 = arith.addi %get3A_588, %add3A_589 : vector<16xi32>
      %swap3A_591 = arith.constant 80 : index
      %swap3A_592 = tpu.vector_load %arg12[%swap3A_591] {strides = array<i32>} : memref<512xi32, #tpu.memory_space<vmem>>, vector<16xi32>,
      tpu.vector_store %arg12[%swap3A_591], %add3A_590 {strides = array<i32>} : memref<512xi32, #tpu.memory_space<vmem>>, vector<16xi32>,
      %get3A_593 = arith.constant 96 : index
      %get3A_594 = tpu.vector_load %arg13[%get3A_593] {strides = array<i32>} : memref<512xi32, #tpu.memory_space<vmem>>, vector<16xi32>,
      %add3A_595 = vector.broadcast %mul3A_0 : i32 to vector<16xi32>
      %add3A_596 = arith.addi %get3A_594, %add3A_595 : vector<16xi32>
      %swap3A_597 = arith.constant 96 : index
      %swap3A_598 = tpu.vector_load %arg12[%swap3A_597] {strides = array<i32>} : memref<512xi32, #tpu.memory_space<vmem>>, vector<16xi32>,
      tpu.vector_store %arg12[%swap3A_597], %add3A_596 {strides = array<i32>} : memref<512xi32, #tpu.memory_space<vmem>>, vector<16xi32>,
      %get3A_599 = arith.constant 112 : index
      %get3A_600 = tpu.vector_load %arg13[%get3A_599] {strides = array<i32>} : memref<512xi32, #tpu.memory_space<vmem>>, vector<16xi32>,
      %add3A_601 = vector.broadcast %mul3A_0 : i32 to vector<16xi32>
      %add3A_602 = arith.addi %get3A_600, %add3A_601 : vector<16xi32>
      %swap3A_603 = arith.constant 112 : index
      %swap3A_604 = tpu.vector_load %arg12[%swap3A_603] {strides = array<i32>} : memref<512xi32, #tpu.memory_space<vmem>>, vector<16xi32>,
      tpu.vector_store %arg12[%swap3A_603], %add3A_602 {strides = array<i32>} : memref<512xi32, #tpu.memory_space<vmem>>, vector<16xi32>,
      %get3A_605 = arith.constant 128 : index
      %get3A_606 = tpu.vector_load %arg13[%get3A_605] {strides = array<i32>} : memref<512xi32, #tpu.memory_space<vmem>>, vector<16xi32>,
      %add3A_607 = vector.broadcast %mul3A_0 : i32 to vector<16xi32>
      %add3A_608 = arith.addi %get3A_606, %add3A_607 : vector<16xi32>
      %swap3A_609 = arith.constant 128 : index
      %swap3A_610 = tpu.vector_load %arg12[%swap3A_609] {strides = array<i32>} : memref<512xi32, #tpu.memory_space<vmem>>, vector<16xi32>,
      tpu.vector_store %arg12[%swap3A_609], %add3A_608 {strides = array<i32>} : memref<512xi32, #tpu.memory_space<vmem>>, vector<16xi32>,
      %get3A_611 = arith.constant 144 : index
      %get3A_612 = tpu.vector_load %arg13[%get3A_611] {strides = array<i32>} : memref<512xi32, #tpu.memory_space<vmem>>, vector<16xi32>,
      %add3A_613 = vector.broadcast %mul3A_0 : i32 to vector<16xi32>
      %add3A_614 = arith.addi %get3A_612, %add3A_613 : vector<16xi32>
      %swap3A_615 = arith.constant 144 : index
      %swap3A_616 = tpu.vector_load %arg12[%swap3A_615] {strides = array<i32>} : memref<512xi32, #tpu.memory_space<vmem>>, vector<16xi32>,
      tpu.vector_store %arg12[%swap3A_615], %add3A_614 {strides = array<i32>} : memref<512xi32, #tpu.memory_space<vmem>>, vector<16xi32>,
      %get3A_617 = arith.constant 160 : index
      %get3A_618 = tpu.vector_load %arg13[%get3A_617] {strides = array<i32>} : memref<512xi32, #tpu.memory_space<vmem>>, vector<16xi32>,
      %add3A_619 = vector.broadcast %mul3A_0 : i32 to vector<16xi32>
      %add3A_620 = arith.addi %get3A_618, %add3A_619 : vector<16xi32>
      %swap3A_621 = arith.constant 160 : index
      %swap3A_622 = tpu.vector_load %arg12[%swap3A_621] {strides = array<i32>} : memref<512xi32, #tpu.memory_space<vmem>>, vector<16xi32>,
      tpu.vector_store %arg12[%swap3A_621], %add3A_620 {strides = array<i32>} : memref<512xi32, #tpu.memory_space<vmem>>, vector<16xi32>,
      %get3A_623 = arith.constant 176 : index
      %get3A_624 = tpu.vector_load %arg13[%get3A_623] {strides = array<i32>} : memref<512xi32, #tpu.memory_space<vmem>>, vector<16xi32>,
      %add3A_625 = vector.broadcast %mul3A_0 : i32 to vector<16xi32>
      %add3A_626 = arith.addi %get3A_624, %add3A_625 : vector<16xi32>
      %swap3A_627 = arith.constant 176 : index
      %swap3A_628 = tpu.vector_load %arg12[%swap3A_627] {strides = array<i32>} : memref<512xi32, #tpu.memory_space<vmem>>, vector<16xi32>,
      tpu.vector_store %arg12[%swap3A_627], %add3A_626 {strides = array<i32>} : memref<512xi32, #tpu.memory_space<vmem>>, vector<16xi32>,
      %get3A_629 = arith.constant 192 : index
      %get3A_630 = tpu.vector_load %arg13[%get3A_629] {strides = array<i32>} : memref<512xi32, #tpu.memory_space<vmem>>, vector<16xi32>,
      %add3A_631 = vector.broadcast %mul3A_0 : i32 to vector<16xi32>
      %add3A_632 = arith.addi %get3A_630, %add3A_631 : vector<16xi32>
      %swap3A_633 = arith.constant 192 : index
      %swap3A_634 = tpu.vector_load %arg12[%swap3A_633] {strides = array<i32>} : memref<512xi32, #tpu.memory_space<vmem>>, vector<16xi32>,
      tpu.vector_store %arg12[%swap3A_633], %add3A_632 {strides = array<i32>} : memref<512xi32, #tpu.memory_space<vmem>>, vector<16xi32>,
      %get3A_635 = arith.constant 208 : index
      %get3A_636 = tpu.vector_load %arg13[%get3A_635] {strides = array<i32>} : memref<512xi32, #tpu.memory_space<vmem>>, vector<16xi32>,
      %add3A_637 = vector.broadcast %mul3A_0 : i32 to vector<16xi32>
      %add3A_638 = arith.addi %get3A_636, %add3A_637 : vector<16xi32>
      %swap3A_639 = arith.constant 208 : index
      %swap3A_640 = tpu.vector_load %arg12[%swap3A_639] {strides = array<i32>} : memref<512xi32, #tpu.memory_space<vmem>>, vector<16xi32>,
      tpu.vector_store %arg12[%swap3A_639], %add3A_638 {strides = array<i32>} : memref<512xi32, #tpu.memory_space<vmem>>, vector<16xi32>,
      %get3A_641 = arith.constant 224 : index
      %get3A_642 = tpu.vector_load %arg13[%get3A_641] {strides = array<i32>} : memref<512xi32, #tpu.memory_space<vmem>>, vector<16xi32>,
      %add3A_643 = vector.broadcast %mul3A_0 : i32 to vector<16xi32>
      %add3A_644 = arith.addi %get3A_642, %add3A_643 : vector<16xi32>
      %swap3A_645 = arith.constant 224 : index
      %swap3A_646 = tpu.vector_load %arg12[%swap3A_645] {strides = array<i32>} : memref<512xi32, #tpu.memory_space<vmem>>, vector<16xi32>,
      tpu.vector_store %arg12[%swap3A_645], %add3A_644 {strides = array<i32>} : memref<512xi32, #tpu.memory_space<vmem>>, vector<16xi32>,
      %get3A_647 = arith.constant 240 : index
      %get3A_648 = tpu.vector_load %arg13[%get3A_647] {strides = array<i32>} : memref<512xi32, #tpu.memory_space<vmem>>, vector<16xi32>,
      %add3A_649 = vector.broadcast %mul3A_0 : i32 to vector<16xi32>
      %add3A_650 = arith.addi %get3A_648, %add3A_649 : vector<16xi32>
      %swap3A_651 = arith.constant 240 : index
      %swap3A_652 = tpu.vector_load %arg12[%swap3A_651] {strides = array<i32>} : memref<512xi32, #tpu.memory_space<vmem>>, vector<16xi32>,
      tpu.vector_store %arg12[%swap3A_651], %add3A_650 {strides = array<i32>} : memref<512xi32, #tpu.memory_space<vmem>>, vector<16xi32>,
      %get3A_653 = arith.constant 256 : index
      %get3A_654 = tpu.vector_load %arg13[%get3A_653] {strides = array<i32>} : memref<512xi32, #tpu.memory_space<vmem>>, vector<16xi32>,
      %add3A_655 = vector.broadcast %mul3A_0 : i32 to vector<16xi32>
      %add3A_656 = arith.addi %get3A_654, %add3A_655 : vector<16xi32>
      %swap3A_657 = arith.constant 256 : index
      %swap3A_658 = tpu.vector_load %arg12[%swap3A_657] {strides = array<i32>} : memref<512xi32, #tpu.memory_space<vmem>>, vector<16xi32>,
      tpu.vector_store %arg12[%swap3A_657], %add3A_656 {strides = array<i32>} : memref<512xi32, #tpu.memory_space<vmem>>, vector<16xi32>,
      %get3A_659 = arith.constant 272 : index
      %get3A_660 = tpu.vector_load %arg13[%get3A_659] {strides = array<i32>} : memref<512xi32, #tpu.memory_space<vmem>>, vector<16xi32>,
      %add3A_661 = vector.broadcast %mul3A_0 : i32 to vector<16xi32>
      %add3A_662 = arith.addi %get3A_660, %add3A_661 : vector<16xi32>
      %swap3A_663 = arith.constant 272 : index
      %swap3A_664 = tpu.vector_load %arg12[%swap3A_663] {strides = array<i32>} : memref<512xi32, #tpu.memory_space<vmem>>, vector<16xi32>,
      tpu.vector_store %arg12[%swap3A_663], %add3A_662 {strides = array<i32>} : memref<512xi32, #tpu.memory_space<vmem>>, vector<16xi32>,
      %get3A_665 = arith.constant 288 : index
      %get3A_666 = tpu.vector_load %arg13[%get3A_665] {strides = array<i32>} : memref<512xi32, #tpu.memory_space<vmem>>, vector<16xi32>,
      %add3A_667 = vector.broadcast %mul3A_0 : i32 to vector<16xi32>
      %add3A_668 = arith.addi %get3A_666, %add3A_667 : vector<16xi32>
      %swap3A_669 = arith.constant 288 : index
      %swap3A_670 = tpu.vector_load %arg12[%swap3A_669] {strides = array<i32>} : memref<512xi32, #tpu.memory_space<vmem>>, vector<16xi32>,
      tpu.vector_store %arg12[%swap3A_669], %add3A_668 {strides = array<i32>} : memref<512xi32, #tpu.memory_space<vmem>>, vector<16xi32>,
      %get3A_671 = arith.constant 304 : index
      %get3A_672 = tpu.vector_load %arg13[%get3A_671] {strides = array<i32>} : memref<512xi32, #tpu.memory_space<vmem>>, vector<16xi32>,
      %add3A_673 = vector.broadcast %mul3A_0 : i32 to vector<16xi32>
      %add3A_674 = arith.addi %get3A_672, %add3A_673 : vector<16xi32>
      %swap3A_675 = arith.constant 304 : index
      %swap3A_676 = tpu.vector_load %arg12[%swap3A_675] {strides = array<i32>} : memref<512xi32, #tpu.memory_space<vmem>>, vector<16xi32>,
      tpu.vector_store %arg12[%swap3A_675], %add3A_674 {strides = array<i32>} : memref<512xi32, #tpu.memory_space<vmem>>, vector<16xi32>,
      %get3A_677 = arith.constant 320 : index
      %get3A_678 = tpu.vector_load %arg13[%get3A_677] {strides = array<i32>} : memref<512xi32, #tpu.memory_space<vmem>>, vector<16xi32>,
      %add3A_679 = vector.broadcast %mul3A_0 : i32 to vector<16xi32>
      %add3A_680 = arith.addi %get3A_678, %add3A_679 : vector<16xi32>
      %swap3A_681 = arith.constant 320 : index
      %swap3A_682 = tpu.vector_load %arg12[%swap3A_681] {strides = array<i32>} : memref<512xi32, #tpu.memory_space<vmem>>, vector<16xi32>,
      tpu.vector_store %arg12[%swap3A_681], %add3A_680 {strides = array<i32>} : memref<512xi32, #tpu.memory_space<vmem>>, vector<16xi32>,
      %get3A_683 = arith.constant 336 : index
      %get3A_684 = tpu.vector_load %arg13[%get3A_683] {strides = array<i32>} : memref<512xi32, #tpu.memory_space<vmem>>, vector<16xi32>,
      %add3A_685 = vector.broadcast %mul3A_0 : i32 to vector<16xi32>
      %add3A_686 = arith.addi %get3A_684, %add3A_685 : vector<16xi32>
      %swap3A_687 = arith.constant 336 : index
      %swap3A_688 = tpu.vector_load %arg12[%swap3A_687] {strides = array<i32>} : memref<512xi32, #tpu.memory_space<vmem>>, vector<16xi32>,
      tpu.vector_store %arg12[%swap3A_687], %add3A_686 {strides = array<i32>} : memref<512xi32, #tpu.memory_space<vmem>>, vector<16xi32>,
      %get3A_689 = arith.constant 352 : index
      %get3A_690 = tpu.vector_load %arg13[%get3A_689] {strides = array<i32>} : memref<512xi32, #tpu.memory_space<vmem>>, vector<16xi32>,
      %add3A_691 = vector.broadcast %mul3A_0 : i32 to vector<16xi32>
      %add3A_692 = arith.addi %get3A_690, %add3A_691 : vector<16xi32>
      %swap3A_693 = arith.constant 352 : index
      %swap3A_694 = tpu.vector_load %arg12[%swap3A_693] {strides = array<i32>} : memref<512xi32, #tpu.memory_space<vmem>>, vector<16xi32>,
      tpu.vector_store %arg12[%swap3A_693], %add3A_692 {strides = array<i32>} : memref<512xi32, #tpu.memory_space<vmem>>, vector<16xi32>,
      %get3A_695 = arith.constant 368 : index
      %get3A_696 = tpu.vector_load %arg13[%get3A_695] {strides = array<i32>} : memref<512xi32, #tpu.memory_space<vmem>>, vector<16xi32>,
      %add3A_697 = vector.broadcast %mul3A_0 : i32 to vector<16xi32>
      %add3A_698 = arith.addi %get3A_696, %add3A_697 : vector<16xi32>
      %swap3A_699 = arith.constant 368 : index
      %swap3A_700 = tpu.vector_load %arg12[%swap3A_699] {strides = array<i32>} : memref<512xi32, #tpu.memory_space<vmem>>, vector<16xi32>,
      tpu.vector_store %arg12[%swap3A_699], %add3A_698 {strides = array<i32>} : memref<512xi32, #tpu.memory_space<vmem>>, vector<16xi32>,
      %get3A_701 = arith.constant 384 : index
      %get3A_702 = tpu.vector_load %arg13[%get3A_701] {strides = array<i32>} : memref<512xi32, #tpu.memory_space<vmem>>, vector<16xi32>,
      %add3A_703 = vector.broadcast %mul3A_0 : i32 to vector<16xi32>
      %add3A_704 = arith.addi %get3A_702, %add3A_703 : vector<16xi32>
      %swap3A_705 = arith.constant 384 : index
      %swap3A_706 = tpu.vector_load %arg12[%swap3A_705] {strides = array<i32>} : memref<512xi32, #tpu.memory_space<vmem>>, vector<16xi32>,
      tpu.vector_store %arg12[%swap3A_705], %add3A_704 {strides = array<i32>} : memref<512xi32, #tpu.memory_space<vmem>>, vector<16xi32>,
      %get3A_707 = arith.constant 400 : index
      %get3A_708 = tpu.vector_load %arg13[%get3A_707] {strides = array<i32>} : memref<512xi32, #tpu.memory_space<vmem>>, vector<16xi32>,
      %add3A_709 = vector.broadcast %mul3A_0 : i32 to vector<16xi32>
      %add3A_710 = arith.addi %get3A_708, %add3A_709 : vector<16xi32>
      %swap3A_711 = arith.constant 400 : index
      %swap3A_712 = tpu.vector_load %arg12[%swap3A_711] {strides = array<i32>} : memref<512xi32, #tpu.memory_space<vmem>>, vector<16xi32>,
      tpu.vector_store %arg12[%swap3A_711], %add3A_710 {strides = array<i32>} : memref<512xi32, #tpu.memory_space<vmem>>, vector<16xi32>,
      %get3A_713 = arith.constant 416 : index
      %get3A_714 = tpu.vector_load %arg13[%get3A_713] {strides = array<i32>} : memref<512xi32, #tpu.memory_space<vmem>>, vector<16xi32>,
      %add3A_715 = vector.broadcast %mul3A_0 : i32 to vector<16xi32>
      %add3A_716 = arith.addi %get3A_714, %add3A_715 : vector<16xi32>
      %swap3A_717 = arith.constant 416 : index
      %swap3A_718 = tpu.vector_load %arg12[%swap3A_717] {strides = array<i32>} : memref<512xi32, #tpu.memory_space<vmem>>, vector<16xi32>,
      tpu.vector_store %arg12[%swap3A_717], %add3A_716 {strides = array<i32>} : memref<512xi32, #tpu.memory_space<vmem>>, vector<16xi32>,
      %get3A_719 = arith.constant 432 : index
      %get3A_720 = tpu.vector_load %arg13[%get3A_719] {strides = array<i32>} : memref<512xi32, #tpu.memory_space<vmem>>, vector<16xi32>,
      %add3A_721 = vector.broadcast %mul3A_0 : i32 to vector<16xi32>
      %add3A_722 = arith.addi %get3A_720, %add3A_721 : vector<16xi32>
      %swap3A_723 = arith.constant 432 : index
      %swap3A_724 = tpu.vector_load %arg12[%swap3A_723] {strides = array<i32>} : memref<512xi32, #tpu.memory_space<vmem>>, vector<16xi32>,
      tpu.vector_store %arg12[%swap3A_723], %add3A_722 {strides = array<i32>} : memref<512xi32, #tpu.memory_space<vmem>>, vector<16xi32>,
      %get3A_725 = arith.constant 448 : index
      %get3A_726 = tpu.vector_load %arg13[%get3A_725] {strides = array<i32>} : memref<512xi32, #tpu.memory_space<vmem>>, vector<16xi32>,
      %add3A_727 = vector.broadcast %mul3A_0 : i32 to vector<16xi32>
      %add3A_728 = arith.addi %get3A_726, %add3A_727 : vector<16xi32>
      %swap3A_729 = arith.constant 448 : index
      %swap3A_730 = tpu.vector_load %arg12[%swap3A_729] {strides = array<i32>} : memref<512xi32, #tpu.memory_space<vmem>>, vector<16xi32>,
      tpu.vector_store %arg12[%swap3A_729], %add3A_728 {strides = array<i32>} : memref<512xi32, #tpu.memory_space<vmem>>, vector<16xi32>,
      %get3A_731 = arith.constant 464 : index
      %get3A_732 = tpu.vector_load %arg13[%get3A_731] {strides = array<i32>} : memref<512xi32, #tpu.memory_space<vmem>>, vector<16xi32>,
      %add3A_733 = vector.broadcast %mul3A_0 : i32 to vector<16xi32>
      %add3A_734 = arith.addi %get3A_732, %add3A_733 : vector<16xi32>
      %swap3A_735 = arith.constant 464 : index
      %swap3A_736 = tpu.vector_load %arg12[%swap3A_735] {strides = array<i32>} : memref<512xi32, #tpu.memory_space<vmem>>, vector<16xi32>,
      tpu.vector_store %arg12[%swap3A_735], %add3A_734 {strides = array<i32>} : memref<512xi32, #tpu.memory_space<vmem>>, vector<16xi32>,
      %get3A_737 = arith.constant 480 : index
      %get3A_738 = tpu.vector_load %arg13[%get3A_737] {strides = array<i32>} : memref<512xi32, #tpu.memory_space<vmem>>, vector<16xi32>,
      %add3A_739 = vector.broadcast %mul3A_0 : i32 to vector<16xi32>
      %add3A_740 = arith.addi %get3A_738, %add3A_739 : vector<16xi32>
      %swap3A_741 = arith.constant 480 : index
      %swap3A_742 = tpu.vector_load %arg12[%swap3A_741] {strides = array<i32>} : memref<512xi32, #tpu.memory_space<vmem>>, vector<16xi32>,
      tpu.vector_store %arg12[%swap3A_741], %add3A_740 {strides = array<i32>} : memref<512xi32, #tpu.memory_space<vmem>>, vector<16xi32>,
      %get3A_743 = arith.constant 496 : index
      %get3A_744 = tpu.vector_load %arg13[%get3A_743] {strides = array<i32>} : memref<512xi32, #tpu.memory_space<vmem>>, vector<16xi32>,
      %add3A_745 = vector.broadcast %mul3A_0 : i32 to vector<16xi32>
      %add3A_746 = arith.addi %get3A_744, %add3A_745 : vector<16xi32>
      %swap3A_747 = arith.constant 496 : index
      %swap3A_748 = tpu.vector_load %arg12[%swap3A_747] {strides = array<i32>} : memref<512xi32, #tpu.memory_space<vmem>>, vector<16xi32>,
      tpu.vector_store %arg12[%swap3A_747], %add3A_746 {strides = array<i32>} : memref<512xi32, #tpu.memory_space<vmem>>, vector<16xi32>,
      %dma_start3A_749 = arith.constant 0 : i32
      %dma_start3A_750 = arith.constant 0 : i32
      %dma_start3A_751 = tpu.memref_slice %arg6[%dma_start3A_749, %dma_start3A_750] : memref<20224x32xf32, #tpu.memory_space<hbm>> -> memref<20224x32xf32, #tpu.memory_space<hbm>>
      tpu.enqueue_indirect_dma source(%dma_start3A_751 : memref<20224x32xf32, #tpu.memory_space<hbm>>) target(%arg14 : memref<512x32xf32, #tpu.memory_space<vmem>>) offsets(%arg12 : memref<512xi32, #tpu.memory_space<vmem>>) semaphore(%arg19 : memref<!tpu.dma_semaphore, #tpu.memory_space<semaphore_mem>>)
      %dma_wait3A_752 = arith.constant 0 : i32
      %dma_wait3A_753 = arith.constant 0 : i32
      %dma_wait3A_754 = tpu.memref_slice %arg6[%dma_wait3A_752, %dma_wait3A_753] : memref<20224x32xf32, #tpu.memory_space<hbm>> -> memref<512x32xf32, #tpu.memory_space<hbm>>
      %dma_wait3A_755 = arith.constant 0 : i32
      %dma_wait3A_756 = arith.constant 0 : i32
      %dma_wait3A_757 = tpu.memref_slice %arg6[%dma_wait3A_755, %dma_wait3A_756] : memref<20224x32xf32, #tpu.memory_space<hbm>> -> memref<512x32xf32, #tpu.memory_space<hbm>>
      tpu.wait_dma2 semaphore(%arg18 : memref<!tpu.dma_semaphore, #tpu.memory_space<semaphore_mem>>) src(%dma_wait3A_757 : memref<512x32xf32, #tpu.memory_space<hbm>>) dst(%arg10 : memref<512x32xf32, #tpu.memory_space<vmem>>)
      "tpu.region"() ({
        %run_scoped3A = tpu.sem_alloc : memref<!tpu.dma_semaphore, #tpu.memory_space<semaphore_mem>>
        %dma_start3A_771 = arith.constant 0 : i32
        %dma_start3A_772 = arith.constant 0 : i32
        %dma_start3A_773 = tpu.memref_slice %arg17[%dma_start3A_771, %dma_start3A_772] : memref<10112x32xf32, #tpu.memory_space<vmem_shared>> -> memref<10112x32xf32, #tpu.memory_space<vmem_shared>>
        tpu.enqueue_indirect_dma source(%arg10 : memref<512x32xf32, #tpu.memory_space<vmem>>) target(%dma_start3A_773 : memref<10112x32xf32, #tpu.memory_space<vmem_shared>>) offsets(%arg7 : memref<512xi32, #tpu.memory_space<vmem>>) semaphore(%run_scoped3A : memref<!tpu.dma_semaphore, #tpu.memory_space<semaphore_mem>>) {add = true}
        %dma_wait3A_774 = arith.constant 0 : i32
        %dma_wait3A_775 = arith.constant 0 : i32
        %dma_wait3A_776 = tpu.memref_slice %arg17[%dma_wait3A_774, %dma_wait3A_775] : memref<10112x32xf32, #tpu.memory_space<vmem_shared>> -> memref<10112x32xf32, #tpu.memory_space<vmem_shared>>
        tpu.wait_indirect_dma semaphore(%run_scoped3A : memref<!tpu.dma_semaphore, #tpu.memory_space<semaphore_mem>>) src(%arg10 : memref<512x32xf32, #tpu.memory_space<vmem>>) dst(%dma_wait3A_776 : memref<10112x32xf32, #tpu.memory_space<vmem_shared>>)
        tpu.yield
      }) : () -> ()
      %add3A_758 = arith.constant 2 : i32
      %add3A_759 = arith.addi %mul3A_550, %add3A_758 : i32
      %lt3A_760 = arith.constant 20 : i32
      %lt3A_761 = arith.cmpi slt, %add3A_759, %lt3A_760 : i32
      %convert_element_type3A_762 = arith.extui %lt3A_761 : i1 to i32
      %cond3A_763 = arith.constant 0 : i32
      %cond3A_764 = arith.cmpi ne, %convert_element_type3A_762, %cond3A_763 : i32
      scf.if %cond3A_764 {
        %add3A_771 = arith.constant 2 : i32
        %add3A_772 = arith.addi %mul3A_550, %add3A_771 : i32
        %mul3A_773 = arith.constant 512 : i32
        %mul3A_774 = arith.muli %add3A_772, %mul3A_773 : i32
        %add3A_775 = arith.addi %multiple_of3A, %mul3A_774 : i32
        %multiple_of3A_776 = tpu.assume_multiple %add3A_775, 8 : i32
        "tpu.region"() ({
          %run_scoped3A = tpu.sem_alloc : memref<!tpu.dma_semaphore, #tpu.memory_space<semaphore_mem>>
          %dma_start3A_972 = tpu.memref_slice %arg3[%multiple_of3A_776] : memref<163840xi32, #tpu.memory_space<hbm>> -> memref<512xi32, #tpu.memory_space<hbm>>
          %dma_start3A_973 = tpu.memref_slice %arg3[%multiple_of3A_776] : memref<163840xi32, #tpu.memory_space<hbm>> -> memref<512xi32, #tpu.memory_space<hbm>>
          tpu.enqueue_dma source(%dma_start3A_973 : memref<512xi32, #tpu.memory_space<hbm>>) target(%arg7 : memref<512xi32, #tpu.memory_space<vmem>>) target_semaphore(%run_scoped3A : memref<!tpu.dma_semaphore, #tpu.memory_space<semaphore_mem>>)
          %dma_wait3A_974 = tpu.memref_slice %arg3[%multiple_of3A_776] : memref<163840xi32, #tpu.memory_space<hbm>> -> memref<512xi32, #tpu.memory_space<hbm>>
          %dma_wait3A_975 = tpu.memref_slice %arg3[%multiple_of3A_776] : memref<163840xi32, #tpu.memory_space<hbm>> -> memref<512xi32, #tpu.memory_space<hbm>>
          tpu.wait_dma2 semaphore(%run_scoped3A : memref<!tpu.dma_semaphore, #tpu.memory_space<semaphore_mem>>) src(%dma_wait3A_975 : memref<512xi32, #tpu.memory_space<hbm>>) dst(%arg7 : memref<512xi32, #tpu.memory_space<vmem>>)
          tpu.yield
        }) : () -> ()
        "tpu.region"() ({
          %run_scoped3A = tpu.sem_alloc : memref<!tpu.dma_semaphore, #tpu.memory_space<semaphore_mem>>
          %dma_start3A_972 = tpu.memref_slice %arg4[%multiple_of3A_776] : memref<163840xi32, #tpu.memory_space<hbm>> -> memref<512xi32, #tpu.memory_space<hbm>>
          %dma_start3A_973 = tpu.memref_slice %arg4[%multiple_of3A_776] : memref<163840xi32, #tpu.memory_space<hbm>> -> memref<512xi32, #tpu.memory_space<hbm>>
          tpu.enqueue_dma source(%dma_start3A_973 : memref<512xi32, #tpu.memory_space<hbm>>) target(%arg9 : memref<512xi32, #tpu.memory_space<vmem>>) target_semaphore(%run_scoped3A : memref<!tpu.dma_semaphore, #tpu.memory_space<semaphore_mem>>)
          %dma_wait3A_974 = tpu.memref_slice %arg4[%multiple_of3A_776] : memref<163840xi32, #tpu.memory_space<hbm>> -> memref<512xi32, #tpu.memory_space<hbm>>
          %dma_wait3A_975 = tpu.memref_slice %arg4[%multiple_of3A_776] : memref<163840xi32, #tpu.memory_space<hbm>> -> memref<512xi32, #tpu.memory_space<hbm>>
          tpu.wait_dma2 semaphore(%run_scoped3A : memref<!tpu.dma_semaphore, #tpu.memory_space<semaphore_mem>>) src(%dma_wait3A_975 : memref<512xi32, #tpu.memory_space<hbm>>) dst(%arg9 : memref<512xi32, #tpu.memory_space<vmem>>)
          tpu.yield
        }) : () -> ()
        %get3A_777 = arith.constant 0 : index
        %get3A_778 = tpu.vector_load %arg9[%get3A_777] {strides = array<i32>} : memref<512xi32, #tpu.memory_space<vmem>>, vector<16xi32>,
        %add3A_779 = vector.broadcast %mul3A_0 : i32 to vector<16xi32>
        %add3A_780 = arith.addi %get3A_778, %add3A_779 : vector<16xi32>
        %swap3A_781 = arith.constant 0 : index
        %swap3A_782 = tpu.vector_load %arg8[%swap3A_781] {strides = array<i32>} : memref<512xi32, #tpu.memory_space<vmem>>, vector<16xi32>,
        tpu.vector_store %arg8[%swap3A_781], %add3A_780 {strides = array<i32>} : memref<512xi32, #tpu.memory_space<vmem>>, vector<16xi32>,
        %get3A_783 = arith.constant 16 : index
        %get3A_784 = tpu.vector_load %arg9[%get3A_783] {strides = array<i32>} : memref<512xi32, #tpu.memory_space<vmem>>, vector<16xi32>,
        %add3A_785 = vector.broadcast %mul3A_0 : i32 to vector<16xi32>
        %add3A_786 = arith.addi %get3A_784, %add3A_785 : vector<16xi32>
        %swap3A_787 = arith.constant 16 : index
        %swap3A_788 = tpu.vector_load %arg8[%swap3A_787] {strides = array<i32>} : memref<512xi32, #tpu.memory_space<vmem>>, vector<16xi32>,
        tpu.vector_store %arg8[%swap3A_787], %add3A_786 {strides = array<i32>} : memref<512xi32, #tpu.memory_space<vmem>>, vector<16xi32>,
        %get3A_789 = arith.constant 32 : index
        %get3A_790 = tpu.vector_load %arg9[%get3A_789] {strides = array<i32>} : memref<512xi32, #tpu.memory_space<vmem>>, vector<16xi32>,
        %add3A_791 = vector.broadcast %mul3A_0 : i32 to vector<16xi32>
        %add3A_792 = arith.addi %get3A_790, %add3A_791 : vector<16xi32>
        %swap3A_793 = arith.constant 32 : index
        %swap3A_794 = tpu.vector_load %arg8[%swap3A_793] {strides = array<i32>} : memref<512xi32, #tpu.memory_space<vmem>>, vector<16xi32>,
        tpu.vector_store %arg8[%swap3A_793], %add3A_792 {strides = array<i32>} : memref<512xi32, #tpu.memory_space<vmem>>, vector<16xi32>,
        %get3A_795 = arith.constant 48 : index
        %get3A_796 = tpu.vector_load %arg9[%get3A_795] {strides = array<i32>} : memref<512xi32, #tpu.memory_space<vmem>>, vector<16xi32>,
        %add3A_797 = vector.broadcast %mul3A_0 : i32 to vector<16xi32>
        %add3A_798 = arith.addi %get3A_796, %add3A_797 : vector<16xi32>
        %swap3A_799 = arith.constant 48 : index
        %swap3A_800 = tpu.vector_load %arg8[%swap3A_799] {strides = array<i32>} : memref<512xi32, #tpu.memory_space<vmem>>, vector<16xi32>,
        tpu.vector_store %arg8[%swap3A_799], %add3A_798 {strides = array<i32>} : memref<512xi32, #tpu.memory_space<vmem>>, vector<16xi32>,
        %get3A_801 = arith.constant 64 : index
        %get3A_802 = tpu.vector_load %arg9[%get3A_801] {strides = array<i32>} : memref<512xi32, #tpu.memory_space<vmem>>, vector<16xi32>,
        %add3A_803 = vector.broadcast %mul3A_0 : i32 to vector<16xi32>
        %add3A_804 = arith.addi %get3A_802, %add3A_803 : vector<16xi32>
        %swap3A_805 = arith.constant 64 : index
        %swap3A_806 = tpu.vector_load %arg8[%swap3A_805] {strides = array<i32>} : memref<512xi32, #tpu.memory_space<vmem>>, vector<16xi32>,
        tpu.vector_store %arg8[%swap3A_805], %add3A_804 {strides = array<i32>} : memref<512xi32, #tpu.memory_space<vmem>>, vector<16xi32>,
        %get3A_807 = arith.constant 80 : index
        %get3A_808 = tpu.vector_load %arg9[%get3A_807] {strides = array<i32>} : memref<512xi32, #tpu.memory_space<vmem>>, vector<16xi32>,
        %add3A_809 = vector.broadcast %mul3A_0 : i32 to vector<16xi32>
        %add3A_810 = arith.addi %get3A_808, %add3A_809 : vector<16xi32>
        %swap3A_811 = arith.constant 80 : index
        %swap3A_812 = tpu.vector_load %arg8[%swap3A_811] {strides = array<i32>} : memref<512xi32, #tpu.memory_space<vmem>>, vector<16xi32>,
        tpu.vector_store %arg8[%swap3A_811], %add3A_810 {strides = array<i32>} : memref<512xi32, #tpu.memory_space<vmem>>, vector<16xi32>,
        %get3A_813 = arith.constant 96 : index
        %get3A_814 = tpu.vector_load %arg9[%get3A_813] {strides = array<i32>} : memref<512xi32, #tpu.memory_space<vmem>>, vector<16xi32>,
        %add3A_815 = vector.broadcast %mul3A_0 : i32 to vector<16xi32>
        %add3A_816 = arith.addi %get3A_814, %add3A_815 : vector<16xi32>
        %swap3A_817 = arith.constant 96 : index
        %swap3A_818 = tpu.vector_load %arg8[%swap3A_817] {strides = array<i32>} : memref<512xi32, #tpu.memory_space<vmem>>, vector<16xi32>,
        tpu.vector_store %arg8[%swap3A_817], %add3A_816 {strides = array<i32>} : memref<512xi32, #tpu.memory_space<vmem>>, vector<16xi32>,
        %get3A_819 = arith.constant 112 : index
        %get3A_820 = tpu.vector_load %arg9[%get3A_819] {strides = array<i32>} : memref<512xi32, #tpu.memory_space<vmem>>, vector<16xi32>,
        %add3A_821 = vector.broadcast %mul3A_0 : i32 to vector<16xi32>
        %add3A_822 = arith.addi %get3A_820, %add3A_821 : vector<16xi32>
        %swap3A_823 = arith.constant 112 : index
        %swap3A_824 = tpu.vector_load %arg8[%swap3A_823] {strides = array<i32>} : memref<512xi32, #tpu.memory_space<vmem>>, vector<16xi32>,
        tpu.vector_store %arg8[%swap3A_823], %add3A_822 {strides = array<i32>} : memref<512xi32, #tpu.memory_space<vmem>>, vector<16xi32>,
        %get3A_825 = arith.constant 128 : index
        %get3A_826 = tpu.vector_load %arg9[%get3A_825] {strides = array<i32>} : memref<512xi32, #tpu.memory_space<vmem>>, vector<16xi32>,
        %add3A_827 = vector.broadcast %mul3A_0 : i32 to vector<16xi32>
        %add3A_828 = arith.addi %get3A_826, %add3A_827 : vector<16xi32>
        %swap3A_829 = arith.constant 128 : index
        %swap3A_830 = tpu.vector_load %arg8[%swap3A_829] {strides = array<i32>} : memref<512xi32, #tpu.memory_space<vmem>>, vector<16xi32>,
        tpu.vector_store %arg8[%swap3A_829], %add3A_828 {strides = array<i32>} : memref<512xi32, #tpu.memory_space<vmem>>, vector<16xi32>,
        %get3A_831 = arith.constant 144 : index
        %get3A_832 = tpu.vector_load %arg9[%get3A_831] {strides = array<i32>} : memref<512xi32, #tpu.memory_space<vmem>>, vector<16xi32>,
        %add3A_833 = vector.broadcast %mul3A_0 : i32 to vector<16xi32>
        %add3A_834 = arith.addi %get3A_832, %add3A_833 : vector<16xi32>
        %swap3A_835 = arith.constant 144 : index
        %swap3A_836 = tpu.vector_load %arg8[%swap3A_835] {strides = array<i32>} : memref<512xi32, #tpu.memory_space<vmem>>, vector<16xi32>,
        tpu.vector_store %arg8[%swap3A_835], %add3A_834 {strides = array<i32>} : memref<512xi32, #tpu.memory_space<vmem>>, vector<16xi32>,
        %get3A_837 = arith.constant 160 : index
        %get3A_838 = tpu.vector_load %arg9[%get3A_837] {strides = array<i32>} : memref<512xi32, #tpu.memory_space<vmem>>, vector<16xi32>,
        %add3A_839 = vector.broadcast %mul3A_0 : i32 to vector<16xi32>
        %add3A_840 = arith.addi %get3A_838, %add3A_839 : vector<16xi32>
        %swap3A_841 = arith.constant 160 : index
        %swap3A_842 = tpu.vector_load %arg8[%swap3A_841] {strides = array<i32>} : memref<512xi32, #tpu.memory_space<vmem>>, vector<16xi32>,
        tpu.vector_store %arg8[%swap3A_841], %add3A_840 {strides = array<i32>} : memref<512xi32, #tpu.memory_space<vmem>>, vector<16xi32>,
        %get3A_843 = arith.constant 176 : index
        %get3A_844 = tpu.vector_load %arg9[%get3A_843] {strides = array<i32>} : memref<512xi32, #tpu.memory_space<vmem>>, vector<16xi32>,
        %add3A_845 = vector.broadcast %mul3A_0 : i32 to vector<16xi32>
        %add3A_846 = arith.addi %get3A_844, %add3A_845 : vector<16xi32>
        %swap3A_847 = arith.constant 176 : index
        %swap3A_848 = tpu.vector_load %arg8[%swap3A_847] {strides = array<i32>} : memref<512xi32, #tpu.memory_space<vmem>>, vector<16xi32>,
        tpu.vector_store %arg8[%swap3A_847], %add3A_846 {strides = array<i32>} : memref<512xi32, #tpu.memory_space<vmem>>, vector<16xi32>,
        %get3A_849 = arith.constant 192 : index
        %get3A_850 = tpu.vector_load %arg9[%get3A_849] {strides = array<i32>} : memref<512xi32, #tpu.memory_space<vmem>>, vector<16xi32>,
        %add3A_851 = vector.broadcast %mul3A_0 : i32 to vector<16xi32>
        %add3A_852 = arith.addi %get3A_850, %add3A_851 : vector<16xi32>
        %swap3A_853 = arith.constant 192 : index
        %swap3A_854 = tpu.vector_load %arg8[%swap3A_853] {strides = array<i32>} : memref<512xi32, #tpu.memory_space<vmem>>, vector<16xi32>,
        tpu.vector_store %arg8[%swap3A_853], %add3A_852 {strides = array<i32>} : memref<512xi32, #tpu.memory_space<vmem>>, vector<16xi32>,
        %get3A_855 = arith.constant 208 : index
        %get3A_856 = tpu.vector_load %arg9[%get3A_855] {strides = array<i32>} : memref<512xi32, #tpu.memory_space<vmem>>, vector<16xi32>,
        %add3A_857 = vector.broadcast %mul3A_0 : i32 to vector<16xi32>
        %add3A_858 = arith.addi %get3A_856, %add3A_857 : vector<16xi32>
        %swap3A_859 = arith.constant 208 : index
        %swap3A_860 = tpu.vector_load %arg8[%swap3A_859] {strides = array<i32>} : memref<512xi32, #tpu.memory_space<vmem>>, vector<16xi32>,
        tpu.vector_store %arg8[%swap3A_859], %add3A_858 {strides = array<i32>} : memref<512xi32, #tpu.memory_space<vmem>>, vector<16xi32>,
        %get3A_861 = arith.constant 224 : index
        %get3A_862 = tpu.vector_load %arg9[%get3A_861] {strides = array<i32>} : memref<512xi32, #tpu.memory_space<vmem>>, vector<16xi32>,
        %add3A_863 = vector.broadcast %mul3A_0 : i32 to vector<16xi32>
        %add3A_864 = arith.addi %get3A_862, %add3A_863 : vector<16xi32>
        %swap3A_865 = arith.constant 224 : index
        %swap3A_866 = tpu.vector_load %arg8[%swap3A_865] {strides = array<i32>} : memref<512xi32, #tpu.memory_space<vmem>>, vector<16xi32>,
        tpu.vector_store %arg8[%swap3A_865], %add3A_864 {strides = array<i32>} : memref<512xi32, #tpu.memory_space<vmem>>, vector<16xi32>,
        %get3A_867 = arith.constant 240 : index
        %get3A_868 = tpu.vector_load %arg9[%get3A_867] {strides = array<i32>} : memref<512xi32, #tpu.memory_space<vmem>>, vector<16xi32>,
        %add3A_869 = vector.broadcast %mul3A_0 : i32 to vector<16xi32>
        %add3A_870 = arith.addi %get3A_868, %add3A_869 : vector<16xi32>
        %swap3A_871 = arith.constant 240 : index
        %swap3A_872 = tpu.vector_load %arg8[%swap3A_871] {strides = array<i32>} : memref<512xi32, #tpu.memory_space<vmem>>, vector<16xi32>,
        tpu.vector_store %arg8[%swap3A_871], %add3A_870 {strides = array<i32>} : memref<512xi32, #tpu.memory_space<vmem>>, vector<16xi32>,
        %get3A_873 = arith.constant 256 : index
        %get3A_874 = tpu.vector_load %arg9[%get3A_873] {strides = array<i32>} : memref<512xi32, #tpu.memory_space<vmem>>, vector<16xi32>,
        %add3A_875 = vector.broadcast %mul3A_0 : i32 to vector<16xi32>
        %add3A_876 = arith.addi %get3A_874, %add3A_875 : vector<16xi32>
        %swap3A_877 = arith.constant 256 : index
        %swap3A_878 = tpu.vector_load %arg8[%swap3A_877] {strides = array<i32>} : memref<512xi32, #tpu.memory_space<vmem>>, vector<16xi32>,
        tpu.vector_store %arg8[%swap3A_877], %add3A_876 {strides = array<i32>} : memref<512xi32, #tpu.memory_space<vmem>>, vector<16xi32>,
        %get3A_879 = arith.constant 272 : index
        %get3A_880 = tpu.vector_load %arg9[%get3A_879] {strides = array<i32>} : memref<512xi32, #tpu.memory_space<vmem>>, vector<16xi32>,
        %add3A_881 = vector.broadcast %mul3A_0 : i32 to vector<16xi32>
        %add3A_882 = arith.addi %get3A_880, %add3A_881 : vector<16xi32>
        %swap3A_883 = arith.constant 272 : index
        %swap3A_884 = tpu.vector_load %arg8[%swap3A_883] {strides = array<i32>} : memref<512xi32, #tpu.memory_space<vmem>>, vector<16xi32>,
        tpu.vector_store %arg8[%swap3A_883], %add3A_882 {strides = array<i32>} : memref<512xi32, #tpu.memory_space<vmem>>, vector<16xi32>,
        %get3A_885 = arith.constant 288 : index
        %get3A_886 = tpu.vector_load %arg9[%get3A_885] {strides = array<i32>} : memref<512xi32, #tpu.memory_space<vmem>>, vector<16xi32>,
        %add3A_887 = vector.broadcast %mul3A_0 : i32 to vector<16xi32>
        %add3A_888 = arith.addi %get3A_886, %add3A_887 : vector<16xi32>
        %swap3A_889 = arith.constant 288 : index
        %swap3A_890 = tpu.vector_load %arg8[%swap3A_889] {strides = array<i32>} : memref<512xi32, #tpu.memory_space<vmem>>, vector<16xi32>,
        tpu.vector_store %arg8[%swap3A_889], %add3A_888 {strides = array<i32>} : memref<512xi32, #tpu.memory_space<vmem>>, vector<16xi32>,
        %get3A_891 = arith.constant 304 : index
        %get3A_892 = tpu.vector_load %arg9[%get3A_891] {strides = array<i32>} : memref<512xi32, #tpu.memory_space<vmem>>, vector<16xi32>,
        %add3A_893 = vector.broadcast %mul3A_0 : i32 to vector<16xi32>
        %add3A_894 = arith.addi %get3A_892, %add3A_893 : vector<16xi32>
        %swap3A_895 = arith.constant 304 : index
        %swap3A_896 = tpu.vector_load %arg8[%swap3A_895] {strides = array<i32>} : memref<512xi32, #tpu.memory_space<vmem>>, vector<16xi32>,
        tpu.vector_store %arg8[%swap3A_895], %add3A_894 {strides = array<i32>} : memref<512xi32, #tpu.memory_space<vmem>>, vector<16xi32>,
        %get3A_897 = arith.constant 320 : index
        %get3A_898 = tpu.vector_load %arg9[%get3A_897] {strides = array<i32>} : memref<512xi32, #tpu.memory_space<vmem>>, vector<16xi32>,
        %add3A_899 = vector.broadcast %mul3A_0 : i32 to vector<16xi32>
        %add3A_900 = arith.addi %get3A_898, %add3A_899 : vector<16xi32>
        %swap3A_901 = arith.constant 320 : index
        %swap3A_902 = tpu.vector_load %arg8[%swap3A_901] {strides = array<i32>} : memref<512xi32, #tpu.memory_space<vmem>>, vector<16xi32>,
        tpu.vector_store %arg8[%swap3A_901], %add3A_900 {strides = array<i32>} : memref<512xi32, #tpu.memory_space<vmem>>, vector<16xi32>,
        %get3A_903 = arith.constant 336 : index
        %get3A_904 = tpu.vector_load %arg9[%get3A_903] {strides = array<i32>} : memref<512xi32, #tpu.memory_space<vmem>>, vector<16xi32>,
        %add3A_905 = vector.broadcast %mul3A_0 : i32 to vector<16xi32>
        %add3A_906 = arith.addi %get3A_904, %add3A_905 : vector<16xi32>
        %swap3A_907 = arith.constant 336 : index
        %swap3A_908 = tpu.vector_load %arg8[%swap3A_907] {strides = array<i32>} : memref<512xi32, #tpu.memory_space<vmem>>, vector<16xi32>,
        tpu.vector_store %arg8[%swap3A_907], %add3A_906 {strides = array<i32>} : memref<512xi32, #tpu.memory_space<vmem>>, vector<16xi32>,
        %get3A_909 = arith.constant 352 : index
        %get3A_910 = tpu.vector_load %arg9[%get3A_909] {strides = array<i32>} : memref<512xi32, #tpu.memory_space<vmem>>, vector<16xi32>,
        %add3A_911 = vector.broadcast %mul3A_0 : i32 to vector<16xi32>
        %add3A_912 = arith.addi %get3A_910, %add3A_911 : vector<16xi32>
        %swap3A_913 = arith.constant 352 : index
        %swap3A_914 = tpu.vector_load %arg8[%swap3A_913] {strides = array<i32>} : memref<512xi32, #tpu.memory_space<vmem>>, vector<16xi32>,
        tpu.vector_store %arg8[%swap3A_913], %add3A_912 {strides = array<i32>} : memref<512xi32, #tpu.memory_space<vmem>>, vector<16xi32>,
        %get3A_915 = arith.constant 368 : index
        %get3A_916 = tpu.vector_load %arg9[%get3A_915] {strides = array<i32>} : memref<512xi32, #tpu.memory_space<vmem>>, vector<16xi32>,
        %add3A_917 = vector.broadcast %mul3A_0 : i32 to vector<16xi32>
        %add3A_918 = arith.addi %get3A_916, %add3A_917 : vector<16xi32>
        %swap3A_919 = arith.constant 368 : index
        %swap3A_920 = tpu.vector_load %arg8[%swap3A_919] {strides = array<i32>} : memref<512xi32, #tpu.memory_space<vmem>>, vector<16xi32>,
        tpu.vector_store %arg8[%swap3A_919], %add3A_918 {strides = array<i32>} : memref<512xi32, #tpu.memory_space<vmem>>, vector<16xi32>,
        %get3A_921 = arith.constant 384 : index
        %get3A_922 = tpu.vector_load %arg9[%get3A_921] {strides = array<i32>} : memref<512xi32, #tpu.memory_space<vmem>>, vector<16xi32>,
        %add3A_923 = vector.broadcast %mul3A_0 : i32 to vector<16xi32>
        %add3A_924 = arith.addi %get3A_922, %add3A_923 : vector<16xi32>
        %swap3A_925 = arith.constant 384 : index
        %swap3A_926 = tpu.vector_load %arg8[%swap3A_925] {strides = array<i32>} : memref<512xi32, #tpu.memory_space<vmem>>, vector<16xi32>,
        tpu.vector_store %arg8[%swap3A_925], %add3A_924 {strides = array<i32>} : memref<512xi32, #tpu.memory_space<vmem>>, vector<16xi32>,
        %get3A_927 = arith.constant 400 : index
        %get3A_928 = tpu.vector_load %arg9[%get3A_927] {strides = array<i32>} : memref<512xi32, #tpu.memory_space<vmem>>, vector<16xi32>,
        %add3A_929 = vector.broadcast %mul3A_0 : i32 to vector<16xi32>
        %add3A_930 = arith.addi %get3A_928, %add3A_929 : vector<16xi32>
        %swap3A_931 = arith.constant 400 : index
        %swap3A_932 = tpu.vector_load %arg8[%swap3A_931] {strides = array<i32>} : memref<512xi32, #tpu.memory_space<vmem>>, vector<16xi32>,
        tpu.vector_store %arg8[%swap3A_931], %add3A_930 {strides = array<i32>} : memref<512xi32, #tpu.memory_space<vmem>>, vector<16xi32>,
        %get3A_933 = arith.constant 416 : index
        %get3A_934 = tpu.vector_load %arg9[%get3A_933] {strides = array<i32>} : memref<512xi32, #tpu.memory_space<vmem>>, vector<16xi32>,
        %add3A_935 = vector.broadcast %mul3A_0 : i32 to vector<16xi32>
        %add3A_936 = arith.addi %get3A_934, %add3A_935 : vector<16xi32>
        %swap3A_937 = arith.constant 416 : index
        %swap3A_938 = tpu.vector_load %arg8[%swap3A_937] {strides = array<i32>} : memref<512xi32, #tpu.memory_space<vmem>>, vector<16xi32>,
        tpu.vector_store %arg8[%swap3A_937], %add3A_936 {strides = array<i32>} : memref<512xi32, #tpu.memory_space<vmem>>, vector<16xi32>,
        %get3A_939 = arith.constant 432 : index
        %get3A_940 = tpu.vector_load %arg9[%get3A_939] {strides = array<i32>} : memref<512xi32, #tpu.memory_space<vmem>>, vector<16xi32>,
        %add3A_941 = vector.broadcast %mul3A_0 : i32 to vector<16xi32>
        %add3A_942 = arith.addi %get3A_940, %add3A_941 : vector<16xi32>
        %swap3A_943 = arith.constant 432 : index
        %swap3A_944 = tpu.vector_load %arg8[%swap3A_943] {strides = array<i32>} : memref<512xi32, #tpu.memory_space<vmem>>, vector<16xi32>,
        tpu.vector_store %arg8[%swap3A_943], %add3A_942 {strides = array<i32>} : memref<512xi32, #tpu.memory_space<vmem>>, vector<16xi32>,
        %get3A_945 = arith.constant 448 : index
        %get3A_946 = tpu.vector_load %arg9[%get3A_945] {strides = array<i32>} : memref<512xi32, #tpu.memory_space<vmem>>, vector<16xi32>,
        %add3A_947 = vector.broadcast %mul3A_0 : i32 to vector<16xi32>
        %add3A_948 = arith.addi %get3A_946, %add3A_947 : vector<16xi32>
        %swap3A_949 = arith.constant 448 : index
        %swap3A_950 = tpu.vector_load %arg8[%swap3A_949] {strides = array<i32>} : memref<512xi32, #tpu.memory_space<vmem>>, vector<16xi32>,
        tpu.vector_store %arg8[%swap3A_949], %add3A_948 {strides = array<i32>} : memref<512xi32, #tpu.memory_space<vmem>>, vector<16xi32>,
        %get3A_951 = arith.constant 464 : index
        %get3A_952 = tpu.vector_load %arg9[%get3A_951] {strides = array<i32>} : memref<512xi32, #tpu.memory_space<vmem>>, vector<16xi32>,
        %add3A_953 = vector.broadcast %mul3A_0 : i32 to vector<16xi32>
        %add3A_954 = arith.addi %get3A_952, %add3A_953 : vector<16xi32>
        %swap3A_955 = arith.constant 464 : index
        %swap3A_956 = tpu.vector_load %arg8[%swap3A_955] {strides = array<i32>} : memref<512xi32, #tpu.memory_space<vmem>>, vector<16xi32>,
        tpu.vector_store %arg8[%swap3A_955], %add3A_954 {strides = array<i32>} : memref<512xi32, #tpu.memory_space<vmem>>, vector<16xi32>,
        %get3A_957 = arith.constant 480 : index
        %get3A_958 = tpu.vector_load %arg9[%get3A_957] {strides = array<i32>} : memref<512xi32, #tpu.memory_space<vmem>>, vector<16xi32>,
        %add3A_959 = vector.broadcast %mul3A_0 : i32 to vector<16xi32>
        %add3A_960 = arith.addi %get3A_958, %add3A_959 : vector<16xi32>
        %swap3A_961 = arith.constant 480 : index
        %swap3A_962 = tpu.vector_load %arg8[%swap3A_961] {strides = array<i32>} : memref<512xi32, #tpu.memory_space<vmem>>, vector<16xi32>,
        tpu.vector_store %arg8[%swap3A_961], %add3A_960 {strides = array<i32>} : memref<512xi32, #tpu.memory_space<vmem>>, vector<16xi32>,
        %get3A_963 = arith.constant 496 : index
        %get3A_964 = tpu.vector_load %arg9[%get3A_963] {strides = array<i32>} : memref<512xi32, #tpu.memory_space<vmem>>, vector<16xi32>,
        %add3A_965 = vector.broadcast %mul3A_0 : i32 to vector<16xi32>
        %add3A_966 = arith.addi %get3A_964, %add3A_965 : vector<16xi32>
        %swap3A_967 = arith.constant 496 : index
        %swap3A_968 = tpu.vector_load %arg8[%swap3A_967] {strides = array<i32>} : memref<512xi32, #tpu.memory_space<vmem>>, vector<16xi32>,
        tpu.vector_store %arg8[%swap3A_967], %add3A_966 {strides = array<i32>} : memref<512xi32, #tpu.memory_space<vmem>>, vector<16xi32>,
        %dma_start3A_969 = arith.constant 0 : i32
        %dma_start3A_970 = arith.constant 0 : i32
        %dma_start3A_971 = tpu.memref_slice %arg6[%dma_start3A_969, %dma_start3A_970] : memref<20224x32xf32, #tpu.memory_space<hbm>> -> memref<20224x32xf32, #tpu.memory_space<hbm>>
        tpu.enqueue_indirect_dma source(%dma_start3A_971 : memref<20224x32xf32, #tpu.memory_space<hbm>>) target(%arg10 : memref<512x32xf32, #tpu.memory_space<vmem>>) offsets(%arg8 : memref<512xi32, #tpu.memory_space<vmem>>) semaphore(%arg18 : memref<!tpu.dma_semaphore, #tpu.memory_space<semaphore_mem>>)
      } else {
      }
      %dma_wait3A_765 = arith.constant 0 : i32
      %dma_wait3A_766 = arith.constant 0 : i32
      %dma_wait3A_767 = tpu.memref_slice %arg6[%dma_wait3A_765, %dma_wait3A_766] : memref<20224x32xf32, #tpu.memory_space<hbm>> -> memref<512x32xf32, #tpu.memory_space<hbm>>
      %dma_wait3A_768 = arith.constant 0 : i32
      %dma_wait3A_769 = arith.constant 0 : i32
      %dma_wait3A_770 = tpu.memref_slice %arg6[%dma_wait3A_768, %dma_wait3A_769] : memref<20224x32xf32, #tpu.memory_space<hbm>> -> memref<512x32xf32, #tpu.memory_space<hbm>>
      tpu.wait_dma2 semaphore(%arg19 : memref<!tpu.dma_semaphore, #tpu.memory_space<semaphore_mem>>) src(%dma_wait3A_770 : memref<512x32xf32, #tpu.memory_space<hbm>>) dst(%arg14 : memref<512x32xf32, #tpu.memory_space<vmem>>)
      "tpu.region"() ({
        %run_scoped3A = tpu.sem_alloc : memref<!tpu.dma_semaphore, #tpu.memory_space<semaphore_mem>>
        %dma_start3A_771 = arith.constant 0 : i32
        %dma_start3A_772 = arith.constant 0 : i32
        %dma_start3A_773 = tpu.memref_slice %arg17[%dma_start3A_771, %dma_start3A_772] : memref<10112x32xf32, #tpu.memory_space<vmem_shared>> -> memref<10112x32xf32, #tpu.memory_space<vmem_shared>>
        tpu.enqueue_indirect_dma source(%arg14 : memref<512x32xf32, #tpu.memory_space<vmem>>) target(%dma_start3A_773 : memref<10112x32xf32, #tpu.memory_space<vmem_shared>>) offsets(%arg11 : memref<512xi32, #tpu.memory_space<vmem>>) semaphore(%run_scoped3A : memref<!tpu.dma_semaphore, #tpu.memory_space<semaphore_mem>>) {add = true}
        %dma_wait3A_774 = arith.constant 0 : i32
        %dma_wait3A_775 = arith.constant 0 : i32
        %dma_wait3A_776 = tpu.memref_slice %arg17[%dma_wait3A_774, %dma_wait3A_775] : memref<10112x32xf32, #tpu.memory_space<vmem_shared>> -> memref<10112x32xf32, #tpu.memory_space<vmem_shared>>
        tpu.wait_indirect_dma semaphore(%run_scoped3A : memref<!tpu.dma_semaphore, #tpu.memory_space<semaphore_mem>>) src(%arg14 : memref<512x32xf32, #tpu.memory_space<vmem>>) dst(%dma_wait3A_776 : memref<10112x32xf32, #tpu.memory_space<vmem_shared>>)
        tpu.yield
      }) : () -> ()
    }
    %scan3A_484 = arith.constant 10 : i32
    %barrier3A_485 = arith.constant 0 : index
    tpu.barrier barrier_id(%barrier3A_485)
    %mul3A_486 = arith.constant 632 : i32
    %mul3A_487 = arith.muli %arg1, %mul3A_486 : i32
    %add3A_488 = arith.constant 0 : i32
    %add3A_489 = arith.addi %mul3A_487, %add3A_488 : i32
    %dma_start3A_490 = arith.constant 0 : i32
    %dma_start3A_491 = arith.constant 0 : i32
    %dma_start3A_492 = tpu.memref_slice %arg10[%dma_start3A_490, %dma_start3A_491] : memref<512x32xf32, #tpu.memory_space<vmem>> -> memref<512x32xf32, #tpu.memory_space<vmem>>
    %dma_start3A_493 = arith.constant 0 : i32
    %dma_start3A_494 = tpu.memref_slice %arg17[%add3A_489, %dma_start3A_493] : memref<10112x32xf32, #tpu.memory_space<vmem_shared>> -> memref<512x32xf32, #tpu.memory_space<vmem_shared>>
    %dma_start3A_495 = arith.constant 0 : i32
    %dma_start3A_496 = arith.constant 0 : i32
    %dma_start3A_497 = tpu.memref_slice %arg10[%dma_start3A_495, %dma_start3A_496] : memref<512x32xf32, #tpu.memory_space<vmem>> -> memref<512x32xf32, #tpu.memory_space<vmem>>
    %dma_start3A_498 = arith.constant 0 : i32
    %dma_start3A_499 = tpu.memref_slice %arg17[%add3A_489, %dma_start3A_498] : memref<10112x32xf32, #tpu.memory_space<vmem_shared>> -> memref<512x32xf32, #tpu.memory_space<vmem_shared>>
    tpu.enqueue_dma source(%dma_start3A_499 : memref<512x32xf32, #tpu.memory_space<vmem_shared>>) target(%dma_start3A_497 : memref<512x32xf32, #tpu.memory_space<vmem>>) target_semaphore(%arg18 : memref<!tpu.dma_semaphore, #tpu.memory_space<semaphore_mem>>)
    %mul3A_500 = arith.constant 632 : i32
    %mul3A_501 = arith.muli %arg1, %mul3A_500 : i32
    %add3A_502 = arith.constant 512 : i32
    %add3A_503 = arith.addi %mul3A_501, %add3A_502 : i32
    %dma_start3A_504 = arith.constant 0 : i32
    %dma_start3A_505 = arith.constant 0 : i32
    %dma_start3A_506 = tpu.memref_slice %arg14[%dma_start3A_504, %dma_start3A_505] : memref<512x32xf32, #tpu.memory_space<vmem>> -> memref<120x32xf32, #tpu.memory_space<vmem>>
    %dma_start3A_507 = arith.constant 0 : i32
    %dma_start3A_508 = tpu.memref_slice %arg17[%add3A_503, %dma_start3A_507] : memref<10112x32xf32, #tpu.memory_space<vmem_shared>> -> memref<120x32xf32, #tpu.memory_space<vmem_shared>>
    %dma_start3A_509 = arith.constant 0 : i32
    %dma_start3A_510 = arith.constant 0 : i32
    %dma_start3A_511 = tpu.memref_slice %arg14[%dma_start3A_509, %dma_start3A_510] : memref<512x32xf32, #tpu.memory_space<vmem>> -> memref<120x32xf32, #tpu.memory_space<vmem>>
    %dma_start3A_512 = arith.constant 0 : i32
    %dma_start3A_513 = tpu.memref_slice %arg17[%add3A_503, %dma_start3A_512] : memref<10112x32xf32, #tpu.memory_space<vmem_shared>> -> memref<120x32xf32, #tpu.memory_space<vmem_shared>>
    tpu.enqueue_dma source(%dma_start3A_513 : memref<120x32xf32, #tpu.memory_space<vmem_shared>>) target(%dma_start3A_511 : memref<120x32xf32, #tpu.memory_space<vmem>>) target_semaphore(%arg19 : memref<!tpu.dma_semaphore, #tpu.memory_space<semaphore_mem>>)
    %dma_wait3A_514 = arith.constant 0 : i32
    %dma_wait3A_515 = arith.constant 0 : i32
    %dma_wait3A_516 = tpu.memref_slice %arg10[%dma_wait3A_514, %dma_wait3A_515] : memref<512x32xf32, #tpu.memory_space<vmem>> -> memref<512x32xf32, #tpu.memory_space<vmem>>
    %dma_wait3A_517 = arith.constant 0 : i32
    %dma_wait3A_518 = arith.constant 0 : i32
    %dma_wait3A_519 = tpu.memref_slice %arg2[%dma_wait3A_517, %dma_wait3A_518] : memref<20224x32xf32, #tpu.memory_space<hbm>> -> memref<512x32xf32, #tpu.memory_space<hbm>>
    %dma_wait3A_520 = arith.constant 0 : i32
    %dma_wait3A_521 = arith.constant 0 : i32
    %dma_wait3A_522 = tpu.memref_slice %arg10[%dma_wait3A_520, %dma_wait3A_521] : memref<512x32xf32, #tpu.memory_space<vmem>> -> memref<512x32xf32, #tpu.memory_space<vmem>>
    %dma_wait3A_523 = arith.constant 0 : i32
    %dma_wait3A_524 = arith.constant 0 : i32
    %dma_wait3A_525 = tpu.memref_slice %arg2[%dma_wait3A_523, %dma_wait3A_524] : memref<20224x32xf32, #tpu.memory_space<hbm>> -> memref<512x32xf32, #tpu.memory_space<hbm>>
    tpu.wait_dma2 semaphore(%arg18 : memref<!tpu.dma_semaphore, #tpu.memory_space<semaphore_mem>>) src(%dma_wait3A_525 : memref<512x32xf32, #tpu.memory_space<hbm>>) dst(%dma_wait3A_522 : memref<512x32xf32, #tpu.memory_space<vmem>>)
    %mul3A_526 = arith.constant 632 : i32
    %mul3A_527 = arith.muli %arg1, %mul3A_526 : i32
    %add3A_528 = arith.addi %mul3A_0, %mul3A_527 : i32
    %add3A_529 = arith.constant 0 : i32
    %add3A_530 = arith.addi %add3A_528, %add3A_529 : i32
    "tpu.region"() ({
      %run_scoped3A = tpu.sem_alloc : memref<!tpu.dma_semaphore, #tpu.memory_space<semaphore_mem>>
      %dma_start3A_548 = arith.constant 0 : i32
      %dma_start3A_549 = arith.constant 0 : i32
      %dma_start3A_550 = tpu.memref_slice %arg10[%dma_start3A_548, %dma_start3A_549] : memref<512x32xf32, #tpu.memory_space<vmem>> -> memref<512x32xf32, #tpu.memory_space<vmem>>
      %dma_start3A_551 = arith.constant 0 : i32
      %dma_start3A_552 = tpu.memref_slice %arg6[%add3A_530, %dma_start3A_551] : memref<20224x32xf32, #tpu.memory_space<hbm>> -> memref<512x32xf32, #tpu.memory_space<hbm>>
      %dma_start3A_553 = arith.constant 0 : i32
      %dma_start3A_554 = tpu.memref_slice %arg6[%add3A_530, %dma_start3A_553] : memref<20224x32xf32, #tpu.memory_space<hbm>> -> memref<512x32xf32, #tpu.memory_space<hbm>>
      %dma_start3A_555 = arith.constant 0 : i32
      %dma_start3A_556 = arith.constant 0 : i32
      %dma_start3A_557 = tpu.memref_slice %arg10[%dma_start3A_555, %dma_start3A_556] : memref<512x32xf32, #tpu.memory_space<vmem>> -> memref<512x32xf32, #tpu.memory_space<vmem>>
      tpu.enqueue_dma source(%dma_start3A_557 : memref<512x32xf32, #tpu.memory_space<vmem>>) target(%dma_start3A_554 : memref<512x32xf32, #tpu.memory_space<hbm>>) target_semaphore(%run_scoped3A : memref<!tpu.dma_semaphore, #tpu.memory_space<semaphore_mem>>)
      %dma_wait3A_558 = arith.constant 0 : i32
      %dma_wait3A_559 = arith.constant 0 : i32
      %dma_wait3A_560 = tpu.memref_slice %arg10[%dma_wait3A_558, %dma_wait3A_559] : memref<512x32xf32, #tpu.memory_space<vmem>> -> memref<512x32xf32, #tpu.memory_space<vmem>>
      %dma_wait3A_561 = arith.constant 0 : i32
      %dma_wait3A_562 = tpu.memref_slice %arg6[%add3A_530, %dma_wait3A_561] : memref<20224x32xf32, #tpu.memory_space<hbm>> -> memref<512x32xf32, #tpu.memory_space<hbm>>
      %dma_wait3A_563 = arith.constant 0 : i32
      %dma_wait3A_564 = tpu.memref_slice %arg6[%add3A_530, %dma_wait3A_563] : memref<20224x32xf32, #tpu.memory_space<hbm>> -> memref<512x32xf32, #tpu.memory_space<hbm>>
      %dma_wait3A_565 = arith.constant 0 : i32
      %dma_wait3A_566 = arith.constant 0 : i32
      %dma_wait3A_567 = tpu.memref_slice %arg10[%dma_wait3A_565, %dma_wait3A_566] : memref<512x32xf32, #tpu.memory_space<vmem>> -> memref<512x32xf32, #tpu.memory_space<vmem>>
      tpu.wait_dma2 semaphore(%run_scoped3A : memref<!tpu.dma_semaphore, #tpu.memory_space<semaphore_mem>>) src(%dma_wait3A_567 : memref<512x32xf32, #tpu.memory_space<vmem>>) dst(%dma_wait3A_564 : memref<512x32xf32, #tpu.memory_space<hbm>>)
      tpu.yield
    }) : () -> ()
    %dma_wait3A_531 = arith.constant 0 : i32
    %dma_wait3A_532 = arith.constant 0 : i32
    %dma_wait3A_533 = tpu.memref_slice %arg14[%dma_wait3A_531, %dma_wait3A_532] : memref<512x32xf32, #tpu.memory_space<vmem>> -> memref<120x32xf32, #tpu.memory_space<vmem>>
    %dma_wait3A_534 = arith.constant 0 : i32
    %dma_wait3A_535 = arith.constant 0 : i32
    %dma_wait3A_536 = tpu.memref_slice %arg2[%dma_wait3A_534, %dma_wait3A_535] : memref<20224x32xf32, #tpu.memory_space<hbm>> -> memref<120x32xf32, #tpu.memory_space<hbm>>
    %dma_wait3A_537 = arith.constant 0 : i32
    %dma_wait3A_538 = arith.constant 0 : i32
    %dma_wait3A_539 = tpu.memref_slice %arg14[%dma_wait3A_537, %dma_wait3A_538] : memref<512x32xf32, #tpu.memory_space<vmem>> -> memref<120x32xf32, #tpu.memory_space<vmem>>
    %dma_wait3A_540 = arith.constant 0 : i32
    %dma_wait3A_541 = arith.constant 0 : i32
    %dma_wait3A_542 = tpu.memref_slice %arg2[%dma_wait3A_540, %dma_wait3A_541] : memref<20224x32xf32, #tpu.memory_space<hbm>> -> memref<120x32xf32, #tpu.memory_space<hbm>>
    tpu.wait_dma2 semaphore(%arg19 : memref<!tpu.dma_semaphore, #tpu.memory_space<semaphore_mem>>) src(%dma_wait3A_542 : memref<120x32xf32, #tpu.memory_space<hbm>>) dst(%dma_wait3A_539 : memref<120x32xf32, #tpu.memory_space<vmem>>)
    %mul3A_543 = arith.constant 632 : i32
    %mul3A_544 = arith.muli %arg1, %mul3A_543 : i32
    %add3A_545 = arith.addi %mul3A_0, %mul3A_544 : i32
    %add3A_546 = arith.constant 512 : i32
    %add3A_547 = arith.addi %add3A_545, %add3A_546 : i32
    "tpu.region"() ({
      %run_scoped3A = tpu.sem_alloc : memref<!tpu.dma_semaphore, #tpu.memory_space<semaphore_mem>>
      %dma_start3A_548 = arith.constant 0 : i32
      %dma_start3A_549 = arith.constant 0 : i32
      %dma_start3A_550 = tpu.memref_slice %arg14[%dma_start3A_548, %dma_start3A_549] : memref<512x32xf32, #tpu.memory_space<vmem>> -> memref<120x32xf32, #tpu.memory_space<vmem>>
      %dma_start3A_551 = arith.constant 0 : i32
      %dma_start3A_552 = tpu.memref_slice %arg6[%add3A_547, %dma_start3A_551] : memref<20224x32xf32, #tpu.memory_space<hbm>> -> memref<120x32xf32, #tpu.memory_space<hbm>>
      %dma_start3A_553 = arith.constant 0 : i32
      %dma_start3A_554 = tpu.memref_slice %arg6[%add3A_547, %dma_start3A_553] : memref<20224x32xf32, #tpu.memory_space<hbm>> -> memref<120x32xf32, #tpu.memory_space<hbm>>
      %dma_start3A_555 = arith.constant 0 : i32
      %dma_start3A_556 = arith.constant 0 : i32
      %dma_start3A_557 = tpu.memref_slice %arg14[%dma_start3A_555, %dma_start3A_556] : memref<512x32xf32, #tpu.memory_space<vmem>> -> memref<120x32xf32, #tpu.memory_space<vmem>>
      tpu.enqueue_dma source(%dma_start3A_557 : memref<120x32xf32, #tpu.memory_space<vmem>>) target(%dma_start3A_554 : memref<120x32xf32, #tpu.memory_space<hbm>>) target_semaphore(%run_scoped3A : memref<!tpu.dma_semaphore, #tpu.memory_space<semaphore_mem>>)
      %dma_wait3A_558 = arith.constant 0 : i32
      %dma_wait3A_559 = arith.constant 0 : i32
      %dma_wait3A_560 = tpu.memref_slice %arg14[%dma_wait3A_558, %dma_wait3A_559] : memref<512x32xf32, #tpu.memory_space<vmem>> -> memref<120x32xf32, #tpu.memory_space<vmem>>
      %dma_wait3A_561 = arith.constant 0 : i32
      %dma_wait3A_562 = tpu.memref_slice %arg6[%add3A_547, %dma_wait3A_561] : memref<20224x32xf32, #tpu.memory_space<hbm>> -> memref<120x32xf32, #tpu.memory_space<hbm>>
      %dma_wait3A_563 = arith.constant 0 : i32
      %dma_wait3A_564 = tpu.memref_slice %arg6[%add3A_547, %dma_wait3A_563] : memref<20224x32xf32, #tpu.memory_space<hbm>> -> memref<120x32xf32, #tpu.memory_space<hbm>>
      %dma_wait3A_565 = arith.constant 0 : i32
      %dma_wait3A_566 = arith.constant 0 : i32
      %dma_wait3A_567 = tpu.memref_slice %arg14[%dma_wait3A_565, %dma_wait3A_566] : memref<512x32xf32, #tpu.memory_space<vmem>> -> memref<120x32xf32, #tpu.memory_space<vmem>>
      tpu.wait_dma2 semaphore(%run_scoped3A : memref<!tpu.dma_semaphore, #tpu.memory_space<semaphore_mem>>) src(%dma_wait3A_567 : memref<120x32xf32, #tpu.memory_space<vmem>>) dst(%dma_wait3A_564 : memref<120x32xf32, #tpu.memory_space<hbm>>)
      tpu.yield
    }) : () -> ()
    return
  }
}

module attributes {stable_mosaic.version = 14 : i64} {
  func.func @_tc1_body(%arg0: i32, %arg1: memref<2528x256xf32, #tpu.memory_space<vmem>>, %arg2: memref<256x256xf32, #tpu.memory_space<vmem>>, %arg3: memref<1x256xf32, #tpu.memory_space<vmem>>, %arg4: memref<2x2528x128xf32, #tpu.memory_space<vmem>>) attributes {dimension_semantics = [#tpu.dimension_semantics<arbitrary>], iteration_bounds = array<i64: 4>, scalar_prefetch = 0 : i64, scratch_operands = 0 : i64, tpu.core_type = #tpu.core_type<tc>, window_params = [{transform_indices = @transform_0, window_bounds = array<i64: 2528, 256>}, {pipeline_mode = #tpu.pipeline_mode<synchronous>, transform_indices = @transform_1, window_bounds = array<i64: 256, 256>}, {pipeline_mode = #tpu.pipeline_mode<synchronous>, transform_indices = @transform_2, window_bounds = array<i64: 1, 256>}, {transform_indices = @transform_3, window_bounds = array<i64: 2, 2528, 128>}]} {
    %get3A = arith.constant 0 : index
    %get3A_0 = arith.constant 0 : index
    %get3A_1 = vector.load %arg1[%get3A, %get3A_0] : memref<2528x256xf32, #tpu.memory_space<vmem>>, vector<2528x256xf32>
    %get3A_2 = arith.constant 0 : index
    %get3A_3 = arith.constant 0 : index
    %get3A_4 = vector.load %arg2[%get3A_2, %get3A_3] : memref<256x256xf32, #tpu.memory_space<vmem>>, vector<256x256xf32>
    %dot_general3A = arith.constant dense<0.000000e+00> : vector<2528x256xf32>
    %dot_general3A_5 = tpu.matmul %get3A_1, %get3A_4, %dot_general3A {dimension_numbers = #tpu.dot_dimension_numbers<[1], [1], [0], [0], [0, 0, 1, 0], [], []>, transpose_lhs_hint = false} : vector<2528x256xf32>, vector<256x256xf32>, vector<2528x256xf32> -> vector<2528x256xf32>
    %get3A_6 = arith.constant 0 : index
    %get3A_7 = arith.constant 0 : index
    %get3A_8 = vector.load %arg3[%get3A_6, %get3A_7] : memref<1x256xf32, #tpu.memory_space<vmem>>, vector<1x256xf32>
    %add3A = vector.broadcast %get3A_8 : vector<1x256xf32> to vector<2528x256xf32>
    %add3A_9 = arith.addf %dot_general3A_5, %add3A : vector<2528x256xf32>
    %slice3A = vector.extract_strided_slice %add3A_9 {offsets = [0, 0], sizes = [2528, 128], strides = [1, 1]} : vector<2528x256xf32> to vector<2528x128xf32>
    %swap3A = arith.constant 0 : index
    %swap3A_10 = arith.constant 0 : index
    %swap3A_11 = arith.constant 0 : index
    %swap3A_12 = vector.load %arg4[%swap3A, %swap3A_10, %swap3A_11] : memref<2x2528x128xf32, #tpu.memory_space<vmem>>, vector<1x2528x128xf32>
    %swap3A_13 = vector.shape_cast %swap3A_12 : vector<1x2528x128xf32> to vector<2528x128xf32>
    %swap3A_14 = vector.shape_cast %slice3A : vector<2528x128xf32> to vector<1x2528x128xf32>
    tpu.vector_store %arg4[%swap3A, %swap3A_10, %swap3A_11], %swap3A_14 {strides = array<i32>} : memref<2x2528x128xf32, #tpu.memory_space<vmem>>, vector<1x2528x128xf32>,
    %slice3A_15 = vector.extract_strided_slice %add3A_9 {offsets = [0, 128], sizes = [2528, 128], strides = [1, 1]} : vector<2528x256xf32> to vector<2528x128xf32>
    %swap3A_16 = arith.constant 1 : index
    %swap3A_17 = arith.constant 0 : index
    %swap3A_18 = arith.constant 0 : index
    %swap3A_19 = vector.load %arg4[%swap3A_16, %swap3A_17, %swap3A_18] : memref<2x2528x128xf32, #tpu.memory_space<vmem>>, vector<1x2528x128xf32>
    %swap3A_20 = vector.shape_cast %swap3A_19 : vector<1x2528x128xf32> to vector<2528x128xf32>
    %swap3A_21 = vector.shape_cast %slice3A_15 : vector<2528x128xf32> to vector<1x2528x128xf32>
    tpu.vector_store %arg4[%swap3A_16, %swap3A_17, %swap3A_18], %swap3A_21 {strides = array<i32>} : memref<2x2528x128xf32, #tpu.memory_space<vmem>>, vector<1x2528x128xf32>,
    return
  }
  func.func @transform_0(%arg0: i32) -> (i32, i32) {
    %c0_i32 = arith.constant 0 : i32
    %c0_i32_0 = arith.constant 0 : i32
    return %arg0, %c0_i32 : i32, i32
  }
  func.func @transform_1(%arg0: i32) -> (i32, i32) {
    %c0_i32 = arith.constant 0 : i32
    %c0_i32_0 = arith.constant 0 : i32
    %c0_i32_1 = arith.constant 0 : i32
    return %c0_i32, %c0_i32_0 : i32, i32
  }
  func.func @transform_2(%arg0: i32) -> (i32, i32) {
    %c0_i32 = arith.constant 0 : i32
    %c0_i32_0 = arith.constant 0 : i32
    %c0_i32_1 = arith.constant 0 : i32
    return %c0_i32, %c0_i32_0 : i32, i32
  }
  func.func @transform_3(%arg0: i32) -> (i32, i32, i32) {
    %c0_i32 = arith.constant 0 : i32
    %c0_i32_0 = arith.constant 0 : i32
    %c0_i32_1 = arith.constant 0 : i32
    return %c0_i32, %arg0, %c0_i32_0 : i32, i32, i32
  }
}

module attributes {stable_mosaic.version = 14 : i64} {
  func.func @_tc2_body(%arg0: i32, %arg1: memref<1x2528x128xf32, #tpu.memory_space<vmem>>, %arg2: memref<1x2528x128xf32, #tpu.memory_space<vmem>>, %arg3: memref<64x256xf32, #tpu.memory_space<vmem>>, %arg4: memref<1x64xf32, #tpu.memory_space<vmem>>, %arg5: memref<2x2528x32xf32, #tpu.memory_space<vmem>>) attributes {dimension_semantics = [#tpu.dimension_semantics<arbitrary>], iteration_bounds = array<i64: 4>, scalar_prefetch = 0 : i64, scratch_operands = 0 : i64, tpu.core_type = #tpu.core_type<tc>, window_params = [{transform_indices = @transform_0, window_bounds = array<i64: 1, 2528, 128>}, {transform_indices = @transform_1, window_bounds = array<i64: 1, 2528, 128>}, {pipeline_mode = #tpu.pipeline_mode<synchronous>, transform_indices = @transform_2, window_bounds = array<i64: 64, 256>}, {pipeline_mode = #tpu.pipeline_mode<synchronous>, transform_indices = @transform_3, window_bounds = array<i64: 1, 64>}, {transform_indices = @transform_4, window_bounds = array<i64: 2, 2528, 32>}]} {
    %get3A = arith.constant 0 : index
    %get3A_0 = arith.constant 0 : index
    %get3A_1 = arith.constant 0 : index
    %get3A_2 = vector.load %arg1[%get3A, %get3A_0, %get3A_1] : memref<1x2528x128xf32, #tpu.memory_space<vmem>>, vector<1x2528x128xf32>
    %get3A_3 = vector.shape_cast %get3A_2 : vector<1x2528x128xf32> to vector<2528x128xf32>
    %max3A = arith.constant 0.000000e+00 : f32
    %max3A_4 = vector.broadcast %max3A : f32 to vector<2528x128xf32>
    %max3A_5 = arith.maximumf %get3A_3, %max3A_4 : vector<2528x128xf32>
    %get3A_6 = arith.constant 0 : index
    %get3A_7 = arith.constant 0 : index
    %get3A_8 = arith.constant 0 : index
    %get3A_9 = vector.load %arg2[%get3A_6, %get3A_7, %get3A_8] : memref<1x2528x128xf32, #tpu.memory_space<vmem>>, vector<1x2528x128xf32>
    %get3A_10 = vector.shape_cast %get3A_9 : vector<1x2528x128xf32> to vector<2528x128xf32>
    %max3A_11 = arith.constant 0.000000e+00 : f32
    %max3A_12 = vector.broadcast %max3A_11 : f32 to vector<2528x128xf32>
    %max3A_13 = arith.maximumf %get3A_10, %max3A_12 : vector<2528x128xf32>
    %get3A_14 = arith.constant 0 : index
    %get3A_15 = arith.constant 0 : index
    %get3A_16 = vector.load %arg3[%get3A_14, %get3A_15] : memref<64x256xf32, #tpu.memory_space<vmem>>, vector<64x256xf32>
    %slice3A = vector.extract_strided_slice %get3A_16 {offsets = [0, 0], sizes = [64, 128], strides = [1, 1]} : vector<64x256xf32> to vector<64x128xf32>
    %dot_general3A = arith.constant dense<0.000000e+00> : vector<2528x64xf32>
    %dot_general3A_17 = tpu.matmul %max3A_5, %slice3A, %dot_general3A {dimension_numbers = #tpu.dot_dimension_numbers<[1], [1], [0], [0], [0, 0, 1, 0], [], []>, transpose_lhs_hint = false} : vector<2528x128xf32>, vector<64x128xf32>, vector<2528x64xf32> -> vector<2528x64xf32>
    %slice3A_18 = vector.extract_strided_slice %get3A_16 {offsets = [0, 128], sizes = [64, 128], strides = [1, 1]} : vector<64x256xf32> to vector<64x128xf32>
    %dot_general3A_19 = arith.constant dense<0.000000e+00> : vector<2528x64xf32>
    %dot_general3A_20 = tpu.matmul %max3A_13, %slice3A_18, %dot_general3A_19 {dimension_numbers = #tpu.dot_dimension_numbers<[1], [1], [0], [0], [0, 0, 1, 0], [], []>, transpose_lhs_hint = false} : vector<2528x128xf32>, vector<64x128xf32>, vector<2528x64xf32> -> vector<2528x64xf32>
    %add3A = arith.addf %dot_general3A_17, %dot_general3A_20 : vector<2528x64xf32>
    %get3A_21 = arith.constant 0 : index
    %get3A_22 = arith.constant 0 : index
    %get3A_23 = vector.load %arg4[%get3A_21, %get3A_22] : memref<1x64xf32, #tpu.memory_space<vmem>>, vector<1x64xf32>
    %add3A_24 = vector.broadcast %get3A_23 : vector<1x64xf32> to vector<2528x64xf32>
    %add3A_25 = arith.addf %add3A, %add3A_24 : vector<2528x64xf32>
    %slice3A_26 = vector.extract_strided_slice %add3A_25 {offsets = [0, 0], sizes = [2528, 32], strides = [1, 1]} : vector<2528x64xf32> to vector<2528x32xf32>
    %swap3A = arith.constant 0 : index
    %swap3A_27 = arith.constant 0 : index
    %swap3A_28 = arith.constant 0 : index
    %swap3A_29 = vector.load %arg5[%swap3A, %swap3A_27, %swap3A_28] : memref<2x2528x32xf32, #tpu.memory_space<vmem>>, vector<1x2528x32xf32>
    %swap3A_30 = vector.shape_cast %swap3A_29 : vector<1x2528x32xf32> to vector<2528x32xf32>
    %swap3A_31 = vector.shape_cast %slice3A_26 : vector<2528x32xf32> to vector<1x2528x32xf32>
    tpu.vector_store %arg5[%swap3A, %swap3A_27, %swap3A_28], %swap3A_31 {strides = array<i32>} : memref<2x2528x32xf32, #tpu.memory_space<vmem>>, vector<1x2528x32xf32>,
    %slice3A_32 = vector.extract_strided_slice %add3A_25 {offsets = [0, 32], sizes = [2528, 32], strides = [1, 1]} : vector<2528x64xf32> to vector<2528x32xf32>
    %swap3A_33 = arith.constant 1 : index
    %swap3A_34 = arith.constant 0 : index
    %swap3A_35 = arith.constant 0 : index
    %swap3A_36 = vector.load %arg5[%swap3A_33, %swap3A_34, %swap3A_35] : memref<2x2528x32xf32, #tpu.memory_space<vmem>>, vector<1x2528x32xf32>
    %swap3A_37 = vector.shape_cast %swap3A_36 : vector<1x2528x32xf32> to vector<2528x32xf32>
    %swap3A_38 = vector.shape_cast %slice3A_32 : vector<2528x32xf32> to vector<1x2528x32xf32>
    tpu.vector_store %arg5[%swap3A_33, %swap3A_34, %swap3A_35], %swap3A_38 {strides = array<i32>} : memref<2x2528x32xf32, #tpu.memory_space<vmem>>, vector<1x2528x32xf32>,
    return
  }
  func.func @transform_0(%arg0: i32) -> (i32, i32, i32) {
    %c0_i32 = arith.constant 0 : i32
    %c0_i32_0 = arith.constant 0 : i32
    %c0_i32_1 = arith.constant 0 : i32
    return %c0_i32, %arg0, %c0_i32_0 : i32, i32, i32
  }
  func.func @transform_1(%arg0: i32) -> (i32, i32, i32) {
    %c1_i32 = arith.constant 1 : i32
    %c0_i32 = arith.constant 0 : i32
    %c0_i32_0 = arith.constant 0 : i32
    return %c1_i32, %arg0, %c0_i32 : i32, i32, i32
  }
  func.func @transform_2(%arg0: i32) -> (i32, i32) {
    %c0_i32 = arith.constant 0 : i32
    %c0_i32_0 = arith.constant 0 : i32
    %c0_i32_1 = arith.constant 0 : i32
    return %c0_i32, %c0_i32_0 : i32, i32
  }
  func.func @transform_3(%arg0: i32) -> (i32, i32) {
    %c0_i32 = arith.constant 0 : i32
    %c0_i32_0 = arith.constant 0 : i32
    %c0_i32_1 = arith.constant 0 : i32
    return %c0_i32, %c0_i32_0 : i32, i32
  }
  func.func @transform_4(%arg0: i32) -> (i32, i32, i32) {
    %c0_i32 = arith.constant 0 : i32
    %c0_i32_0 = arith.constant 0 : i32
    %c0_i32_1 = arith.constant 0 : i32
    return %c0_i32, %arg0, %c0_i32_0 : i32, i32, i32
  }
}

</mosaic_0001>

<sc_bundles>
// kernel: kernel.6.cloned.1.call-start
scs
__scs_entry_jumppad:
0x0: {  	(pc) =	sbr.rel $0x88, $3  }
0x1: {  	(tag) =	ssettag $0x0;
	lr =	simm.s32 $0x1  }
0x2: {  	[smem:$0x3F9A] =	sst lr;
	_ =	strace $0xD0000000  }
0x3: {  	_ = 	snop  }
0x4: {  	_ = 	snop  }
0x5: {  	_ = 	snop  }
0x6: {  	_ = 	snop  }
0x7: {  	_ = 	snop  }
__scs_overlays_trampoline_lowered:
0x8: {  	[smem:$0x3FA9] =	sst s0  }
0x9: {  	[smem:$0x3FAA] =	sst s1  }
0xa: {  	[smem:$0x3FAB] =	sst s2  }
0xb: {  	[smem:$0x3FAC] =	sst s3  }
0xc: {  	[smem:$0x3FAD] =	sst s4  }
0xd: {  	[smem:$0x3FAE] =	sst s5  }
0xe: {  	[smem:$0x3FAF] =	sst s6  }
0xf: {  	[smem:$0x3FB0] =	sst s7  }
0x10: {  	[smem:$0x3FB1] =	sst s8  }
0x11: {  	[smem:$0x3FB2] =	sst s9;
	s0 =	simm.s32 @!p0 $0x0  }
0x12: {  	s1 =	sld [smem:$0x3F98];
	s0 =	simm.s32 @p0 $0x1  }
0x13: {  	[smem:$0x3FB3] =	sst s0;
	s0 =	simm.s32 @!p1 $0x0  }
0x14: {  	s2 =	sld [smem:$0x3F97];
	s0 =	simm.s32 @p1 $0x1  }
0x15: {  	[smem:$0x3FB4] =	sst s0;
	s0 =	simm.s32 @!p2 $0x0  }
0x16: {  	s3 =	sld [smem:$0x3FDB];
	s0 =	simm.s32 @p2 $0x1  }
0x17: {  	s4 =	simm.s32 $0x1BF5;
	[smem:$0x3FB6] =	sst s0  }
0x18: {  	s0 =	sld [smem:$0x3F99];
	_ =	swait.ge [sflag:s4], $0x0  }
0x19: {  	s7 =	sld [smem:$0x3F9A]  }
0x1a: {  	s8 =	sadd.s32 $0xFFFFE003, lr  }
0x1b: {  	s9 =	sadd.s32 $0xFFFFFEF7, lr;
	s5 =	simm.s32 $0xFFFFFFFF;
	p2 =	slt.u32 s8, $0xFFFFF086  }
0x1c: {  	p1 =	slt.u32 s9, $0xF7A;
	s5 =	simm.s32 @!p2 $0x0  }
0x1d: {  	s5 =	simm.s32 @p1 $0x1;
	p0 =	seq.s32 s7, s2  }
0x1e: {  	s7 =	smul.u32 @!p0 $0xF7A, s2;
	p2 =	seq.s32 @!p0 s5, $0x0  }
0x1f: {  	s9 =	smul.u32 $0xF7A, s1;
	s8 =	simm.s32 @!p0 $0x1BF5;
	p2 =	por !p2, p0  }
0x20: {  	[sflag:s8] =	ssyncset.s32 @!p0 $0xFFFFF086;
	s6 =	sadd.s32 @!p0 s3, s7;
	s7 =	simm.s32 @!p0 $0x108  }
0x21: {  	s3 =	sadd.s32 s3, s9;
	s6 =	sadd.s32 @!p0 $0x88, s6;
	s7 =	simm.s32 @p2 $0x1082  }
0x22: {  	[simem:s7], [sflag:s8] =	dma.local @!p0 [hbm:s6], $0xF7A  }
0x23: {  	s9 =	sor.u32 $0xD0000000, s2;
	s6 =	simm.s32 $0x108;
	_ =	swait.ge @!p0 [sflag:s8], $0x0  }
0x24: {  	s3 =	sadd.s32 $0x88, s3;
	s6 =	simm.s32 @!p1 $0x1082;
	[sflag:s4] =	ssyncset.s32 $0xFFFFF086  }
0x25: {  	[simem:s6], [sflag:s4] =	dma.local [hbm:s3], $0xF7A  }
0x26: {  	[smem:$0x3F9A] =	sst s1;
	(tag) =	ssettag s2;
	_ =	strace s9  }
0x27: {  	s1 =	sld [smem:$0x3FAA]  }
0x28: {  	s2 =	sld [smem:$0x3FAB]  }
0x29: {  	s4 =	sld [smem:$0x3FAD]  }
0x2a: {  	p0 =	seq.s32 s5, $0x0;
	s5 =	sld [smem:$0x3FAE]  }
0x2b: {  	s6 =	sld [smem:$0x3FAF]  }
0x2c: {  	s7 =	sld [smem:$0x3FB0]  }
0x2d: {  	s3 =	simm.s32 $0x108;
	s8 =	sld [smem:$0x3FB1]  }
0x2e: {  	s3 =	simm.s32 @!p0 $0x1082;
	s9 =	sld [smem:$0x3FB2]  }
0x2f: {  	lr =	sadd.s32 s0, s3;
	s0 =	sld [smem:$0x3FA9]  }
0x30: {  	s3 =	sld [smem:$0x3FAC]  }
0x31: {  	[smem:$0x3FB5] =	sst s10  }
0x32: {  	s10 =	sld [smem:$0x3FB3];
	_ =	sdelay $0x3  }
0x33: {  	p0 =	seq.s32 s10, $0x1;
	s10 =	sld [smem:$0x3FB5];
	_ =	sdelay $0x3  }
0x34: {  	[smem:$0x3FB5] =	sst s10  }
0x35: {  	s10 =	sld [smem:$0x3FB4];
	_ =	sdelay $0x3  }
0x36: {  	p1 =	seq.s32 s10, $0x1;
	s10 =	sld [smem:$0x3FB5];
	_ =	sdelay $0x3  }
0x37: {  	[smem:$0x3FB5] =	sst s10  }
0x38: {  	s10 =	sld [smem:$0x3FB6]  }
0x39: {  	_ = 	snop;
	(pc) =	sbr.ind lr, $3  }
0x3a: {  	_ = 	snop  }
0x3b: {  	_ = 	snop  }
0x3c: {  	p2 =	seq.s32 s10, $0x1;
	s10 =	sld [smem:$0x3FB5]  }
0x3d: {  	_ =	shalt  }
0x3e: {  	_ =	shalt  }
0x3f: {  	_ =	shalt  }
0x40: {  	_ =	shalt  }
0x41: {  	_ =	shalt  }
0x42: {  	_ =	shalt  }
0x43: {  	_ =	shalt  }
0x44: {  	_ =	shalt  }
0x45: {  	_ =	shalt  }
0x46: {  	_ =	shalt  }
0x47: {  	_ =	shalt  }
0x48: {  	_ =	shalt  }
0x49: {  	_ =	shalt  }
0x4a: {  	_ =	shalt  }
0x4b: {  	_ =	shalt  }
0x4c: {  	_ =	shalt  }
0x4d: {  	_ =	shalt  }
0x4e: {  	_ =	shalt  }
0x4f: {  	_ =	shalt  }
0x50: {  	_ =	shalt  }
0x51: {  	_ =	shalt  }
0x52: {  	_ =	shalt  }
0x53: {  	_ =	shalt  }
0x54: {  	_ =	shalt  }
0x55: {  	_ =	shalt  }
0x56: {  	_ =	shalt  }
0x57: {  	_ =	shalt  }
0x58: {  	_ =	shalt  }
0x59: {  	_ =	shalt  }
0x5a: {  	_ =	shalt  }
0x5b: {  	_ =	shalt  }
0x5c: {  	_ =	shalt  }
0x5d: {  	_ =	shalt  }
0x5e: {  	_ =	shalt  }
0x5f: {  	_ =	shalt  }
0x60: {  	_ =	shalt  }
0x61: {  	_ =	shalt  }
0x62: {  	_ =	shalt  }
0x63: {  	_ =	shalt  }
0x64: {  	_ =	shalt  }
0x65: {  	_ =	shalt  }
0x66: {  	_ =	shalt  }
0x67: {  	_ =	shalt  }
0x68: {  	_ =	shalt  }
0x69: {  	_ =	shalt  }
0x6a: {  	_ =	shalt  }
0x6b: {  	_ =	shalt  }
0x6c: {  	_ =	shalt  }
0x6d: {  	_ =	shalt  }
0x6e: {  	_ =	shalt  }
0x6f: {  	_ =	shalt  }
0x70: {  	_ =	shalt  }
0x71: {  	_ =	shalt  }
0x72: {  	_ =	shalt  }
0x73: {  	_ =	shalt  }
0x74: {  	_ =	shalt  }
0x75: {  	_ =	shalt  }
0x76: {  	_ =	shalt  }
0x77: {  	_ =	shalt  }
0x78: {  	_ =	shalt  }
0x79: {  	_ =	shalt  }
0x7a: {  	_ =	shalt  }
0x7b: {  	_ =	shalt  }
0x7c: {  	_ =	shalt  }
0x7d: {  	_ =	shalt  }
0x7e: {  	_ =	shalt  }
0x7f: {  	_ =	shalt  }
0x80: {  	_ =	shalt  }
0x81: {  	_ =	shalt  }
0x82: {  	_ =	shalt  }
0x83: {  	_ =	shalt  }
0x84: {  	_ =	shalt  }
0x85: {  	_ =	shalt  }
0x86: {  	_ =	shalt  }
0x87: {  	_ =	shalt  }
.Lfunc_end0:
.L_simem_size_0:
called_computation_lowered:
.L_overlay_start_0:
0x88: {  	s2 =	sld [smem:$0x3FD9]  }
0x89: {  	s3 =	sld [smem:$0x3FFE];
	_ =	sdelay $0x1  }
0x8a: {  	s1 =	srdreg.scid  }
0x8b: {  	s0 =	sand.u32 $0x1, s1  }
0x8c: {  	s17 =	sshll.u32 s0, $0xA;
	s2 =	sadd.s32 s3, s2  }
0x8d: {  	s2 =	sadd.s32 s2, s17  }
0x8e: {  	[smem:$0x3FC1] =	sst s2  }
0x8f: {  	_ = 	snop  }
0x90: {  	s2 =	sld [smem:$0x3FD0];
	(tm) =	ssettm $0x1  }
0x91: {  	s18 =	sld [smem:$0x3FFB];
	_ =	sdelay $0x3  }
0x92: {  	_ =	strace s18  }
0x93: {  	s3 =	sld [smem:$0x3FFC];
	_ =	sdelay $0x3  }
0x94: {  	_ =	strace s3  }
0x95: {  	s3 =	sld [smem:$0x3FFD];
	_ =	sdelay $0x3  }
0x96: {  	_ =	strace s3  }
0x97: {  	_ =	strace $0x8FFFFFFF  }
0x98: {  	s19 =	sld [smem:$0x3FDB];
	_ =	sdelay $0x1  }
0x99: {  	s4 =	simm.s32 $_scs_section_size  }
0x9a: {  	s5 =	simm.s32 $_size__tile_overlayer_lowered;
	s6 =	simm.s32 $_tile_overlayer_lowered  }
0x9b: {  	s22 =	simm.s32 $0x1BFF;
	s21 =	sshll.u32 s6, $0x1;
	s3 =	sadd.s32 s4, s19  }
0x9c: {  	s7 =	simm.s32 $0x0;
	s20 =	sshll.u32 s5, $0x1;
	s5 =	sadd.s32 s21, s3  }
0x9d: {  	[timem:s7], [sflag:s22] =	dma.local [hbm:s5], s20  }
0x9e: {  	_ =	swait.ge [sflag:s22], s20  }
0x9f: {  	s4 =	ssub.s32 $0x0, s20;
	[sflag:s22] =	ssyncset.done $0x0  }
0xa0: {  	[sflag:s22] =	ssyncadd.s32 s4;
	_ =	sdelay $0x1  }
0xa1: {  	s23 =	simm.s32 $0x1B8B  }
0xa2: {  	_ =	swait.ge [sflag:s23], $0x1  }
0xa3: {  	[sflag:s23] =	ssyncset.done $0x0  }
0xa4: {  	s25 =	simm.s32 $0x1B8E;
	s24 =	sld [smem:$0x3FFE];
	[sflag:s23] =	ssyncadd.s32 $0xFFFFFFFF  }
0xa5: {  	s26 =	simm.s32 $execute0_lowered;
	[smem:$0x3FD2] =	sst s25  }
0xa6: {  	s5 =	sshll.u32 s26, $0x1;
	_ =	strace $0x80000046;
	[dreg:$0x1] =	wrdreg $0xFFFFFFFF  }
0xa7: {  	s28 =	simm.s32 $_size_execute0_lowered;
	s3 =	sadd.s32 s3, s5;
	[dreg:$0x0] =	wrdreg $0x0  }
0xa8: {  	s5 =	sshll.u32 s28, $0x1;
	[dreg:$0x2] =	wrdreg s3  }
0xa9: {  	[dreg:$0x3] =	wrdreg s5  }
0xaa: {  	[dreg:$0x4] =	wrdreg $0xC0  }
0xab: {  	_ =	task [dreg:s7], $0x5FFFF  }
0xac: {  	[dreg:$0x1] =	wrdreg $0xFFFFFFFF  }
0xad: {  	[dreg:$0x0] =	wrdreg $0x60  }
0xae: {  	[dreg:$0x2] =	wrdreg s24  }
0xaf: {  	[dreg:$0x3] =	wrdreg s2  }
0xb0: {  	[dreg:$0x4] =	wrdreg $0xA5E00  }
0xb1: {  	[dreg:$0x5] =	wrdreg $0x1E1E00  }
0xb2: {  	[dreg:$0x6] =	wrdreg $0x9  }
0xb3: {  	_ =	task.clear_ibuf [dreg:s7], $0x7FFFF;
	_ =	strace $0x90000046  }
0xb4: {  	s29 =	simm.s32 $0x9;
	_ =	strace $0x80000048  }
0xb5: {  	_ =	swait.ge [sflag:s29], $0x1  }
0xb6: {  	[sflag:s29] =	ssyncadd.s32 $0xFFFFFFFF  }
0xb7: {  	_ =	strace $0x90000048  }
0xb8: {  	_ =	sfence  }
0xb9: {  	s30 =	sld [smem:$0x0];
	_ =	sdelay $0x2  }
0xba: {  	s31 =	sshll.u32 s1, $0xD;
	s1 =	sshrl.u32 s1, $0x2  }
0xbb: {  	s3 =	sand.u32 $0x4000, s31;
	s1 =	sadd.s32 s1, s30  }
0xbc: {  	s0 =	sor.u32 s3, s0;
	s1 =	sshll.u32 s1, $0x11  }
0xbd: {  	s0 =	sor.u32 s1, s0  }
0xbe: {  	s0 =	sadd.s32 $0x8F2B, s0  }
0xbf: {  	[sflag:s0] =	ssyncadd.remote.s32 $0x1  }
0xc0: {  	_ =	sfence.sel $0xFFFF  }
0xc1: {  	[dreg:$0x0] =	wrdreg $0xFFFFFFFF;
	(pc) =	sbr.abs _section_cstart, $3  }
0xc2: {  	[dreg:$0x1] =	wrdreg $0xFFFFFFFF  }
0xc3: {  	_ =	task.clear_ibuf [dreg:s7], $0x2FFFF;
	_ =	strace $0x9FFFFFFF  }
0xc4: {  	(tm) =	ssettm $0x7FFFFFFF  }
0xc5: {  	_ =	shalt  }
tec
execute0_lowered:
.L_overlay_start_1:
0x0: {  	(tag) =	ssettag $0x1  }
0x1: {  	s0 =	rddreg [dreg:$0x0]  }
0x2: {  	s2 =	rddreg [dreg:$0x1]  }
0x3: {  	s1 =	rddreg [dreg:$0x2]  }
0x4: {  	s3 =	rddreg [dreg:$0x3];
	s4 =	simm.s32 $0x0;
	s17 =	stileid.u32  }
0x5: {  	s6 =	srdreg.scid;
	s28 =	simm.s32 $0x2;
	s11 =	smul.u32 $0x180, s17  }
0x6: {  	s29 =	simm.s32 $0x0;
	[smem:$0x7FF] =	sst s4;
	s9 =	smul.u32 $0x2A000, s17  }
0x7: {  	s5 =	sadd.s32 $0x6800, s0;
	s12 =	sadd.s32 $0x1800, s0;
	s13 =	smul.u32 $0x2800, s17  }
0x8: {  	s8 =	sand.u32 $0x1, s6;
	s6 =	sadd.s32 $0x55800, s0;
	s30 =	smul.u32 $0x30000, s17  }
0x9: {  	p0 =	sgt.u32 s17, $0xD;
	_ =	strace $0x80000047;
	s23 =	ssub.s32 $0x2, s8  }
0xa: {  	s26 =	smul.u32 $0x2780, s8;
	s7 =	sshrl.u32 s11, $0x3;
	s10 =	sshrl.u32 s23, $0x1  }
0xb: {  	s9 =	sshrl.u32 s9, $0x2;
	s24 =	sadd.s32 s11, s3;
	s25 =	sshrl.u32 s13, $0x3  }
0xc: {  	s8 =	sshrl.u32 s30, $0x2;
	s16 =	sadd.s32 $0xA0, s11;
	s0 =	sadd.s32 s7, s0  }
0xd: {  	s14 =	ssub.s32 s23, s10;
	s7 =	sadd.s32 s9, s1;
	[dreg:$0x6] =	wrdreg s24  }
0xe: {  	s31 =	sadd.s32 s2, s25;
	s10 =	sadd.s32 s12, s25;
	s15 =	sadd.s32 s11, s26  }
0xf: {  	s18 =	sshll.u32 s16, $0x7;
	s11 =	sadd.s32 $0x140, s11;
	s24 =	smul.u32 $0x500, s17  }
0x10: {  	s25 =	smul.u32 $0x4F000, s17;
	[dreg:$0x7] =	wrdreg s31;
	s0 =	sadd.s32 $0xA4800, s0  }
0x11: {  	s9 =	sshll.u32 s15, $0x4;
	s19 =	sshll.u32 s11, $0x7;
	[dreg:$0x5] =	wrdreg s7  }
0x12: {  	s20 =	sadd.s32 s18, s1;
	s22 =	sadd.s32 s26, s11;
	[dreg:$0x8] =	wrdreg s0  }
0x13: {  	s0 =	sadd.s32 s8, s1;
	s15 =	sadd.s32 s6, s9;
	[dreg:$0xb] =	wrdreg s20  }
0x14: {  	s21 =	sadd.s32 s19, s1;
	s19 =	sadd.s32 s24, s12;
	s20 =	sadd.s32 s24, s2  }
0x15: {  	s9 =	sshrl.u32 s25, $0x2;
	s25 =	smax.u32 s14, $0x1;
	[dreg:$0x9] =	wrdreg s0  }
0x16: {  	s14 =	simm.s32 $0x1E0;
	[dreg:$0xa] =	wrdreg s15;
	s0 =	sadd.s32 s26, s16  }
0x17: {  	s16 =	smul.u32 $0x278, s17;
	[dreg:$0xd] =	wrdreg s21;
	s0 =	sshll.u32 s0, $0x4  }
0x18: {  	s21 =	sadd.s32 s9, s1;
	[dreg:$0x17] =	wrdreg s25;
	s0 =	sadd.s32 s6, s0  }
0x19: {  	s23 =	sadd.s32 s16, s26;
	[dreg:$0xc] =	wrdreg s0;
	s0 =	sshll.u32 s22, $0x4  }
0x1a: {  	s17 =	simm.s32 $0x140;
	s11 =	sshll.u32 s23, $0x4;
	s0 =	sadd.s32 s6, s0  }
0x1b: {  	s25 =	simm.s32 $0x1;
	s30 =	sadd.s32 s5, s11;
	[dreg:$0xe] =	wrdreg s0  }
0x1c: {  	s31 =	sadd.s32 $0xA00, s11;
	s15 =	sadd.s32 s6, s11;
	[dreg:$0xf] =	wrdreg s30  }
0x1d: {  	s2 =	sadd.s32 $0x5000, s21;
	[dreg:$0x10] =	wrdreg s15;
	s16 =	sadd.s32 s5, s31  }
0x1e: {  	s12 =	sadd.s32 $0x1400, s11;
	s0 =	sadd.s32 s6, s31;
	[dreg:$0x11] =	wrdreg s16  }
0x1f: {  	v0 =	vmov s26;
	s26 =	simm.s32 $0xA540;
	s18 =	sadd.s32 s5, s12;
	[dreg:$0x12] =	wrdreg s0  }
0x20: {  	s13 =	sadd.s32 $0x1E00, s11;
	s22 =	sadd.s32 s6, s12;
	[dreg:$0x13] =	wrdreg s18  }
0x21: {  	s11 =	simm.s32 $0xA0;
	s23 =	sadd.s32 s5, s13;
	[dreg:$0x14] =	wrdreg s22  }
0x22: {  	s24 =	sadd.s32 s6, s13;
	s30 =	sadd.s32 $0x5000, s7;
	[dreg:$0x15] =	wrdreg s23  }
0x23: {  	s31 =	sadd.s32 $0xA000, s7;
	s12 =	sadd.s32 $0xA000, s21;
	[dreg:$0x16] =	wrdreg s24  }
0x24: {  	s13 =	sadd.s32 $0xF000, s21;
	s15 =	simm.s32 $0x3;
	[dreg:$0x18] =	wrdreg s30  }
0x25: {  	[dreg:$0x19] =	wrdreg s31;
	s16 =	simm.s32 $0xA3C0;
	s18 =	simm.s32 $0x51E0  }
0x26: {  	v1 =	vimm.f32 $0.0e+00;
	v2 =	vimm.f32 $1.000000000e+00;
	s22 =	simm.s32 $0x5320;
	s23 =	simm.s32 $0x5280;
	s24 =	simm.s32 $0x53C0  }
.LBB2_1:
0x27: {  	s0 =	simm.s32 $0x0;
	s30 =	simm.s32 $0x200  }
.LBB2_2:
0x28: {  	p1 =	sne.s32 s30, $0x13E00;
	[tilespmem:s0+$0x250] =	vst v1  }
0x29: {  	[tilespmem:s0+$0x1E0] =	vst v1  }
0x2a: {  	[tilespmem:s0+$0x1F0] =	vst v1  }
.Ltmp0:
0x2b: {  	[tilespmem:s0+$0x200] =	vst v1;
	(pc) =	sbr.rel @p1 .LBB2_2-.Ltmp0, $4  }
0x2c: {  	[tilespmem:s0+$0x210] =	vst v1  }
0x2d: {  	[tilespmem:s0+$0x220] =	vst v1  }
0x2e: {  	[tilespmem:s0+$0x230] =	vst v1  }
0x2f: {  	[tilespmem:s0+$0x240] =	vst v1;
	s0 =	sshra.s32 s30, $0x2;
	s30 =	sadd.s32 $0x200, s30  }
0x30: {  	[tilespmem:s0+$0x250] =	vst v1  }
0x31: {  	[tilespmem:s0+$0x1E0] =	vst v1  }
0x32: {  	[tilespmem:s0+$0x1F0] =	vst v1  }
0x33: {  	[tilespmem:s0+$0x200] =	vst v1  }
0x34: {  	[tilespmem:s0+$0x210] =	vst v1  }
0x35: {  	[tilespmem:s0+$0x220] =	vst v1  }
0x36: {  	[tilespmem:s0+$0x230] =	vst v1  }
0x37: {  	[tilespmem:s0+$0x240] =	vst v1  }
0x38: {  	[tilespmem:$0xA540] =	vst v2  }
0x39: {  	[tilespmem:$0xA550] =	vst v2  }
0x3a: {  	[tilespmem:$0xA560] =	vst v2  }
0x3b: {  	[tilespmem:$0xA570] =	vst v2  }
0x3c: {  	[tilespmem:$0xA580] =	vst v2  }
0x3d: {  	[tilespmem:$0xA590] =	vst v2  }
0x3e: {  	[tilespmem:$0xA5A0] =	vst v2  }
0x3f: {  	[tilespmem:$0xA5B0] =	vst v2  }
0x40: {  	[tilespmem:$0xA5C0] =	vst v2  }
0x41: {  	[tilespmem:$0xA5D0] =	vst v2  }
0x42: {  	[tilespmem:$0xA3C0] =	vst v1  }
0x43: {  	[tilespmem:$0xA3D0] =	vst v1  }
0x44: {  	[tilespmem:$0xA3E0] =	vst v1  }
0x45: {  	[tilespmem:$0xA3F0] =	vst v1  }
0x46: {  	[tilespmem:$0xA400] =	vst v1  }
0x47: {  	[tilespmem:$0xA410] =	vst v1  }
0x48: {  	[tilespmem:$0xA420] =	vst v1  }
0x49: {  	[tilespmem:$0xA430] =	vst v1  }
0x4a: {  	[tilespmem:$0xA440] =	vst v1  }
0x4b: {  	[tilespmem:$0xA450] =	vst v1  }
0x4c: {  	[tilespmem:$0xA460] =	vst v1  }
0x4d: {  	[tilespmem:$0xA470] =	vst v1  }
0x4e: {  	[tilespmem:$0xA480] =	vst v1  }
0x4f: {  	[tilespmem:$0xA490] =	vst v1  }
0x50: {  	[tilespmem:$0xA4A0] =	vst v1  }
0x51: {  	[tilespmem:$0xA4B0] =	vst v1  }
0x52: {  	[tilespmem:$0xA4C0] =	vst v1  }
0x53: {  	[tilespmem:$0xA4D0] =	vst v1  }
0x54: {  	[tilespmem:$0xA4E0] =	vst v1  }
0x55: {  	[tilespmem:$0xA4F0] =	vst v1  }
0x56: {  	[tilespmem:$0xA500] =	vst v1  }
0x57: {  	[tilespmem:$0xA510] =	vst v1  }
0x58: {  	[tilespmem:$0xA520] =	vst v1  }
0x59: {  	s9 =	rddreg [dreg:$0x5];
	[tilespmem:$0xA530] =	vst v1  }
0x5a: {  	[spmem:s9] =	stream.linear.scatter [tilespmem:s14], [sflag:$0x3], $0x5000, $0x38;
	[tilespmem:$0x1E360] =	vst v63  }
0x5b: {  	_ =	swait.ge [sflag:s15], $0x5000  }
0x5c: {  	[sflag:s15] =	ssyncset.done $0x0  }
0x5d: {  	s7 =	rddreg [dreg:$0x18];
	[sflag:s15] =	ssyncadd.s32 $0xFFFFB000  }
0x5e: {  	[spmem:s7] =	stream.linear.scatter [tilespmem:s14], [sflag:$0x3], $0x5000, $0x38;
	[tilespmem:$0x1E360] =	vst v63  }
0x5f: {  	_ =	swait.ge [sflag:s15], $0x5000  }
0x60: {  	[sflag:s15] =	ssyncset.done $0x0  }
0x61: {  	s8 =	rddreg [dreg:$0x19];
	[sflag:s15] =	ssyncadd.s32 $0xFFFFB000  }
0x62: {  	[spmem:s8] =	stream.linear.scatter [tilespmem:s14], [sflag:$0x3], $0x800, $0x38;
	[tilespmem:$0x1E360] =	vst v63  }
0x63: {  	_ =	swait.ge [sflag:s15], $0x800  }
0x64: {  	[sflag:s15] =	ssyncset.done $0x0  }
0x65: {  	s9 =	rddreg [dreg:$0x6];
	[sflag:s15] =	ssyncadd.s32 $0xFFFFF800  }
0x66: {  	[spmem:s9] =	stream.linear.scatter [tilespmem:s16], [sflag:$0x3], $0x180, $0x38;
	[tilespmem:$0x1E360] =	vst v63  }
0x67: {  	_ =	swait.ge [sflag:s15], $0x180  }
0x68: {  	[sflag:s15] =	ssyncset.done $0x0  }
0x69: {  	[sflag:s15] =	ssyncadd.s32 $0xFFFFFE80  }
0x6a: {  	[bflag:$0x0] =	sbarrier.arrive $0xFFFF  }
0x6b: {  	s30 =	simm.s32 $0x0;
	s7 =	rddreg [dreg:$0x7]  }
0x6c: {  	[tilespmem:s30], [sflag:$0x3] =	stream.linear.gather [hbm4b:s7+s30], $0xA0, $0x38;
	[tilespmem:$0x1E360] =	vst v63  }
0x6d: {  	_ =	swait.ge [sflag:s15], $0xA0  }
0x6e: {  	[sflag:s15] =	ssyncset.done $0x0  }
0x6f: {  	[sflag:s15] =	ssyncadd.s32 $0xFFFFFF60  }
0x70: {  	[tilespmem:s17], [sflag:$0x3] =	stream.linear.gather [hbm4b:s10+s30], $0xA0, $0x38;
	[tilespmem:$0x1E360] =	vst v63  }
0x71: {  	_ =	swait.ge [sflag:s15], $0xA0  }
0x72: {  	[sflag:s15] =	ssyncset.done $0x0  }
0x73: {  	[sflag:s15] =	ssyncadd.s32 $0xFFFFFF60  }
0x74: {  	v3 =	vld [tilespmem:$0x0]  }
0x75: {  	v4 =	vld [tilespmem:$0x10]  }
0x76: {  	v5 =	vld [tilespmem:$0x20]  }
0x77: {  	v6 =	vld [tilespmem:$0x30]  }
0x78: {  	v7 =	vld [tilespmem:$0x40]  }
0x79: {  	v8 =	vld [tilespmem:$0x50];
	v3 =	vadd.s32 v0, v3  }
0x7a: {  	[tilespmem:$0xA0] =	vst v3;
	v3 =	vadd.s32 v0, v4;
	v4 =	vld [tilespmem:$0x60]  }
0x7b: {  	[tilespmem:$0xB0] =	vst v3;
	v3 =	vadd.s32 v0, v5;
	v5 =	vld [tilespmem:$0x70]  }
0x7c: {  	[tilespmem:$0xC0] =	vst v3;
	v3 =	vadd.s32 v0, v6;
	v6 =	vld [tilespmem:$0x80]  }
0x7d: {  	[tilespmem:$0xD0] =	vst v3;
	v3 =	vadd.s32 v0, v7;
	v7 =	vld [tilespmem:$0x90]  }
0x7e: {  	[tilespmem:$0xE0] =	vst v3;
	v3 =	vadd.s32 v0, v8  }
0x7f: {  	[tilespmem:$0xF0] =	vst v3;
	v3 =	vadd.s32 v0, v4  }
0x80: {  	[tilespmem:$0x100] =	vst v3;
	v3 =	vadd.s32 v0, v5  }
0x81: {  	[tilespmem:$0x110] =	vst v3;
	v3 =	vadd.s32 v0, v6  }
0x82: {  	[tilespmem:$0x120] =	vst v3;
	v3 =	vadd.s32 v0, v7  }
0x83: {  	s8 =	sadd.s32 $0x0, s20;
	[tilespmem:$0x130] =	vst v3  }
0x84: {  	[tilespmem:s14], [sflag:$0x1] =	stream.indirect.gather [hbm4b:s5+s11], $0x80, s11, s11, $0xb8;
	[tilespmem:$0x1E360] =	vst v63  }
0x85: {  	s0 =	sadd.s32 $0x14, s8  }
0x86: {  	[tilespmem:s18], [sflag:$0x3] =	stream.linear.gather [hbm4b:s0+s4], $0xA0, $0x38;
	[tilespmem:$0x1E360] =	vst v63  }
0x87: {  	_ =	swait.ge [sflag:s15], $0xA0  }
0x88: {  	s9 =	sadd.s32 $0x0, s19;
	[sflag:s15] =	ssyncset.done $0x0  }
0x89: {  	s0 =	sadd.s32 $0x14, s9;
	[sflag:s15] =	ssyncadd.s32 $0xFFFFFF60  }
0x8a: {  	[tilespmem:s22], [sflag:$0x3] =	stream.linear.gather [hbm4b:s0+s4], $0xA0, $0x38;
	[tilespmem:$0x1E360] =	vst v63  }
0x8b: {  	_ =	swait.ge [sflag:s15], $0xA0  }
0x8c: {  	[sflag:s15] =	ssyncset.done $0x0  }
0x8d: {  	[sflag:s15] =	ssyncadd.s32 $0xFFFFFF60  }
0x8e: {  	v4 =	vld [tilespmem:$0x5240]  }
0x8f: {  	v5 =	vld [tilespmem:$0x5230]  }
0x90: {  	v3 =	vld [tilespmem:$0x5200]  }
0x91: {  	v8 =	vld [tilespmem:$0x5260]  }
0x92: {  	v7 =	vld [tilespmem:$0x5270]  }
0x93: {  	v6 =	vld [tilespmem:$0x5250];
	v9 =	vadd.s32 v0, v4  }
0x94: {  	s31 =	simm.s32 $0x28;
	v4 =	vld [tilespmem:$0x51F0];
	[tilespmem:$0x52E0] =	vst v9  }
.LBB2_4:
0x95: {  	v9 =	vld [tilespmem:$0x5210];
	s0 =	smov.u32 s31;
	s31 =	sadd.s32 $0x28, s31  }
0x96: {  	p1 =	sne.s32 s31, $0x500;
	v10 =	vld [tilespmem:$0x51E0];
	v8 =	vadd.s32 v0, v8  }
0x97: {  	v5 =	vadd.s32 v0, v5;
	v11 =	vld [tilespmem:$0x5220];
	[tilespmem:$0x5300] =	vst v8;
	v7 =	vadd.s32 v0, v7  }
0x98: {  	v3 =	vadd.s32 v0, v3;
	[tilespmem:$0x52D0] =	vst v5  }
0x99: {  	v5 =	vadd.s32 v0, v6;
	v4 =	vadd.s32 v0, v4;
	[tilespmem:$0x5310] =	vst v7  }
0x9a: {  	v6 =	vadd.s32 v0, v9;
	[tilespmem:$0x52F0] =	vst v5  }
0x9b: {  	v5 =	vadd.s32 v0, v10;
	[tilespmem:$0x52B0] =	vst v6  }
0x9c: {  	[tilespmem:$0x5280] =	vst v5;
	v5 =	vadd.s32 v0, v11  }
0x9d: {  	[tilespmem:$0x52C0] =	vst v5  }
0x9e: {  	[tilespmem:$0x5290] =	vst v4  }
0x9f: {  	[tilespmem:$0x52A0] =	vst v3  }
0xa0: {  	[tilespmem:s24], [sflag:$0x2] =	stream.indirect.gather [hbm4b:s5+s11], $0x80, s23, s11, $0xb8;
	[tilespmem:$0x1E360] =	vst v63  }
0xa1: {  	_ =	swait.ge [sflag:s25], $0x5000  }
0xa2: {  	[sflag:s25] =	ssyncset.done $0x0  }
0xa3: {  	[sflag:s25] =	ssyncadd.s32 $0xFFFFB000  }
0xa4: {  	[spmem:s1] =	stream.indirect.scatter.add.f32 [tilespmem:s14], [sflag:$0x3], $0x80, s17, s11, $0xb8;
	[tilespmem:$0x1E360] =	vst v63  }
0xa5: {  	_ =	swait.ge [sflag:s15], $0x5000  }
0xa6: {  	[sflag:s15] =	ssyncset.done $0x0  }
0xa7: {  	[sflag:s15] =	ssyncadd.s32 $0xFFFFB000  }
0xa8: {  	[spmem:s3] =	stream.indirect.scatter.add.f32 [tilespmem:s26], [sflag:$0x3], $0x1, s17, s11, $0xb8;
	[tilespmem:$0x1E360] =	vst v63  }
0xa9: {  	p2 =	seq.s32 s30, $0x4D8;
	_ =	swait.ge [sflag:s15], $0xA0  }
0xaa: {  	s7 =	sadd.s32 @!p2 s30, s20;
	s8 =	simm.s32 @!p2 $0x3;
	[sflag:s15] =	ssyncset.done $0x0  }
0xab: {  	s9 =	simm.s32 @!p2 $0x0;
	s7 =	sadd.s32 @!p2 $0x28, s7;
	[sflag:s15] =	ssyncadd.s32 $0xFFFFFF60  }
0xac: {  	[tilespmem:s9], [sflag:$0x3] =	stream.linear.gather @!p2 [hbm4b:s7+s9], $0xA0, $0x38;
	[tilespmem:$0x1E360] =	vst v63  }
0xad: {  	s7 =	sadd.s32 @!p2 s30, s19;
	s30 =	smov.u32 s0;
	_ =	swait.ge @!p2 [sflag:s8], $0xA0  }
0xae: {  	s0 =	sadd.s32 @!p2 $0x28, s7;
	[sflag:s8] =	ssyncset.done @!p2 $0x0  }
0xaf: {  	s7 =	simm.s32 @!p2 $0x140;
	[sflag:s8] =	ssyncadd.s32 @!p2 $0xFFFFFF60  }
0xb0: {  	[tilespmem:s7], [sflag:$0x3] =	stream.linear.gather @!p2 [hbm4b:s0+s9], $0xA0, $0x38;
	[tilespmem:$0x1E360] =	vst v63  }
0xb1: {  	_ =	swait.ge @!p2 [sflag:s8], $0xA0  }
0xb2: {  	[sflag:s8] =	ssyncset.done @!p2 $0x0  }
0xb3: {  	[sflag:s8] =	ssyncadd.s32 @!p2 $0xFFFFFF60  }
0xb4: {  	v3 =	vld @!p2 [tilespmem:$0x0]  }
0xb5: {  	v4 =	vld @!p2 [tilespmem:$0x10]  }
0xb6: {  	v5 =	vld @!p2 [tilespmem:$0x30]  }
0xb7: {  	v6 =	vld @!p2 [tilespmem:$0x40]  }
0xb8: {  	v7 =	vld @!p2 [tilespmem:$0x50]  }
0xb9: {  	v3 =	vadd.s32 @!p2 v0, v3;
	v8 =	vld @!p2 [tilespmem:$0x60]  }
0xba: {  	[tilespmem:$0xA0] =	vst @!p2 v3;
	v3 =	vadd.s32 @!p2 v0, v4;
	v4 =	vld @!p2 [tilespmem:$0x70]  }
0xbb: {  	[tilespmem:$0xB0] =	vst @!p2 v3;
	v3 =	vadd.s32 @!p2 v0, v5;
	v5 =	vld @!p2 [tilespmem:$0x80]  }
0xbc: {  	[tilespmem:$0xD0] =	vst @!p2 v3;
	v3 =	vadd.s32 @!p2 v0, v6;
	v6 =	vld @!p2 [tilespmem:$0x90]  }
0xbd: {  	v9 =	vld @!p2 [tilespmem:$0x20];
	[tilespmem:$0xE0] =	vst @!p2 v3;
	v3 =	vadd.s32 @!p2 v0, v7  }
0xbe: {  	[tilespmem:$0xF0] =	vst @!p2 v3;
	v3 =	vadd.s32 @!p2 v0, v8  }
0xbf: {  	[tilespmem:$0x100] =	vst @!p2 v3;
	v3 =	vadd.s32 @!p2 v0, v4  }
0xc0: {  	[tilespmem:$0x110] =	vst @!p2 v3;
	v3 =	vadd.s32 @!p2 v0, v5  }
0xc1: {  	[tilespmem:$0x120] =	vst @!p2 v3;
	v3 =	vadd.s32 @!p2 v0, v6  }
0xc2: {  	v4 =	vadd.s32 @!p2 v0, v9;
	[tilespmem:$0x130] =	vst @!p2 v3  }
0xc3: {  	s0 =	simm.s32 @!p2 $0xA0;
	s7 =	simm.s32 @!p2 $0x1E0;
	[tilespmem:$0xC0] =	vst @!p2 v4  }
0xc4: {  	[tilespmem:s7], [sflag:$0x1] =	stream.indirect.gather @!p2 [hbm4b:s5+s0], $0x80, s0, s0, $0xb8;
	[tilespmem:$0x1E360] =	vst v63  }
0xc5: {  	_ =	swait.ge [sflag:s28], $0x5000  }
0xc6: {  	[sflag:s28] =	ssyncset.done $0x0  }
0xc7: {  	[sflag:s28] =	ssyncadd.s32 $0xFFFFB000  }
0xc8: {  	[spmem:s1] =	stream.indirect.scatter.add.f32 [tilespmem:s24], [sflag:$0x3], $0x80, s22, s11, $0xb8;
	[tilespmem:$0x1E360] =	vst v63  }
0xc9: {  	_ =	swait.ge [sflag:s15], $0x5000  }
0xca: {  	[sflag:s15] =	ssyncset.done $0x0  }
0xcb: {  	[sflag:s15] =	ssyncadd.s32 $0xFFFFB000  }
0xcc: {  	[spmem:s3] =	stream.indirect.scatter.add.f32 [tilespmem:s26], [sflag:$0x3], $0x1, s22, s11, $0xb8;
	[tilespmem:$0x1E360] =	vst v63  }
0xcd: {  	_ =	swait.ge [sflag:s15], $0xA0  }
0xce: {  	s0 =	sadd.s32 s30, s20;
	[sflag:s15] =	ssyncset.done $0x0  }
0xcf: {  	s0 =	sadd.s32 $0x14, s0;
	[sflag:s15] =	ssyncadd.s32 $0xFFFFFF60  }
0xd0: {  	[tilespmem:s18], [sflag:$0x3] =	stream.linear.gather [hbm4b:s0+s4], $0xA0, $0x38;
	[tilespmem:$0x1E360] =	vst v63  }
0xd1: {  	_ =	swait.ge [sflag:s15], $0xA0  }
0xd2: {  	s0 =	sadd.s32 s30, s19;
	[sflag:s15] =	ssyncset.done $0x0  }
0xd3: {  	s0 =	sadd.s32 $0x14, s0;
	[sflag:s15] =	ssyncadd.s32 $0xFFFFFF60  }
0xd4: {  	[tilespmem:s22], [sflag:$0x3] =	stream.linear.gather [hbm4b:s0+s4], $0xA0, $0x38;
	[tilespmem:$0x1E360] =	vst v63  }
0xd5: {  	_ =	swait.ge [sflag:s15], $0xA0  }
0xd6: {  	[sflag:s15] =	ssyncset.done $0x0  }
0xd7: {  	[sflag:s15] =	ssyncadd.s32 $0xFFFFFF60  }
0xd8: {  	v4 =	vld [tilespmem:$0x5240]  }
0xd9: {  	v5 =	vld [tilespmem:$0x5230]  }
.Ltmp1:
0xda: {  	v3 =	vld [tilespmem:$0x5200];
	(pc) =	sbr.rel @p1 .LBB2_4-.Ltmp1, $4  }
0xdb: {  	v8 =	vld [tilespmem:$0x5260]  }
0xdc: {  	v7 =	vld [tilespmem:$0x5270]  }
0xdd: {  	v9 =	vadd.s32 v0, v4;
	v6 =	vld [tilespmem:$0x5250]  }
0xde: {  	v4 =	vld [tilespmem:$0x51F0];
	[tilespmem:$0x52E0] =	vst v9  }
0xdf: {  	v5 =	vadd.s32 v0, v5  }
0xe0: {  	v9 =	vld [tilespmem:$0x5210];
	v3 =	vadd.s32 v0, v3;
	[tilespmem:$0x52D0] =	vst v5  }
0xe1: {  	v10 =	vld [tilespmem:$0x51E0];
	v8 =	vadd.s32 v0, v8;
	[tilespmem:$0x52A0] =	vst v3  }
0xe2: {  	v11 =	vld [tilespmem:$0x5220];
	[tilespmem:$0x5300] =	vst v8;
	v7 =	vadd.s32 v0, v7  }
0xe3: {  	v60 =	vadd.s32 v0, v6;
	[tilespmem:$0x5310] =	vst v7  }
0xe4: {  	[tilespmem:$0x52F0] =	vst v60;
	v4 =	vadd.s32 v0, v4  }
0xe5: {  	v61 =	vadd.s32 v0, v9;
	[tilespmem:$0x5290] =	vst v4  }
0xe6: {  	v62 =	vadd.s32 v0, v10;
	[tilespmem:$0x52B0] =	vst v61  }
0xe7: {  	v63 =	vadd.s32 v0, v11;
	[tilespmem:$0x5280] =	vst v62  }
0xe8: {  	[tilespmem:$0x52C0] =	vst v63  }
0xe9: {  	[tilespmem:s24], [sflag:$0x2] =	stream.indirect.gather [hbm4b:s5+s11], $0x80, s23, s11, $0xb8;
	[tilespmem:$0x1E360] =	vst v63  }
0xea: {  	_ =	swait.ge [sflag:s25], $0x5000  }
0xeb: {  	[sflag:s25] =	ssyncset.done $0x0  }
0xec: {  	[sflag:s25] =	ssyncadd.s32 $0xFFFFB000  }
0xed: {  	[spmem:s1] =	stream.indirect.scatter.add.f32 [tilespmem:s14], [sflag:$0x3], $0x80, s17, s11, $0xb8;
	[tilespmem:$0x1E360] =	vst v63  }
0xee: {  	_ =	swait.ge [sflag:s15], $0x5000  }
0xef: {  	[sflag:s15] =	ssyncset.done $0x0  }
0xf0: {  	[sflag:s15] =	ssyncadd.s32 $0xFFFFB000  }
0xf1: {  	[spmem:s3] =	stream.indirect.scatter.add.f32 [tilespmem:s26], [sflag:$0x3], $0x1, s17, s11, $0xb8;
	[tilespmem:$0x1E360] =	vst v63  }
0xf2: {  	p1 =	seq.s32 s30, $0x4D8;
	_ =	swait.ge [sflag:s15], $0xA0  }
0xf3: {  	s0 =	sadd.s32 @!p1 s30, s20;
	s7 =	simm.s32 @!p1 $0x3;
	[sflag:s15] =	ssyncset.done $0x0  }
0xf4: {  	s8 =	simm.s32 @!p1 $0x0;
	s0 =	sadd.s32 @!p1 $0x28, s0;
	[sflag:s15] =	ssyncadd.s32 $0xFFFFFF60  }
0xf5: {  	[tilespmem:s8], [sflag:$0x3] =	stream.linear.gather @!p1 [hbm4b:s0+s8], $0xA0, $0x38;
	[tilespmem:$0x1E360] =	vst v63  }
0xf6: {  	_ =	swait.ge @!p1 [sflag:s7], $0xA0  }
0xf7: {  	s0 =	sadd.s32 @!p1 s30, s19;
	[sflag:s7] =	ssyncset.done @!p1 $0x0  }
0xf8: {  	s9 =	simm.s32 @!p1 $0x140;
	s0 =	sadd.s32 @!p1 $0x28, s0;
	[sflag:s7] =	ssyncadd.s32 @!p1 $0xFFFFFF60  }
0xf9: {  	[tilespmem:s9], [sflag:$0x3] =	stream.linear.gather @!p1 [hbm4b:s0+s8], $0xA0, $0x38;
	[tilespmem:$0x1E360] =	vst v63  }
0xfa: {  	_ =	swait.ge @!p1 [sflag:s7], $0xA0  }
0xfb: {  	[sflag:s7] =	ssyncset.done @!p1 $0x0  }
0xfc: {  	[sflag:s7] =	ssyncadd.s32 @!p1 $0xFFFFFF60  }
0xfd: {  	v3 =	vld @!p1 [tilespmem:$0x0]  }
0xfe: {  	v4 =	vld @!p1 [tilespmem:$0x10]  }
0xff: {  	v5 =	vld @!p1 [tilespmem:$0x30]  }
0x100: {  	v6 =	vld @!p1 [tilespmem:$0x40]  }
0x101: {  	v7 =	vld @!p1 [tilespmem:$0x50]  }
0x102: {  	v8 =	vld @!p1 [tilespmem:$0x60];
	v3 =	vadd.s32 @!p1 v0, v3  }
0x103: {  	[tilespmem:$0xA0] =	vst @!p1 v3;
	v3 =	vadd.s32 @!p1 v0, v4;
	v4 =	vld @!p1 [tilespmem:$0x70]  }
0x104: {  	v9 =	vld @!p1 [tilespmem:$0x20];
	[tilespmem:$0xB0] =	vst @!p1 v3;
	v3 =	vadd.s32 @!p1 v0, v5  }
0x105: {  	v5 =	vld @!p1 [tilespmem:$0x80];
	[tilespmem:$0xD0] =	vst @!p1 v3;
	v3 =	vadd.s32 @!p1 v0, v6  }
0x106: {  	v6 =	vld @!p1 [tilespmem:$0x90];
	[tilespmem:$0xE0] =	vst @!p1 v3;
	v3 =	vadd.s32 @!p1 v0, v7  }
0x107: {  	[tilespmem:$0xF0] =	vst @!p1 v3;
	v3 =	vadd.s32 @!p1 v0, v8  }
0x108: {  	[tilespmem:$0x100] =	vst @!p1 v3;
	v3 =	vadd.s32 @!p1 v0, v4  }
0x109: {  	v4 =	vadd.s32 @!p1 v0, v9;
	[tilespmem:$0x110] =	vst @!p1 v3  }
0x10a: {  	v3 =	vadd.s32 @!p1 v0, v5;
	[tilespmem:$0xC0] =	vst @!p1 v4  }
0x10b: {  	[tilespmem:$0x120] =	vst @!p1 v3;
	v3 =	vadd.s32 @!p1 v0, v6  }
0x10c: {  	s0 =	simm.s32 @!p1 $0xA0;
	s7 =	simm.s32 @!p1 $0x1E0;
	[tilespmem:$0x130] =	vst @!p1 v3  }
0x10d: {  	[tilespmem:s7], [sflag:$0x1] =	stream.indirect.gather @!p1 [hbm4b:s5+s0], $0x80, s0, s0, $0xb8;
	[tilespmem:$0x1E360] =	vst v63  }
0x10e: {  	_ =	swait.ge [sflag:s28], $0x5000  }
0x10f: {  	[sflag:s28] =	ssyncset.done $0x0  }
0x110: {  	[sflag:s28] =	ssyncadd.s32 $0xFFFFB000  }
0x111: {  	[spmem:s1] =	stream.indirect.scatter.add.f32 [tilespmem:s24], [sflag:$0x3], $0x80, s22, s11, $0xb8;
	[tilespmem:$0x1E360] =	vst v63  }
0x112: {  	_ =	swait.ge [sflag:s15], $0x5000  }
0x113: {  	[sflag:s15] =	ssyncset.done $0x0  }
0x114: {  	[sflag:s15] =	ssyncadd.s32 $0xFFFFB000  }
0x115: {  	[spmem:s3] =	stream.indirect.scatter.add.f32 [tilespmem:s26], [sflag:$0x3], $0x1, s22, s11, $0xb8;
	[tilespmem:$0x1E360] =	vst v63  }
0x116: {  	_ =	swait.ge [sflag:s15], $0xA0  }
0x117: {  	[sflag:s15] =	ssyncset.done $0x0  }
0x118: {  	[sflag:s15] =	ssyncadd.s32 $0xFFFFFF60  }
0x119: {  	[bflag:$0x0] =	sbarrier.arrive $0xFFFF  }
0x11a: {  	s30 =	rddreg [dreg:$0x6]  }
0x11b: {  	[tilespmem:s16], [sflag:$0x3] =	stream.linear.gather [spmem:s30], $0x180, $0x38;
	[tilespmem:$0x1E360] =	vst v63  }
0x11c: {  	_ =	swait.ge [sflag:s15], $0x180  }
0x11d: {  	[sflag:s15] =	ssyncset.done $0x0  }
.Ltmp2:
0x11e: {  	s31 =	rddreg [dreg:$0x8];
	[sflag:s15] =	ssyncadd.s32 $0xFFFFFE80;
	(pc) =	sbr.rel @p0 .LBB2_13-.Ltmp2, $4  }
0x11f: {  	[hbm4b:s31+s4] =	stream.linear.scatter [tilespmem:s16], [sflag:$0x3], $0x180, $0x38;
	[tilespmem:$0x1E360] =	vst v63  }
0x120: {  	_ =	swait.ge [sflag:s15], $0x180  }
0x121: {  	[sflag:s15] =	ssyncset.done $0x0  }
0x122: {  	[sflag:s15] =	ssyncadd.s32 $0xFFFFFE80  }
0x123: {  	s0 =	simm.s32 $0x0  }
0x124: {  	s9 =	rddreg [dreg:$0x9];
	v3 =	vmov s0  }
0x125: {  	[tilespmem:s14], [sflag:$0x3] =	stream.linear.gather [spmem:s9], $0x5000, $0x38;
	[tilespmem:$0x1E360] =	vst v63  }
0x126: {  	_ =	swait.ge [sflag:s15], $0x5000  }
0x127: {  	[sflag:s15] =	ssyncset.done $0x0  }
0x128: {  	[sflag:s15] =	ssyncadd.s32 $0xFFFFB000  }
0x129: {  	v3 =	vld.idx.msk [tilespmem:v3+s16+$0x0], $0xffff;
	_ =	sdelay $0x4  }
0x12a: {  	v3 =	vmax.f32 v3, $1.000000000e+00  }
0x12b: {  	(erf) = vrcp.f32 v3;
	_ =	sdelay $0x1  }
0x12c: {  	s30 =	simm.s32 $0x220  }
0x12d: {  	v5 =	vld [tilespmem:s30+$0x30]  }
0x12e: {  	v4 =	vld [tilespmem:s30+$0xFFFFFFC0]  }
0x12f: {  	v6 =	vld [tilespmem:s30+$0xFFFFFFD0]  }
0x130: {  	v7 =	vld [tilespmem:s30+$0xFFFFFFE0]  }
0x131: {  	v8 =	vld [tilespmem:s30+$0x10]  }
0x132: {  	v3 =	vld [tilespmem:s30+$0xFFFFFFF0]  }
0x133: {  	v9 =	vld [tilespmem:s30+$0x0];
	v10 =	vpop (erf)  }
0x134: {  	v11 =	vld [tilespmem:s30+$0x20];
	v4 =	vmul.f32 v10, v4  }
0x135: {  	v6 =	vmul.f32 v6, v10  }
0x136: {  	v7 =	vmul.f32 v7, v10;
	[tilespmem:s30+$0xFFFFFFC0] =	vst v4  }
0x137: {  	v12 =	vmul.f32 v3, v10;
	[tilespmem:s30+$0xFFFFFFD0] =	vst v6  }
0x138: {  	s31 =	simm.s32 $0x1;
	v3 =	vmul.f32 v8, v10;
	v4 =	vmul.f32 v9, v10;
	[tilespmem:s30+$0xFFFFFFE0] =	vst v7  }
0x139: {  	s0 =	simm.s32 $0x2;
	v5 =	vmul.f32 v5, v10;
	v6 =	vmul.f32 v11, v10;
	v7 =	vmov s31;
	[tilespmem:s30+$0xFFFFFFF0] =	vst v12  }
.LBB2_7:
0x13a: {  	p1 =	sne.s32 s0, $0x9F;
	[tilespmem:s30+$0x0] =	vst v4  }
0x13b: {  	[tilespmem:s30+$0x10] =	vst v3  }
0x13c: {  	[tilespmem:s30+$0x20] =	vst v6  }
0x13d: {  	[tilespmem:s30+$0x30] =	vst v5  }
0x13e: {  	v3 =	vld.idx.msk [tilespmem:v7+s16+$0x0], $0xffff;
	_ =	sdelay $0x5  }
0x13f: {  	v3 =	vmax.f32 v3, $1.000000000e+00  }
0x140: {  	s30 =	sadd.s32 $0x80, s30;
	(erf) = vrcp.f32 v3  }
0x141: {  	v3 =	vld [tilespmem:s30+$0xFFFFFFF0]  }
0x142: {  	v5 =	vld [tilespmem:s30+$0x30]  }
0x143: {  	v6 =	vld [tilespmem:s30+$0x10]  }
0x144: {  	v4 =	vld [tilespmem:s30+$0xFFFFFFD0]  }
0x145: {  	v7 =	vld [tilespmem:s30+$0xFFFFFFC0]  }
0x146: {  	v8 =	vld [tilespmem:s30+$0xFFFFFFE0]  }
0x147: {  	v9 =	vld [tilespmem:s30+$0x0]  }
0x148: {  	v10 =	vld [tilespmem:s30+$0x20]  }
0x149: {  	v11 =	vpop (erf)  }
0x14a: {  	v7 =	vmul.f32 v11, v7;
	v12 =	vmul.f32 v4, v11  }
.Ltmp3:
0x14b: {  	v13 =	vmul.f32 v3, v11;
	v8 =	vmul.f32 v8, v11;
	(pc) =	sbr.rel @p1 .LBB2_7-.Ltmp3, $4  }
0x14c: {  	v3 =	vmul.f32 v6, v11;
	[tilespmem:s30+$0xFFFFFFC0] =	vst v7;
	v4 =	vmul.f32 v9, v11  }
0x14d: {  	v5 =	vmul.f32 v5, v11;
	[tilespmem:s30+$0xFFFFFFD0] =	vst v12;
	v6 =	vmul.f32 v10, v11  }
0x14e: {  	[tilespmem:s30+$0xFFFFFFE0] =	vst v8  }
0x14f: {  	v7 =	vmov s0;
	s0 =	sadd.s32 $0x1, s0;
	[tilespmem:s30+$0xFFFFFFF0] =	vst v13  }
0x150: {  	[tilespmem:s30+$0x0] =	vst v4  }
0x151: {  	[tilespmem:s30+$0x10] =	vst v3  }
0x152: {  	[tilespmem:s30+$0x20] =	vst v6  }
0x153: {  	[tilespmem:s30+$0x30] =	vst v5  }
0x154: {  	v3 =	vld.idx.msk [tilespmem:v7+s16+$0x0], $0xffff;
	_ =	sdelay $0x4  }
0x155: {  	v3 =	vmax.f32 v3, $1.000000000e+00  }
0x156: {  	(erf) = vrcp.f32 v3;
	_ =	sdelay $0x3  }
0x157: {  	s0 =	sadd.s32 $0x80, s30  }
0x158: {  	v3 =	vld [tilespmem:s0+$0xFFFFFFC0]  }
0x159: {  	v4 =	vld [tilespmem:s0+$0xFFFFFFD0]  }
0x15a: {  	v5 =	vld [tilespmem:s0+$0xFFFFFFE0]  }
0x15b: {  	v6 =	vld [tilespmem:s0+$0xFFFFFFF0]  }
0x15c: {  	v7 =	vld [tilespmem:s0+$0x0];
	v8 =	vpop (erf)  }
0x15d: {  	v9 =	vld [tilespmem:s0+$0x10];
	v3 =	vmul.f32 v8, v3  }
0x15e: {  	v10 =	vld [tilespmem:s0+$0x20];
	v4 =	vmul.f32 v4, v8  }
0x15f: {  	v11 =	vld [tilespmem:s0+$0x30];
	v5 =	vmul.f32 v5, v8;
	[tilespmem:s0+$0xFFFFFFC0] =	vst v3  }
0x160: {  	v3 =	vmul.f32 v6, v8;
	[tilespmem:s0+$0xFFFFFFD0] =	vst v4  }
0x161: {  	v4 =	vmul.f32 v7, v8;
	[tilespmem:s0+$0xFFFFFFE0] =	vst v5  }
0x162: {  	v5 =	vmul.f32 v9, v8;
	[tilespmem:s0+$0xFFFFFFF0] =	vst v3  }
0x163: {  	v3 =	vmul.f32 v10, v8;
	[tilespmem:s0+$0x0] =	vst v4  }
0x164: {  	v4 =	vmul.f32 v11, v8;
	[tilespmem:s0+$0x10] =	vst v5  }
0x165: {  	[tilespmem:s0+$0x20] =	vst v3  }
0x166: {  	s7 =	rddreg [dreg:$0xa];
	[tilespmem:s0+$0x30] =	vst v4  }
0x167: {  	[hbm4b:s7+s4] =	stream.linear.scatter [tilespmem:s14], [sflag:$0x3], $0x5000, $0x38;
	[tilespmem:$0x1E360] =	vst v63  }
0x168: {  	_ =	swait.ge [sflag:s15], $0x5000  }
0x169: {  	s8 =	simm.s32 $0xA0;
	[sflag:s15] =	ssyncset.done $0x0  }
0x16a: {  	v3 =	vmov s8;
	s9 =	rddreg [dreg:$0xb];
	[sflag:s15] =	ssyncadd.s32 $0xFFFFB000  }
0x16b: {  	[tilespmem:s14], [sflag:$0x3] =	stream.linear.gather [spmem:s9], $0x5000, $0x38;
	[tilespmem:$0x1E360] =	vst v63  }
0x16c: {  	_ =	swait.ge [sflag:s15], $0x5000  }
0x16d: {  	[sflag:s15] =	ssyncset.done $0x0  }
0x16e: {  	[sflag:s15] =	ssyncadd.s32 $0xFFFFB000  }
0x16f: {  	v3 =	vld.idx.msk [tilespmem:v3+s16+$0x0], $0xffff;
	_ =	sdelay $0x4  }
0x170: {  	v3 =	vmax.f32 v3, $1.000000000e+00  }
0x171: {  	(erf) = vrcp.f32 v3;
	_ =	sdelay $0x1  }
0x172: {  	s30 =	simm.s32 $0x220  }
0x173: {  	v5 =	vld [tilespmem:s30+$0x30]  }
0x174: {  	v4 =	vld [tilespmem:s30+$0xFFFFFFC0]  }
0x175: {  	v6 =	vld [tilespmem:s30+$0xFFFFFFD0]  }
0x176: {  	v7 =	vld [tilespmem:s30+$0xFFFFFFE0]  }
0x177: {  	v8 =	vld [tilespmem:s30+$0x10]  }
0x178: {  	v3 =	vld [tilespmem:s30+$0xFFFFFFF0]  }
0x179: {  	v61 =	vld [tilespmem:s30+$0x0];
	v62 =	vpop (erf)  }
0x17a: {  	v63 =	vld [tilespmem:s30+$0x20];
	v4 =	vmul.f32 v62, v4  }
0x17b: {  	v6 =	vmul.f32 v6, v62  }
0x17c: {  	v7 =	vmul.f32 v7, v62;
	[tilespmem:s30+$0xFFFFFFC0] =	vst v4  }
0x17d: {  	v12 =	vmul.f32 v3, v62;
	[tilespmem:s30+$0xFFFFFFD0] =	vst v6  }
0x17e: {  	s31 =	simm.s32 $0xA1;
	v3 =	vmul.f32 v8, v62;
	v4 =	vmul.f32 v61, v62;
	[tilespmem:s30+$0xFFFFFFE0] =	vst v7  }
0x17f: {  	s0 =	simm.s32 $0xA2;
	v5 =	vmul.f32 v5, v62;
	v6 =	vmul.f32 v63, v62;
	v7 =	vmov s31;
	[tilespmem:s30+$0xFFFFFFF0] =	vst v12  }
.LBB2_9:
0x180: {  	p1 =	sne.s32 s0, $0x13F;
	[tilespmem:s30+$0x0] =	vst v4  }
0x181: {  	[tilespmem:s30+$0x10] =	vst v3  }
0x182: {  	[tilespmem:s30+$0x20] =	vst v6  }
0x183: {  	[tilespmem:s30+$0x30] =	vst v5  }
0x184: {  	v3 =	vld.idx.msk [tilespmem:v7+s16+$0x0], $0xffff;
	_ =	sdelay $0x5  }
0x185: {  	v3 =	vmax.f32 v3, $1.000000000e+00  }
0x186: {  	s30 =	sadd.s32 $0x80, s30;
	(erf) = vrcp.f32 v3  }
0x187: {  	v3 =	vld [tilespmem:s30+$0xFFFFFFF0]  }
0x188: {  	v5 =	vld [tilespmem:s30+$0x30]  }
0x189: {  	v6 =	vld [tilespmem:s30+$0x10]  }
0x18a: {  	v4 =	vld [tilespmem:s30+$0xFFFFFFD0]  }
0x18b: {  	v7 =	vld [tilespmem:s30+$0xFFFFFFC0]  }
0x18c: {  	v8 =	vld [tilespmem:s30+$0xFFFFFFE0]  }
0x18d: {  	v9 =	vld [tilespmem:s30+$0x0]  }
0x18e: {  	v10 =	vld [tilespmem:s30+$0x20]  }
0x18f: {  	v11 =	vpop (erf)  }
0x190: {  	v7 =	vmul.f32 v11, v7;
	v12 =	vmul.f32 v4, v11  }
.Ltmp4:
0x191: {  	v13 =	vmul.f32 v3, v11;
	v8 =	vmul.f32 v8, v11;
	(pc) =	sbr.rel @p1 .LBB2_9-.Ltmp4, $4  }
0x192: {  	v3 =	vmul.f32 v6, v11;
	[tilespmem:s30+$0xFFFFFFC0] =	vst v7;
	v4 =	vmul.f32 v9, v11  }
0x193: {  	v5 =	vmul.f32 v5, v11;
	[tilespmem:s30+$0xFFFFFFD0] =	vst v12;
	v6 =	vmul.f32 v10, v11  }
0x194: {  	[tilespmem:s30+$0xFFFFFFE0] =	vst v8  }
0x195: {  	v7 =	vmov s0;
	s0 =	sadd.s32 $0x1, s0;
	[tilespmem:s30+$0xFFFFFFF0] =	vst v13  }
0x196: {  	[tilespmem:s30+$0x0] =	vst v4  }
0x197: {  	[tilespmem:s30+$0x10] =	vst v3  }
0x198: {  	[tilespmem:s30+$0x20] =	vst v6  }
0x199: {  	[tilespmem:s30+$0x30] =	vst v5  }
0x19a: {  	v3 =	vld.idx.msk [tilespmem:v7+s16+$0x0], $0xffff;
	_ =	sdelay $0x4  }
0x19b: {  	v3 =	vmax.f32 v3, $1.000000000e+00  }
0x19c: {  	(erf) = vrcp.f32 v3;
	_ =	sdelay $0x3  }
0x19d: {  	s0 =	sadd.s32 $0x80, s30  }
0x19e: {  	v3 =	vld [tilespmem:s0+$0xFFFFFFC0]  }
0x19f: {  	v4 =	vld [tilespmem:s0+$0xFFFFFFD0]  }
0x1a0: {  	v5 =	vld [tilespmem:s0+$0xFFFFFFE0]  }
0x1a1: {  	v6 =	vld [tilespmem:s0+$0xFFFFFFF0]  }
0x1a2: {  	v7 =	vld [tilespmem:s0+$0x0];
	v8 =	vpop (erf)  }
0x1a3: {  	v9 =	vld [tilespmem:s0+$0x10];
	v3 =	vmul.f32 v8, v3  }
0x1a4: {  	v10 =	vld [tilespmem:s0+$0x20];
	v4 =	vmul.f32 v4, v8  }
0x1a5: {  	v11 =	vld [tilespmem:s0+$0x30];
	v5 =	vmul.f32 v5, v8;
	[tilespmem:s0+$0xFFFFFFC0] =	vst v3  }
0x1a6: {  	v3 =	vmul.f32 v6, v8;
	[tilespmem:s0+$0xFFFFFFD0] =	vst v4  }
0x1a7: {  	v4 =	vmul.f32 v7, v8;
	[tilespmem:s0+$0xFFFFFFE0] =	vst v5  }
0x1a8: {  	v5 =	vmul.f32 v9, v8;
	[tilespmem:s0+$0xFFFFFFF0] =	vst v3  }
0x1a9: {  	v3 =	vmul.f32 v10, v8;
	[tilespmem:s0+$0x0] =	vst v4  }
0x1aa: {  	v4 =	vmul.f32 v11, v8;
	[tilespmem:s0+$0x10] =	vst v5  }
0x1ab: {  	[tilespmem:s0+$0x20] =	vst v3  }
0x1ac: {  	s7 =	rddreg [dreg:$0xc];
	[tilespmem:s0+$0x30] =	vst v4  }
0x1ad: {  	[hbm4b:s7+s4] =	stream.linear.scatter [tilespmem:s14], [sflag:$0x3], $0x5000, $0x38;
	[tilespmem:$0x1E360] =	vst v63  }
0x1ae: {  	_ =	swait.ge [sflag:s15], $0x5000  }
0x1af: {  	s8 =	simm.s32 $0x140;
	[sflag:s15] =	ssyncset.done $0x0  }
0x1b0: {  	v3 =	vmov s8;
	s9 =	rddreg [dreg:$0xd];
	[sflag:s15] =	ssyncadd.s32 $0xFFFFB000  }
0x1b1: {  	[tilespmem:s14], [sflag:$0x3] =	stream.linear.gather [spmem:s9], $0x2000, $0x38;
	[tilespmem:$0x1E360] =	vst v63  }
0x1b2: {  	_ =	swait.ge [sflag:s15], $0x2000  }
0x1b3: {  	[sflag:s15] =	ssyncset.done $0x0  }
0x1b4: {  	[sflag:s15] =	ssyncadd.s32 $0xFFFFE000  }
0x1b5: {  	v3 =	vld.idx.msk [tilespmem:v3+s16+$0x0], $0xffff;
	_ =	sdelay $0x4  }
0x1b6: {  	v3 =	vmax.f32 v3, $1.000000000e+00  }
0x1b7: {  	(erf) = vrcp.f32 v3;
	_ =	sdelay $0x1  }
0x1b8: {  	s30 =	simm.s32 $0x220  }
0x1b9: {  	v5 =	vld [tilespmem:s30+$0x30]  }
0x1ba: {  	v4 =	vld [tilespmem:s30+$0xFFFFFFC0]  }
0x1bb: {  	v6 =	vld [tilespmem:s30+$0xFFFFFFD0]  }
0x1bc: {  	v7 =	vld [tilespmem:s30+$0xFFFFFFE0]  }
0x1bd: {  	v8 =	vld [tilespmem:s30+$0x10]  }
0x1be: {  	v3 =	vld [tilespmem:s30+$0xFFFFFFF0]  }
0x1bf: {  	v61 =	vld [tilespmem:s30+$0x0];
	v62 =	vpop (erf)  }
0x1c0: {  	v63 =	vld [tilespmem:s30+$0x20];
	v4 =	vmul.f32 v62, v4  }
0x1c1: {  	v6 =	vmul.f32 v6, v62  }
0x1c2: {  	v7 =	vmul.f32 v7, v62;
	[tilespmem:s30+$0xFFFFFFC0] =	vst v4  }
0x1c3: {  	v12 =	vmul.f32 v3, v62;
	[tilespmem:s30+$0xFFFFFFD0] =	vst v6  }
0x1c4: {  	s31 =	simm.s32 $0x141;
	v3 =	vmul.f32 v8, v62;
	v4 =	vmul.f32 v61, v62;
	[tilespmem:s30+$0xFFFFFFE0] =	vst v7  }
0x1c5: {  	s0 =	simm.s32 $0x142;
	v5 =	vmul.f32 v5, v62;
	v6 =	vmul.f32 v63, v62;
	v7 =	vmov s31;
	[tilespmem:s30+$0xFFFFFFF0] =	vst v12  }
.LBB2_11:
0x1c6: {  	p1 =	sne.s32 s0, $0x17F;
	[tilespmem:s30+$0x0] =	vst v4  }
0x1c7: {  	[tilespmem:s30+$0x10] =	vst v3  }
0x1c8: {  	[tilespmem:s30+$0x20] =	vst v6  }
0x1c9: {  	[tilespmem:s30+$0x30] =	vst v5  }
0x1ca: {  	v3 =	vld.idx.msk [tilespmem:v7+s16+$0x0], $0xffff;
	_ =	sdelay $0x5  }
0x1cb: {  	v3 =	vmax.f32 v3, $1.000000000e+00  }
0x1cc: {  	s30 =	sadd.s32 $0x80, s30;
	(erf) = vrcp.f32 v3  }
0x1cd: {  	v3 =	vld [tilespmem:s30+$0xFFFFFFF0]  }
0x1ce: {  	v5 =	vld [tilespmem:s30+$0x30]  }
0x1cf: {  	v6 =	vld [tilespmem:s30+$0x10]  }
0x1d0: {  	v4 =	vld [tilespmem:s30+$0xFFFFFFD0]  }
0x1d1: {  	v7 =	vld [tilespmem:s30+$0xFFFFFFC0]  }
0x1d2: {  	v8 =	vld [tilespmem:s30+$0xFFFFFFE0]  }
0x1d3: {  	v9 =	vld [tilespmem:s30+$0x0]  }
0x1d4: {  	v10 =	vld [tilespmem:s30+$0x20]  }
0x1d5: {  	v11 =	vpop (erf)  }
0x1d6: {  	v7 =	vmul.f32 v11, v7;
	v12 =	vmul.f32 v4, v11  }
.Ltmp5:
0x1d7: {  	v13 =	vmul.f32 v3, v11;
	v8 =	vmul.f32 v8, v11;
	(pc) =	sbr.rel @p1 .LBB2_11-.Ltmp5, $4  }
0x1d8: {  	v3 =	vmul.f32 v6, v11;
	[tilespmem:s30+$0xFFFFFFC0] =	vst v7;
	v4 =	vmul.f32 v9, v11  }
0x1d9: {  	v5 =	vmul.f32 v5, v11;
	[tilespmem:s30+$0xFFFFFFD0] =	vst v12;
	v6 =	vmul.f32 v10, v11  }
0x1da: {  	[tilespmem:s30+$0xFFFFFFE0] =	vst v8  }
0x1db: {  	v7 =	vmov s0;
	s0 =	sadd.s32 $0x1, s0;
	[tilespmem:s30+$0xFFFFFFF0] =	vst v13  }
0x1dc: {  	[tilespmem:s30+$0x0] =	vst v4  }
0x1dd: {  	[tilespmem:s30+$0x10] =	vst v3  }
0x1de: {  	[tilespmem:s30+$0x20] =	vst v6  }
0x1df: {  	[tilespmem:s30+$0x30] =	vst v5  }
0x1e0: {  	v3 =	vld.idx.msk [tilespmem:v7+s16+$0x0], $0xffff;
	_ =	sdelay $0x4  }
0x1e1: {  	v3 =	vmax.f32 v3, $1.000000000e+00  }
0x1e2: {  	(erf) = vrcp.f32 v3;
	_ =	sdelay $0x3  }
0x1e3: {  	s0 =	sadd.s32 $0x80, s30  }
0x1e4: {  	v3 =	vld [tilespmem:s0+$0xFFFFFFC0]  }
0x1e5: {  	v4 =	vld [tilespmem:s0+$0xFFFFFFD0]  }
0x1e6: {  	v59 =	vld [tilespmem:s0+$0xFFFFFFE0]  }
0x1e7: {  	v60 =	vld [tilespmem:s0+$0x0]  }
0x1e8: {  	v9 =	vld [tilespmem:s0+$0x10];
	v8 =	vpop (erf)  }
0x1e9: {  	v6 =	vld [tilespmem:s0+$0xFFFFFFF0];
	v3 =	vmul.f32 v8, v3  }
0x1ea: {  	v11 =	vld [tilespmem:s0+$0x30];
	v4 =	vmul.f32 v4, v8  }
0x1eb: {  	v10 =	vld [tilespmem:s0+$0x20];
	v5 =	vmul.f32 v59, v8;
	[tilespmem:s0+$0xFFFFFFC0] =	vst v3  }
0x1ec: {  	v61 =	vmul.f32 v60, v8;
	[tilespmem:s0+$0xFFFFFFD0] =	vst v4  }
0x1ed: {  	v62 =	vmul.f32 v9, v8;
	[tilespmem:s0+$0xFFFFFFE0] =	vst v5  }
0x1ee: {  	v3 =	vmul.f32 v6, v8;
	[tilespmem:s0+$0x0] =	vst v61  }
0x1ef: {  	v63 =	vmul.f32 v11, v8;
	[tilespmem:s0+$0x10] =	vst v62  }
0x1f0: {  	[tilespmem:s0+$0xFFFFFFF0] =	vst v3;
	v3 =	vmul.f32 v10, v8  }
0x1f1: {  	[tilespmem:s0+$0x30] =	vst v63  }
0x1f2: {  	s31 =	rddreg [dreg:$0xe];
	[tilespmem:s0+$0x20] =	vst v3  }
0x1f3: {  	[hbm4b:s31+s4] =	stream.linear.scatter [tilespmem:s14], [sflag:$0x3], $0x2000, $0x38;
	[tilespmem:$0x1E360] =	vst v63  }
0x1f4: {  	_ =	swait.ge [sflag:s15], $0x2000  }
0x1f5: {  	[sflag:s15] =	ssyncset.done $0x0  }
0x1f6: {  	[sflag:s15] =	ssyncadd.s32 $0xFFFFE000  }
.LBB2_13:
0x1f7: {  	[bflag:$0x0] =	sbarrier.arrive $0xFFFF  }
0x1f8: {  	s0 =	simm.s32 $0x0;
	s7 =	rddreg [dreg:$0xf]  }
0x1f9: {  	[tilespmem:s14], [sflag:$0x1] =	stream.linear.gather [hbm4b:s7+s0], $0x5000, $0x38;
	[tilespmem:$0x1E360] =	vst v63  }
0x1fa: {  	s8 =	rddreg [dreg:$0x11]  }
0x1fb: {  	[tilespmem:s24], [sflag:$0x2] =	stream.linear.gather [hbm4b:s8+s0], $0x5000, $0x38;
	[tilespmem:$0x1E360] =	vst v63  }
0x1fc: {  	_ =	swait.ge [sflag:s25], $0x5000  }
0x1fd: {  	[sflag:s25] =	ssyncset.done $0x0  }
0x1fe: {  	[sflag:s25] =	ssyncadd.s32 $0xFFFFB000  }
0x1ff: {  	[spmem:s21] =	stream.linear.scatter [tilespmem:s14], [sflag:$0x3], $0x5000, $0x38;
	[tilespmem:$0x1E360] =	vst v63  }
0x200: {  	_ =	swait.ge [sflag:s15], $0x5000  }
0x201: {  	[sflag:s15] =	ssyncset.done $0x0  }
0x202: {  	s9 =	rddreg [dreg:$0x13];
	[sflag:s15] =	ssyncadd.s32 $0xFFFFB000  }
0x203: {  	[tilespmem:s14], [sflag:$0x1] =	stream.linear.gather [hbm4b:s9+s0], $0x5000, $0x38;
	[tilespmem:$0x1E360] =	vst v63  }
0x204: {  	_ =	swait.ge [sflag:s28], $0x5000  }
0x205: {  	[sflag:s28] =	ssyncset.done $0x0  }
0x206: {  	[sflag:s28] =	ssyncadd.s32 $0xFFFFB000  }
0x207: {  	[spmem:s2] =	stream.linear.scatter [tilespmem:s24], [sflag:$0x3], $0x5000, $0x38;
	[tilespmem:$0x1E360] =	vst v63  }
0x208: {  	_ =	swait.ge [sflag:s15], $0x5000  }
0x209: {  	[sflag:s15] =	ssyncset.done $0x0  }
0x20a: {  	s31 =	rddreg [dreg:$0x15];
	[sflag:s15] =	ssyncadd.s32 $0xFFFFB000  }
0x20b: {  	[tilespmem:s24], [sflag:$0x2] =	stream.linear.gather [hbm4b:s31+s0], $0x4C00, $0x38;
	[tilespmem:$0x1E360] =	vst v63  }
0x20c: {  	_ =	swait.ge [sflag:s25], $0x5000  }
0x20d: {  	[sflag:s25] =	ssyncset.done $0x0  }
0x20e: {  	[sflag:s25] =	ssyncadd.s32 $0xFFFFB000  }
0x20f: {  	[spmem:s12] =	stream.linear.scatter [tilespmem:s14], [sflag:$0x3], $0x5000, $0x38;
	[tilespmem:$0x1E360] =	vst v63  }
0x210: {  	_ =	swait.ge [sflag:s15], $0x5000  }
0x211: {  	[sflag:s15] =	ssyncset.done $0x0  }
0x212: {  	[sflag:s15] =	ssyncadd.s32 $0xFFFFB000  }
0x213: {  	_ =	swait.ge [sflag:s28], $0x4C00  }
0x214: {  	[sflag:s28] =	ssyncset.done $0x0  }
0x215: {  	[sflag:s28] =	ssyncadd.s32 $0xFFFFB400  }
0x216: {  	[spmem:s13] =	stream.linear.scatter [tilespmem:s24], [sflag:$0x3], $0x4C00, $0x38;
	[tilespmem:$0x1E360] =	vst v63  }
0x217: {  	_ =	swait.ge [sflag:s15], $0x4C00  }
0x218: {  	[sflag:s15] =	ssyncset.done $0x0  }
0x219: {  	[sflag:s15] =	ssyncadd.s32 $0xFFFFB400  }
0x21a: {  	[bflag:$0x0] =	sbarrier.arrive $0xFFFF  }
0x21b: {  	s8 =	rddreg [dreg:$0x7]  }
0x21c: {  	[tilespmem:s0], [sflag:$0x3] =	stream.linear.gather [hbm4b:s8+s0], $0xA0, $0x38;
	[tilespmem:$0x1E360] =	vst v63  }
0x21d: {  	_ =	swait.ge [sflag:s15], $0xA0  }
0x21e: {  	[sflag:s15] =	ssyncset.done $0x0  }
0x21f: {  	[sflag:s15] =	ssyncadd.s32 $0xFFFFFF60  }
0x220: {  	[tilespmem:s17], [sflag:$0x3] =	stream.linear.gather [hbm4b:s10+s0], $0xA0, $0x38;
	[tilespmem:$0x1E360] =	vst v63  }
0x221: {  	_ =	swait.ge [sflag:s15], $0xA0  }
0x222: {  	[sflag:s15] =	ssyncset.done $0x0  }
0x223: {  	[sflag:s15] =	ssyncadd.s32 $0xFFFFFF60  }
0x224: {  	v3 =	vld [tilespmem:$0x140]  }
0x225: {  	v4 =	vld [tilespmem:$0x150]  }
0x226: {  	v5 =	vld [tilespmem:$0x160]  }
0x227: {  	v6 =	vld [tilespmem:$0x170]  }
0x228: {  	v7 =	vld [tilespmem:$0x180]  }
0x229: {  	v8 =	vld [tilespmem:$0x190];
	v3 =	vadd.s32 v0, v3  }
0x22a: {  	[tilespmem:$0xA0] =	vst v3;
	v3 =	vadd.s32 v0, v4;
	v4 =	vld [tilespmem:$0x1A0]  }
0x22b: {  	[tilespmem:$0xB0] =	vst v3;
	v3 =	vadd.s32 v0, v5;
	v5 =	vld [tilespmem:$0x1B0]  }
0x22c: {  	[tilespmem:$0xC0] =	vst v3;
	v3 =	vadd.s32 v0, v6;
	v6 =	vld [tilespmem:$0x1C0]  }
0x22d: {  	[tilespmem:$0xD0] =	vst v3;
	v3 =	vadd.s32 v0, v7;
	v7 =	vld [tilespmem:$0x1D0]  }
0x22e: {  	[tilespmem:$0xE0] =	vst v3;
	v3 =	vadd.s32 v0, v8  }
0x22f: {  	[tilespmem:$0xF0] =	vst v3;
	v3 =	vadd.s32 v0, v4  }
0x230: {  	[tilespmem:$0x100] =	vst v3;
	v3 =	vadd.s32 v0, v5  }
0x231: {  	[tilespmem:$0x110] =	vst v3;
	v3 =	vadd.s32 v0, v6  }
0x232: {  	[tilespmem:$0x120] =	vst v3;
	v3 =	vadd.s32 v0, v7  }
0x233: {  	s9 =	sadd.s32 $0x0, s20;
	[tilespmem:$0x130] =	vst v3  }
0x234: {  	[tilespmem:s14], [sflag:$0x1] =	stream.indirect.gather [hbm4b:s6+s11], $0x80, s11, s11, $0xb8;
	[tilespmem:$0x1E360] =	vst v63  }
0x235: {  	s0 =	sadd.s32 $0x14, s9  }
0x236: {  	[tilespmem:s18], [sflag:$0x3] =	stream.linear.gather [hbm4b:s0+s4], $0xA0, $0x38;
	[tilespmem:$0x1E360] =	vst v63  }
0x237: {  	_ =	swait.ge [sflag:s15], $0xA0  }
0x238: {  	s31 =	sadd.s32 $0x0, s19;
	[sflag:s15] =	ssyncset.done $0x0  }
0x239: {  	s0 =	sadd.s32 $0x14, s31;
	[sflag:s15] =	ssyncadd.s32 $0xFFFFFF60  }
0x23a: {  	[tilespmem:s22], [sflag:$0x3] =	stream.linear.gather [hbm4b:s0+s4], $0xA0, $0x38;
	[tilespmem:$0x1E360] =	vst v63  }
0x23b: {  	_ =	swait.ge [sflag:s15], $0xA0  }
0x23c: {  	[sflag:s15] =	ssyncset.done $0x0  }
0x23d: {  	[sflag:s15] =	ssyncadd.s32 $0xFFFFFF60  }
0x23e: {  	v3 =	vld [tilespmem:$0x53B0]  }
0x23f: {  	v4 =	vld [tilespmem:$0x5350]  }
0x240: {  	v7 =	vld [tilespmem:$0x5330]  }
0x241: {  	v5 =	vld [tilespmem:$0x5380]  }
0x242: {  	v6 =	vld [tilespmem:$0x5340]  }
0x243: {  	v63 =	vld [tilespmem:$0x5320];
	v3 =	vadd.s32 v0, v3  }
0x244: {  	v9 =	vld [tilespmem:$0x53A0];
	v4 =	vadd.s32 v0, v4;
	[tilespmem:$0x5310] =	vst v3  }
0x245: {  	v7 =	vadd.s32 v0, v7;
	v3 =	vld [tilespmem:$0x5370];
	[tilespmem:$0x52B0] =	vst v4  }
0x246: {  	v4 =	vadd.s32 v0, v5;
	v5 =	vld [tilespmem:$0x5390];
	[tilespmem:$0x5290] =	vst v7  }
0x247: {  	[tilespmem:$0x52E0] =	vst v4;
	v4 =	vadd.s32 v0, v6;
	v6 =	vld [tilespmem:$0x5360]  }
0x248: {  	[tilespmem:$0x52A0] =	vst v4;
	v4 =	vadd.s32 v0, v63  }
0x249: {  	[tilespmem:$0x5280] =	vst v4;
	v4 =	vadd.s32 v0, v9  }
0x24a: {  	[tilespmem:$0x5300] =	vst v4;
	v3 =	vadd.s32 v0, v3  }
0x24b: {  	[tilespmem:$0x52D0] =	vst v3;
	v3 =	vadd.s32 v0, v5  }
0x24c: {  	[tilespmem:$0x52F0] =	vst v3;
	v3 =	vadd.s32 v0, v6  }
0x24d: {  	[tilespmem:$0x52C0] =	vst v3  }
0x24e: {  	[tilespmem:s24], [sflag:$0x2] =	stream.indirect.gather [hbm4b:s6+s11], $0x80, s23, s11, $0xb8;
	[tilespmem:$0x1E360] =	vst v63  }
0x24f: {  	_ =	swait.ge [sflag:s25], $0x5000  }
0x250: {  	[sflag:s25] =	ssyncset.done $0x0  }
0x251: {  	[sflag:s25] =	ssyncadd.s32 $0xFFFFB000  }
0x252: {  	[spmem:s1] =	stream.indirect.scatter.add.f32 [tilespmem:s14], [sflag:$0x3], $0x80, s4, s11, $0xb8;
	[tilespmem:$0x1E360] =	vst v63  }
0x253: {  	p2 =	por $0x0, $0x0;
	_ =	swait.ge [sflag:s15], $0x5000  }
0x254: {  	s7 =	simm.s32 @!p2 $0x3;
	s0 =	sadd.s32 @!p2 $0x0, s20;
	[sflag:s15] =	ssyncset.done $0x0  }
0x255: {  	s8 =	simm.s32 @!p2 $0x0;
	s0 =	sadd.s32 @!p2 $0x28, s0;
	[sflag:s15] =	ssyncadd.s32 $0xFFFFB000  }
0x256: {  	[tilespmem:s8], [sflag:$0x3] =	stream.linear.gather @!p2 [hbm4b:s0+s8], $0xA0, $0x38;
	[tilespmem:$0x1E360] =	vst v63  }
0x257: {  	_ =	swait.ge @!p2 [sflag:s7], $0xA0  }
0x258: {  	s0 =	sadd.s32 @!p2 $0x0, s19;
	[sflag:s7] =	ssyncset.done @!p2 $0x0  }
0x259: {  	s9 =	simm.s32 @!p2 $0x140;
	s0 =	sadd.s32 @!p2 $0x28, s0;
	[sflag:s7] =	ssyncadd.s32 @!p2 $0xFFFFFF60  }
0x25a: {  	[tilespmem:s9], [sflag:$0x3] =	stream.linear.gather @!p2 [hbm4b:s0+s8], $0xA0, $0x38;
	[tilespmem:$0x1E360] =	vst v63  }
0x25b: {  	_ =	swait.ge @!p2 [sflag:s7], $0xA0  }
0x25c: {  	[sflag:s7] =	ssyncset.done @!p2 $0x0  }
0x25d: {  	[sflag:s7] =	ssyncadd.s32 @!p2 $0xFFFFFF60  }
0x25e: {  	v5 =	vld @!p2 [tilespmem:$0x1B0]  }
0x25f: {  	v4 =	vld @!p2 [tilespmem:$0x150]  }
0x260: {  	s30 =	simm.s32 $0x28;
	v3 =	vld @!p2 [tilespmem:$0x160]  }
.LBB2_14:
0x261: {  	v6 =	vld @!p2 [tilespmem:$0x180];
	s31 =	smov.u32 s30;
	s30 =	sadd.s32 $0x28, s30  }
0x262: {  	p1 =	sne.s32 s30, $0x500;
	v7 =	vld @!p2 [tilespmem:$0x140]  }
0x263: {  	v8 =	vld @!p2 [tilespmem:$0x190];
	v5 =	vadd.s32 @!p2 v0, v5  }
0x264: {  	v4 =	vadd.s32 @!p2 v0, v4;
	v9 =	vld @!p2 [tilespmem:$0x170];
	[tilespmem:$0x110] =	vst @!p2 v5  }
0x265: {  	[tilespmem:$0xB0] =	vst @!p2 v4;
	v3 =	vadd.s32 @!p2 v0, v3;
	v4 =	vld @!p2 [tilespmem:$0x1A0]  }
0x266: {  	[tilespmem:$0xC0] =	vst @!p2 v3;
	v3 =	vld @!p2 [tilespmem:$0x1C0]  }
0x267: {  	v6 =	vadd.s32 @!p2 v0, v6;
	v5 =	vadd.s32 @!p2 v0, v7;
	v7 =	vld @!p2 [tilespmem:$0x1D0]  }
0x268: {  	[tilespmem:$0xE0] =	vst @!p2 v6;
	v6 =	vadd.s32 @!p2 v0, v8  }
0x269: {  	v8 =	vadd.s32 @!p2 v0, v9;
	[tilespmem:$0xF0] =	vst @!p2 v6  }
0x26a: {  	[tilespmem:$0xD0] =	vst @!p2 v8;
	v4 =	vadd.s32 @!p2 v0, v4  }
0x26b: {  	[tilespmem:$0x100] =	vst @!p2 v4;
	v3 =	vadd.s32 @!p2 v0, v3  }
0x26c: {  	[tilespmem:$0x120] =	vst @!p2 v3;
	v3 =	vadd.s32 @!p2 v0, v7  }
0x26d: {  	[tilespmem:$0x130] =	vst @!p2 v3  }
0x26e: {  	s0 =	simm.s32 @!p2 $0xA0;
	s7 =	simm.s32 @!p2 $0x1E0;
	[tilespmem:$0xA0] =	vst @!p2 v5  }
0x26f: {  	[tilespmem:s7], [sflag:$0x1] =	stream.indirect.gather @!p2 [hbm4b:s6+s0], $0x80, s0, s0, $0xb8;
	[tilespmem:$0x1E360] =	vst v63  }
0x270: {  	_ =	swait.ge [sflag:s28], $0x5000  }
0x271: {  	[sflag:s28] =	ssyncset.done $0x0  }
0x272: {  	[sflag:s28] =	ssyncadd.s32 $0xFFFFB000  }
0x273: {  	[spmem:s1] =	stream.indirect.scatter.add.f32 [tilespmem:s24], [sflag:$0x3], $0x80, s18, s11, $0xb8;
	[tilespmem:$0x1E360] =	vst v63  }
0x274: {  	_ =	swait.ge [sflag:s15], $0x5000  }
0x275: {  	s0 =	sadd.s32 s31, s20;
	[sflag:s15] =	ssyncset.done $0x0  }
0x276: {  	s0 =	sadd.s32 $0x14, s0;
	[sflag:s15] =	ssyncadd.s32 $0xFFFFB000  }
0x277: {  	[tilespmem:s18], [sflag:$0x3] =	stream.linear.gather [hbm4b:s0+s4], $0xA0, $0x38;
	[tilespmem:$0x1E360] =	vst v63  }
0x278: {  	_ =	swait.ge [sflag:s15], $0xA0  }
0x279: {  	s0 =	sadd.s32 s31, s19;
	[sflag:s15] =	ssyncset.done $0x0  }
0x27a: {  	s0 =	sadd.s32 $0x14, s0;
	[sflag:s15] =	ssyncadd.s32 $0xFFFFFF60  }
0x27b: {  	[tilespmem:s22], [sflag:$0x3] =	stream.linear.gather [hbm4b:s0+s4], $0xA0, $0x38;
	[tilespmem:$0x1E360] =	vst v63  }
0x27c: {  	_ =	swait.ge [sflag:s15], $0xA0  }
0x27d: {  	[sflag:s15] =	ssyncset.done $0x0  }
0x27e: {  	[sflag:s15] =	ssyncadd.s32 $0xFFFFFF60  }
0x27f: {  	v3 =	vld [tilespmem:$0x53B0]  }
0x280: {  	v4 =	vld [tilespmem:$0x5350]  }
0x281: {  	v5 =	vld [tilespmem:$0x53A0]  }
0x282: {  	v6 =	vld [tilespmem:$0x5380]  }
0x283: {  	v7 =	vld [tilespmem:$0x5360]  }
0x284: {  	v8 =	vld [tilespmem:$0x5340];
	v3 =	vadd.s32 v0, v3  }
0x285: {  	v9 =	vld [tilespmem:$0x5330];
	v4 =	vadd.s32 v0, v4;
	[tilespmem:$0x5310] =	vst v3  }
0x286: {  	v3 =	vld [tilespmem:$0x5320];
	[tilespmem:$0x52B0] =	vst v4  }
0x287: {  	v4 =	vld [tilespmem:$0x5370];
	v6 =	vadd.s32 v0, v6  }
0x288: {  	[tilespmem:$0x52E0] =	vst v6;
	v6 =	vld [tilespmem:$0x5390]  }
0x289: {  	v7 =	vadd.s32 v0, v7;
	v8 =	vadd.s32 v0, v8  }
0x28a: {  	v5 =	vadd.s32 v0, v5;
	v9 =	vadd.s32 v0, v9;
	[tilespmem:$0x52A0] =	vst v8  }
0x28b: {  	v3 =	vadd.s32 v0, v3;
	[tilespmem:$0x5290] =	vst v9  }
0x28c: {  	[tilespmem:$0x5280] =	vst v3;
	v3 =	vadd.s32 v0, v4  }
0x28d: {  	[tilespmem:$0x52D0] =	vst v3;
	v3 =	vadd.s32 v0, v6  }
0x28e: {  	[tilespmem:$0x52F0] =	vst v3  }
0x28f: {  	[tilespmem:$0x5300] =	vst v5  }
0x290: {  	[tilespmem:$0x52C0] =	vst v7  }
0x291: {  	[tilespmem:s24], [sflag:$0x2] =	stream.indirect.gather [hbm4b:s6+s11], $0x80, s23, s11, $0xb8;
	[tilespmem:$0x1E360] =	vst v63  }
0x292: {  	_ =	swait.ge [sflag:s25], $0x5000  }
0x293: {  	[sflag:s25] =	ssyncset.done $0x0  }
0x294: {  	[sflag:s25] =	ssyncadd.s32 $0xFFFFB000  }
0x295: {  	[spmem:s1] =	stream.indirect.scatter.add.f32 [tilespmem:s14], [sflag:$0x3], $0x80, s4, s11, $0xb8;
	[tilespmem:$0x1E360] =	vst v63  }
0x296: {  	p2 =	seq.s32 s31, $0x4D8;
	_ =	swait.ge [sflag:s15], $0x5000  }
0x297: {  	s7 =	simm.s32 @!p2 $0x3;
	s0 =	sadd.s32 @!p2 s31, s20;
	[sflag:s15] =	ssyncset.done $0x0  }
0x298: {  	s8 =	simm.s32 @!p2 $0x0;
	s0 =	sadd.s32 @!p2 $0x28, s0;
	[sflag:s15] =	ssyncadd.s32 $0xFFFFB000  }
0x299: {  	[tilespmem:s8], [sflag:$0x3] =	stream.linear.gather @!p2 [hbm4b:s0+s8], $0xA0, $0x38;
	[tilespmem:$0x1E360] =	vst v63  }
0x29a: {  	s0 =	sadd.s32 @!p2 s31, s19;
	_ =	swait.ge @!p2 [sflag:s7], $0xA0  }
0x29b: {  	s0 =	sadd.s32 @!p2 $0x28, s0;
	[sflag:s7] =	ssyncset.done @!p2 $0x0  }
0x29c: {  	s9 =	simm.s32 @!p2 $0x140;
	[sflag:s7] =	ssyncadd.s32 @!p2 $0xFFFFFF60  }
0x29d: {  	[tilespmem:s9], [sflag:$0x3] =	stream.linear.gather @!p2 [hbm4b:s0+s8], $0xA0, $0x38;
	[tilespmem:$0x1E360] =	vst v63  }
0x29e: {  	_ =	swait.ge @!p2 [sflag:s7], $0xA0  }
.Ltmp6:
0x29f: {  	[sflag:s7] =	ssyncset.done @!p2 $0x0;
	(pc) =	sbr.rel @p1 .LBB2_14-.Ltmp6, $4  }
0x2a0: {  	[sflag:s7] =	ssyncadd.s32 @!p2 $0xFFFFFF60  }
0x2a1: {  	v5 =	vld @!p2 [tilespmem:$0x1B0]  }
0x2a2: {  	v4 =	vld @!p2 [tilespmem:$0x150]  }
0x2a3: {  	v3 =	vld @!p2 [tilespmem:$0x160]  }
0x2a4: {  	v6 =	vld @!p2 [tilespmem:$0x180]  }
0x2a5: {  	v7 =	vld @!p2 [tilespmem:$0x190]  }
0x2a6: {  	v8 =	vld @!p2 [tilespmem:$0x170];
	v5 =	vadd.s32 @!p2 v0, v5  }
0x2a7: {  	v4 =	vadd.s32 @!p2 v0, v4;
	[tilespmem:$0x110] =	vst @!p2 v5;
	v5 =	vld @!p2 [tilespmem:$0x1A0]  }
0x2a8: {  	[tilespmem:$0xB0] =	vst @!p2 v4;
	v3 =	vadd.s32 @!p2 v0, v3;
	v4 =	vld @!p2 [tilespmem:$0x1C0]  }
0x2a9: {  	v9 =	vld @!p2 [tilespmem:$0x140];
	[tilespmem:$0xC0] =	vst @!p2 v3;
	v3 =	vadd.s32 @!p2 v0, v6  }
0x2aa: {  	v6 =	vld @!p2 [tilespmem:$0x1D0];
	[tilespmem:$0xE0] =	vst @!p2 v3;
	v3 =	vadd.s32 @!p2 v0, v7  }
0x2ab: {  	v7 =	vadd.s32 @!p2 v0, v8;
	[tilespmem:$0xF0] =	vst @!p2 v3  }
0x2ac: {  	[tilespmem:$0xD0] =	vst @!p2 v7;
	v3 =	vadd.s32 @!p2 v0, v5  }
0x2ad: {  	[tilespmem:$0x100] =	vst @!p2 v3;
	v3 =	vadd.s32 @!p2 v0, v4  }
0x2ae: {  	v4 =	vadd.s32 @!p2 v0, v9;
	[tilespmem:$0x120] =	vst @!p2 v3  }
0x2af: {  	v3 =	vadd.s32 @!p2 v0, v6;
	[tilespmem:$0xA0] =	vst @!p2 v4  }
0x2b0: {  	s0 =	simm.s32 @!p2 $0xA0;
	s7 =	simm.s32 @!p2 $0x1E0;
	[tilespmem:$0x130] =	vst @!p2 v3  }
0x2b1: {  	[tilespmem:s7], [sflag:$0x1] =	stream.indirect.gather @!p2 [hbm4b:s6+s0], $0x80, s0, s0, $0xb8;
	[tilespmem:$0x1E360] =	vst v63  }
0x2b2: {  	_ =	swait.ge [sflag:s28], $0x5000  }
0x2b3: {  	[sflag:s28] =	ssyncset.done $0x0  }
0x2b4: {  	[sflag:s28] =	ssyncadd.s32 $0xFFFFB000  }
0x2b5: {  	[spmem:s1] =	stream.indirect.scatter.add.f32 [tilespmem:s24], [sflag:$0x3], $0x80, s18, s11, $0xb8;
	[tilespmem:$0x1E360] =	vst v63  }
0x2b6: {  	_ =	swait.ge [sflag:s15], $0x5000  }
0x2b7: {  	[sflag:s15] =	ssyncset.done $0x0  }
0x2b8: {  	[sflag:s15] =	ssyncadd.s32 $0xFFFFB000  }
0x2b9: {  	[bflag:$0x0] =	sbarrier.arrive $0xFFFF  }
0x2ba: {  	[tilespmem:s14], [sflag:$0x1] =	stream.linear.gather [spmem:s21], $0x5000, $0x38;
	[tilespmem:$0x1E360] =	vst v63  }
0x2bb: {  	_ = 	snop  }
0x2bc: {  	[tilespmem:s24], [sflag:$0x2] =	stream.linear.gather [spmem:s2], $0x5000, $0x38;
	[tilespmem:$0x1E360] =	vst v63  }
0x2bd: {  	_ =	swait.ge [sflag:s25], $0x5000  }
0x2be: {  	[sflag:s25] =	ssyncset.done $0x0  }
0x2bf: {  	s7 =	rddreg [dreg:$0x10];
	[sflag:s25] =	ssyncadd.s32 $0xFFFFB000  }
0x2c0: {  	[hbm4b:s7+s4] =	stream.linear.scatter [tilespmem:s14], [sflag:$0x3], $0x5000, $0x38;
	[tilespmem:$0x1E360] =	vst v63  }
0x2c1: {  	_ =	swait.ge [sflag:s15], $0x5000  }
0x2c2: {  	[sflag:s15] =	ssyncset.done $0x0  }
0x2c3: {  	[sflag:s15] =	ssyncadd.s32 $0xFFFFB000  }
0x2c4: {  	[tilespmem:s14], [sflag:$0x1] =	stream.linear.gather [spmem:s12], $0x5000, $0x38;
	[tilespmem:$0x1E360] =	vst v63  }
0x2c5: {  	_ =	swait.ge [sflag:s28], $0x5000  }
0x2c6: {  	[sflag:s28] =	ssyncset.done $0x0  }
0x2c7: {  	s8 =	rddreg [dreg:$0x12];
	[sflag:s28] =	ssyncadd.s32 $0xFFFFB000  }
0x2c8: {  	[hbm4b:s8+s4] =	stream.linear.scatter [tilespmem:s24], [sflag:$0x3], $0x5000, $0x38;
	[tilespmem:$0x1E360] =	vst v63  }
0x2c9: {  	_ =	swait.ge [sflag:s15], $0x5000  }
0x2ca: {  	[sflag:s15] =	ssyncset.done $0x0  }
0x2cb: {  	[sflag:s15] =	ssyncadd.s32 $0xFFFFB000  }
0x2cc: {  	[tilespmem:s24], [sflag:$0x2] =	stream.linear.gather [spmem:s13], $0x4C00, $0x38;
	[tilespmem:$0x1E360] =	vst v63  }
0x2cd: {  	_ =	swait.ge [sflag:s25], $0x5000  }
0x2ce: {  	[sflag:s25] =	ssyncset.done $0x0  }
0x2cf: {  	s9 =	rddreg [dreg:$0x14];
	[sflag:s25] =	ssyncadd.s32 $0xFFFFB000  }
0x2d0: {  	[hbm4b:s9+s4] =	stream.linear.scatter [tilespmem:s14], [sflag:$0x3], $0x5000, $0x38;
	[tilespmem:$0x1E360] =	vst v63  }
0x2d1: {  	_ =	swait.ge [sflag:s15], $0x5000  }
0x2d2: {  	[sflag:s15] =	ssyncset.done $0x0  }
0x2d3: {  	[sflag:s15] =	ssyncadd.s32 $0xFFFFB000  }
0x2d4: {  	_ =	swait.ge [sflag:s28], $0x4C00  }
0x2d5: {  	[sflag:s28] =	ssyncset.done $0x0  }
0x2d6: {  	s30 =	rddreg [dreg:$0x16];
	[sflag:s28] =	ssyncadd.s32 $0xFFFFB400  }
0x2d7: {  	[hbm4b:s30+s4] =	stream.linear.scatter [tilespmem:s24], [sflag:$0x3], $0x4C00, $0x38;
	[tilespmem:$0x1E360] =	vst v63  }
0x2d8: {  	_ =	swait.ge [sflag:s15], $0x4C00  }
0x2d9: {  	s29 =	sadd.s32 $0x1, s29;
	s31 =	rddreg [dreg:$0x17]  }
0x2da: {  	p1 =	sne.s32 s29, s31  }
.Ltmp7:
0x2db: {  	_ = 	snop;
	(pc) =	sbr.rel @p1 .LBB2_1-.Ltmp7, $3  }
0x2dc: {  	_ =	sdelay $0x1  }
0x2dd: {  	[sflag:s15] =	ssyncset.done $0x0  }
0x2de: {  	[sflag:s15] =	ssyncadd.s32 $0xFFFFB400  }
0x2df: {  	_ =	sfence.sel $0x180000  }
0x2e0: {  	[bflag:$0x0] =	sbarrier.arrive $0xFFFF  }
0x2e1: {  	_ =	strace $0x90000047  }
0x2e2: {  	s0 =	stileid.u32;
	[bflag:$0x2] =	sbarrier.arrive $0xFFFF  }
0x2e3: {  	p0 =	sne.s32 s0, $0x0;
	s0 =	rddreg [dreg:$0x4]  }
0x2e4: {  	s0 =	sadd.s32 @!p0 $0x100000, s0  }
0x2e5: {  	[sflag:s0] =	ssyncadd.tile.s32 @!p0 $0x1;
	_ =	shalt  }
.Lfunc_end2:
_tile_overlayer_lowered:
.L_overlay_start_2:
0x2e6: {  	(tag) =	ssettag $0x2  }
0x2e7: {  	s0 =	rddreg [dreg:$0x0];
	s2 =	stileid.u32  }
0x2e8: {  	s1 =	rddreg [dreg:$0x1];
	p0 =	sne.s32 s2, $0x0  }
0x2e9: {  	s3 =	rddreg [dreg:$0x2];
	[bflag:$0x3] =	sbarrier.arrive $0xFFFF;
	s2 =	simm.s32 @!p0 $0x1C03  }
0x2ea: {  	[timem:s3], [sflag:s2] =	dma.local @!p0 [hbm:s0], s1  }
0x2eb: {  	s0 =	simm.s32 @!p0 $0x3  }
0x2ec: {  	_ =	swait.ge @!p0 [sflag:s0], s1  }
0x2ed: {  	s1 =	ssub.s32 @!p0 $0x0, s1;
	[sflag:s0] =	ssyncset.done @!p0 $0x0  }
0x2ee: {  	[sflag:s0] =	ssyncadd.s32 @!p0 s1  }
0x2ef: {  	[bflag:$0x3] =	sbarrier.arrive $0xFFFF  }
0x2f0: {  	_ =	shalt  }

// kernel: kernel.9.cloned.1.call-start
scs
__scs_entry_jumppad:
0x0: {  	(pc) =	sbr.rel $0x88, $3  }
0x1: {  	(tag) =	ssettag $0x0;
	lr =	simm.s32 $0x1  }
0x2: {  	[smem:$0x3F9A] =	sst lr;
	_ =	strace $0xD0000000  }
0x3: {  	_ = 	snop  }
0x4: {  	_ = 	snop  }
0x5: {  	_ = 	snop  }
0x6: {  	_ = 	snop  }
0x7: {  	_ = 	snop  }
__scs_overlays_trampoline_lowered:
0x8: {  	[smem:$0x3FA9] =	sst s0  }
0x9: {  	[smem:$0x3FAA] =	sst s1  }
0xa: {  	[smem:$0x3FAB] =	sst s2  }
0xb: {  	[smem:$0x3FAC] =	sst s3  }
0xc: {  	[smem:$0x3FAD] =	sst s4  }
0xd: {  	[smem:$0x3FAE] =	sst s5  }
0xe: {  	[smem:$0x3FAF] =	sst s6  }
0xf: {  	[smem:$0x3FB0] =	sst s7  }
0x10: {  	[smem:$0x3FB1] =	sst s8  }
0x11: {  	[smem:$0x3FB2] =	sst s9;
	s0 =	simm.s32 @!p0 $0x0  }
0x12: {  	s1 =	sld [smem:$0x3F98];
	s0 =	simm.s32 @p0 $0x1  }
0x13: {  	[smem:$0x3FB3] =	sst s0;
	s0 =	simm.s32 @!p1 $0x0  }
0x14: {  	s2 =	sld [smem:$0x3F97];
	s0 =	simm.s32 @p1 $0x1  }
0x15: {  	[smem:$0x3FB4] =	sst s0;
	s0 =	simm.s32 @!p2 $0x0  }
0x16: {  	s3 =	sld [smem:$0x3FDB];
	s0 =	simm.s32 @p2 $0x1  }
0x17: {  	s4 =	simm.s32 $0x1BF5;
	[smem:$0x3FB6] =	sst s0  }
0x18: {  	s0 =	sld [smem:$0x3F99];
	_ =	swait.ge [sflag:s4], $0x0  }
0x19: {  	s7 =	sld [smem:$0x3F9A]  }
0x1a: {  	s8 =	sadd.s32 $0xFFFFE003, lr  }
0x1b: {  	s9 =	sadd.s32 $0xFFFFFEF7, lr;
	s5 =	simm.s32 $0xFFFFFFFF;
	p2 =	slt.u32 s8, $0xFFFFF086  }
0x1c: {  	p1 =	slt.u32 s9, $0xF7A;
	s5 =	simm.s32 @!p2 $0x0  }
0x1d: {  	s5 =	simm.s32 @p1 $0x1;
	p0 =	seq.s32 s7, s2  }
0x1e: {  	s7 =	smul.u32 @!p0 $0xF7A, s2;
	p2 =	seq.s32 @!p0 s5, $0x0  }
0x1f: {  	s9 =	smul.u32 $0xF7A, s1;
	s8 =	simm.s32 @!p0 $0x1BF5;
	p2 =	por !p2, p0  }
0x20: {  	[sflag:s8] =	ssyncset.s32 @!p0 $0xFFFFF086;
	s6 =	sadd.s32 @!p0 s3, s7;
	s7 =	simm.s32 @!p0 $0x108  }
0x21: {  	s3 =	sadd.s32 s3, s9;
	s6 =	sadd.s32 @!p0 $0x88, s6;
	s7 =	simm.s32 @p2 $0x1082  }
0x22: {  	[simem:s7], [sflag:s8] =	dma.local @!p0 [hbm:s6], $0xF7A  }
0x23: {  	s9 =	sor.u32 $0xD0000000, s2;
	s6 =	simm.s32 $0x108;
	_ =	swait.ge @!p0 [sflag:s8], $0x0  }
0x24: {  	s3 =	sadd.s32 $0x88, s3;
	s6 =	simm.s32 @!p1 $0x1082;
	[sflag:s4] =	ssyncset.s32 $0xFFFFF086  }
0x25: {  	[simem:s6], [sflag:s4] =	dma.local [hbm:s3], $0xF7A  }
0x26: {  	[smem:$0x3F9A] =	sst s1;
	(tag) =	ssettag s2;
	_ =	strace s9  }
0x27: {  	s1 =	sld [smem:$0x3FAA]  }
0x28: {  	s2 =	sld [smem:$0x3FAB]  }
0x29: {  	s4 =	sld [smem:$0x3FAD]  }
0x2a: {  	p0 =	seq.s32 s5, $0x0;
	s5 =	sld [smem:$0x3FAE]  }
0x2b: {  	s6 =	sld [smem:$0x3FAF]  }
0x2c: {  	s7 =	sld [smem:$0x3FB0]  }
0x2d: {  	s3 =	simm.s32 $0x108;
	s8 =	sld [smem:$0x3FB1]  }
0x2e: {  	s3 =	simm.s32 @!p0 $0x1082;
	s9 =	sld [smem:$0x3FB2]  }
0x2f: {  	lr =	sadd.s32 s0, s3;
	s0 =	sld [smem:$0x3FA9]  }
0x30: {  	s3 =	sld [smem:$0x3FAC]  }
0x31: {  	[smem:$0x3FB5] =	sst s10  }
0x32: {  	s10 =	sld [smem:$0x3FB3];
	_ =	sdelay $0x3  }
0x33: {  	p0 =	seq.s32 s10, $0x1;
	s10 =	sld [smem:$0x3FB5];
	_ =	sdelay $0x3  }
0x34: {  	[smem:$0x3FB5] =	sst s10  }
0x35: {  	s10 =	sld [smem:$0x3FB4];
	_ =	sdelay $0x3  }
0x36: {  	p1 =	seq.s32 s10, $0x1;
	s10 =	sld [smem:$0x3FB5];
	_ =	sdelay $0x3  }
0x37: {  	[smem:$0x3FB5] =	sst s10  }
0x38: {  	s10 =	sld [smem:$0x3FB6]  }
0x39: {  	_ = 	snop;
	(pc) =	sbr.ind lr, $3  }
0x3a: {  	_ = 	snop  }
0x3b: {  	_ = 	snop  }
0x3c: {  	p2 =	seq.s32 s10, $0x1;
	s10 =	sld [smem:$0x3FB5]  }
0x3d: {  	_ =	shalt  }
0x3e: {  	_ =	shalt  }
0x3f: {  	_ =	shalt  }
0x40: {  	_ =	shalt  }
0x41: {  	_ =	shalt  }
0x42: {  	_ =	shalt  }
0x43: {  	_ =	shalt  }
0x44: {  	_ =	shalt  }
0x45: {  	_ =	shalt  }
0x46: {  	_ =	shalt  }
0x47: {  	_ =	shalt  }
0x48: {  	_ =	shalt  }
0x49: {  	_ =	shalt  }
0x4a: {  	_ =	shalt  }
0x4b: {  	_ =	shalt  }
0x4c: {  	_ =	shalt  }
0x4d: {  	_ =	shalt  }
0x4e: {  	_ =	shalt  }
0x4f: {  	_ =	shalt  }
0x50: {  	_ =	shalt  }
0x51: {  	_ =	shalt  }
0x52: {  	_ =	shalt  }
0x53: {  	_ =	shalt  }
0x54: {  	_ =	shalt  }
0x55: {  	_ =	shalt  }
0x56: {  	_ =	shalt  }
0x57: {  	_ =	shalt  }
0x58: {  	_ =	shalt  }
0x59: {  	_ =	shalt  }
0x5a: {  	_ =	shalt  }
0x5b: {  	_ =	shalt  }
0x5c: {  	_ =	shalt  }
0x5d: {  	_ =	shalt  }
0x5e: {  	_ =	shalt  }
0x5f: {  	_ =	shalt  }
0x60: {  	_ =	shalt  }
0x61: {  	_ =	shalt  }
0x62: {  	_ =	shalt  }
0x63: {  	_ =	shalt  }
0x64: {  	_ =	shalt  }
0x65: {  	_ =	shalt  }
0x66: {  	_ =	shalt  }
0x67: {  	_ =	shalt  }
0x68: {  	_ =	shalt  }
0x69: {  	_ =	shalt  }
0x6a: {  	_ =	shalt  }
0x6b: {  	_ =	shalt  }
0x6c: {  	_ =	shalt  }
0x6d: {  	_ =	shalt  }
0x6e: {  	_ =	shalt  }
0x6f: {  	_ =	shalt  }
0x70: {  	_ =	shalt  }
0x71: {  	_ =	shalt  }
0x72: {  	_ =	shalt  }
0x73: {  	_ =	shalt  }
0x74: {  	_ =	shalt  }
0x75: {  	_ =	shalt  }
0x76: {  	_ =	shalt  }
0x77: {  	_ =	shalt  }
0x78: {  	_ =	shalt  }
0x79: {  	_ =	shalt  }
0x7a: {  	_ =	shalt  }
0x7b: {  	_ =	shalt  }
0x7c: {  	_ =	shalt  }
0x7d: {  	_ =	shalt  }
0x7e: {  	_ =	shalt  }
0x7f: {  	_ =	shalt  }
0x80: {  	_ =	shalt  }
0x81: {  	_ =	shalt  }
0x82: {  	_ =	shalt  }
0x83: {  	_ =	shalt  }
0x84: {  	_ =	shalt  }
0x85: {  	_ =	shalt  }
0x86: {  	_ =	shalt  }
0x87: {  	_ =	shalt  }
.Lfunc_end0:
.L_simem_size_0:
called_computation.1_lowered:
.L_overlay_start_0:
0x88: {  	s2 =	sld [smem:$0x3FD9]  }
0x89: {  	s3 =	sld [smem:$0x3FFE];
	_ =	sdelay $0x1  }
0x8a: {  	s1 =	srdreg.scid  }
0x8b: {  	s0 =	sand.u32 $0x1, s1  }
0x8c: {  	s17 =	sshll.u32 s0, $0xA;
	s2 =	sadd.s32 s3, s2  }
0x8d: {  	s2 =	sadd.s32 s2, s17  }
0x8e: {  	[smem:$0x3FC1] =	sst s2  }
0x8f: {  	_ = 	snop  }
0x90: {  	s2 =	sld [smem:$0x3FD0];
	(tm) =	ssettm $0x1  }
0x91: {  	s18 =	sld [smem:$0x3FFB];
	_ =	sdelay $0x3  }
0x92: {  	_ =	strace s18  }
0x93: {  	s3 =	sld [smem:$0x3FFC];
	_ =	sdelay $0x3  }
0x94: {  	_ =	strace s3  }
0x95: {  	s3 =	sld [smem:$0x3FFD];
	_ =	sdelay $0x3  }
0x96: {  	_ =	strace s3  }
0x97: {  	_ =	strace $0x8FFFFFFF  }
0x98: {  	s19 =	sld [smem:$0x3FDB];
	_ =	sdelay $0x1  }
0x99: {  	s4 =	simm.s32 $_scs_section_size  }
0x9a: {  	s5 =	simm.s32 $_size__tile_overlayer_lowered;
	s6 =	simm.s32 $_tile_overlayer_lowered  }
0x9b: {  	s22 =	simm.s32 $0x1BFF;
	s21 =	sshll.u32 s6, $0x1;
	s3 =	sadd.s32 s4, s19  }
0x9c: {  	s7 =	simm.s32 $0x0;
	s20 =	sshll.u32 s5, $0x1;
	s5 =	sadd.s32 s21, s3  }
0x9d: {  	[timem:s7], [sflag:s22] =	dma.local [hbm:s5], s20  }
0x9e: {  	_ =	swait.ge [sflag:s22], s20  }
0x9f: {  	s4 =	ssub.s32 $0x0, s20;
	[sflag:s22] =	ssyncset.done $0x0  }
0xa0: {  	[sflag:s22] =	ssyncadd.s32 s4;
	_ =	sdelay $0x1  }
0xa1: {  	s23 =	simm.s32 $0x1B8B  }
0xa2: {  	_ =	swait.ge [sflag:s23], $0x1  }
0xa3: {  	[sflag:s23] =	ssyncset.done $0x0  }
0xa4: {  	s25 =	simm.s32 $0x1B8E;
	s24 =	sld [smem:$0x3FFE];
	[sflag:s23] =	ssyncadd.s32 $0xFFFFFFFF  }
0xa5: {  	s26 =	simm.s32 $execute0_lowered;
	[smem:$0x3FD2] =	sst s25  }
0xa6: {  	s5 =	sshll.u32 s26, $0x1;
	_ =	strace $0x80000049;
	[dreg:$0x1] =	wrdreg $0xFFFFFFFF  }
0xa7: {  	s28 =	simm.s32 $_size_execute0_lowered;
	s3 =	sadd.s32 s3, s5;
	[dreg:$0x0] =	wrdreg $0x0  }
0xa8: {  	s5 =	sshll.u32 s28, $0x1;
	[dreg:$0x2] =	wrdreg s3  }
0xa9: {  	[dreg:$0x3] =	wrdreg s5  }
0xaa: {  	[dreg:$0x4] =	wrdreg $0xC0  }
0xab: {  	_ =	task [dreg:s7], $0x5FFFF  }
0xac: {  	[dreg:$0x1] =	wrdreg $0xFFFFFFFF  }
0xad: {  	[dreg:$0x0] =	wrdreg $0x60  }
0xae: {  	[dreg:$0x2] =	wrdreg s24  }
0xaf: {  	[dreg:$0x3] =	wrdreg s2  }
0xb0: {  	[dreg:$0x4] =	wrdreg $0x8D800  }
0xb1: {  	[dreg:$0x5] =	wrdreg $0x9  }
0xb2: {  	_ =	task.clear_ibuf [dreg:s7], $0x6FFFF;
	_ =	strace $0x90000049  }
0xb3: {  	s29 =	simm.s32 $0x9;
	_ =	strace $0x8000004B  }
0xb4: {  	_ =	swait.ge [sflag:s29], $0x1  }
0xb5: {  	[sflag:s29] =	ssyncadd.s32 $0xFFFFFFFF  }
0xb6: {  	_ =	strace $0x9000004B  }
0xb7: {  	_ =	sfence  }
0xb8: {  	s30 =	sld [smem:$0x0];
	_ =	sdelay $0x2  }
0xb9: {  	s31 =	sshll.u32 s1, $0xD;
	s1 =	sshrl.u32 s1, $0x2  }
0xba: {  	s3 =	sand.u32 $0x4000, s31;
	s1 =	sadd.s32 s1, s30  }
0xbb: {  	s0 =	sor.u32 s3, s0;
	s1 =	sshll.u32 s1, $0x11  }
0xbc: {  	s0 =	sor.u32 s1, s0  }
0xbd: {  	s0 =	sadd.s32 $0x8F2B, s0  }
0xbe: {  	[sflag:s0] =	ssyncadd.remote.s32 $0x1  }
0xbf: {  	_ =	sfence.sel $0xFFFF  }
0xc0: {  	[dreg:$0x0] =	wrdreg $0xFFFFFFFF;
	(pc) =	sbr.abs _section_cstart, $3  }
0xc1: {  	[dreg:$0x1] =	wrdreg $0xFFFFFFFF  }
0xc2: {  	_ =	task.clear_ibuf [dreg:s7], $0x2FFFF;
	_ =	strace $0x9FFFFFFF  }
0xc3: {  	(tm) =	ssettm $0x7FFFFFFF  }
tec
execute0_lowered:
.L_overlay_start_1:
0x0: {  	(tag) =	ssettag $0x1  }
0x1: {  	s0 =	rddreg [dreg:$0x0]  }
0x2: {  	s2 =	rddreg [dreg:$0x1]  }
0x3: {  	s1 =	rddreg [dreg:$0x2];
	s25 =	stileid.u32  }
0x4: {  	s3 =	simm.s32 $0x0;
	s5 =	srdreg.scid;
	s9 =	smul.u32 $0x180, s25  }
0x5: {  	s28 =	simm.s32 $0x4800;
	s29 =	simm.s32 $0x4C00;
	s8 =	smul.u32 $0x2800, s25  }
0x6: {  	s30 =	simm.s32 $0x1;
	s31 =	simm.s32 $0x2;
	s12 =	smul.u32 $0xA800, s25  }
0x7: {  	[smem:$0x7FF] =	sst s3;
	s4 =	sadd.s32 $0x6800, s0;
	s18 =	smul.u32 $0xC000, s25  }
0x8: {  	s6 =	sand.u32 $0x1, s5;
	s10 =	sadd.s32 $0x1800, s0;
	s20 =	smul.u32 $0x278, s25  }
0x9: {  	s5 =	sadd.s32 $0x1A400, s0;
	s14 =	smul.u32 $0x13C00, s25;
	p0 =	sgt.u32 s25, $0xD  }
0xa: {  	_ =	strace $0x8000004A;
	s7 =	ssub.s32 $0x2, s6;
	s16 =	sshrl.u32 s9, $0x3  }
0xb: {  	s11 =	sshrl.u32 s7, $0x1;
	s17 =	sshrl.u32 s12, $0x2;
	s8 =	sshrl.u32 s8, $0x3  }
0xc: {  	s12 =	sshrl.u32 s18, $0x2;
	s26 =	sshrl.u32 s14, $0x2;
	s13 =	sadd.s32 s16, s0  }
0xd: {  	s0 =	ssub.s32 s7, s11;
	s11 =	smul.u32 $0x2780, s6;
	s6 =	sadd.s32 s17, s1  }
0xe: {  	s7 =	sadd.s32 s2, s8;
	s21 =	sadd.s32 s12, s1;
	[dreg:$0x4] =	wrdreg s6  }
0xf: {  	s8 =	sadd.s32 s10, s8;
	s19 =	sadd.s32 $0xA4800, s13;
	[dreg:$0x6] =	wrdreg s21  }
0x10: {  	s13 =	sadd.s32 s26, s1;
	s18 =	smax.u32 s0, $0x1;
	s21 =	simm.s32 $0x600  }
0x11: {  	s26 =	simm.s32 $0x4A00;
	s0 =	simm.s32 $0x8C00;
	[dreg:$0x5] =	wrdreg s19  }
0x12: {  	s9 =	sadd.s32 s9, s11;
	s22 =	sadd.s32 s20, s11;
	s15 =	sadd.s32 $0x4000, s13  }
0x13: {  	s20 =	smul.u32 $0x500, s25;
	s25 =	simm.s32 $0x4600;
	s9 =	sshll.u32 s9, $0x2  }
.Ltmp0:
0x14: {  	s24 =	sshll.u32 s22, $0x2;
	s22 =	simm.s32 $0x3;
	(pc) =	sbr.rel .LBB2_1-.Ltmp0, $4  }
0x15: {  	s23 =	sadd.s32 s5, s9;
	s12 =	sadd.s32 s4, s24;
	s17 =	sadd.s32 $0x800, s24  }
0x16: {  	s16 =	sadd.s32 s5, s24;
	s19 =	sadd.s32 s20, s10;
	s20 =	sadd.s32 s20, s2  }
0x17: {  	s24 =	simm.s32 $0x200;
	s2 =	simm.s32 $0x0;
	[dreg:$0x7] =	wrdreg s23  }
0x18: {  	v1 =	vimm.f32 $0.0e+00;
	v0 =	vmov s11;
	s14 =	sadd.s32 s4, s17;
	s17 =	sadd.s32 s5, s17;
	s23 =	simm.s32 $0x400  }
.LBB2_15:
0x19: {  	[bflag:$0x0] =	sbarrier.arrive $0xFFFF  }
0x1a: {  	[tilespmem:s21], [sflag:$0x1] =	stream.linear.gather [spmem:s13], $0x4000, $0x38;
	[tilespmem:$0xDC80] =	vst v63  }
0x1b: {  	_ = 	snop  }
0x1c: {  	[tilespmem:s29], [sflag:$0x2] =	stream.linear.gather [spmem:s15], $0xF00, $0x38;
	[tilespmem:$0xDC80] =	vst v63  }
0x1d: {  	_ =	swait.ge [sflag:s30], $0x4000  }
0x1e: {  	[sflag:s30] =	ssyncset.done $0x0  }
0x1f: {  	[sflag:s30] =	ssyncadd.s32 $0xFFFFC000  }
0x20: {  	[hbm4b:s16+s3] =	stream.linear.scatter [tilespmem:s21], [sflag:$0x3], $0x4000, $0x38;
	[tilespmem:$0xDC80] =	vst v63  }
0x21: {  	_ =	swait.ge [sflag:s22], $0x4000  }
0x22: {  	[sflag:s22] =	ssyncset.done $0x0  }
0x23: {  	[sflag:s22] =	ssyncadd.s32 $0xFFFFC000  }
0x24: {  	s2 =	sadd.s32 $0x1, s2;
	_ =	swait.ge [sflag:s31], $0xF00  }
0x25: {  	p1 =	sne.s32 s2, s18;
	[sflag:s31] =	ssyncset.done $0x0  }
.Ltmp1:
0x26: {  	[sflag:s31] =	ssyncadd.s32 $0xFFFFF100;
	(pc) =	sbr.rel @!p1 .LBB2_16-.Ltmp1, $4  }
0x27: {  	[hbm4b:s17+s3] =	stream.linear.scatter [tilespmem:s29], [sflag:$0x3], $0xF00, $0x38;
	[tilespmem:$0xDC80] =	vst v63  }
0x28: {  	_ =	swait.ge [sflag:s22], $0xF00  }
0x29: {  	[sflag:s22] =	ssyncset.done $0x0  }
0x2a: {  	[sflag:s22] =	ssyncadd.s32 $0xFFFFF100  }
.LBB2_1:
0x2b: {  	s9 =	simm.s32 $0x80;
	s10 =	simm.s32 $0x0  }
.LBB2_2:
0x2c: {  	p1 =	sne.s32 s9, $0xFF80;
	[tilespmem:s10+$0x600] =	vst v1;
	s11 =	smov.u32 s9;
	s9 =	sadd.s32 $0x80, s9  }
.Ltmp2:
0x2d: {  	[tilespmem:s10+$0x610] =	vst v1;
	(pc) =	sbr.rel @p1 .LBB2_2-.Ltmp2, $2  }
0x2e: {  	_ =	sdelay $0x2  }
0x2f: {  	s10 =	sshra.s32 s11, $0x2  }
0x30: {  	[tilespmem:s10+$0x600] =	vst v1  }
0x31: {  	[tilespmem:s10+$0x610] =	vst v1;
	s6 =	rddreg [dreg:$0x4]  }
0x32: {  	[spmem:s6] =	stream.linear.scatter [tilespmem:s21], [sflag:$0x3], $0x2A00, $0x38;
	[tilespmem:$0xDC80] =	vst v63  }
0x33: {  	_ =	swait.ge [sflag:s22], $0x2A00  }
0x34: {  	[sflag:s22] =	ssyncset.done $0x0  }
0x35: {  	[sflag:s22] =	ssyncadd.s32 $0xFFFFD600  }
0x36: {  	s9 =	simm.s32 $0x0;
	[bflag:$0x0] =	sbarrier.arrive $0xFFFF  }
0x37: {  	[tilespmem:s9], [sflag:$0x3] =	stream.linear.gather [hbm4b:s7+s9], $0x200, $0x38;
	[tilespmem:$0xDC80] =	vst v63  }
0x38: {  	_ =	swait.ge [sflag:s22], $0x200  }
0x39: {  	[sflag:s22] =	ssyncset.done $0x0  }
0x3a: {  	[sflag:s22] =	ssyncadd.s32 $0xFFFFFE00  }
0x3b: {  	[tilespmem:s23], [sflag:$0x3] =	stream.linear.gather [hbm4b:s8+s9], $0x200, $0x38;
	[tilespmem:$0xDC80] =	vst v63  }
0x3c: {  	_ =	swait.ge [sflag:s22], $0x200  }
0x3d: {  	[sflag:s22] =	ssyncset.done $0x0  }
0x3e: {  	[sflag:s22] =	ssyncadd.s32 $0xFFFFFE00  }
0x3f: {  	v2 =	vld [tilespmem:$0x0]  }
0x40: {  	v3 =	vld [tilespmem:$0x10]  }
0x41: {  	v4 =	vld [tilespmem:$0x20]  }
0x42: {  	v5 =	vld [tilespmem:$0x30]  }
0x43: {  	v6 =	vld [tilespmem:$0x40]  }
0x44: {  	v7 =	vld [tilespmem:$0x50];
	v2 =	vadd.s32 v0, v2  }
0x45: {  	[tilespmem:$0x200] =	vst v2;
	v2 =	vadd.s32 v0, v3;
	v3 =	vld [tilespmem:$0x60]  }
0x46: {  	v44 =	vld [tilespmem:$0x70];
	[tilespmem:$0x210] =	vst v2;
	v2 =	vadd.s32 v0, v4  }
0x47: {  	v45 =	vld [tilespmem:$0x80];
	[tilespmem:$0x220] =	vst v2;
	v2 =	vadd.s32 v0, v5  }
0x48: {  	v46 =	vld [tilespmem:$0x90];
	[tilespmem:$0x230] =	vst v2;
	v2 =	vadd.s32 v0, v6  }
0x49: {  	v47 =	vld [tilespmem:$0xA0];
	[tilespmem:$0x240] =	vst v2;
	v2 =	vadd.s32 v0, v7  }
0x4a: {  	[tilespmem:$0x250] =	vst v2;
	v2 =	vadd.s32 v0, v3;
	v3 =	vld [tilespmem:$0xB0]  }
0x4b: {  	v48 =	vld [tilespmem:$0xC0];
	[tilespmem:$0x260] =	vst v2;
	v2 =	vadd.s32 v0, v44  }
0x4c: {  	v49 =	vld [tilespmem:$0xD0];
	[tilespmem:$0x270] =	vst v2;
	v2 =	vadd.s32 v0, v45  }
0x4d: {  	v50 =	vld [tilespmem:$0xE0];
	[tilespmem:$0x280] =	vst v2;
	v2 =	vadd.s32 v0, v46  }
0x4e: {  	v51 =	vld [tilespmem:$0xF0];
	[tilespmem:$0x290] =	vst v2;
	v2 =	vadd.s32 v0, v47  }
0x4f: {  	[tilespmem:$0x2A0] =	vst v2;
	v2 =	vadd.s32 v0, v3;
	v3 =	vld [tilespmem:$0x100]  }
0x50: {  	v52 =	vld [tilespmem:$0x110];
	[tilespmem:$0x2B0] =	vst v2;
	v2 =	vadd.s32 v0, v48  }
0x51: {  	v53 =	vld [tilespmem:$0x120];
	[tilespmem:$0x2C0] =	vst v2;
	v2 =	vadd.s32 v0, v49  }
0x52: {  	v54 =	vld [tilespmem:$0x130];
	[tilespmem:$0x2D0] =	vst v2;
	v2 =	vadd.s32 v0, v50  }
0x53: {  	v55 =	vld [tilespmem:$0x140];
	[tilespmem:$0x2E0] =	vst v2;
	v2 =	vadd.s32 v0, v51  }
0x54: {  	[tilespmem:$0x2F0] =	vst v2;
	v2 =	vadd.s32 v0, v3;
	v3 =	vld [tilespmem:$0x150]  }
0x55: {  	v56 =	vld [tilespmem:$0x160];
	[tilespmem:$0x300] =	vst v2;
	v2 =	vadd.s32 v0, v52  }
0x56: {  	v57 =	vld [tilespmem:$0x170];
	[tilespmem:$0x310] =	vst v2;
	v2 =	vadd.s32 v0, v53  }
0x57: {  	v58 =	vld [tilespmem:$0x180];
	[tilespmem:$0x320] =	vst v2;
	v2 =	vadd.s32 v0, v54  }
0x58: {  	v59 =	vld [tilespmem:$0x190];
	[tilespmem:$0x330] =	vst v2;
	v2 =	vadd.s32 v0, v55  }
0x59: {  	[tilespmem:$0x340] =	vst v2;
	v2 =	vadd.s32 v0, v3;
	v3 =	vld [tilespmem:$0x1A0]  }
0x5a: {  	v60 =	vld [tilespmem:$0x1B0];
	[tilespmem:$0x350] =	vst v2;
	v2 =	vadd.s32 v0, v56  }
0x5b: {  	v61 =	vld [tilespmem:$0x1C0];
	[tilespmem:$0x360] =	vst v2;
	v2 =	vadd.s32 v0, v57  }
0x5c: {  	v62 =	vld [tilespmem:$0x1D0];
	[tilespmem:$0x370] =	vst v2;
	v2 =	vadd.s32 v0, v58  }
0x5d: {  	v63 =	vld [tilespmem:$0x1E0];
	[tilespmem:$0x380] =	vst v2;
	v2 =	vadd.s32 v0, v59  }
0x5e: {  	[tilespmem:$0x390] =	vst v2;
	v2 =	vadd.s32 v0, v3;
	v3 =	vld [tilespmem:$0x1F0]  }
0x5f: {  	[tilespmem:$0x3A0] =	vst v2;
	v2 =	vadd.s32 v0, v60  }
0x60: {  	[tilespmem:$0x3B0] =	vst v2;
	v2 =	vadd.s32 v0, v61  }
.Ltmp3:
0x61: {  	[tilespmem:$0x3C0] =	vst v2;
	v2 =	vadd.s32 v0, v62;
	(pc) =	sbr.rel .LBB2_4-.Ltmp3, $4  }
0x62: {  	[tilespmem:$0x3D0] =	vst v2;
	v2 =	vadd.s32 v0, v63  }
0x63: {  	[tilespmem:$0x3E0] =	vst v2;
	v2 =	vadd.s32 v0, v3  }
0x64: {  	[tilespmem:$0x3F0] =	vst v2  }
0x65: {  	[tilespmem:s21], [sflag:$0x1] =	stream.indirect.gather [hbm4b:s4+s24], $0x20, s24, s24, $0xb8;
	[tilespmem:$0xDC80] =	vst v63  }
.LBB2_6:
0x66: {  	_ =	swait.ge [sflag:s31], $0x4000;
	s9 =	sadd.s32 $0x80, s9  }
0x67: {  	[sflag:s31] =	ssyncset.done $0x0;
	p1 =	sne.s32 s9, $0x500  }
.Ltmp4:
0x68: {  	[sflag:s31] =	ssyncadd.s32 $0xFFFFC000;
	(pc) =	sbr.rel @!p1 .LBB2_7-.Ltmp4, $4  }
0x69: {  	[spmem:s1] =	stream.indirect.scatter.add.f32 [tilespmem:s29], [sflag:$0x3], $0x20, s26, s24, $0xb8;
	[tilespmem:$0xDC80] =	vst v63  }
0x6a: {  	_ =	swait.ge [sflag:s22], $0x4000  }
0x6b: {  	[sflag:s22] =	ssyncset.done $0x0  }
0x6c: {  	[sflag:s22] =	ssyncadd.s32 $0xFFFFC000  }
.LBB2_4:
0x6d: {  	s10 =	sadd.s32 s9, s20  }
0x6e: {  	s11 =	sadd.s32 $0x40, s10  }
0x6f: {  	[tilespmem:s25], [sflag:$0x3] =	stream.linear.gather [hbm4b:s11+s3], $0x200, $0x38;
	[tilespmem:$0xDC80] =	vst v63  }
0x70: {  	_ =	swait.ge [sflag:s22], $0x200  }
0x71: {  	s11 =	sadd.s32 s9, s19;
	[sflag:s22] =	ssyncset.done $0x0  }
0x72: {  	s6 =	sadd.s32 $0x40, s11;
	[sflag:s22] =	ssyncadd.s32 $0xFFFFFE00  }
0x73: {  	[tilespmem:s26], [sflag:$0x3] =	stream.linear.gather [hbm4b:s6+s3], $0x200, $0x38;
	[tilespmem:$0xDC80] =	vst v63  }
0x74: {  	_ =	swait.ge [sflag:s22], $0x200  }
0x75: {  	[sflag:s22] =	ssyncset.done $0x0  }
0x76: {  	[sflag:s22] =	ssyncadd.s32 $0xFFFFFE00  }
0x77: {  	v2 =	vld [tilespmem:$0x4600]  }
0x78: {  	v3 =	vld [tilespmem:$0x4610]  }
0x79: {  	v4 =	vld [tilespmem:$0x4620]  }
0x7a: {  	v5 =	vld [tilespmem:$0x4630]  }
0x7b: {  	v6 =	vld [tilespmem:$0x4640]  }
0x7c: {  	v7 =	vld [tilespmem:$0x4650];
	v2 =	vadd.s32 v0, v2  }
0x7d: {  	[tilespmem:$0x4800] =	vst v2;
	v2 =	vadd.s32 v0, v3;
	v3 =	vld [tilespmem:$0x4660]  }
0x7e: {  	v44 =	vld [tilespmem:$0x4670];
	[tilespmem:$0x4810] =	vst v2;
	v2 =	vadd.s32 v0, v4  }
0x7f: {  	v45 =	vld [tilespmem:$0x4680];
	[tilespmem:$0x4820] =	vst v2;
	v2 =	vadd.s32 v0, v5  }
0x80: {  	v46 =	vld [tilespmem:$0x4690];
	[tilespmem:$0x4830] =	vst v2;
	v2 =	vadd.s32 v0, v6  }
0x81: {  	v47 =	vld [tilespmem:$0x46A0];
	[tilespmem:$0x4840] =	vst v2;
	v2 =	vadd.s32 v0, v7  }
0x82: {  	[tilespmem:$0x4850] =	vst v2;
	v2 =	vadd.s32 v0, v3;
	v3 =	vld [tilespmem:$0x46B0]  }
0x83: {  	v48 =	vld [tilespmem:$0x46C0];
	[tilespmem:$0x4860] =	vst v2;
	v2 =	vadd.s32 v0, v44  }
0x84: {  	v49 =	vld [tilespmem:$0x46D0];
	[tilespmem:$0x4870] =	vst v2;
	v2 =	vadd.s32 v0, v45  }
0x85: {  	v50 =	vld [tilespmem:$0x46E0];
	[tilespmem:$0x4880] =	vst v2;
	v2 =	vadd.s32 v0, v46  }
0x86: {  	v51 =	vld [tilespmem:$0x46F0];
	[tilespmem:$0x4890] =	vst v2;
	v2 =	vadd.s32 v0, v47  }
0x87: {  	[tilespmem:$0x48A0] =	vst v2;
	v2 =	vadd.s32 v0, v3;
	v3 =	vld [tilespmem:$0x4700]  }
0x88: {  	v52 =	vld [tilespmem:$0x4710];
	[tilespmem:$0x48B0] =	vst v2;
	v2 =	vadd.s32 v0, v48  }
0x89: {  	v53 =	vld [tilespmem:$0x4720];
	[tilespmem:$0x48C0] =	vst v2;
	v2 =	vadd.s32 v0, v49  }
0x8a: {  	v54 =	vld [tilespmem:$0x4730];
	[tilespmem:$0x48D0] =	vst v2;
	v2 =	vadd.s32 v0, v50  }
0x8b: {  	v55 =	vld [tilespmem:$0x4740];
	[tilespmem:$0x48E0] =	vst v2;
	v2 =	vadd.s32 v0, v51  }
0x8c: {  	[tilespmem:$0x48F0] =	vst v2;
	v2 =	vadd.s32 v0, v3;
	v3 =	vld [tilespmem:$0x4750]  }
0x8d: {  	v56 =	vld [tilespmem:$0x4760];
	[tilespmem:$0x4900] =	vst v2;
	v2 =	vadd.s32 v0, v52  }
0x8e: {  	v57 =	vld [tilespmem:$0x4770];
	[tilespmem:$0x4910] =	vst v2;
	v2 =	vadd.s32 v0, v53  }
0x8f: {  	v58 =	vld [tilespmem:$0x4780];
	[tilespmem:$0x4920] =	vst v2;
	v2 =	vadd.s32 v0, v54  }
0x90: {  	v59 =	vld [tilespmem:$0x4790];
	[tilespmem:$0x4930] =	vst v2;
	v2 =	vadd.s32 v0, v55  }
0x91: {  	[tilespmem:$0x4940] =	vst v2;
	v2 =	vadd.s32 v0, v3;
	v3 =	vld [tilespmem:$0x47A0]  }
0x92: {  	v60 =	vld [tilespmem:$0x47B0];
	[tilespmem:$0x4950] =	vst v2;
	v2 =	vadd.s32 v0, v56  }
0x93: {  	v61 =	vld [tilespmem:$0x47C0];
	[tilespmem:$0x4960] =	vst v2;
	v2 =	vadd.s32 v0, v57  }
0x94: {  	v62 =	vld [tilespmem:$0x47D0];
	[tilespmem:$0x4970] =	vst v2;
	v2 =	vadd.s32 v0, v58  }
0x95: {  	v63 =	vld [tilespmem:$0x47E0];
	[tilespmem:$0x4980] =	vst v2;
	v2 =	vadd.s32 v0, v59  }
0x96: {  	[tilespmem:$0x4990] =	vst v2;
	v2 =	vadd.s32 v0, v3;
	v3 =	vld [tilespmem:$0x47F0]  }
0x97: {  	[tilespmem:$0x49A0] =	vst v2;
	v2 =	vadd.s32 v0, v60  }
0x98: {  	[tilespmem:$0x49B0] =	vst v2;
	v2 =	vadd.s32 v0, v61  }
0x99: {  	[tilespmem:$0x49C0] =	vst v2;
	v2 =	vadd.s32 v0, v62  }
0x9a: {  	[tilespmem:$0x49D0] =	vst v2;
	v2 =	vadd.s32 v0, v63  }
0x9b: {  	[tilespmem:$0x49E0] =	vst v2;
	v2 =	vadd.s32 v0, v3  }
0x9c: {  	[tilespmem:$0x49F0] =	vst v2  }
0x9d: {  	[tilespmem:s29], [sflag:$0x2] =	stream.indirect.gather [hbm4b:s4+s24], $0x20, s28, s24, $0xb8;
	[tilespmem:$0xDC80] =	vst v63  }
0x9e: {  	_ =	swait.ge [sflag:s30], $0x4000  }
0x9f: {  	p1 =	seq.s32 s9, $0x480;
	[sflag:s30] =	ssyncset.done $0x0  }
.Ltmp5:
0xa0: {  	[sflag:s30] =	ssyncadd.s32 $0xFFFFC000;
	(pc) =	sbr.rel @p1 .LBB2_6-.Ltmp5, $4  }
0xa1: {  	[spmem:s1] =	stream.indirect.scatter.add.f32 [tilespmem:s21], [sflag:$0x3], $0x20, s23, s24, $0xb8;
	[tilespmem:$0xDC80] =	vst v63  }
0xa2: {  	_ =	swait.ge [sflag:s22], $0x4000  }
0xa3: {  	[sflag:s22] =	ssyncset.done $0x0  }
0xa4: {  	[sflag:s22] =	ssyncadd.s32 $0xFFFFC000  }
0xa5: {  	s6 =	sadd.s32 $0x80, s10  }
0xa6: {  	[tilespmem:s3], [sflag:$0x3] =	stream.linear.gather [hbm4b:s6+s3], $0x200, $0x38;
	[tilespmem:$0xDC80] =	vst v63  }
0xa7: {  	_ =	swait.ge [sflag:s22], $0x200  }
0xa8: {  	[sflag:s22] =	ssyncset.done $0x0  }
0xa9: {  	s11 =	sadd.s32 $0x80, s11;
	[sflag:s22] =	ssyncadd.s32 $0xFFFFFE00  }
0xaa: {  	[tilespmem:s23], [sflag:$0x3] =	stream.linear.gather [hbm4b:s11+s3], $0x200, $0x38;
	[tilespmem:$0xDC80] =	vst v63  }
0xab: {  	_ =	swait.ge [sflag:s22], $0x200  }
0xac: {  	[sflag:s22] =	ssyncset.done $0x0  }
0xad: {  	[sflag:s22] =	ssyncadd.s32 $0xFFFFFE00  }
0xae: {  	v2 =	vld [tilespmem:$0x0]  }
0xaf: {  	v3 =	vld [tilespmem:$0x10]  }
0xb0: {  	v4 =	vld [tilespmem:$0x20]  }
0xb1: {  	v5 =	vld [tilespmem:$0x30]  }
0xb2: {  	v6 =	vld [tilespmem:$0x40]  }
0xb3: {  	v7 =	vld [tilespmem:$0x50];
	v2 =	vadd.s32 v0, v2  }
0xb4: {  	[tilespmem:$0x200] =	vst v2;
	v2 =	vadd.s32 v0, v3;
	v3 =	vld [tilespmem:$0x60]  }
0xb5: {  	v44 =	vld [tilespmem:$0x70];
	[tilespmem:$0x210] =	vst v2;
	v2 =	vadd.s32 v0, v4  }
0xb6: {  	v45 =	vld [tilespmem:$0x80];
	[tilespmem:$0x220] =	vst v2;
	v2 =	vadd.s32 v0, v5  }
0xb7: {  	v46 =	vld [tilespmem:$0x90];
	[tilespmem:$0x230] =	vst v2;
	v2 =	vadd.s32 v0, v6  }
0xb8: {  	v47 =	vld [tilespmem:$0xA0];
	[tilespmem:$0x240] =	vst v2;
	v2 =	vadd.s32 v0, v7  }
0xb9: {  	[tilespmem:$0x250] =	vst v2;
	v2 =	vadd.s32 v0, v3;
	v3 =	vld [tilespmem:$0xB0]  }
0xba: {  	v48 =	vld [tilespmem:$0xC0];
	[tilespmem:$0x260] =	vst v2;
	v2 =	vadd.s32 v0, v44  }
0xbb: {  	v49 =	vld [tilespmem:$0xD0];
	[tilespmem:$0x270] =	vst v2;
	v2 =	vadd.s32 v0, v45  }
0xbc: {  	v50 =	vld [tilespmem:$0xE0];
	[tilespmem:$0x280] =	vst v2;
	v2 =	vadd.s32 v0, v46  }
0xbd: {  	v51 =	vld [tilespmem:$0xF0];
	[tilespmem:$0x290] =	vst v2;
	v2 =	vadd.s32 v0, v47  }
0xbe: {  	[tilespmem:$0x2A0] =	vst v2;
	v2 =	vadd.s32 v0, v3;
	v3 =	vld [tilespmem:$0x100]  }
0xbf: {  	v52 =	vld [tilespmem:$0x110];
	[tilespmem:$0x2B0] =	vst v2;
	v2 =	vadd.s32 v0, v48  }
0xc0: {  	v53 =	vld [tilespmem:$0x120];
	[tilespmem:$0x2C0] =	vst v2;
	v2 =	vadd.s32 v0, v49  }
0xc1: {  	v54 =	vld [tilespmem:$0x130];
	[tilespmem:$0x2D0] =	vst v2;
	v2 =	vadd.s32 v0, v50  }
0xc2: {  	v55 =	vld [tilespmem:$0x140];
	[tilespmem:$0x2E0] =	vst v2;
	v2 =	vadd.s32 v0, v51  }
0xc3: {  	[tilespmem:$0x2F0] =	vst v2;
	v2 =	vadd.s32 v0, v3;
	v3 =	vld [tilespmem:$0x150]  }
0xc4: {  	v56 =	vld [tilespmem:$0x160];
	[tilespmem:$0x300] =	vst v2;
	v2 =	vadd.s32 v0, v52  }
0xc5: {  	v57 =	vld [tilespmem:$0x170];
	[tilespmem:$0x310] =	vst v2;
	v2 =	vadd.s32 v0, v53  }
0xc6: {  	v58 =	vld [tilespmem:$0x180];
	[tilespmem:$0x320] =	vst v2;
	v2 =	vadd.s32 v0, v54  }
0xc7: {  	v59 =	vld [tilespmem:$0x190];
	[tilespmem:$0x330] =	vst v2;
	v2 =	vadd.s32 v0, v55  }
0xc8: {  	[tilespmem:$0x340] =	vst v2;
	v2 =	vadd.s32 v0, v3;
	v3 =	vld [tilespmem:$0x1A0]  }
0xc9: {  	v60 =	vld [tilespmem:$0x1B0];
	[tilespmem:$0x350] =	vst v2;
	v2 =	vadd.s32 v0, v56  }
0xca: {  	v61 =	vld [tilespmem:$0x1C0];
	[tilespmem:$0x360] =	vst v2;
	v2 =	vadd.s32 v0, v57  }
0xcb: {  	v62 =	vld [tilespmem:$0x1D0];
	[tilespmem:$0x370] =	vst v2;
	v2 =	vadd.s32 v0, v58  }
0xcc: {  	v63 =	vld [tilespmem:$0x1E0];
	[tilespmem:$0x380] =	vst v2;
	v2 =	vadd.s32 v0, v59  }
0xcd: {  	[tilespmem:$0x390] =	vst v2;
	v2 =	vadd.s32 v0, v3;
	v3 =	vld [tilespmem:$0x1F0]  }
0xce: {  	[tilespmem:$0x3A0] =	vst v2;
	v2 =	vadd.s32 v0, v60  }
0xcf: {  	[tilespmem:$0x3B0] =	vst v2;
	v2 =	vadd.s32 v0, v61  }
.Ltmp6:
0xd0: {  	[tilespmem:$0x3C0] =	vst v2;
	v2 =	vadd.s32 v0, v62;
	(pc) =	sbr.rel .LBB2_6-.Ltmp6, $4  }
0xd1: {  	[tilespmem:$0x3D0] =	vst v2;
	v2 =	vadd.s32 v0, v63  }
0xd2: {  	[tilespmem:$0x3E0] =	vst v2;
	v2 =	vadd.s32 v0, v3  }
0xd3: {  	[tilespmem:$0x3F0] =	vst v2  }
0xd4: {  	[tilespmem:s21], [sflag:$0x1] =	stream.indirect.gather [hbm4b:s4+s24], $0x20, s24, s24, $0xb8;
	[tilespmem:$0xDC80] =	vst v63  }
.LBB2_7:
.Ltmp7:
0xd5: {  	(pc) =	sbr.rel @p0 .LBB2_11-.Ltmp7, $2  }
0xd6: {  	_ =	sdelay $0x1  }
0xd7: {  	[bflag:$0x0] =	sbarrier.arrive $0xFFFF;
	_ =	sdelay $0x1  }
0xd8: {  	s6 =	simm.s32 $0x0;
	s9 =	rddreg [dreg:$0x5]  }
0xd9: {  	[tilespmem:s0], [sflag:$0x3] =	stream.linear.gather [hbm4b:s9+s6], $0x180, $0x38;
	[tilespmem:$0xDC80] =	vst v63  }
0xda: {  	_ =	swait.ge [sflag:s22], $0x180  }
0xdb: {  	[sflag:s22] =	ssyncset.done $0x0  }
0xdc: {  	v2 =	vmov s6;
	s10 =	rddreg [dreg:$0x6];
	[sflag:s22] =	ssyncadd.s32 $0xFFFFFE80  }
0xdd: {  	[tilespmem:s21], [sflag:$0x3] =	stream.linear.gather [spmem:s10], $0x3000, $0x38;
	[tilespmem:$0xDC80] =	vst v63  }
0xde: {  	_ =	swait.ge [sflag:s22], $0x3000  }
0xdf: {  	[sflag:s22] =	ssyncset.done $0x0  }
0xe0: {  	[sflag:s22] =	ssyncadd.s32 $0xFFFFD000  }
0xe1: {  	v2 =	vld.idx.msk [tilespmem:v2+s0+$0x0], $0xffff;
	_ =	sdelay $0x4  }
0xe2: {  	v2 =	vmax.f32 v2, $1.000000000e+00  }
0xe3: {  	(erf) = vrcp.f32 v2;
	_ =	sdelay $0x2  }
0xe4: {  	s9 =	simm.s32 $0x610  }
0xe5: {  	v3 =	vld [tilespmem:s9+$0xFFFFFFF0]  }
0xe6: {  	v4 =	vld [tilespmem:s9+$0x0];
	_ =	sdelay $0x2  }
0xe7: {  	s11 =	simm.s32 $0x1  }
0xe8: {  	s10 =	simm.s32 $0x2;
	v2 =	vmov s11;
	v5 =	vpop (erf)  }
.LBB2_9:
0xe9: {  	p1 =	sne.s32 s10, $0x17F;
	v3 =	vmul.f32 v5, v3;
	v4 =	vmul.f32 v4, v5;
	_ =	sdelay $0x1  }
0xea: {  	[tilespmem:s9+$0xFFFFFFF0] =	vst v3  }
0xeb: {  	[tilespmem:s9+$0x0] =	vst v4  }
0xec: {  	v2 =	vld.idx.msk [tilespmem:v2+s0+$0x0], $0xffff;
	_ =	sdelay $0x5  }
0xed: {  	v2 =	vmax.f32 v2, $1.000000000e+00  }
0xee: {  	(erf) = vrcp.f32 v2;
	_ =	sdelay $0x2  }
0xef: {  	s9 =	sadd.s32 $0x20, s9  }
0xf0: {  	v3 =	vld [tilespmem:s9+$0xFFFFFFF0]  }
.Ltmp8:
0xf1: {  	v4 =	vld [tilespmem:s9+$0x0];
	(pc) =	sbr.rel @p1 .LBB2_9-.Ltmp8, $2  }
0xf2: {  	_ =	sdelay $0x2  }
0xf3: {  	v2 =	vmov s10;
	s10 =	sadd.s32 $0x1, s10;
	v5 =	vpop (erf)  }
0xf4: {  	v3 =	vmul.f32 v5, v3  }
0xf5: {  	v4 =	vmul.f32 v4, v5  }
0xf6: {  	[tilespmem:s9+$0xFFFFFFF0] =	vst v3  }
0xf7: {  	[tilespmem:s9+$0x0] =	vst v4  }
0xf8: {  	v2 =	vld.idx.msk [tilespmem:v2+s0+$0x0], $0xffff;
	_ =	sdelay $0x4  }
0xf9: {  	v2 =	vmax.f32 v2, $1.000000000e+00  }
0xfa: {  	(erf) = vrcp.f32 v2;
	_ =	sdelay $0x3  }
0xfb: {  	s6 =	sadd.s32 $0x20, s9  }
0xfc: {  	v2 =	vld [tilespmem:s6+$0xFFFFFFF0]  }
0xfd: {  	v3 =	vld [tilespmem:s6+$0x0];
	_ =	sdelay $0x2  }
0xfe: {  	v63 =	vpop (erf)  }
0xff: {  	v2 =	vmul.f32 v63, v2  }
0x100: {  	v3 =	vmul.f32 v3, v63  }
0x101: {  	[tilespmem:s6+$0xFFFFFFF0] =	vst v2  }
0x102: {  	s11 =	rddreg [dreg:$0x7];
	[tilespmem:s6+$0x0] =	vst v3  }
0x103: {  	[hbm4b:s11+s3] =	stream.linear.scatter [tilespmem:s21], [sflag:$0x3], $0x3000, $0x38;
	[tilespmem:$0xDC80] =	vst v63  }
0x104: {  	_ =	swait.ge [sflag:s22], $0x3000  }
0x105: {  	[sflag:s22] =	ssyncset.done $0x0  }
0x106: {  	[sflag:s22] =	ssyncadd.s32 $0xFFFFD000  }
.LBB2_11:
0x107: {  	[bflag:$0x0] =	sbarrier.arrive $0xFFFF;
	s9 =	simm.s32 $0x0  }
0x108: {  	[tilespmem:s21], [sflag:$0x1] =	stream.linear.gather [hbm4b:s12+s9], $0x4000, $0x38;
	[tilespmem:$0xDC80] =	vst v63  }
0x109: {  	_ = 	snop  }
0x10a: {  	[tilespmem:s29], [sflag:$0x2] =	stream.linear.gather [hbm4b:s14+s9], $0xF00, $0x38;
	[tilespmem:$0xDC80] =	vst v63  }
0x10b: {  	_ =	swait.ge [sflag:s30], $0x4000  }
0x10c: {  	[sflag:s30] =	ssyncset.done $0x0  }
0x10d: {  	[sflag:s30] =	ssyncadd.s32 $0xFFFFC000  }
0x10e: {  	[spmem:s13] =	stream.linear.scatter [tilespmem:s21], [sflag:$0x3], $0x4000, $0x38;
	[tilespmem:$0xDC80] =	vst v63  }
0x10f: {  	_ =	swait.ge [sflag:s22], $0x4000  }
0x110: {  	[sflag:s22] =	ssyncset.done $0x0  }
0x111: {  	[sflag:s22] =	ssyncadd.s32 $0xFFFFC000  }
0x112: {  	_ =	swait.ge [sflag:s31], $0xF00  }
0x113: {  	[sflag:s31] =	ssyncset.done $0x0  }
0x114: {  	[sflag:s31] =	ssyncadd.s32 $0xFFFFF100  }
0x115: {  	[spmem:s15] =	stream.linear.scatter [tilespmem:s29], [sflag:$0x3], $0xF00, $0x38;
	[tilespmem:$0xDC80] =	vst v63  }
0x116: {  	_ =	swait.ge [sflag:s22], $0xF00  }
0x117: {  	[sflag:s22] =	ssyncset.done $0x0  }
0x118: {  	[sflag:s22] =	ssyncadd.s32 $0xFFFFF100  }
0x119: {  	[bflag:$0x0] =	sbarrier.arrive $0xFFFF  }
0x11a: {  	[tilespmem:s9], [sflag:$0x3] =	stream.linear.gather [hbm4b:s7+s9], $0x200, $0x38;
	[tilespmem:$0xDC80] =	vst v63  }
0x11b: {  	_ =	swait.ge [sflag:s22], $0x200  }
0x11c: {  	[sflag:s22] =	ssyncset.done $0x0  }
0x11d: {  	[sflag:s22] =	ssyncadd.s32 $0xFFFFFE00  }
0x11e: {  	[tilespmem:s23], [sflag:$0x3] =	stream.linear.gather [hbm4b:s8+s9], $0x200, $0x38;
	[tilespmem:$0xDC80] =	vst v63  }
0x11f: {  	_ =	swait.ge [sflag:s22], $0x200  }
0x120: {  	[sflag:s22] =	ssyncset.done $0x0  }
0x121: {  	[sflag:s22] =	ssyncadd.s32 $0xFFFFFE00  }
0x122: {  	v2 =	vld [tilespmem:$0x400]  }
0x123: {  	v3 =	vld [tilespmem:$0x410]  }
0x124: {  	v4 =	vld [tilespmem:$0x420]  }
0x125: {  	v5 =	vld [tilespmem:$0x430]  }
0x126: {  	v6 =	vld [tilespmem:$0x440]  }
0x127: {  	v7 =	vld [tilespmem:$0x450];
	v2 =	vadd.s32 v0, v2  }
0x128: {  	[tilespmem:$0x200] =	vst v2;
	v2 =	vadd.s32 v0, v3;
	v3 =	vld [tilespmem:$0x460]  }
0x129: {  	v44 =	vld [tilespmem:$0x470];
	[tilespmem:$0x210] =	vst v2;
	v2 =	vadd.s32 v0, v4  }
0x12a: {  	v45 =	vld [tilespmem:$0x480];
	[tilespmem:$0x220] =	vst v2;
	v2 =	vadd.s32 v0, v5  }
0x12b: {  	v46 =	vld [tilespmem:$0x490];
	[tilespmem:$0x230] =	vst v2;
	v2 =	vadd.s32 v0, v6  }
0x12c: {  	v47 =	vld [tilespmem:$0x4A0];
	[tilespmem:$0x240] =	vst v2;
	v2 =	vadd.s32 v0, v7  }
0x12d: {  	[tilespmem:$0x250] =	vst v2;
	v2 =	vadd.s32 v0, v3;
	v3 =	vld [tilespmem:$0x4B0]  }
0x12e: {  	v48 =	vld [tilespmem:$0x4C0];
	[tilespmem:$0x260] =	vst v2;
	v2 =	vadd.s32 v0, v44  }
0x12f: {  	v49 =	vld [tilespmem:$0x4D0];
	[tilespmem:$0x270] =	vst v2;
	v2 =	vadd.s32 v0, v45  }
0x130: {  	v50 =	vld [tilespmem:$0x4E0];
	[tilespmem:$0x280] =	vst v2;
	v2 =	vadd.s32 v0, v46  }
0x131: {  	v51 =	vld [tilespmem:$0x4F0];
	[tilespmem:$0x290] =	vst v2;
	v2 =	vadd.s32 v0, v47  }
0x132: {  	[tilespmem:$0x2A0] =	vst v2;
	v2 =	vadd.s32 v0, v3;
	v3 =	vld [tilespmem:$0x500]  }
0x133: {  	v52 =	vld [tilespmem:$0x510];
	[tilespmem:$0x2B0] =	vst v2;
	v2 =	vadd.s32 v0, v48  }
0x134: {  	v53 =	vld [tilespmem:$0x520];
	[tilespmem:$0x2C0] =	vst v2;
	v2 =	vadd.s32 v0, v49  }
0x135: {  	v54 =	vld [tilespmem:$0x530];
	[tilespmem:$0x2D0] =	vst v2;
	v2 =	vadd.s32 v0, v50  }
0x136: {  	v55 =	vld [tilespmem:$0x540];
	[tilespmem:$0x2E0] =	vst v2;
	v2 =	vadd.s32 v0, v51  }
0x137: {  	[tilespmem:$0x2F0] =	vst v2;
	v2 =	vadd.s32 v0, v3;
	v3 =	vld [tilespmem:$0x550]  }
0x138: {  	v56 =	vld [tilespmem:$0x560];
	[tilespmem:$0x300] =	vst v2;
	v2 =	vadd.s32 v0, v52  }
0x139: {  	v57 =	vld [tilespmem:$0x570];
	[tilespmem:$0x310] =	vst v2;
	v2 =	vadd.s32 v0, v53  }
0x13a: {  	v58 =	vld [tilespmem:$0x580];
	[tilespmem:$0x320] =	vst v2;
	v2 =	vadd.s32 v0, v54  }
0x13b: {  	v59 =	vld [tilespmem:$0x590];
	[tilespmem:$0x330] =	vst v2;
	v2 =	vadd.s32 v0, v55  }
0x13c: {  	[tilespmem:$0x340] =	vst v2;
	v2 =	vadd.s32 v0, v3;
	v3 =	vld [tilespmem:$0x5A0]  }
0x13d: {  	v60 =	vld [tilespmem:$0x5B0];
	[tilespmem:$0x350] =	vst v2;
	v2 =	vadd.s32 v0, v56  }
0x13e: {  	v61 =	vld [tilespmem:$0x5C0];
	[tilespmem:$0x360] =	vst v2;
	v2 =	vadd.s32 v0, v57  }
0x13f: {  	v62 =	vld [tilespmem:$0x5D0];
	[tilespmem:$0x370] =	vst v2;
	v2 =	vadd.s32 v0, v58  }
0x140: {  	v63 =	vld [tilespmem:$0x5E0];
	[tilespmem:$0x380] =	vst v2;
	v2 =	vadd.s32 v0, v59  }
0x141: {  	[tilespmem:$0x390] =	vst v2;
	v2 =	vadd.s32 v0, v3;
	v3 =	vld [tilespmem:$0x5F0]  }
0x142: {  	[tilespmem:$0x3A0] =	vst v2;
	v2 =	vadd.s32 v0, v60  }
0x143: {  	[tilespmem:$0x3B0] =	vst v2;
	v2 =	vadd.s32 v0, v61  }
.Ltmp9:
0x144: {  	[tilespmem:$0x3C0] =	vst v2;
	v2 =	vadd.s32 v0, v62;
	(pc) =	sbr.rel .LBB2_12-.Ltmp9, $4  }
0x145: {  	[tilespmem:$0x3D0] =	vst v2;
	v2 =	vadd.s32 v0, v63  }
0x146: {  	[tilespmem:$0x3E0] =	vst v2;
	v2 =	vadd.s32 v0, v3  }
0x147: {  	[tilespmem:$0x3F0] =	vst v2  }
0x148: {  	[tilespmem:s21], [sflag:$0x1] =	stream.indirect.gather [hbm4b:s5+s24], $0x20, s24, s24, $0xb8;
	[tilespmem:$0xDC80] =	vst v63  }
.LBB2_14:
0x149: {  	_ =	swait.ge [sflag:s31], $0x4000;
	s9 =	sadd.s32 $0x80, s9  }
0x14a: {  	[sflag:s31] =	ssyncset.done $0x0;
	p1 =	sne.s32 s9, $0x500  }
.Ltmp10:
0x14b: {  	[sflag:s31] =	ssyncadd.s32 $0xFFFFC000;
	(pc) =	sbr.rel @!p1 .LBB2_15-.Ltmp10, $4  }
0x14c: {  	[spmem:s1] =	stream.indirect.scatter.add.f32 [tilespmem:s29], [sflag:$0x3], $0x20, s25, s24, $0xb8;
	[tilespmem:$0xDC80] =	vst v63  }
0x14d: {  	_ =	swait.ge [sflag:s22], $0x4000  }
0x14e: {  	[sflag:s22] =	ssyncset.done $0x0  }
0x14f: {  	[sflag:s22] =	ssyncadd.s32 $0xFFFFC000  }
.LBB2_12:
0x150: {  	s10 =	sadd.s32 s9, s20  }
0x151: {  	s6 =	sadd.s32 $0x40, s10  }
0x152: {  	[tilespmem:s25], [sflag:$0x3] =	stream.linear.gather [hbm4b:s6+s3], $0x200, $0x38;
	[tilespmem:$0xDC80] =	vst v63  }
0x153: {  	_ =	swait.ge [sflag:s22], $0x200  }
0x154: {  	s11 =	sadd.s32 s9, s19;
	[sflag:s22] =	ssyncset.done $0x0  }
0x155: {  	s6 =	sadd.s32 $0x40, s11;
	[sflag:s22] =	ssyncadd.s32 $0xFFFFFE00  }
0x156: {  	[tilespmem:s26], [sflag:$0x3] =	stream.linear.gather [hbm4b:s6+s3], $0x200, $0x38;
	[tilespmem:$0xDC80] =	vst v63  }
0x157: {  	_ =	swait.ge [sflag:s22], $0x200  }
0x158: {  	[sflag:s22] =	ssyncset.done $0x0  }
0x159: {  	[sflag:s22] =	ssyncadd.s32 $0xFFFFFE00  }
0x15a: {  	v2 =	vld [tilespmem:$0x4A00]  }
0x15b: {  	v3 =	vld [tilespmem:$0x4A10]  }
0x15c: {  	v4 =	vld [tilespmem:$0x4A20]  }
0x15d: {  	v5 =	vld [tilespmem:$0x4A30]  }
0x15e: {  	v6 =	vld [tilespmem:$0x4A40]  }
0x15f: {  	v7 =	vld [tilespmem:$0x4A50];
	v2 =	vadd.s32 v0, v2  }
0x160: {  	[tilespmem:$0x4800] =	vst v2;
	v2 =	vadd.s32 v0, v3;
	v3 =	vld [tilespmem:$0x4A60]  }
0x161: {  	v44 =	vld [tilespmem:$0x4A70];
	[tilespmem:$0x4810] =	vst v2;
	v2 =	vadd.s32 v0, v4  }
0x162: {  	v45 =	vld [tilespmem:$0x4A80];
	[tilespmem:$0x4820] =	vst v2;
	v2 =	vadd.s32 v0, v5  }
0x163: {  	v46 =	vld [tilespmem:$0x4A90];
	[tilespmem:$0x4830] =	vst v2;
	v2 =	vadd.s32 v0, v6  }
0x164: {  	v47 =	vld [tilespmem:$0x4AA0];
	[tilespmem:$0x4840] =	vst v2;
	v2 =	vadd.s32 v0, v7  }
0x165: {  	[tilespmem:$0x4850] =	vst v2;
	v2 =	vadd.s32 v0, v3;
	v3 =	vld [tilespmem:$0x4AB0]  }
0x166: {  	v48 =	vld [tilespmem:$0x4AC0];
	[tilespmem:$0x4860] =	vst v2;
	v2 =	vadd.s32 v0, v44  }
0x167: {  	v49 =	vld [tilespmem:$0x4AD0];
	[tilespmem:$0x4870] =	vst v2;
	v2 =	vadd.s32 v0, v45  }
0x168: {  	v50 =	vld [tilespmem:$0x4AE0];
	[tilespmem:$0x4880] =	vst v2;
	v2 =	vadd.s32 v0, v46  }
0x169: {  	v51 =	vld [tilespmem:$0x4AF0];
	[tilespmem:$0x4890] =	vst v2;
	v2 =	vadd.s32 v0, v47  }
0x16a: {  	[tilespmem:$0x48A0] =	vst v2;
	v2 =	vadd.s32 v0, v3;
	v3 =	vld [tilespmem:$0x4B00]  }
0x16b: {  	v52 =	vld [tilespmem:$0x4B10];
	[tilespmem:$0x48B0] =	vst v2;
	v2 =	vadd.s32 v0, v48  }
0x16c: {  	v53 =	vld [tilespmem:$0x4B20];
	[tilespmem:$0x48C0] =	vst v2;
	v2 =	vadd.s32 v0, v49  }
0x16d: {  	v54 =	vld [tilespmem:$0x4B30];
	[tilespmem:$0x48D0] =	vst v2;
	v2 =	vadd.s32 v0, v50  }
0x16e: {  	v55 =	vld [tilespmem:$0x4B40];
	[tilespmem:$0x48E0] =	vst v2;
	v2 =	vadd.s32 v0, v51  }
0x16f: {  	[tilespmem:$0x48F0] =	vst v2;
	v2 =	vadd.s32 v0, v3;
	v3 =	vld [tilespmem:$0x4B50]  }
0x170: {  	v56 =	vld [tilespmem:$0x4B60];
	[tilespmem:$0x4900] =	vst v2;
	v2 =	vadd.s32 v0, v52  }
0x171: {  	v57 =	vld [tilespmem:$0x4B70];
	[tilespmem:$0x4910] =	vst v2;
	v2 =	vadd.s32 v0, v53  }
0x172: {  	v58 =	vld [tilespmem:$0x4B80];
	[tilespmem:$0x4920] =	vst v2;
	v2 =	vadd.s32 v0, v54  }
0x173: {  	v59 =	vld [tilespmem:$0x4B90];
	[tilespmem:$0x4930] =	vst v2;
	v2 =	vadd.s32 v0, v55  }
0x174: {  	[tilespmem:$0x4940] =	vst v2;
	v2 =	vadd.s32 v0, v3;
	v3 =	vld [tilespmem:$0x4BA0]  }
0x175: {  	v60 =	vld [tilespmem:$0x4BB0];
	[tilespmem:$0x4950] =	vst v2;
	v2 =	vadd.s32 v0, v56  }
0x176: {  	v61 =	vld [tilespmem:$0x4BC0];
	[tilespmem:$0x4960] =	vst v2;
	v2 =	vadd.s32 v0, v57  }
0x177: {  	v62 =	vld [tilespmem:$0x4BD0];
	[tilespmem:$0x4970] =	vst v2;
	v2 =	vadd.s32 v0, v58  }
0x178: {  	v63 =	vld [tilespmem:$0x4BE0];
	[tilespmem:$0x4980] =	vst v2;
	v2 =	vadd.s32 v0, v59  }
0x179: {  	[tilespmem:$0x4990] =	vst v2;
	v2 =	vadd.s32 v0, v3;
	v3 =	vld [tilespmem:$0x4BF0]  }
0x17a: {  	[tilespmem:$0x49A0] =	vst v2;
	v2 =	vadd.s32 v0, v60  }
0x17b: {  	[tilespmem:$0x49B0] =	vst v2;
	v2 =	vadd.s32 v0, v61  }
0x17c: {  	[tilespmem:$0x49C0] =	vst v2;
	v2 =	vadd.s32 v0, v62  }
0x17d: {  	[tilespmem:$0x49D0] =	vst v2;
	v2 =	vadd.s32 v0, v63  }
0x17e: {  	[tilespmem:$0x49E0] =	vst v2;
	v2 =	vadd.s32 v0, v3  }
0x17f: {  	[tilespmem:$0x49F0] =	vst v2  }
0x180: {  	[tilespmem:s29], [sflag:$0x2] =	stream.indirect.gather [hbm4b:s5+s24], $0x20, s28, s24, $0xb8;
	[tilespmem:$0xDC80] =	vst v63  }
0x181: {  	_ =	swait.ge [sflag:s30], $0x4000  }
0x182: {  	p1 =	seq.s32 s9, $0x480;
	[sflag:s30] =	ssyncset.done $0x0  }
.Ltmp11:
0x183: {  	[sflag:s30] =	ssyncadd.s32 $0xFFFFC000;
	(pc) =	sbr.rel @p1 .LBB2_14-.Ltmp11, $4  }
0x184: {  	[spmem:s1] =	stream.indirect.scatter.add.f32 [tilespmem:s21], [sflag:$0x3], $0x20, s3, s24, $0xb8;
	[tilespmem:$0xDC80] =	vst v63  }
0x185: {  	_ =	swait.ge [sflag:s22], $0x4000  }
0x186: {  	[sflag:s22] =	ssyncset.done $0x0  }
0x187: {  	[sflag:s22] =	ssyncadd.s32 $0xFFFFC000  }
0x188: {  	s6 =	sadd.s32 $0x80, s10  }
0x189: {  	[tilespmem:s3], [sflag:$0x3] =	stream.linear.gather [hbm4b:s6+s3], $0x200, $0x38;
	[tilespmem:$0xDC80] =	vst v63  }
0x18a: {  	_ =	swait.ge [sflag:s22], $0x200  }
0x18b: {  	[sflag:s22] =	ssyncset.done $0x0  }
0x18c: {  	s11 =	sadd.s32 $0x80, s11;
	[sflag:s22] =	ssyncadd.s32 $0xFFFFFE00  }
0x18d: {  	[tilespmem:s23], [sflag:$0x3] =	stream.linear.gather [hbm4b:s11+s3], $0x200, $0x38;
	[tilespmem:$0xDC80] =	vst v63  }
0x18e: {  	_ =	swait.ge [sflag:s22], $0x200  }
0x18f: {  	[sflag:s22] =	ssyncset.done $0x0  }
0x190: {  	[sflag:s22] =	ssyncadd.s32 $0xFFFFFE00  }
0x191: {  	v2 =	vld [tilespmem:$0x400]  }
0x192: {  	v3 =	vld [tilespmem:$0x410]  }
0x193: {  	v4 =	vld [tilespmem:$0x420]  }
0x194: {  	v5 =	vld [tilespmem:$0x430]  }
0x195: {  	v6 =	vld [tilespmem:$0x440]  }
0x196: {  	v7 =	vld [tilespmem:$0x450];
	v2 =	vadd.s32 v0, v2  }
0x197: {  	[tilespmem:$0x200] =	vst v2;
	v2 =	vadd.s32 v0, v3;
	v3 =	vld [tilespmem:$0x460]  }
0x198: {  	v44 =	vld [tilespmem:$0x470];
	[tilespmem:$0x210] =	vst v2;
	v2 =	vadd.s32 v0, v4  }
0x199: {  	v45 =	vld [tilespmem:$0x480];
	[tilespmem:$0x220] =	vst v2;
	v2 =	vadd.s32 v0, v5  }
0x19a: {  	v46 =	vld [tilespmem:$0x490];
	[tilespmem:$0x230] =	vst v2;
	v2 =	vadd.s32 v0, v6  }
0x19b: {  	v47 =	vld [tilespmem:$0x4A0];
	[tilespmem:$0x240] =	vst v2;
	v2 =	vadd.s32 v0, v7  }
0x19c: {  	[tilespmem:$0x250] =	vst v2;
	v2 =	vadd.s32 v0, v3;
	v3 =	vld [tilespmem:$0x4B0]  }
0x19d: {  	v48 =	vld [tilespmem:$0x4C0];
	[tilespmem:$0x260] =	vst v2;
	v2 =	vadd.s32 v0, v44  }
0x19e: {  	v49 =	vld [tilespmem:$0x4D0];
	[tilespmem:$0x270] =	vst v2;
	v2 =	vadd.s32 v0, v45  }
0x19f: {  	v50 =	vld [tilespmem:$0x4E0];
	[tilespmem:$0x280] =	vst v2;
	v2 =	vadd.s32 v0, v46  }
0x1a0: {  	v51 =	vld [tilespmem:$0x4F0];
	[tilespmem:$0x290] =	vst v2;
	v2 =	vadd.s32 v0, v47  }
0x1a1: {  	[tilespmem:$0x2A0] =	vst v2;
	v2 =	vadd.s32 v0, v3;
	v3 =	vld [tilespmem:$0x500]  }
0x1a2: {  	v52 =	vld [tilespmem:$0x510];
	[tilespmem:$0x2B0] =	vst v2;
	v2 =	vadd.s32 v0, v48  }
0x1a3: {  	v53 =	vld [tilespmem:$0x520];
	[tilespmem:$0x2C0] =	vst v2;
	v2 =	vadd.s32 v0, v49  }
0x1a4: {  	v54 =	vld [tilespmem:$0x530];
	[tilespmem:$0x2D0] =	vst v2;
	v2 =	vadd.s32 v0, v50  }
0x1a5: {  	v55 =	vld [tilespmem:$0x540];
	[tilespmem:$0x2E0] =	vst v2;
	v2 =	vadd.s32 v0, v51  }
0x1a6: {  	[tilespmem:$0x2F0] =	vst v2;
	v2 =	vadd.s32 v0, v3;
	v3 =	vld [tilespmem:$0x550]  }
0x1a7: {  	v56 =	vld [tilespmem:$0x560];
	[tilespmem:$0x300] =	vst v2;
	v2 =	vadd.s32 v0, v52  }
0x1a8: {  	v57 =	vld [tilespmem:$0x570];
	[tilespmem:$0x310] =	vst v2;
	v2 =	vadd.s32 v0, v53  }
0x1a9: {  	v58 =	vld [tilespmem:$0x580];
	[tilespmem:$0x320] =	vst v2;
	v2 =	vadd.s32 v0, v54  }
0x1aa: {  	v59 =	vld [tilespmem:$0x590];
	[tilespmem:$0x330] =	vst v2;
	v2 =	vadd.s32 v0, v55  }
0x1ab: {  	[tilespmem:$0x340] =	vst v2;
	v2 =	vadd.s32 v0, v3;
	v3 =	vld [tilespmem:$0x5A0]  }
0x1ac: {  	v60 =	vld [tilespmem:$0x5B0];
	[tilespmem:$0x350] =	vst v2;
	v2 =	vadd.s32 v0, v56  }
0x1ad: {  	v61 =	vld [tilespmem:$0x5C0];
	[tilespmem:$0x360] =	vst v2;
	v2 =	vadd.s32 v0, v57  }
0x1ae: {  	v62 =	vld [tilespmem:$0x5D0];
	[tilespmem:$0x370] =	vst v2;
	v2 =	vadd.s32 v0, v58  }
0x1af: {  	v63 =	vld [tilespmem:$0x5E0];
	[tilespmem:$0x380] =	vst v2;
	v2 =	vadd.s32 v0, v59  }
0x1b0: {  	[tilespmem:$0x390] =	vst v2;
	v2 =	vadd.s32 v0, v3;
	v3 =	vld [tilespmem:$0x5F0]  }
0x1b1: {  	[tilespmem:$0x3A0] =	vst v2;
	v2 =	vadd.s32 v0, v60  }
0x1b2: {  	[tilespmem:$0x3B0] =	vst v2;
	v2 =	vadd.s32 v0, v61  }
.Ltmp12:
0x1b3: {  	[tilespmem:$0x3C0] =	vst v2;
	v2 =	vadd.s32 v0, v62;
	(pc) =	sbr.rel .LBB2_14-.Ltmp12, $4  }
0x1b4: {  	[tilespmem:$0x3D0] =	vst v2;
	v2 =	vadd.s32 v0, v63  }
0x1b5: {  	[tilespmem:$0x3E0] =	vst v2;
	v2 =	vadd.s32 v0, v3  }
0x1b6: {  	[tilespmem:$0x3F0] =	vst v2  }
0x1b7: {  	[tilespmem:s21], [sflag:$0x1] =	stream.indirect.gather [hbm4b:s5+s24], $0x20, s24, s24, $0xb8;
	[tilespmem:$0xDC80] =	vst v63  }
.LBB2_16:
0x1b8: {  	_ =	sfence.sel $0x180000  }
0x1b9: {  	[bflag:$0x0] =	sbarrier.arrive $0xFFFF  }
0x1ba: {  	_ =	strace $0x9000004A  }
0x1bb: {  	s0 =	stileid.u32;
	[bflag:$0x2] =	sbarrier.arrive $0xFFFF  }
0x1bc: {  	p0 =	sne.s32 s0, $0x0;
	s0 =	rddreg [dreg:$0x3]  }
0x1bd: {  	s0 =	sadd.s32 @!p0 $0x100000, s0  }
0x1be: {  	[sflag:s0] =	ssyncadd.tile.s32 @!p0 $0x1;
	_ =	shalt  }
.Lfunc_end2:
_tile_overlayer_lowered:
.L_overlay_start_2:
0x1bf: {  	(tag) =	ssettag $0x2  }
0x1c0: {  	s0 =	rddreg [dreg:$0x0];
	s2 =	stileid.u32  }
0x1c1: {  	s1 =	rddreg [dreg:$0x1];
	p0 =	sne.s32 s2, $0x0  }
0x1c2: {  	s3 =	rddreg [dreg:$0x2];
	[bflag:$0x3] =	sbarrier.arrive $0xFFFF;
	s2 =	simm.s32 @!p0 $0x1C03  }
0x1c3: {  	[timem:s3], [sflag:s2] =	dma.local @!p0 [hbm:s0], s1  }
0x1c4: {  	s0 =	simm.s32 @!p0 $0x3  }
0x1c5: {  	_ =	swait.ge @!p0 [sflag:s0], s1  }
0x1c6: {  	s1 =	ssub.s32 @!p0 $0x0, s1;
	[sflag:s0] =	ssyncset.done @!p0 $0x0  }
0x1c7: {  	[sflag:s0] =	ssyncadd.s32 @!p0 s1  }
0x1c8: {  	[bflag:$0x3] =	sbarrier.arrive $0xFFFF  }
0x1c9: {  	_ =	shalt  }

</sc_bundles>
